<compile_context>
chip_gen: v7x
topology: tpu7x:2x2x1
jax: 0.10.2.dev20260603
libtpu: 0.0.44.dev20260713+nightly
codegen_flags: <defaults>
</compile_context>

<pallas_src>
import functools

import jax
import jax.numpy as jnp
from jax import lax
from jax.experimental import pallas as pl
from jax.experimental.pallas import tpu as pltpu
from jax.experimental.pallas import tpu_sc as plsc

_NC = 2
_NS = 16
_NW = _NC * _NS
_C = 512
_R = _C // 128

_PARAMS = pltpu.CompilerParams(
    needs_layout_passes=False, use_tc_tiling_on_sc=False)
_MESH = plsc.VectorSubcoreMesh(core_axis_name="c", subcore_axis_name="s")


def _worker_id():
  return lax.axis_index("s") * _NC + lax.axis_index("c")


def _make_pack_kernel(n, d):
  hw = d // 2
  rows_w = n // _NW
  rpc = 625
  nchunk = rows_w // rpc

  @functools.partial(
      pl.kernel, mesh=_MESH, compiler_params=_PARAMS,
      out_type=[jax.ShapeDtypeStruct((n, hw), jnp.int32)] * 2,
      scratch_types=[
          pltpu.VMEM((rpc, d), jnp.float32),
          pltpu.VMEM((rpc, d), jnp.float32),
          pltpu.VMEM((rpc, hw), jnp.int32),
          pltpu.VMEM((rpc, hw), jnp.int32),
          pltpu.SemaphoreType.DMA,
          pltpu.SemaphoreType.DMA,
          pltpu.SemaphoreType.DMA,
          pltpu.SemaphoreType.DMA,
      ],
  )
  def pk(eu_hbm, ev_hbm, pu_hbm, pv_hbm, ib0, ib1, ob0, ob1, s0, s1, t0, t1):
    wid = _worker_id()
    base = wid * rows_w
    ib = [ib0, ib1]
    ob = [ob0, ob1]
    isem = [s0, s1]
    osem = [t0, t1]
    srcs = [eu_hbm, ev_hbm]
    dsts = [pu_hbm, pv_hbm]
    jobs = [(t, c) for t in range(2) for c in range(nchunk)]

    def fetch(j, b):
      t, c = jobs[j]
      pltpu.make_async_copy(
          srcs[t].at[pl.ds(base + c * rpc, rpc)], ib[b], isem[b]).start()

    fetch(0, 0)
    for j, (t, c) in enumerate(jobs):
      b = j % 2
      if j + 1 < len(jobs):
        fetch(j + 1, 1 - b)
      pltpu.make_async_copy(
          srcs[t].at[pl.ds(0, rpc)], ib[b], isem[b]).wait()
      if j >= 2:
        tp = jobs[j - 2][0]
        pltpu.make_async_copy(
            ob[b], dsts[tp].at[pl.ds(0, rpc)], osem[b]).wait()
      ibb, obb = ib[b], ob[b]

      def rowblk(r0, carry, ibb=ibb, obb=obb):
        rs = [r0 * 5 + i for i in range(5)]
        xs = [ibb[r, pl.ds(0, hw)] for r in rs]
        ys = [ibb[r, pl.ds(hw, hw)] for r in rs]
        ws = [plsc.bitcast(
            plsc.pack(x, y, format=plsc.PackFormat.INTERLEAVED), jnp.int32)
            for x, y in zip(xs, ys)]
        for r, w in zip(rs, ws):
          obb[r, pl.ds(0, hw)] = w
        return carry

      lax.fori_loop(0, rpc // 5, rowblk, 0)
      pltpu.make_async_copy(
          ob[b], dsts[t].at[pl.ds(base + c * rpc, rpc)], osem[b]).start()

    for b in (0, 1):
      pltpu.make_async_copy(
          ob[b], dsts[0].at[pl.ds(0, rpc)], osem[b]).wait()

  return pk


def _make_main_kernel(n, d, e):
  hw = d // 2
  nch = e // _C
  base_n = nch // _NW
  extra = nch - base_n * _NW
  npair = (base_n + 2) // 2

  @functools.partial(
      pl.kernel, mesh=_MESH, compiler_params=_PARAMS,
      out_type=jax.ShapeDtypeStruct((e,), jnp.float32),
      scratch_types=[
          pltpu.VMEM((_C,), jnp.int32),
          pltpu.VMEM((_C,), jnp.int32),
          pltpu.VMEM((_C,), jnp.int32),
          pltpu.VMEM((_C,), jnp.int32),
          pltpu.VMEM((_C, hw), jnp.int32),
          pltpu.VMEM((_C, hw), jnp.int32),
          pltpu.VMEM((_C, hw), jnp.int32),
          pltpu.VMEM((_C, hw), jnp.int32),
          pltpu.VMEM((_C,), jnp.float32),
          pltpu.VMEM((_C,), jnp.float32),
          pltpu.VMEM((4, 16, 17), jnp.float32),
          pltpu.SemaphoreType.DMA,
          pltpu.SemaphoreType.DMA,
          pltpu.SemaphoreType.DMA,
          pltpu.SemaphoreType.DMA,
          pltpu.SemaphoreType.DMA,
          pltpu.SemaphoreType.DMA,
      ],
  )
  def k(ei_hbm, pu_hbm, pv_hbm, out_hbm,
        iu0, iu1, iv0, iv1, ru0, ru1, rv0, rv1, ov0, ov1, s1,
        is0, is1, rs0, rs1, os0, os1):
    iu = [iu0, iu1]
    iv = [iv0, iv1]
    ru = [ru0, ru1]
    rv = [rv0, rv1]
    ov = [ov0, ov1]
    isem = [is0, is1]
    rsem = [rs0, rs1]
    osem = [os0, os1]

    wid = _worker_id()
    n_i = jnp.where(wid < extra, base_n + 1, base_n)
    lanes = lax.iota(jnp.int32, 16)

    def edge0(ci):
      return (wid + ci * _NW) * _C

    def fetch_idx(ci, b):
      eb = edge0(ci)
      pltpu.make_async_copy(
          ei_hbm.at[0, pl.ds(eb, _C)], iu[b], isem[b]).start()
      pltpu.make_async_copy(
          ei_hbm.at[1, pl.ds(eb, _C)], iv[b], isem[b]).start()

    def wait_idx(b):
      pltpu.make_async_copy(ei_hbm.at[0, pl.ds(0, _C)], iu[b], isem[b]).wait()
      pltpu.make_async_copy(ei_hbm.at[1, pl.ds(0, _C)], iv[b], isem[b]).wait()

    def fetch_rows(b):
      for j in range(_R):
        sl = pl.ds(j * 128, 128)
        pltpu.make_async_copy(
            pu_hbm.at[iu[b].at[sl]], ru[b].at[sl], rsem[b]).start()
        pltpu.make_async_copy(
            pv_hbm.at[iv[b].at[sl]], rv[b].at[sl], rsem[b]).start()

    def wait_rows(b):
      pltpu.make_async_copy(pu_hbm.at[pl.ds(0, _C)], ru[b], rsem[b]).wait()
      pltpu.make_async_copy(pv_hbm.at[pl.ds(0, _C)], rv[b], rsem[b]).wait()

    def compute_store(ci, b):
      rub, rvb, ovb = ru[b], rv[b], ov[b]

      @plsc.parallel_loop(0, _C // 16, 1, unroll=2)
      def group(g):
        e0 = g * 16
        t = g & 3
        s1t = s1.at[t]
        for blk in range(4):
          es = [e0 + blk * 4 + i for i in range(4)]
          us = [rub[e, pl.ds(0, hw)] for e in es]
          vs = [rvb[e, pl.ds(0, hw)] for e in es]
          ps = [plsc.bitcast(u, jnp.bfloat16) * plsc.bitcast(v, jnp.bfloat16)
                for u, v in zip(us, vs)]
          hs = [plsc.unpack(p, format=plsc.PackFormat.INTERLEAVED)
                for p in ps]
          for i in range(4):
            s1t[blk * 4 + i, pl.ds(0, 16)] = hs[i][0] + hs[i][1]
        gs = [plsc.load_gather(s1t, [lanes, jnp.full((16,), dd, jnp.int32)])
              for dd in range(16)]
        while len(gs) > 1:
          gs = [gs[i] + gs[i + 1] for i in range(0, len(gs), 2)]
        ovb[pl.ds(e0, 16)] = 1.0 / (1.0 + jnp.exp(-gs[0]))
      pltpu.make_async_copy(
          ov[b], out_hbm.at[pl.ds(edge0(ci), _C)], osem[b]).start()

    def wait_out(b):
      pltpu.make_async_copy(
          ov[b], out_hbm.at[pl.ds(0, _C)], osem[b]).wait()

    fetch_idx(0, 0)
    wait_idx(0)
    fetch_rows(0)

    @pl.when(1 < n_i)
    def _():
      fetch_idx(1, 1)

    def pair(p, carry):
      for b in (0, 1):
        ci = p * 2 + b
        nb = 1 - b

        @pl.when(ci < n_i)
        def _():
          @pl.when(ci + 1 < n_i)
          def _():
            wait_idx(nb)
            fetch_rows(nb)

          wait_rows(b)

          @pl.when(ci + 2 < n_i)
          def _():
            fetch_idx(ci + 2, b)

          @pl.when(ci >= 2)
          def _():
            wait_out(b)

          compute_store(ci, b)
      return carry

    lax.fori_loop(0, npair, pair, 0)
    wait_out(0)
    wait_out(1)

  return k


def kernel(Eu, Ev, edge_index):
  n, d = Eu.shape
  e = edge_index.shape[1]
  pu, pv = _make_pack_kernel(n, d)(Eu, Ev)
  return _make_main_kernel(n, d, e)(edge_index.astype(jnp.int32), pu, pv)

# --- scband reference (transcript-rebuilt; emitter-appended) ---
"""Pipeline reference for scband-gcn-view-22849226015112 (READ-ONLY COPY).

The authoritative reference and input builder live on the scoring server;
editing this copy changes nothing except your own understanding.
"""

import jax, jax.numpy as jnp
import numpy as np

N_NODES = 100000
N_EDGES = 1600000
D = 32

def setup_inputs(seed: int = 0) -> dict:
    key = jax.random.key(seed)
    k1, k2, k3 = jax.random.split(key, 3)
    Eu = jax.random.normal(k1, (N_NODES, D), dtype=jnp.float32)
    Ev = jax.random.normal(k2, (N_NODES, D), dtype=jnp.float32)
    edge_index = jax.random.randint(k3, (2, N_EDGES), 0, N_NODES, dtype=jnp.int64 if jax.config.jax_enable_x64 else jnp.int32)
    return {"Eu": Eu, "Ev": Ev, "edge_index": edge_index}

def reference(Eu, Ev, edge_index):
    src = edge_index[0]
    dst = edge_index[1]
    x_u = jnp.take(Eu, src, axis=0)
    x_i = jnp.take(Ev, dst, axis=0)
    edge_logits = jnp.sum(x_u * x_i, axis=1)
    Ag = jax.nn.sigmoid(edge_logits)
    Ag = jnp.squeeze(Ag)
    return Ag

if __name__ == "__main__":
    import jax
    _d = setup_inputs()
    print(jax.jit(kernel)(*tuple(_d.values())))

</pallas_src>

<mosaic_0001>
#map = affine_map<(d0, d1) -> (0, 0)>
module attributes {stable_mosaic.version = 14 : i64} {
  func.func @pk(%arg0: i32, %arg1: i32, %arg2: memref<100000x32xf32, #tpu.memory_space<hbm>>, %arg3: memref<100000x32xf32, #tpu.memory_space<hbm>>, %arg4: memref<100000x16xi32, #tpu.memory_space<hbm>>, %arg5: memref<100000x16xi32, #tpu.memory_space<hbm>>, %arg6: memref<625x32xf32, #tpu.memory_space<vmem>>, %arg7: memref<625x32xf32, #tpu.memory_space<vmem>>, %arg8: memref<625x16xi32, #tpu.memory_space<vmem>>, %arg9: memref<625x16xi32, #tpu.memory_space<vmem>>, %arg10: memref<!tpu.dma_semaphore, #tpu.memory_space<semaphore_mem>>, %arg11: memref<!tpu.dma_semaphore, #tpu.memory_space<semaphore_mem>>, %arg12: memref<!tpu.dma_semaphore, #tpu.memory_space<semaphore_mem>>, %arg13: memref<!tpu.dma_semaphore, #tpu.memory_space<semaphore_mem>>) attributes {dimension_semantics = [#tpu.dimension_semantics<core_parallel>, #tpu.dimension_semantics<subcore_parallel>], iteration_bounds = array<i64: 2, 16>, scalar_prefetch = 0 : i64, scratch_operands = 8 : i64, tpu.core_type = #tpu.core_type<sc_vector_subcore>, window_params = [{transform_indices = #map}, {transform_indices = #map}, {transform_indices = #map}, {transform_indices = #map}]} {
    %mul3A = arith.constant 2 : i32
    %mul3A_0 = arith.muli %arg1, %mul3A : i32
    %add3A = arith.addi %mul3A_0, %arg0 : i32
    %mul3A_1 = arith.constant 3125 : i32
    %mul3A_2 = arith.muli %add3A, %mul3A_1 : i32
    %add3A_3 = arith.constant 0 : i32
    %add3A_4 = arith.addi %mul3A_2, %add3A_3 : i32
    %dma_start3A = arith.constant 0 : i32
    %dma_start3A_5 = tpu.memref_slice %arg2[%add3A_4, %dma_start3A] : memref<100000x32xf32, #tpu.memory_space<hbm>> -> memref<625x32xf32, #tpu.memory_space<hbm>>
    %dma_start3A_6 = arith.constant 0 : i32
    %dma_start3A_7 = tpu.memref_slice %arg2[%add3A_4, %dma_start3A_6] : memref<100000x32xf32, #tpu.memory_space<hbm>> -> memref<625x32xf32, #tpu.memory_space<hbm>>
    tpu.enqueue_dma source(%dma_start3A_7 : memref<625x32xf32, #tpu.memory_space<hbm>>) target(%arg6 : memref<625x32xf32, #tpu.memory_space<vmem>>) target_semaphore(%arg10 : memref<!tpu.dma_semaphore, #tpu.memory_space<semaphore_mem>>)
    %add3A_8 = arith.constant 625 : i32
    %add3A_9 = arith.addi %mul3A_2, %add3A_8 : i32
    %dma_start3A_10 = arith.constant 0 : i32
    %dma_start3A_11 = tpu.memref_slice %arg2[%add3A_9, %dma_start3A_10] : memref<100000x32xf32, #tpu.memory_space<hbm>> -> memref<625x32xf32, #tpu.memory_space<hbm>>
    %dma_start3A_12 = arith.constant 0 : i32
    %dma_start3A_13 = tpu.memref_slice %arg2[%add3A_9, %dma_start3A_12] : memref<100000x32xf32, #tpu.memory_space<hbm>> -> memref<625x32xf32, #tpu.memory_space<hbm>>
    tpu.enqueue_dma source(%dma_start3A_13 : memref<625x32xf32, #tpu.memory_space<hbm>>) target(%arg7 : memref<625x32xf32, #tpu.memory_space<vmem>>) target_semaphore(%arg11 : memref<!tpu.dma_semaphore, #tpu.memory_space<semaphore_mem>>)
    %dma_wait3A = arith.constant 0 : i32
    %dma_wait3A_14 = arith.constant 0 : i32
    %dma_wait3A_15 = tpu.memref_slice %arg2[%dma_wait3A, %dma_wait3A_14] : memref<100000x32xf32, #tpu.memory_space<hbm>> -> memref<625x32xf32, #tpu.memory_space<hbm>>
    %dma_wait3A_16 = arith.constant 0 : i32
    %dma_wait3A_17 = arith.constant 0 : i32
    %dma_wait3A_18 = tpu.memref_slice %arg2[%dma_wait3A_16, %dma_wait3A_17] : memref<100000x32xf32, #tpu.memory_space<hbm>> -> memref<625x32xf32, #tpu.memory_space<hbm>>
    tpu.wait_dma2 semaphore(%arg10 : memref<!tpu.dma_semaphore, #tpu.memory_space<semaphore_mem>>) src(%dma_wait3A_18 : memref<625x32xf32, #tpu.memory_space<hbm>>) dst(%arg6 : memref<625x32xf32, #tpu.memory_space<vmem>>)
    %scan3A = arith.constant 0 : i32
    %scan3A_19 = arith.constant 0 : i32
    %scan3A_20 = arith.constant 125 : i32
    %scan3A_21 = arith.addi %scan3A_19, %scan3A_20 : i32
    %scan3A_22 = arith.constant 1 : i32
    scf.for %scan3A_300 = %scan3A_19 to %scan3A_21 step %scan3A_22  : i32 {
      %mul3A_301 = arith.constant 5 : i32
      %mul3A_302 = arith.muli %scan3A_300, %mul3A_301 : i32
      %add3A_303 = arith.constant 0 : i32
      %add3A_304 = arith.addi %mul3A_302, %add3A_303 : i32
      %mul3A_305 = arith.constant 5 : i32
      %mul3A_306 = arith.muli %scan3A_300, %mul3A_305 : i32
      %add3A_307 = arith.constant 1 : i32
      %add3A_308 = arith.addi %mul3A_306, %add3A_307 : i32
      %mul3A_309 = arith.constant 5 : i32
      %mul3A_310 = arith.muli %scan3A_300, %mul3A_309 : i32
      %add3A_311 = arith.constant 2 : i32
      %add3A_312 = arith.addi %mul3A_310, %add3A_311 : i32
      %mul3A_313 = arith.constant 5 : i32
      %mul3A_314 = arith.muli %scan3A_300, %mul3A_313 : i32
      %add3A_315 = arith.constant 3 : i32
      %add3A_316 = arith.addi %mul3A_314, %add3A_315 : i32
      %mul3A_317 = arith.constant 5 : i32
      %mul3A_318 = arith.muli %scan3A_300, %mul3A_317 : i32
      %add3A_319 = arith.constant 4 : i32
      %add3A_320 = arith.addi %mul3A_318, %add3A_319 : i32
      %get3A = arith.index_cast %add3A_304 : i32 to index
      %get3A_321 = arith.constant 0 : index
      %get3A_322 = tpu.vector_load %arg6[%get3A, %get3A_321] {strides = array<i32>} : memref<625x32xf32, #tpu.memory_space<vmem>>, vector<16xf32>,
      %get3A_323 = arith.index_cast %add3A_308 : i32 to index
      %get3A_324 = arith.constant 0 : index
      %get3A_325 = tpu.vector_load %arg6[%get3A_323, %get3A_324] {strides = array<i32>} : memref<625x32xf32, #tpu.memory_space<vmem>>, vector<16xf32>,
      %get3A_326 = arith.index_cast %add3A_312 : i32 to index
      %get3A_327 = arith.constant 0 : index
      %get3A_328 = tpu.vector_load %arg6[%get3A_326, %get3A_327] {strides = array<i32>} : memref<625x32xf32, #tpu.memory_space<vmem>>, vector<16xf32>,
      %get3A_329 = arith.index_cast %add3A_316 : i32 to index
      %get3A_330 = arith.constant 0 : index
      %get3A_331 = tpu.vector_load %arg6[%get3A_329, %get3A_330] {strides = array<i32>} : memref<625x32xf32, #tpu.memory_space<vmem>>, vector<16xf32>,
      %get3A_332 = arith.index_cast %add3A_320 : i32 to index
      %get3A_333 = arith.constant 0 : index
      %get3A_334 = tpu.vector_load %arg6[%get3A_332, %get3A_333] {strides = array<i32>} : memref<625x32xf32, #tpu.memory_space<vmem>>, vector<16xf32>,
      %get3A_335 = arith.index_cast %add3A_304 : i32 to index
      %get3A_336 = arith.constant 16 : index
      %get3A_337 = tpu.vector_load %arg6[%get3A_335, %get3A_336] {strides = array<i32>} : memref<625x32xf32, #tpu.memory_space<vmem>>, vector<16xf32>,
      %get3A_338 = arith.index_cast %add3A_308 : i32 to index
      %get3A_339 = arith.constant 16 : index
      %get3A_340 = tpu.vector_load %arg6[%get3A_338, %get3A_339] {strides = array<i32>} : memref<625x32xf32, #tpu.memory_space<vmem>>, vector<16xf32>,
      %get3A_341 = arith.index_cast %add3A_312 : i32 to index
      %get3A_342 = arith.constant 16 : index
      %get3A_343 = tpu.vector_load %arg6[%get3A_341, %get3A_342] {strides = array<i32>} : memref<625x32xf32, #tpu.memory_space<vmem>>, vector<16xf32>,
      %get3A_344 = arith.index_cast %add3A_316 : i32 to index
      %get3A_345 = arith.constant 16 : index
      %get3A_346 = tpu.vector_load %arg6[%get3A_344, %get3A_345] {strides = array<i32>} : memref<625x32xf32, #tpu.memory_space<vmem>>, vector<16xf32>,
      %get3A_347 = arith.index_cast %add3A_320 : i32 to index
      %get3A_348 = arith.constant 16 : index
      %get3A_349 = tpu.vector_load %arg6[%get3A_347, %get3A_348] {strides = array<i32>} : memref<625x32xf32, #tpu.memory_space<vmem>>, vector<16xf32>,
      %pack3A = tpu.pack_subelements %get3A_322, %get3A_337 {pack_format = #tpu.pack_format<interleaved>, positions = array<i32: 0, 1>} : vector<16xf32>, vector<16xf32> -> vector<32xbf16>
      %bitcast3A = vector.bitcast %pack3A : vector<32xbf16> to vector<16xi32>
      %pack3A_350 = tpu.pack_subelements %get3A_325, %get3A_340 {pack_format = #tpu.pack_format<interleaved>, positions = array<i32: 0, 1>} : vector<16xf32>, vector<16xf32> -> vector<32xbf16>
      %bitcast3A_351 = vector.bitcast %pack3A_350 : vector<32xbf16> to vector<16xi32>
      %pack3A_352 = tpu.pack_subelements %get3A_328, %get3A_343 {pack_format = #tpu.pack_format<interleaved>, positions = array<i32: 0, 1>} : vector<16xf32>, vector<16xf32> -> vector<32xbf16>
      %bitcast3A_353 = vector.bitcast %pack3A_352 : vector<32xbf16> to vector<16xi32>
      %pack3A_354 = tpu.pack_subelements %get3A_331, %get3A_346 {pack_format = #tpu.pack_format<interleaved>, positions = array<i32: 0, 1>} : vector<16xf32>, vector<16xf32> -> vector<32xbf16>
      %bitcast3A_355 = vector.bitcast %pack3A_354 : vector<32xbf16> to vector<16xi32>
      %pack3A_356 = tpu.pack_subelements %get3A_334, %get3A_349 {pack_format = #tpu.pack_format<interleaved>, positions = array<i32: 0, 1>} : vector<16xf32>, vector<16xf32> -> vector<32xbf16>
      %bitcast3A_357 = vector.bitcast %pack3A_356 : vector<32xbf16> to vector<16xi32>
      %swap3A = arith.index_cast %add3A_304 : i32 to index
      %swap3A_358 = arith.constant 0 : index
      %swap3A_359 = tpu.vector_load %arg8[%swap3A, %swap3A_358] {strides = array<i32>} : memref<625x16xi32, #tpu.memory_space<vmem>>, vector<16xi32>,
      tpu.vector_store %arg8[%swap3A, %swap3A_358], %bitcast3A {strides = array<i32>} : memref<625x16xi32, #tpu.memory_space<vmem>>, vector<16xi32>,
      %swap3A_360 = arith.index_cast %add3A_308 : i32 to index
      %swap3A_361 = arith.constant 0 : index
      %swap3A_362 = tpu.vector_load %arg8[%swap3A_360, %swap3A_361] {strides = array<i32>} : memref<625x16xi32, #tpu.memory_space<vmem>>, vector<16xi32>,
      tpu.vector_store %arg8[%swap3A_360, %swap3A_361], %bitcast3A_351 {strides = array<i32>} : memref<625x16xi32, #tpu.memory_space<vmem>>, vector<16xi32>,
      %swap3A_363 = arith.index_cast %add3A_312 : i32 to index
      %swap3A_364 = arith.constant 0 : index
      %swap3A_365 = tpu.vector_load %arg8[%swap3A_363, %swap3A_364] {strides = array<i32>} : memref<625x16xi32, #tpu.memory_space<vmem>>, vector<16xi32>,
      tpu.vector_store %arg8[%swap3A_363, %swap3A_364], %bitcast3A_353 {strides = array<i32>} : memref<625x16xi32, #tpu.memory_space<vmem>>, vector<16xi32>,
      %swap3A_366 = arith.index_cast %add3A_316 : i32 to index
      %swap3A_367 = arith.constant 0 : index
      %swap3A_368 = tpu.vector_load %arg8[%swap3A_366, %swap3A_367] {strides = array<i32>} : memref<625x16xi32, #tpu.memory_space<vmem>>, vector<16xi32>,
      tpu.vector_store %arg8[%swap3A_366, %swap3A_367], %bitcast3A_355 {strides = array<i32>} : memref<625x16xi32, #tpu.memory_space<vmem>>, vector<16xi32>,
      %swap3A_369 = arith.index_cast %add3A_320 : i32 to index
      %swap3A_370 = arith.constant 0 : index
      %swap3A_371 = tpu.vector_load %arg8[%swap3A_369, %swap3A_370] {strides = array<i32>} : memref<625x16xi32, #tpu.memory_space<vmem>>, vector<16xi32>,
      tpu.vector_store %arg8[%swap3A_369, %swap3A_370], %bitcast3A_357 {strides = array<i32>} : memref<625x16xi32, #tpu.memory_space<vmem>>, vector<16xi32>,
    }
    %scan3A_23 = arith.constant 125 : i32
    %add3A_24 = arith.constant 0 : i32
    %add3A_25 = arith.addi %mul3A_2, %add3A_24 : i32
    %dma_start3A_26 = arith.constant 0 : i32
    %dma_start3A_27 = tpu.memref_slice %arg4[%add3A_25, %dma_start3A_26] : memref<100000x16xi32, #tpu.memory_space<hbm>> -> memref<625x16xi32, #tpu.memory_space<hbm>>
    %dma_start3A_28 = arith.constant 0 : i32
    %dma_start3A_29 = tpu.memref_slice %arg4[%add3A_25, %dma_start3A_28] : memref<100000x16xi32, #tpu.memory_space<hbm>> -> memref<625x16xi32, #tpu.memory_space<hbm>>
    tpu.enqueue_dma source(%arg8 : memref<625x16xi32, #tpu.memory_space<vmem>>) target(%dma_start3A_29 : memref<625x16xi32, #tpu.memory_space<hbm>>) target_semaphore(%arg12 : memref<!tpu.dma_semaphore, #tpu.memory_space<semaphore_mem>>)
    %add3A_30 = arith.constant 1250 : i32
    %add3A_31 = arith.addi %mul3A_2, %add3A_30 : i32
    %dma_start3A_32 = arith.constant 0 : i32
    %dma_start3A_33 = tpu.memref_slice %arg2[%add3A_31, %dma_start3A_32] : memref<100000x32xf32, #tpu.memory_space<hbm>> -> memref<625x32xf32, #tpu.memory_space<hbm>>
    %dma_start3A_34 = arith.constant 0 : i32
    %dma_start3A_35 = tpu.memref_slice %arg2[%add3A_31, %dma_start3A_34] : memref<100000x32xf32, #tpu.memory_space<hbm>> -> memref<625x32xf32, #tpu.memory_space<hbm>>
    tpu.enqueue_dma source(%dma_start3A_35 : memref<625x32xf32, #tpu.memory_space<hbm>>) target(%arg6 : memref<625x32xf32, #tpu.memory_space<vmem>>) target_semaphore(%arg10 : memref<!tpu.dma_semaphore, #tpu.memory_space<semaphore_mem>>)
    %dma_wait3A_36 = arith.constant 0 : i32
    %dma_wait3A_37 = arith.constant 0 : i32
    %dma_wait3A_38 = tpu.memref_slice %arg2[%dma_wait3A_36, %dma_wait3A_37] : memref<100000x32xf32, #tpu.memory_space<hbm>> -> memref<625x32xf32, #tpu.memory_space<hbm>>
    %dma_wait3A_39 = arith.constant 0 : i32
    %dma_wait3A_40 = arith.constant 0 : i32
    %dma_wait3A_41 = tpu.memref_slice %arg2[%dma_wait3A_39, %dma_wait3A_40] : memref<100000x32xf32, #tpu.memory_space<hbm>> -> memref<625x32xf32, #tpu.memory_space<hbm>>
    tpu.wait_dma2 semaphore(%arg11 : memref<!tpu.dma_semaphore, #tpu.memory_space<semaphore_mem>>) src(%dma_wait3A_41 : memref<625x32xf32, #tpu.memory_space<hbm>>) dst(%arg7 : memref<625x32xf32, #tpu.memory_space<vmem>>)
    %scan3A_42 = arith.constant 0 : i32
    %scan3A_43 = arith.constant 0 : i32
    %scan3A_44 = arith.constant 125 : i32
    %scan3A_45 = arith.addi %scan3A_43, %scan3A_44 : i32
    %scan3A_46 = arith.constant 1 : i32
    scf.for %scan3A_300 = %scan3A_43 to %scan3A_45 step %scan3A_46  : i32 {
      %mul3A_301 = arith.constant 5 : i32
      %mul3A_302 = arith.muli %scan3A_300, %mul3A_301 : i32
      %add3A_303 = arith.constant 0 : i32
      %add3A_304 = arith.addi %mul3A_302, %add3A_303 : i32
      %mul3A_305 = arith.constant 5 : i32
      %mul3A_306 = arith.muli %scan3A_300, %mul3A_305 : i32
      %add3A_307 = arith.constant 1 : i32
      %add3A_308 = arith.addi %mul3A_306, %add3A_307 : i32
      %mul3A_309 = arith.constant 5 : i32
      %mul3A_310 = arith.muli %scan3A_300, %mul3A_309 : i32
      %add3A_311 = arith.constant 2 : i32
      %add3A_312 = arith.addi %mul3A_310, %add3A_311 : i32
      %mul3A_313 = arith.constant 5 : i32
      %mul3A_314 = arith.muli %scan3A_300, %mul3A_313 : i32
      %add3A_315 = arith.constant 3 : i32
      %add3A_316 = arith.addi %mul3A_314, %add3A_315 : i32
      %mul3A_317 = arith.constant 5 : i32
      %mul3A_318 = arith.muli %scan3A_300, %mul3A_317 : i32
      %add3A_319 = arith.constant 4 : i32
      %add3A_320 = arith.addi %mul3A_318, %add3A_319 : i32
      %get3A = arith.index_cast %add3A_304 : i32 to index
      %get3A_321 = arith.constant 0 : index
      %get3A_322 = tpu.vector_load %arg7[%get3A, %get3A_321] {strides = array<i32>} : memref<625x32xf32, #tpu.memory_space<vmem>>, vector<16xf32>,
      %get3A_323 = arith.index_cast %add3A_308 : i32 to index
      %get3A_324 = arith.constant 0 : index
      %get3A_325 = tpu.vector_load %arg7[%get3A_323, %get3A_324] {strides = array<i32>} : memref<625x32xf32, #tpu.memory_space<vmem>>, vector<16xf32>,
      %get3A_326 = arith.index_cast %add3A_312 : i32 to index
      %get3A_327 = arith.constant 0 : index
      %get3A_328 = tpu.vector_load %arg7[%get3A_326, %get3A_327] {strides = array<i32>} : memref<625x32xf32, #tpu.memory_space<vmem>>, vector<16xf32>,
      %get3A_329 = arith.index_cast %add3A_316 : i32 to index
      %get3A_330 = arith.constant 0 : index
      %get3A_331 = tpu.vector_load %arg7[%get3A_329, %get3A_330] {strides = array<i32>} : memref<625x32xf32, #tpu.memory_space<vmem>>, vector<16xf32>,
      %get3A_332 = arith.index_cast %add3A_320 : i32 to index
      %get3A_333 = arith.constant 0 : index
      %get3A_334 = tpu.vector_load %arg7[%get3A_332, %get3A_333] {strides = array<i32>} : memref<625x32xf32, #tpu.memory_space<vmem>>, vector<16xf32>,
      %get3A_335 = arith.index_cast %add3A_304 : i32 to index
      %get3A_336 = arith.constant 16 : index
      %get3A_337 = tpu.vector_load %arg7[%get3A_335, %get3A_336] {strides = array<i32>} : memref<625x32xf32, #tpu.memory_space<vmem>>, vector<16xf32>,
      %get3A_338 = arith.index_cast %add3A_308 : i32 to index
      %get3A_339 = arith.constant 16 : index
      %get3A_340 = tpu.vector_load %arg7[%get3A_338, %get3A_339] {strides = array<i32>} : memref<625x32xf32, #tpu.memory_space<vmem>>, vector<16xf32>,
      %get3A_341 = arith.index_cast %add3A_312 : i32 to index
      %get3A_342 = arith.constant 16 : index
      %get3A_343 = tpu.vector_load %arg7[%get3A_341, %get3A_342] {strides = array<i32>} : memref<625x32xf32, #tpu.memory_space<vmem>>, vector<16xf32>,
      %get3A_344 = arith.index_cast %add3A_316 : i32 to index
      %get3A_345 = arith.constant 16 : index
      %get3A_346 = tpu.vector_load %arg7[%get3A_344, %get3A_345] {strides = array<i32>} : memref<625x32xf32, #tpu.memory_space<vmem>>, vector<16xf32>,
      %get3A_347 = arith.index_cast %add3A_320 : i32 to index
      %get3A_348 = arith.constant 16 : index
      %get3A_349 = tpu.vector_load %arg7[%get3A_347, %get3A_348] {strides = array<i32>} : memref<625x32xf32, #tpu.memory_space<vmem>>, vector<16xf32>,
      %pack3A = tpu.pack_subelements %get3A_322, %get3A_337 {pack_format = #tpu.pack_format<interleaved>, positions = array<i32: 0, 1>} : vector<16xf32>, vector<16xf32> -> vector<32xbf16>
      %bitcast3A = vector.bitcast %pack3A : vector<32xbf16> to vector<16xi32>
      %pack3A_350 = tpu.pack_subelements %get3A_325, %get3A_340 {pack_format = #tpu.pack_format<interleaved>, positions = array<i32: 0, 1>} : vector<16xf32>, vector<16xf32> -> vector<32xbf16>
      %bitcast3A_351 = vector.bitcast %pack3A_350 : vector<32xbf16> to vector<16xi32>
      %pack3A_352 = tpu.pack_subelements %get3A_328, %get3A_343 {pack_format = #tpu.pack_format<interleaved>, positions = array<i32: 0, 1>} : vector<16xf32>, vector<16xf32> -> vector<32xbf16>
      %bitcast3A_353 = vector.bitcast %pack3A_352 : vector<32xbf16> to vector<16xi32>
      %pack3A_354 = tpu.pack_subelements %get3A_331, %get3A_346 {pack_format = #tpu.pack_format<interleaved>, positions = array<i32: 0, 1>} : vector<16xf32>, vector<16xf32> -> vector<32xbf16>
      %bitcast3A_355 = vector.bitcast %pack3A_354 : vector<32xbf16> to vector<16xi32>
      %pack3A_356 = tpu.pack_subelements %get3A_334, %get3A_349 {pack_format = #tpu.pack_format<interleaved>, positions = array<i32: 0, 1>} : vector<16xf32>, vector<16xf32> -> vector<32xbf16>
      %bitcast3A_357 = vector.bitcast %pack3A_356 : vector<32xbf16> to vector<16xi32>
      %swap3A = arith.index_cast %add3A_304 : i32 to index
      %swap3A_358 = arith.constant 0 : index
      %swap3A_359 = tpu.vector_load %arg9[%swap3A, %swap3A_358] {strides = array<i32>} : memref<625x16xi32, #tpu.memory_space<vmem>>, vector<16xi32>,
      tpu.vector_store %arg9[%swap3A, %swap3A_358], %bitcast3A {strides = array<i32>} : memref<625x16xi32, #tpu.memory_space<vmem>>, vector<16xi32>,
      %swap3A_360 = arith.index_cast %add3A_308 : i32 to index
      %swap3A_361 = arith.constant 0 : index
      %swap3A_362 = tpu.vector_load %arg9[%swap3A_360, %swap3A_361] {strides = array<i32>} : memref<625x16xi32, #tpu.memory_space<vmem>>, vector<16xi32>,
      tpu.vector_store %arg9[%swap3A_360, %swap3A_361], %bitcast3A_351 {strides = array<i32>} : memref<625x16xi32, #tpu.memory_space<vmem>>, vector<16xi32>,
      %swap3A_363 = arith.index_cast %add3A_312 : i32 to index
      %swap3A_364 = arith.constant 0 : index
      %swap3A_365 = tpu.vector_load %arg9[%swap3A_363, %swap3A_364] {strides = array<i32>} : memref<625x16xi32, #tpu.memory_space<vmem>>, vector<16xi32>,
      tpu.vector_store %arg9[%swap3A_363, %swap3A_364], %bitcast3A_353 {strides = array<i32>} : memref<625x16xi32, #tpu.memory_space<vmem>>, vector<16xi32>,
      %swap3A_366 = arith.index_cast %add3A_316 : i32 to index
      %swap3A_367 = arith.constant 0 : index
      %swap3A_368 = tpu.vector_load %arg9[%swap3A_366, %swap3A_367] {strides = array<i32>} : memref<625x16xi32, #tpu.memory_space<vmem>>, vector<16xi32>,
      tpu.vector_store %arg9[%swap3A_366, %swap3A_367], %bitcast3A_355 {strides = array<i32>} : memref<625x16xi32, #tpu.memory_space<vmem>>, vector<16xi32>,
      %swap3A_369 = arith.index_cast %add3A_320 : i32 to index
      %swap3A_370 = arith.constant 0 : index
      %swap3A_371 = tpu.vector_load %arg9[%swap3A_369, %swap3A_370] {strides = array<i32>} : memref<625x16xi32, #tpu.memory_space<vmem>>, vector<16xi32>,
      tpu.vector_store %arg9[%swap3A_369, %swap3A_370], %bitcast3A_357 {strides = array<i32>} : memref<625x16xi32, #tpu.memory_space<vmem>>, vector<16xi32>,
    }
    %scan3A_47 = arith.constant 125 : i32
    %add3A_48 = arith.constant 625 : i32
    %add3A_49 = arith.addi %mul3A_2, %add3A_48 : i32
    %dma_start3A_50 = arith.constant 0 : i32
    %dma_start3A_51 = tpu.memref_slice %arg4[%add3A_49, %dma_start3A_50] : memref<100000x16xi32, #tpu.memory_space<hbm>> -> memref<625x16xi32, #tpu.memory_space<hbm>>
    %dma_start3A_52 = arith.constant 0 : i32
    %dma_start3A_53 = tpu.memref_slice %arg4[%add3A_49, %dma_start3A_52] : memref<100000x16xi32, #tpu.memory_space<hbm>> -> memref<625x16xi32, #tpu.memory_space<hbm>>
    tpu.enqueue_dma source(%arg9 : memref<625x16xi32, #tpu.memory_space<vmem>>) target(%dma_start3A_53 : memref<625x16xi32, #tpu.memory_space<hbm>>) target_semaphore(%arg13 : memref<!tpu.dma_semaphore, #tpu.memory_space<semaphore_mem>>)
    %add3A_54 = arith.constant 1875 : i32
    %add3A_55 = arith.addi %mul3A_2, %add3A_54 : i32
    %dma_start3A_56 = arith.constant 0 : i32
    %dma_start3A_57 = tpu.memref_slice %arg2[%add3A_55, %dma_start3A_56] : memref<100000x32xf32, #tpu.memory_space<hbm>> -> memref<625x32xf32, #tpu.memory_space<hbm>>
    %dma_start3A_58 = arith.constant 0 : i32
    %dma_start3A_59 = tpu.memref_slice %arg2[%add3A_55, %dma_start3A_58] : memref<100000x32xf32, #tpu.memory_space<hbm>> -> memref<625x32xf32, #tpu.memory_space<hbm>>
    tpu.enqueue_dma source(%dma_start3A_59 : memref<625x32xf32, #tpu.memory_space<hbm>>) target(%arg7 : memref<625x32xf32, #tpu.memory_space<vmem>>) target_semaphore(%arg11 : memref<!tpu.dma_semaphore, #tpu.memory_space<semaphore_mem>>)
    %dma_wait3A_60 = arith.constant 0 : i32
    %dma_wait3A_61 = arith.constant 0 : i32
    %dma_wait3A_62 = tpu.memref_slice %arg2[%dma_wait3A_60, %dma_wait3A_61] : memref<100000x32xf32, #tpu.memory_space<hbm>> -> memref<625x32xf32, #tpu.memory_space<hbm>>
    %dma_wait3A_63 = arith.constant 0 : i32
    %dma_wait3A_64 = arith.constant 0 : i32
    %dma_wait3A_65 = tpu.memref_slice %arg2[%dma_wait3A_63, %dma_wait3A_64] : memref<100000x32xf32, #tpu.memory_space<hbm>> -> memref<625x32xf32, #tpu.memory_space<hbm>>
    tpu.wait_dma2 semaphore(%arg10 : memref<!tpu.dma_semaphore, #tpu.memory_space<semaphore_mem>>) src(%dma_wait3A_65 : memref<625x32xf32, #tpu.memory_space<hbm>>) dst(%arg6 : memref<625x32xf32, #tpu.memory_space<vmem>>)
    %dma_wait3A_66 = arith.constant 0 : i32
    %dma_wait3A_67 = arith.constant 0 : i32
    %dma_wait3A_68 = tpu.memref_slice %arg4[%dma_wait3A_66, %dma_wait3A_67] : memref<100000x16xi32, #tpu.memory_space<hbm>> -> memref<625x16xi32, #tpu.memory_space<hbm>>
    %dma_wait3A_69 = arith.constant 0 : i32
    %dma_wait3A_70 = arith.constant 0 : i32
    %dma_wait3A_71 = tpu.memref_slice %arg4[%dma_wait3A_69, %dma_wait3A_70] : memref<100000x16xi32, #tpu.memory_space<hbm>> -> memref<625x16xi32, #tpu.memory_space<hbm>>
    tpu.wait_dma2 semaphore(%arg12 : memref<!tpu.dma_semaphore, #tpu.memory_space<semaphore_mem>>) src(%arg8 : memref<625x16xi32, #tpu.memory_space<vmem>>) dst(%dma_wait3A_71 : memref<625x16xi32, #tpu.memory_space<hbm>>)
    %scan3A_72 = arith.constant 0 : i32
    %scan3A_73 = arith.constant 0 : i32
    %scan3A_74 = arith.constant 125 : i32
    %scan3A_75 = arith.addi %scan3A_73, %scan3A_74 : i32
    %scan3A_76 = arith.constant 1 : i32
    scf.for %scan3A_300 = %scan3A_73 to %scan3A_75 step %scan3A_76  : i32 {
      %mul3A_301 = arith.constant 5 : i32
      %mul3A_302 = arith.muli %scan3A_300, %mul3A_301 : i32
      %add3A_303 = arith.constant 0 : i32
      %add3A_304 = arith.addi %mul3A_302, %add3A_303 : i32
      %mul3A_305 = arith.constant 5 : i32
      %mul3A_306 = arith.muli %scan3A_300, %mul3A_305 : i32
      %add3A_307 = arith.constant 1 : i32
      %add3A_308 = arith.addi %mul3A_306, %add3A_307 : i32
      %mul3A_309 = arith.constant 5 : i32
      %mul3A_310 = arith.muli %scan3A_300, %mul3A_309 : i32
      %add3A_311 = arith.constant 2 : i32
      %add3A_312 = arith.addi %mul3A_310, %add3A_311 : i32
      %mul3A_313 = arith.constant 5 : i32
      %mul3A_314 = arith.muli %scan3A_300, %mul3A_313 : i32
      %add3A_315 = arith.constant 3 : i32
      %add3A_316 = arith.addi %mul3A_314, %add3A_315 : i32
      %mul3A_317 = arith.constant 5 : i32
      %mul3A_318 = arith.muli %scan3A_300, %mul3A_317 : i32
      %add3A_319 = arith.constant 4 : i32
      %add3A_320 = arith.addi %mul3A_318, %add3A_319 : i32
      %get3A = arith.index_cast %add3A_304 : i32 to index
      %get3A_321 = arith.constant 0 : index
      %get3A_322 = tpu.vector_load %arg6[%get3A, %get3A_321] {strides = array<i32>} : memref<625x32xf32, #tpu.memory_space<vmem>>, vector<16xf32>,
      %get3A_323 = arith.index_cast %add3A_308 : i32 to index
      %get3A_324 = arith.constant 0 : index
      %get3A_325 = tpu.vector_load %arg6[%get3A_323, %get3A_324] {strides = array<i32>} : memref<625x32xf32, #tpu.memory_space<vmem>>, vector<16xf32>,
      %get3A_326 = arith.index_cast %add3A_312 : i32 to index
      %get3A_327 = arith.constant 0 : index
      %get3A_328 = tpu.vector_load %arg6[%get3A_326, %get3A_327] {strides = array<i32>} : memref<625x32xf32, #tpu.memory_space<vmem>>, vector<16xf32>,
      %get3A_329 = arith.index_cast %add3A_316 : i32 to index
      %get3A_330 = arith.constant 0 : index
      %get3A_331 = tpu.vector_load %arg6[%get3A_329, %get3A_330] {strides = array<i32>} : memref<625x32xf32, #tpu.memory_space<vmem>>, vector<16xf32>,
      %get3A_332 = arith.index_cast %add3A_320 : i32 to index
      %get3A_333 = arith.constant 0 : index
      %get3A_334 = tpu.vector_load %arg6[%get3A_332, %get3A_333] {strides = array<i32>} : memref<625x32xf32, #tpu.memory_space<vmem>>, vector<16xf32>,
      %get3A_335 = arith.index_cast %add3A_304 : i32 to index
      %get3A_336 = arith.constant 16 : index
      %get3A_337 = tpu.vector_load %arg6[%get3A_335, %get3A_336] {strides = array<i32>} : memref<625x32xf32, #tpu.memory_space<vmem>>, vector<16xf32>,
      %get3A_338 = arith.index_cast %add3A_308 : i32 to index
      %get3A_339 = arith.constant 16 : index
      %get3A_340 = tpu.vector_load %arg6[%get3A_338, %get3A_339] {strides = array<i32>} : memref<625x32xf32, #tpu.memory_space<vmem>>, vector<16xf32>,
      %get3A_341 = arith.index_cast %add3A_312 : i32 to index
      %get3A_342 = arith.constant 16 : index
      %get3A_343 = tpu.vector_load %arg6[%get3A_341, %get3A_342] {strides = array<i32>} : memref<625x32xf32, #tpu.memory_space<vmem>>, vector<16xf32>,
      %get3A_344 = arith.index_cast %add3A_316 : i32 to index
      %get3A_345 = arith.constant 16 : index
      %get3A_346 = tpu.vector_load %arg6[%get3A_344, %get3A_345] {strides = array<i32>} : memref<625x32xf32, #tpu.memory_space<vmem>>, vector<16xf32>,
      %get3A_347 = arith.index_cast %add3A_320 : i32 to index
      %get3A_348 = arith.constant 16 : index
      %get3A_349 = tpu.vector_load %arg6[%get3A_347, %get3A_348] {strides = array<i32>} : memref<625x32xf32, #tpu.memory_space<vmem>>, vector<16xf32>,
      %pack3A = tpu.pack_subelements %get3A_322, %get3A_337 {pack_format = #tpu.pack_format<interleaved>, positions = array<i32: 0, 1>} : vector<16xf32>, vector<16xf32> -> vector<32xbf16>
      %bitcast3A = vector.bitcast %pack3A : vector<32xbf16> to vector<16xi32>
      %pack3A_350 = tpu.pack_subelements %get3A_325, %get3A_340 {pack_format = #tpu.pack_format<interleaved>, positions = array<i32: 0, 1>} : vector<16xf32>, vector<16xf32> -> vector<32xbf16>
      %bitcast3A_351 = vector.bitcast %pack3A_350 : vector<32xbf16> to vector<16xi32>
      %pack3A_352 = tpu.pack_subelements %get3A_328, %get3A_343 {pack_format = #tpu.pack_format<interleaved>, positions = array<i32: 0, 1>} : vector<16xf32>, vector<16xf32> -> vector<32xbf16>
      %bitcast3A_353 = vector.bitcast %pack3A_352 : vector<32xbf16> to vector<16xi32>
      %pack3A_354 = tpu.pack_subelements %get3A_331, %get3A_346 {pack_format = #tpu.pack_format<interleaved>, positions = array<i32: 0, 1>} : vector<16xf32>, vector<16xf32> -> vector<32xbf16>
      %bitcast3A_355 = vector.bitcast %pack3A_354 : vector<32xbf16> to vector<16xi32>
      %pack3A_356 = tpu.pack_subelements %get3A_334, %get3A_349 {pack_format = #tpu.pack_format<interleaved>, positions = array<i32: 0, 1>} : vector<16xf32>, vector<16xf32> -> vector<32xbf16>
      %bitcast3A_357 = vector.bitcast %pack3A_356 : vector<32xbf16> to vector<16xi32>
      %swap3A = arith.index_cast %add3A_304 : i32 to index
      %swap3A_358 = arith.constant 0 : index
      %swap3A_359 = tpu.vector_load %arg8[%swap3A, %swap3A_358] {strides = array<i32>} : memref<625x16xi32, #tpu.memory_space<vmem>>, vector<16xi32>,
      tpu.vector_store %arg8[%swap3A, %swap3A_358], %bitcast3A {strides = array<i32>} : memref<625x16xi32, #tpu.memory_space<vmem>>, vector<16xi32>,
      %swap3A_360 = arith.index_cast %add3A_308 : i32 to index
      %swap3A_361 = arith.constant 0 : index
      %swap3A_362 = tpu.vector_load %arg8[%swap3A_360, %swap3A_361] {strides = array<i32>} : memref<625x16xi32, #tpu.memory_space<vmem>>, vector<16xi32>,
      tpu.vector_store %arg8[%swap3A_360, %swap3A_361], %bitcast3A_351 {strides = array<i32>} : memref<625x16xi32, #tpu.memory_space<vmem>>, vector<16xi32>,
      %swap3A_363 = arith.index_cast %add3A_312 : i32 to index
      %swap3A_364 = arith.constant 0 : index
      %swap3A_365 = tpu.vector_load %arg8[%swap3A_363, %swap3A_364] {strides = array<i32>} : memref<625x16xi32, #tpu.memory_space<vmem>>, vector<16xi32>,
      tpu.vector_store %arg8[%swap3A_363, %swap3A_364], %bitcast3A_353 {strides = array<i32>} : memref<625x16xi32, #tpu.memory_space<vmem>>, vector<16xi32>,
      %swap3A_366 = arith.index_cast %add3A_316 : i32 to index
      %swap3A_367 = arith.constant 0 : index
      %swap3A_368 = tpu.vector_load %arg8[%swap3A_366, %swap3A_367] {strides = array<i32>} : memref<625x16xi32, #tpu.memory_space<vmem>>, vector<16xi32>,
      tpu.vector_store %arg8[%swap3A_366, %swap3A_367], %bitcast3A_355 {strides = array<i32>} : memref<625x16xi32, #tpu.memory_space<vmem>>, vector<16xi32>,
      %swap3A_369 = arith.index_cast %add3A_320 : i32 to index
      %swap3A_370 = arith.constant 0 : index
      %swap3A_371 = tpu.vector_load %arg8[%swap3A_369, %swap3A_370] {strides = array<i32>} : memref<625x16xi32, #tpu.memory_space<vmem>>, vector<16xi32>,
      tpu.vector_store %arg8[%swap3A_369, %swap3A_370], %bitcast3A_357 {strides = array<i32>} : memref<625x16xi32, #tpu.memory_space<vmem>>, vector<16xi32>,
    }
    %scan3A_77 = arith.constant 125 : i32
    %add3A_78 = arith.constant 1250 : i32
    %add3A_79 = arith.addi %mul3A_2, %add3A_78 : i32
    %dma_start3A_80 = arith.constant 0 : i32
    %dma_start3A_81 = tpu.memref_slice %arg4[%add3A_79, %dma_start3A_80] : memref<100000x16xi32, #tpu.memory_space<hbm>> -> memref<625x16xi32, #tpu.memory_space<hbm>>
    %dma_start3A_82 = arith.constant 0 : i32
    %dma_start3A_83 = tpu.memref_slice %arg4[%add3A_79, %dma_start3A_82] : memref<100000x16xi32, #tpu.memory_space<hbm>> -> memref<625x16xi32, #tpu.memory_space<hbm>>
    tpu.enqueue_dma source(%arg8 : memref<625x16xi32, #tpu.memory_space<vmem>>) target(%dma_start3A_83 : memref<625x16xi32, #tpu.memory_space<hbm>>) target_semaphore(%arg12 : memref<!tpu.dma_semaphore, #tpu.memory_space<semaphore_mem>>)
    %add3A_84 = arith.constant 2500 : i32
    %add3A_85 = arith.addi %mul3A_2, %add3A_84 : i32
    %dma_start3A_86 = arith.constant 0 : i32
    %dma_start3A_87 = tpu.memref_slice %arg2[%add3A_85, %dma_start3A_86] : memref<100000x32xf32, #tpu.memory_space<hbm>> -> memref<625x32xf32, #tpu.memory_space<hbm>>
    %dma_start3A_88 = arith.constant 0 : i32
    %dma_start3A_89 = tpu.memref_slice %arg2[%add3A_85, %dma_start3A_88] : memref<100000x32xf32, #tpu.memory_space<hbm>> -> memref<625x32xf32, #tpu.memory_space<hbm>>
    tpu.enqueue_dma source(%dma_start3A_89 : memref<625x32xf32, #tpu.memory_space<hbm>>) target(%arg6 : memref<625x32xf32, #tpu.memory_space<vmem>>) target_semaphore(%arg10 : memref<!tpu.dma_semaphore, #tpu.memory_space<semaphore_mem>>)
    %dma_wait3A_90 = arith.constant 0 : i32
    %dma_wait3A_91 = arith.constant 0 : i32
    %dma_wait3A_92 = tpu.memref_slice %arg2[%dma_wait3A_90, %dma_wait3A_91] : memref<100000x32xf32, #tpu.memory_space<hbm>> -> memref<625x32xf32, #tpu.memory_space<hbm>>
    %dma_wait3A_93 = arith.constant 0 : i32
    %dma_wait3A_94 = arith.constant 0 : i32
    %dma_wait3A_95 = tpu.memref_slice %arg2[%dma_wait3A_93, %dma_wait3A_94] : memref<100000x32xf32, #tpu.memory_space<hbm>> -> memref<625x32xf32, #tpu.memory_space<hbm>>
    tpu.wait_dma2 semaphore(%arg11 : memref<!tpu.dma_semaphore, #tpu.memory_space<semaphore_mem>>) src(%dma_wait3A_95 : memref<625x32xf32, #tpu.memory_space<hbm>>) dst(%arg7 : memref<625x32xf32, #tpu.memory_space<vmem>>)
    %dma_wait3A_96 = arith.constant 0 : i32
    %dma_wait3A_97 = arith.constant 0 : i32
    %dma_wait3A_98 = tpu.memref_slice %arg4[%dma_wait3A_96, %dma_wait3A_97] : memref<100000x16xi32, #tpu.memory_space<hbm>> -> memref<625x16xi32, #tpu.memory_space<hbm>>
    %dma_wait3A_99 = arith.constant 0 : i32
    %dma_wait3A_100 = arith.constant 0 : i32
    %dma_wait3A_101 = tpu.memref_slice %arg4[%dma_wait3A_99, %dma_wait3A_100] : memref<100000x16xi32, #tpu.memory_space<hbm>> -> memref<625x16xi32, #tpu.memory_space<hbm>>
    tpu.wait_dma2 semaphore(%arg13 : memref<!tpu.dma_semaphore, #tpu.memory_space<semaphore_mem>>) src(%arg9 : memref<625x16xi32, #tpu.memory_space<vmem>>) dst(%dma_wait3A_101 : memref<625x16xi32, #tpu.memory_space<hbm>>)
    %scan3A_102 = arith.constant 0 : i32
    %scan3A_103 = arith.constant 0 : i32
    %scan3A_104 = arith.constant 125 : i32
    %scan3A_105 = arith.addi %scan3A_103, %scan3A_104 : i32
    %scan3A_106 = arith.constant 1 : i32
    scf.for %scan3A_300 = %scan3A_103 to %scan3A_105 step %scan3A_106  : i32 {
      %mul3A_301 = arith.constant 5 : i32
      %mul3A_302 = arith.muli %scan3A_300, %mul3A_301 : i32
      %add3A_303 = arith.constant 0 : i32
      %add3A_304 = arith.addi %mul3A_302, %add3A_303 : i32
      %mul3A_305 = arith.constant 5 : i32
      %mul3A_306 = arith.muli %scan3A_300, %mul3A_305 : i32
      %add3A_307 = arith.constant 1 : i32
      %add3A_308 = arith.addi %mul3A_306, %add3A_307 : i32
      %mul3A_309 = arith.constant 5 : i32
      %mul3A_310 = arith.muli %scan3A_300, %mul3A_309 : i32
      %add3A_311 = arith.constant 2 : i32
      %add3A_312 = arith.addi %mul3A_310, %add3A_311 : i32
      %mul3A_313 = arith.constant 5 : i32
      %mul3A_314 = arith.muli %scan3A_300, %mul3A_313 : i32
      %add3A_315 = arith.constant 3 : i32
      %add3A_316 = arith.addi %mul3A_314, %add3A_315 : i32
      %mul3A_317 = arith.constant 5 : i32
      %mul3A_318 = arith.muli %scan3A_300, %mul3A_317 : i32
      %add3A_319 = arith.constant 4 : i32
      %add3A_320 = arith.addi %mul3A_318, %add3A_319 : i32
      %get3A = arith.index_cast %add3A_304 : i32 to index
      %get3A_321 = arith.constant 0 : index
      %get3A_322 = tpu.vector_load %arg7[%get3A, %get3A_321] {strides = array<i32>} : memref<625x32xf32, #tpu.memory_space<vmem>>, vector<16xf32>,
      %get3A_323 = arith.index_cast %add3A_308 : i32 to index
      %get3A_324 = arith.constant 0 : index
      %get3A_325 = tpu.vector_load %arg7[%get3A_323, %get3A_324] {strides = array<i32>} : memref<625x32xf32, #tpu.memory_space<vmem>>, vector<16xf32>,
      %get3A_326 = arith.index_cast %add3A_312 : i32 to index
      %get3A_327 = arith.constant 0 : index
      %get3A_328 = tpu.vector_load %arg7[%get3A_326, %get3A_327] {strides = array<i32>} : memref<625x32xf32, #tpu.memory_space<vmem>>, vector<16xf32>,
      %get3A_329 = arith.index_cast %add3A_316 : i32 to index
      %get3A_330 = arith.constant 0 : index
      %get3A_331 = tpu.vector_load %arg7[%get3A_329, %get3A_330] {strides = array<i32>} : memref<625x32xf32, #tpu.memory_space<vmem>>, vector<16xf32>,
      %get3A_332 = arith.index_cast %add3A_320 : i32 to index
      %get3A_333 = arith.constant 0 : index
      %get3A_334 = tpu.vector_load %arg7[%get3A_332, %get3A_333] {strides = array<i32>} : memref<625x32xf32, #tpu.memory_space<vmem>>, vector<16xf32>,
      %get3A_335 = arith.index_cast %add3A_304 : i32 to index
      %get3A_336 = arith.constant 16 : index
      %get3A_337 = tpu.vector_load %arg7[%get3A_335, %get3A_336] {strides = array<i32>} : memref<625x32xf32, #tpu.memory_space<vmem>>, vector<16xf32>,
      %get3A_338 = arith.index_cast %add3A_308 : i32 to index
      %get3A_339 = arith.constant 16 : index
      %get3A_340 = tpu.vector_load %arg7[%get3A_338, %get3A_339] {strides = array<i32>} : memref<625x32xf32, #tpu.memory_space<vmem>>, vector<16xf32>,
      %get3A_341 = arith.index_cast %add3A_312 : i32 to index
      %get3A_342 = arith.constant 16 : index
      %get3A_343 = tpu.vector_load %arg7[%get3A_341, %get3A_342] {strides = array<i32>} : memref<625x32xf32, #tpu.memory_space<vmem>>, vector<16xf32>,
      %get3A_344 = arith.index_cast %add3A_316 : i32 to index
      %get3A_345 = arith.constant 16 : index
      %get3A_346 = tpu.vector_load %arg7[%get3A_344, %get3A_345] {strides = array<i32>} : memref<625x32xf32, #tpu.memory_space<vmem>>, vector<16xf32>,
      %get3A_347 = arith.index_cast %add3A_320 : i32 to index
      %get3A_348 = arith.constant 16 : index
      %get3A_349 = tpu.vector_load %arg7[%get3A_347, %get3A_348] {strides = array<i32>} : memref<625x32xf32, #tpu.memory_space<vmem>>, vector<16xf32>,
      %pack3A = tpu.pack_subelements %get3A_322, %get3A_337 {pack_format = #tpu.pack_format<interleaved>, positions = array<i32: 0, 1>} : vector<16xf32>, vector<16xf32> -> vector<32xbf16>
      %bitcast3A = vector.bitcast %pack3A : vector<32xbf16> to vector<16xi32>
      %pack3A_350 = tpu.pack_subelements %get3A_325, %get3A_340 {pack_format = #tpu.pack_format<interleaved>, positions = array<i32: 0, 1>} : vector<16xf32>, vector<16xf32> -> vector<32xbf16>
      %bitcast3A_351 = vector.bitcast %pack3A_350 : vector<32xbf16> to vector<16xi32>
      %pack3A_352 = tpu.pack_subelements %get3A_328, %get3A_343 {pack_format = #tpu.pack_format<interleaved>, positions = array<i32: 0, 1>} : vector<16xf32>, vector<16xf32> -> vector<32xbf16>
      %bitcast3A_353 = vector.bitcast %pack3A_352 : vector<32xbf16> to vector<16xi32>
      %pack3A_354 = tpu.pack_subelements %get3A_331, %get3A_346 {pack_format = #tpu.pack_format<interleaved>, positions = array<i32: 0, 1>} : vector<16xf32>, vector<16xf32> -> vector<32xbf16>
      %bitcast3A_355 = vector.bitcast %pack3A_354 : vector<32xbf16> to vector<16xi32>
      %pack3A_356 = tpu.pack_subelements %get3A_334, %get3A_349 {pack_format = #tpu.pack_format<interleaved>, positions = array<i32: 0, 1>} : vector<16xf32>, vector<16xf32> -> vector<32xbf16>
      %bitcast3A_357 = vector.bitcast %pack3A_356 : vector<32xbf16> to vector<16xi32>
      %swap3A = arith.index_cast %add3A_304 : i32 to index
      %swap3A_358 = arith.constant 0 : index
      %swap3A_359 = tpu.vector_load %arg9[%swap3A, %swap3A_358] {strides = array<i32>} : memref<625x16xi32, #tpu.memory_space<vmem>>, vector<16xi32>,
      tpu.vector_store %arg9[%swap3A, %swap3A_358], %bitcast3A {strides = array<i32>} : memref<625x16xi32, #tpu.memory_space<vmem>>, vector<16xi32>,
      %swap3A_360 = arith.index_cast %add3A_308 : i32 to index
      %swap3A_361 = arith.constant 0 : index
      %swap3A_362 = tpu.vector_load %arg9[%swap3A_360, %swap3A_361] {strides = array<i32>} : memref<625x16xi32, #tpu.memory_space<vmem>>, vector<16xi32>,
      tpu.vector_store %arg9[%swap3A_360, %swap3A_361], %bitcast3A_351 {strides = array<i32>} : memref<625x16xi32, #tpu.memory_space<vmem>>, vector<16xi32>,
      %swap3A_363 = arith.index_cast %add3A_312 : i32 to index
      %swap3A_364 = arith.constant 0 : index
      %swap3A_365 = tpu.vector_load %arg9[%swap3A_363, %swap3A_364] {strides = array<i32>} : memref<625x16xi32, #tpu.memory_space<vmem>>, vector<16xi32>,
      tpu.vector_store %arg9[%swap3A_363, %swap3A_364], %bitcast3A_353 {strides = array<i32>} : memref<625x16xi32, #tpu.memory_space<vmem>>, vector<16xi32>,
      %swap3A_366 = arith.index_cast %add3A_316 : i32 to index
      %swap3A_367 = arith.constant 0 : index
      %swap3A_368 = tpu.vector_load %arg9[%swap3A_366, %swap3A_367] {strides = array<i32>} : memref<625x16xi32, #tpu.memory_space<vmem>>, vector<16xi32>,
      tpu.vector_store %arg9[%swap3A_366, %swap3A_367], %bitcast3A_355 {strides = array<i32>} : memref<625x16xi32, #tpu.memory_space<vmem>>, vector<16xi32>,
      %swap3A_369 = arith.index_cast %add3A_320 : i32 to index
      %swap3A_370 = arith.constant 0 : index
      %swap3A_371 = tpu.vector_load %arg9[%swap3A_369, %swap3A_370] {strides = array<i32>} : memref<625x16xi32, #tpu.memory_space<vmem>>, vector<16xi32>,
      tpu.vector_store %arg9[%swap3A_369, %swap3A_370], %bitcast3A_357 {strides = array<i32>} : memref<625x16xi32, #tpu.memory_space<vmem>>, vector<16xi32>,
    }
    %scan3A_107 = arith.constant 125 : i32
    %add3A_108 = arith.constant 1875 : i32
    %add3A_109 = arith.addi %mul3A_2, %add3A_108 : i32
    %dma_start3A_110 = arith.constant 0 : i32
    %dma_start3A_111 = tpu.memref_slice %arg4[%add3A_109, %dma_start3A_110] : memref<100000x16xi32, #tpu.memory_space<hbm>> -> memref<625x16xi32, #tpu.memory_space<hbm>>
    %dma_start3A_112 = arith.constant 0 : i32
    %dma_start3A_113 = tpu.memref_slice %arg4[%add3A_109, %dma_start3A_112] : memref<100000x16xi32, #tpu.memory_space<hbm>> -> memref<625x16xi32, #tpu.memory_space<hbm>>
    tpu.enqueue_dma source(%arg9 : memref<625x16xi32, #tpu.memory_space<vmem>>) target(%dma_start3A_113 : memref<625x16xi32, #tpu.memory_space<hbm>>) target_semaphore(%arg13 : memref<!tpu.dma_semaphore, #tpu.memory_space<semaphore_mem>>)
    %add3A_114 = arith.constant 0 : i32
    %add3A_115 = arith.addi %mul3A_2, %add3A_114 : i32
    %dma_start3A_116 = arith.constant 0 : i32
    %dma_start3A_117 = tpu.memref_slice %arg3[%add3A_115, %dma_start3A_116] : memref<100000x32xf32, #tpu.memory_space<hbm>> -> memref<625x32xf32, #tpu.memory_space<hbm>>
    %dma_start3A_118 = arith.constant 0 : i32
    %dma_start3A_119 = tpu.memref_slice %arg3[%add3A_115, %dma_start3A_118] : memref<100000x32xf32, #tpu.memory_space<hbm>> -> memref<625x32xf32, #tpu.memory_space<hbm>>
    tpu.enqueue_dma source(%dma_start3A_119 : memref<625x32xf32, #tpu.memory_space<hbm>>) target(%arg7 : memref<625x32xf32, #tpu.memory_space<vmem>>) target_semaphore(%arg11 : memref<!tpu.dma_semaphore, #tpu.memory_space<semaphore_mem>>)
    %dma_wait3A_120 = arith.constant 0 : i32
    %dma_wait3A_121 = arith.constant 0 : i32
    %dma_wait3A_122 = tpu.memref_slice %arg2[%dma_wait3A_120, %dma_wait3A_121] : memref<100000x32xf32, #tpu.memory_space<hbm>> -> memref<625x32xf32, #tpu.memory_space<hbm>>
    %dma_wait3A_123 = arith.constant 0 : i32
    %dma_wait3A_124 = arith.constant 0 : i32
    %dma_wait3A_125 = tpu.memref_slice %arg2[%dma_wait3A_123, %dma_wait3A_124] : memref<100000x32xf32, #tpu.memory_space<hbm>> -> memref<625x32xf32, #tpu.memory_space<hbm>>
    tpu.wait_dma2 semaphore(%arg10 : memref<!tpu.dma_semaphore, #tpu.memory_space<semaphore_mem>>) src(%dma_wait3A_125 : memref<625x32xf32, #tpu.memory_space<hbm>>) dst(%arg6 : memref<625x32xf32, #tpu.memory_space<vmem>>)
    %dma_wait3A_126 = arith.constant 0 : i32
    %dma_wait3A_127 = arith.constant 0 : i32
    %dma_wait3A_128 = tpu.memref_slice %arg4[%dma_wait3A_126, %dma_wait3A_127] : memref<100000x16xi32, #tpu.memory_space<hbm>> -> memref<625x16xi32, #tpu.memory_space<hbm>>
    %dma_wait3A_129 = arith.constant 0 : i32
    %dma_wait3A_130 = arith.constant 0 : i32
    %dma_wait3A_131 = tpu.memref_slice %arg4[%dma_wait3A_129, %dma_wait3A_130] : memref<100000x16xi32, #tpu.memory_space<hbm>> -> memref<625x16xi32, #tpu.memory_space<hbm>>
    tpu.wait_dma2 semaphore(%arg12 : memref<!tpu.dma_semaphore, #tpu.memory_space<semaphore_mem>>) src(%arg8 : memref<625x16xi32, #tpu.memory_space<vmem>>) dst(%dma_wait3A_131 : memref<625x16xi32, #tpu.memory_space<hbm>>)
    %scan3A_132 = arith.constant 0 : i32
    %scan3A_133 = arith.constant 0 : i32
    %scan3A_134 = arith.constant 125 : i32
    %scan3A_135 = arith.addi %scan3A_133, %scan3A_134 : i32
    %scan3A_136 = arith.constant 1 : i32
    scf.for %scan3A_300 = %scan3A_133 to %scan3A_135 step %scan3A_136  : i32 {
      %mul3A_301 = arith.constant 5 : i32
      %mul3A_302 = arith.muli %scan3A_300, %mul3A_301 : i32
      %add3A_303 = arith.constant 0 : i32
      %add3A_304 = arith.addi %mul3A_302, %add3A_303 : i32
      %mul3A_305 = arith.constant 5 : i32
      %mul3A_306 = arith.muli %scan3A_300, %mul3A_305 : i32
      %add3A_307 = arith.constant 1 : i32
      %add3A_308 = arith.addi %mul3A_306, %add3A_307 : i32
      %mul3A_309 = arith.constant 5 : i32
      %mul3A_310 = arith.muli %scan3A_300, %mul3A_309 : i32
      %add3A_311 = arith.constant 2 : i32
      %add3A_312 = arith.addi %mul3A_310, %add3A_311 : i32
      %mul3A_313 = arith.constant 5 : i32
      %mul3A_314 = arith.muli %scan3A_300, %mul3A_313 : i32
      %add3A_315 = arith.constant 3 : i32
      %add3A_316 = arith.addi %mul3A_314, %add3A_315 : i32
      %mul3A_317 = arith.constant 5 : i32
      %mul3A_318 = arith.muli %scan3A_300, %mul3A_317 : i32
      %add3A_319 = arith.constant 4 : i32
      %add3A_320 = arith.addi %mul3A_318, %add3A_319 : i32
      %get3A = arith.index_cast %add3A_304 : i32 to index
      %get3A_321 = arith.constant 0 : index
      %get3A_322 = tpu.vector_load %arg6[%get3A, %get3A_321] {strides = array<i32>} : memref<625x32xf32, #tpu.memory_space<vmem>>, vector<16xf32>,
      %get3A_323 = arith.index_cast %add3A_308 : i32 to index
      %get3A_324 = arith.constant 0 : index
      %get3A_325 = tpu.vector_load %arg6[%get3A_323, %get3A_324] {strides = array<i32>} : memref<625x32xf32, #tpu.memory_space<vmem>>, vector<16xf32>,
      %get3A_326 = arith.index_cast %add3A_312 : i32 to index
      %get3A_327 = arith.constant 0 : index
      %get3A_328 = tpu.vector_load %arg6[%get3A_326, %get3A_327] {strides = array<i32>} : memref<625x32xf32, #tpu.memory_space<vmem>>, vector<16xf32>,
      %get3A_329 = arith.index_cast %add3A_316 : i32 to index
      %get3A_330 = arith.constant 0 : index
      %get3A_331 = tpu.vector_load %arg6[%get3A_329, %get3A_330] {strides = array<i32>} : memref<625x32xf32, #tpu.memory_space<vmem>>, vector<16xf32>,
      %get3A_332 = arith.index_cast %add3A_320 : i32 to index
      %get3A_333 = arith.constant 0 : index
      %get3A_334 = tpu.vector_load %arg6[%get3A_332, %get3A_333] {strides = array<i32>} : memref<625x32xf32, #tpu.memory_space<vmem>>, vector<16xf32>,
      %get3A_335 = arith.index_cast %add3A_304 : i32 to index
      %get3A_336 = arith.constant 16 : index
      %get3A_337 = tpu.vector_load %arg6[%get3A_335, %get3A_336] {strides = array<i32>} : memref<625x32xf32, #tpu.memory_space<vmem>>, vector<16xf32>,
      %get3A_338 = arith.index_cast %add3A_308 : i32 to index
      %get3A_339 = arith.constant 16 : index
      %get3A_340 = tpu.vector_load %arg6[%get3A_338, %get3A_339] {strides = array<i32>} : memref<625x32xf32, #tpu.memory_space<vmem>>, vector<16xf32>,
      %get3A_341 = arith.index_cast %add3A_312 : i32 to index
      %get3A_342 = arith.constant 16 : index
      %get3A_343 = tpu.vector_load %arg6[%get3A_341, %get3A_342] {strides = array<i32>} : memref<625x32xf32, #tpu.memory_space<vmem>>, vector<16xf32>,
      %get3A_344 = arith.index_cast %add3A_316 : i32 to index
      %get3A_345 = arith.constant 16 : index
      %get3A_346 = tpu.vector_load %arg6[%get3A_344, %get3A_345] {strides = array<i32>} : memref<625x32xf32, #tpu.memory_space<vmem>>, vector<16xf32>,
      %get3A_347 = arith.index_cast %add3A_320 : i32 to index
      %get3A_348 = arith.constant 16 : index
      %get3A_349 = tpu.vector_load %arg6[%get3A_347, %get3A_348] {strides = array<i32>} : memref<625x32xf32, #tpu.memory_space<vmem>>, vector<16xf32>,
      %pack3A = tpu.pack_subelements %get3A_322, %get3A_337 {pack_format = #tpu.pack_format<interleaved>, positions = array<i32: 0, 1>} : vector<16xf32>, vector<16xf32> -> vector<32xbf16>
      %bitcast3A = vector.bitcast %pack3A : vector<32xbf16> to vector<16xi32>
      %pack3A_350 = tpu.pack_subelements %get3A_325, %get3A_340 {pack_format = #tpu.pack_format<interleaved>, positions = array<i32: 0, 1>} : vector<16xf32>, vector<16xf32> -> vector<32xbf16>
      %bitcast3A_351 = vector.bitcast %pack3A_350 : vector<32xbf16> to vector<16xi32>
      %pack3A_352 = tpu.pack_subelements %get3A_328, %get3A_343 {pack_format = #tpu.pack_format<interleaved>, positions = array<i32: 0, 1>} : vector<16xf32>, vector<16xf32> -> vector<32xbf16>
      %bitcast3A_353 = vector.bitcast %pack3A_352 : vector<32xbf16> to vector<16xi32>
      %pack3A_354 = tpu.pack_subelements %get3A_331, %get3A_346 {pack_format = #tpu.pack_format<interleaved>, positions = array<i32: 0, 1>} : vector<16xf32>, vector<16xf32> -> vector<32xbf16>
      %bitcast3A_355 = vector.bitcast %pack3A_354 : vector<32xbf16> to vector<16xi32>
      %pack3A_356 = tpu.pack_subelements %get3A_334, %get3A_349 {pack_format = #tpu.pack_format<interleaved>, positions = array<i32: 0, 1>} : vector<16xf32>, vector<16xf32> -> vector<32xbf16>
      %bitcast3A_357 = vector.bitcast %pack3A_356 : vector<32xbf16> to vector<16xi32>
      %swap3A = arith.index_cast %add3A_304 : i32 to index
      %swap3A_358 = arith.constant 0 : index
      %swap3A_359 = tpu.vector_load %arg8[%swap3A, %swap3A_358] {strides = array<i32>} : memref<625x16xi32, #tpu.memory_space<vmem>>, vector<16xi32>,
      tpu.vector_store %arg8[%swap3A, %swap3A_358], %bitcast3A {strides = array<i32>} : memref<625x16xi32, #tpu.memory_space<vmem>>, vector<16xi32>,
      %swap3A_360 = arith.index_cast %add3A_308 : i32 to index
      %swap3A_361 = arith.constant 0 : index
      %swap3A_362 = tpu.vector_load %arg8[%swap3A_360, %swap3A_361] {strides = array<i32>} : memref<625x16xi32, #tpu.memory_space<vmem>>, vector<16xi32>,
      tpu.vector_store %arg8[%swap3A_360, %swap3A_361], %bitcast3A_351 {strides = array<i32>} : memref<625x16xi32, #tpu.memory_space<vmem>>, vector<16xi32>,
      %swap3A_363 = arith.index_cast %add3A_312 : i32 to index
      %swap3A_364 = arith.constant 0 : index
      %swap3A_365 = tpu.vector_load %arg8[%swap3A_363, %swap3A_364] {strides = array<i32>} : memref<625x16xi32, #tpu.memory_space<vmem>>, vector<16xi32>,
      tpu.vector_store %arg8[%swap3A_363, %swap3A_364], %bitcast3A_353 {strides = array<i32>} : memref<625x16xi32, #tpu.memory_space<vmem>>, vector<16xi32>,
      %swap3A_366 = arith.index_cast %add3A_316 : i32 to index
      %swap3A_367 = arith.constant 0 : index
      %swap3A_368 = tpu.vector_load %arg8[%swap3A_366, %swap3A_367] {strides = array<i32>} : memref<625x16xi32, #tpu.memory_space<vmem>>, vector<16xi32>,
      tpu.vector_store %arg8[%swap3A_366, %swap3A_367], %bitcast3A_355 {strides = array<i32>} : memref<625x16xi32, #tpu.memory_space<vmem>>, vector<16xi32>,
      %swap3A_369 = arith.index_cast %add3A_320 : i32 to index
      %swap3A_370 = arith.constant 0 : index
      %swap3A_371 = tpu.vector_load %arg8[%swap3A_369, %swap3A_370] {strides = array<i32>} : memref<625x16xi32, #tpu.memory_space<vmem>>, vector<16xi32>,
      tpu.vector_store %arg8[%swap3A_369, %swap3A_370], %bitcast3A_357 {strides = array<i32>} : memref<625x16xi32, #tpu.memory_space<vmem>>, vector<16xi32>,
    }
    %scan3A_137 = arith.constant 125 : i32
    %add3A_138 = arith.constant 2500 : i32
    %add3A_139 = arith.addi %mul3A_2, %add3A_138 : i32
    %dma_start3A_140 = arith.constant 0 : i32
    %dma_start3A_141 = tpu.memref_slice %arg4[%add3A_139, %dma_start3A_140] : memref<100000x16xi32, #tpu.memory_space<hbm>> -> memref<625x16xi32, #tpu.memory_space<hbm>>
    %dma_start3A_142 = arith.constant 0 : i32
    %dma_start3A_143 = tpu.memref_slice %arg4[%add3A_139, %dma_start3A_142] : memref<100000x16xi32, #tpu.memory_space<hbm>> -> memref<625x16xi32, #tpu.memory_space<hbm>>
    tpu.enqueue_dma source(%arg8 : memref<625x16xi32, #tpu.memory_space<vmem>>) target(%dma_start3A_143 : memref<625x16xi32, #tpu.memory_space<hbm>>) target_semaphore(%arg12 : memref<!tpu.dma_semaphore, #tpu.memory_space<semaphore_mem>>)
    %add3A_144 = arith.constant 625 : i32
    %add3A_145 = arith.addi %mul3A_2, %add3A_144 : i32
    %dma_start3A_146 = arith.constant 0 : i32
    %dma_start3A_147 = tpu.memref_slice %arg3[%add3A_145, %dma_start3A_146] : memref<100000x32xf32, #tpu.memory_space<hbm>> -> memref<625x32xf32, #tpu.memory_space<hbm>>
    %dma_start3A_148 = arith.constant 0 : i32
    %dma_start3A_149 = tpu.memref_slice %arg3[%add3A_145, %dma_start3A_148] : memref<100000x32xf32, #tpu.memory_space<hbm>> -> memref<625x32xf32, #tpu.memory_space<hbm>>
    tpu.enqueue_dma source(%dma_start3A_149 : memref<625x32xf32, #tpu.memory_space<hbm>>) target(%arg6 : memref<625x32xf32, #tpu.memory_space<vmem>>) target_semaphore(%arg10 : memref<!tpu.dma_semaphore, #tpu.memory_space<semaphore_mem>>)
    %dma_wait3A_150 = arith.constant 0 : i32
    %dma_wait3A_151 = arith.constant 0 : i32
    %dma_wait3A_152 = tpu.memref_slice %arg3[%dma_wait3A_150, %dma_wait3A_151] : memref<100000x32xf32, #tpu.memory_space<hbm>> -> memref<625x32xf32, #tpu.memory_space<hbm>>
    %dma_wait3A_153 = arith.constant 0 : i32
    %dma_wait3A_154 = arith.constant 0 : i32
    %dma_wait3A_155 = tpu.memref_slice %arg3[%dma_wait3A_153, %dma_wait3A_154] : memref<100000x32xf32, #tpu.memory_space<hbm>> -> memref<625x32xf32, #tpu.memory_space<hbm>>
    tpu.wait_dma2 semaphore(%arg11 : memref<!tpu.dma_semaphore, #tpu.memory_space<semaphore_mem>>) src(%dma_wait3A_155 : memref<625x32xf32, #tpu.memory_space<hbm>>) dst(%arg7 : memref<625x32xf32, #tpu.memory_space<vmem>>)
    %dma_wait3A_156 = arith.constant 0 : i32
    %dma_wait3A_157 = arith.constant 0 : i32
    %dma_wait3A_158 = tpu.memref_slice %arg4[%dma_wait3A_156, %dma_wait3A_157] : memref<100000x16xi32, #tpu.memory_space<hbm>> -> memref<625x16xi32, #tpu.memory_space<hbm>>
    %dma_wait3A_159 = arith.constant 0 : i32
    %dma_wait3A_160 = arith.constant 0 : i32
    %dma_wait3A_161 = tpu.memref_slice %arg4[%dma_wait3A_159, %dma_wait3A_160] : memref<100000x16xi32, #tpu.memory_space<hbm>> -> memref<625x16xi32, #tpu.memory_space<hbm>>
    tpu.wait_dma2 semaphore(%arg13 : memref<!tpu.dma_semaphore, #tpu.memory_space<semaphore_mem>>) src(%arg9 : memref<625x16xi32, #tpu.memory_space<vmem>>) dst(%dma_wait3A_161 : memref<625x16xi32, #tpu.memory_space<hbm>>)
    %scan3A_162 = arith.constant 0 : i32
    %scan3A_163 = arith.constant 0 : i32
    %scan3A_164 = arith.constant 125 : i32
    %scan3A_165 = arith.addi %scan3A_163, %scan3A_164 : i32
    %scan3A_166 = arith.constant 1 : i32
    scf.for %scan3A_300 = %scan3A_163 to %scan3A_165 step %scan3A_166  : i32 {
      %mul3A_301 = arith.constant 5 : i32
      %mul3A_302 = arith.muli %scan3A_300, %mul3A_301 : i32
      %add3A_303 = arith.constant 0 : i32
      %add3A_304 = arith.addi %mul3A_302, %add3A_303 : i32
      %mul3A_305 = arith.constant 5 : i32
      %mul3A_306 = arith.muli %scan3A_300, %mul3A_305 : i32
      %add3A_307 = arith.constant 1 : i32
      %add3A_308 = arith.addi %mul3A_306, %add3A_307 : i32
      %mul3A_309 = arith.constant 5 : i32
      %mul3A_310 = arith.muli %scan3A_300, %mul3A_309 : i32
      %add3A_311 = arith.constant 2 : i32
      %add3A_312 = arith.addi %mul3A_310, %add3A_311 : i32
      %mul3A_313 = arith.constant 5 : i32
      %mul3A_314 = arith.muli %scan3A_300, %mul3A_313 : i32
      %add3A_315 = arith.constant 3 : i32
      %add3A_316 = arith.addi %mul3A_314, %add3A_315 : i32
      %mul3A_317 = arith.constant 5 : i32
      %mul3A_318 = arith.muli %scan3A_300, %mul3A_317 : i32
      %add3A_319 = arith.constant 4 : i32
      %add3A_320 = arith.addi %mul3A_318, %add3A_319 : i32
      %get3A = arith.index_cast %add3A_304 : i32 to index
      %get3A_321 = arith.constant 0 : index
      %get3A_322 = tpu.vector_load %arg7[%get3A, %get3A_321] {strides = array<i32>} : memref<625x32xf32, #tpu.memory_space<vmem>>, vector<16xf32>,
      %get3A_323 = arith.index_cast %add3A_308 : i32 to index
      %get3A_324 = arith.constant 0 : index
      %get3A_325 = tpu.vector_load %arg7[%get3A_323, %get3A_324] {strides = array<i32>} : memref<625x32xf32, #tpu.memory_space<vmem>>, vector<16xf32>,
      %get3A_326 = arith.index_cast %add3A_312 : i32 to index
      %get3A_327 = arith.constant 0 : index
      %get3A_328 = tpu.vector_load %arg7[%get3A_326, %get3A_327] {strides = array<i32>} : memref<625x32xf32, #tpu.memory_space<vmem>>, vector<16xf32>,
      %get3A_329 = arith.index_cast %add3A_316 : i32 to index
      %get3A_330 = arith.constant 0 : index
      %get3A_331 = tpu.vector_load %arg7[%get3A_329, %get3A_330] {strides = array<i32>} : memref<625x32xf32, #tpu.memory_space<vmem>>, vector<16xf32>,
      %get3A_332 = arith.index_cast %add3A_320 : i32 to index
      %get3A_333 = arith.constant 0 : index
      %get3A_334 = tpu.vector_load %arg7[%get3A_332, %get3A_333] {strides = array<i32>} : memref<625x32xf32, #tpu.memory_space<vmem>>, vector<16xf32>,
      %get3A_335 = arith.index_cast %add3A_304 : i32 to index
      %get3A_336 = arith.constant 16 : index
      %get3A_337 = tpu.vector_load %arg7[%get3A_335, %get3A_336] {strides = array<i32>} : memref<625x32xf32, #tpu.memory_space<vmem>>, vector<16xf32>,
      %get3A_338 = arith.index_cast %add3A_308 : i32 to index
      %get3A_339 = arith.constant 16 : index
      %get3A_340 = tpu.vector_load %arg7[%get3A_338, %get3A_339] {strides = array<i32>} : memref<625x32xf32, #tpu.memory_space<vmem>>, vector<16xf32>,
      %get3A_341 = arith.index_cast %add3A_312 : i32 to index
      %get3A_342 = arith.constant 16 : index
      %get3A_343 = tpu.vector_load %arg7[%get3A_341, %get3A_342] {strides = array<i32>} : memref<625x32xf32, #tpu.memory_space<vmem>>, vector<16xf32>,
      %get3A_344 = arith.index_cast %add3A_316 : i32 to index
      %get3A_345 = arith.constant 16 : index
      %get3A_346 = tpu.vector_load %arg7[%get3A_344, %get3A_345] {strides = array<i32>} : memref<625x32xf32, #tpu.memory_space<vmem>>, vector<16xf32>,
      %get3A_347 = arith.index_cast %add3A_320 : i32 to index
      %get3A_348 = arith.constant 16 : index
      %get3A_349 = tpu.vector_load %arg7[%get3A_347, %get3A_348] {strides = array<i32>} : memref<625x32xf32, #tpu.memory_space<vmem>>, vector<16xf32>,
      %pack3A = tpu.pack_subelements %get3A_322, %get3A_337 {pack_format = #tpu.pack_format<interleaved>, positions = array<i32: 0, 1>} : vector<16xf32>, vector<16xf32> -> vector<32xbf16>
      %bitcast3A = vector.bitcast %pack3A : vector<32xbf16> to vector<16xi32>
      %pack3A_350 = tpu.pack_subelements %get3A_325, %get3A_340 {pack_format = #tpu.pack_format<interleaved>, positions = array<i32: 0, 1>} : vector<16xf32>, vector<16xf32> -> vector<32xbf16>
      %bitcast3A_351 = vector.bitcast %pack3A_350 : vector<32xbf16> to vector<16xi32>
      %pack3A_352 = tpu.pack_subelements %get3A_328, %get3A_343 {pack_format = #tpu.pack_format<interleaved>, positions = array<i32: 0, 1>} : vector<16xf32>, vector<16xf32> -> vector<32xbf16>
      %bitcast3A_353 = vector.bitcast %pack3A_352 : vector<32xbf16> to vector<16xi32>
      %pack3A_354 = tpu.pack_subelements %get3A_331, %get3A_346 {pack_format = #tpu.pack_format<interleaved>, positions = array<i32: 0, 1>} : vector<16xf32>, vector<16xf32> -> vector<32xbf16>
      %bitcast3A_355 = vector.bitcast %pack3A_354 : vector<32xbf16> to vector<16xi32>
      %pack3A_356 = tpu.pack_subelements %get3A_334, %get3A_349 {pack_format = #tpu.pack_format<interleaved>, positions = array<i32: 0, 1>} : vector<16xf32>, vector<16xf32> -> vector<32xbf16>
      %bitcast3A_357 = vector.bitcast %pack3A_356 : vector<32xbf16> to vector<16xi32>
      %swap3A = arith.index_cast %add3A_304 : i32 to index
      %swap3A_358 = arith.constant 0 : index
      %swap3A_359 = tpu.vector_load %arg9[%swap3A, %swap3A_358] {strides = array<i32>} : memref<625x16xi32, #tpu.memory_space<vmem>>, vector<16xi32>,
      tpu.vector_store %arg9[%swap3A, %swap3A_358], %bitcast3A {strides = array<i32>} : memref<625x16xi32, #tpu.memory_space<vmem>>, vector<16xi32>,
      %swap3A_360 = arith.index_cast %add3A_308 : i32 to index
      %swap3A_361 = arith.constant 0 : index
      %swap3A_362 = tpu.vector_load %arg9[%swap3A_360, %swap3A_361] {strides = array<i32>} : memref<625x16xi32, #tpu.memory_space<vmem>>, vector<16xi32>,
      tpu.vector_store %arg9[%swap3A_360, %swap3A_361], %bitcast3A_351 {strides = array<i32>} : memref<625x16xi32, #tpu.memory_space<vmem>>, vector<16xi32>,
      %swap3A_363 = arith.index_cast %add3A_312 : i32 to index
      %swap3A_364 = arith.constant 0 : index
      %swap3A_365 = tpu.vector_load %arg9[%swap3A_363, %swap3A_364] {strides = array<i32>} : memref<625x16xi32, #tpu.memory_space<vmem>>, vector<16xi32>,
      tpu.vector_store %arg9[%swap3A_363, %swap3A_364], %bitcast3A_353 {strides = array<i32>} : memref<625x16xi32, #tpu.memory_space<vmem>>, vector<16xi32>,
      %swap3A_366 = arith.index_cast %add3A_316 : i32 to index
      %swap3A_367 = arith.constant 0 : index
      %swap3A_368 = tpu.vector_load %arg9[%swap3A_366, %swap3A_367] {strides = array<i32>} : memref<625x16xi32, #tpu.memory_space<vmem>>, vector<16xi32>,
      tpu.vector_store %arg9[%swap3A_366, %swap3A_367], %bitcast3A_355 {strides = array<i32>} : memref<625x16xi32, #tpu.memory_space<vmem>>, vector<16xi32>,
      %swap3A_369 = arith.index_cast %add3A_320 : i32 to index
      %swap3A_370 = arith.constant 0 : index
      %swap3A_371 = tpu.vector_load %arg9[%swap3A_369, %swap3A_370] {strides = array<i32>} : memref<625x16xi32, #tpu.memory_space<vmem>>, vector<16xi32>,
      tpu.vector_store %arg9[%swap3A_369, %swap3A_370], %bitcast3A_357 {strides = array<i32>} : memref<625x16xi32, #tpu.memory_space<vmem>>, vector<16xi32>,
    }
    %scan3A_167 = arith.constant 125 : i32
    %add3A_168 = arith.constant 0 : i32
    %add3A_169 = arith.addi %mul3A_2, %add3A_168 : i32
    %dma_start3A_170 = arith.constant 0 : i32
    %dma_start3A_171 = tpu.memref_slice %arg5[%add3A_169, %dma_start3A_170] : memref<100000x16xi32, #tpu.memory_space<hbm>> -> memref<625x16xi32, #tpu.memory_space<hbm>>
    %dma_start3A_172 = arith.constant 0 : i32
    %dma_start3A_173 = tpu.memref_slice %arg5[%add3A_169, %dma_start3A_172] : memref<100000x16xi32, #tpu.memory_space<hbm>> -> memref<625x16xi32, #tpu.memory_space<hbm>>
    tpu.enqueue_dma source(%arg9 : memref<625x16xi32, #tpu.memory_space<vmem>>) target(%dma_start3A_173 : memref<625x16xi32, #tpu.memory_space<hbm>>) target_semaphore(%arg13 : memref<!tpu.dma_semaphore, #tpu.memory_space<semaphore_mem>>)
    %add3A_174 = arith.constant 1250 : i32
    %add3A_175 = arith.addi %mul3A_2, %add3A_174 : i32
    %dma_start3A_176 = arith.constant 0 : i32
    %dma_start3A_177 = tpu.memref_slice %arg3[%add3A_175, %dma_start3A_176] : memref<100000x32xf32, #tpu.memory_space<hbm>> -> memref<625x32xf32, #tpu.memory_space<hbm>>
    %dma_start3A_178 = arith.constant 0 : i32
    %dma_start3A_179 = tpu.memref_slice %arg3[%add3A_175, %dma_start3A_178] : memref<100000x32xf32, #tpu.memory_space<hbm>> -> memref<625x32xf32, #tpu.memory_space<hbm>>
    tpu.enqueue_dma source(%dma_start3A_179 : memref<625x32xf32, #tpu.memory_space<hbm>>) target(%arg7 : memref<625x32xf32, #tpu.memory_space<vmem>>) target_semaphore(%arg11 : memref<!tpu.dma_semaphore, #tpu.memory_space<semaphore_mem>>)
    %dma_wait3A_180 = arith.constant 0 : i32
    %dma_wait3A_181 = arith.constant 0 : i32
    %dma_wait3A_182 = tpu.memref_slice %arg3[%dma_wait3A_180, %dma_wait3A_181] : memref<100000x32xf32, #tpu.memory_space<hbm>> -> memref<625x32xf32, #tpu.memory_space<hbm>>
    %dma_wait3A_183 = arith.constant 0 : i32
    %dma_wait3A_184 = arith.constant 0 : i32
    %dma_wait3A_185 = tpu.memref_slice %arg3[%dma_wait3A_183, %dma_wait3A_184] : memref<100000x32xf32, #tpu.memory_space<hbm>> -> memref<625x32xf32, #tpu.memory_space<hbm>>
    tpu.wait_dma2 semaphore(%arg10 : memref<!tpu.dma_semaphore, #tpu.memory_space<semaphore_mem>>) src(%dma_wait3A_185 : memref<625x32xf32, #tpu.memory_space<hbm>>) dst(%arg6 : memref<625x32xf32, #tpu.memory_space<vmem>>)
    %dma_wait3A_186 = arith.constant 0 : i32
    %dma_wait3A_187 = arith.constant 0 : i32
    %dma_wait3A_188 = tpu.memref_slice %arg4[%dma_wait3A_186, %dma_wait3A_187] : memref<100000x16xi32, #tpu.memory_space<hbm>> -> memref<625x16xi32, #tpu.memory_space<hbm>>
    %dma_wait3A_189 = arith.constant 0 : i32
    %dma_wait3A_190 = arith.constant 0 : i32
    %dma_wait3A_191 = tpu.memref_slice %arg4[%dma_wait3A_189, %dma_wait3A_190] : memref<100000x16xi32, #tpu.memory_space<hbm>> -> memref<625x16xi32, #tpu.memory_space<hbm>>
    tpu.wait_dma2 semaphore(%arg12 : memref<!tpu.dma_semaphore, #tpu.memory_space<semaphore_mem>>) src(%arg8 : memref<625x16xi32, #tpu.memory_space<vmem>>) dst(%dma_wait3A_191 : memref<625x16xi32, #tpu.memory_space<hbm>>)
    %scan3A_192 = arith.constant 0 : i32
    %scan3A_193 = arith.constant 0 : i32
    %scan3A_194 = arith.constant 125 : i32
    %scan3A_195 = arith.addi %scan3A_193, %scan3A_194 : i32
    %scan3A_196 = arith.constant 1 : i32
    scf.for %scan3A_300 = %scan3A_193 to %scan3A_195 step %scan3A_196  : i32 {
      %mul3A_301 = arith.constant 5 : i32
      %mul3A_302 = arith.muli %scan3A_300, %mul3A_301 : i32
      %add3A_303 = arith.constant 0 : i32
      %add3A_304 = arith.addi %mul3A_302, %add3A_303 : i32
      %mul3A_305 = arith.constant 5 : i32
      %mul3A_306 = arith.muli %scan3A_300, %mul3A_305 : i32
      %add3A_307 = arith.constant 1 : i32
      %add3A_308 = arith.addi %mul3A_306, %add3A_307 : i32
      %mul3A_309 = arith.constant 5 : i32
      %mul3A_310 = arith.muli %scan3A_300, %mul3A_309 : i32
      %add3A_311 = arith.constant 2 : i32
      %add3A_312 = arith.addi %mul3A_310, %add3A_311 : i32
      %mul3A_313 = arith.constant 5 : i32
      %mul3A_314 = arith.muli %scan3A_300, %mul3A_313 : i32
      %add3A_315 = arith.constant 3 : i32
      %add3A_316 = arith.addi %mul3A_314, %add3A_315 : i32
      %mul3A_317 = arith.constant 5 : i32
      %mul3A_318 = arith.muli %scan3A_300, %mul3A_317 : i32
      %add3A_319 = arith.constant 4 : i32
      %add3A_320 = arith.addi %mul3A_318, %add3A_319 : i32
      %get3A = arith.index_cast %add3A_304 : i32 to index
      %get3A_321 = arith.constant 0 : index
      %get3A_322 = tpu.vector_load %arg6[%get3A, %get3A_321] {strides = array<i32>} : memref<625x32xf32, #tpu.memory_space<vmem>>, vector<16xf32>,
      %get3A_323 = arith.index_cast %add3A_308 : i32 to index
      %get3A_324 = arith.constant 0 : index
      %get3A_325 = tpu.vector_load %arg6[%get3A_323, %get3A_324] {strides = array<i32>} : memref<625x32xf32, #tpu.memory_space<vmem>>, vector<16xf32>,
      %get3A_326 = arith.index_cast %add3A_312 : i32 to index
      %get3A_327 = arith.constant 0 : index
      %get3A_328 = tpu.vector_load %arg6[%get3A_326, %get3A_327] {strides = array<i32>} : memref<625x32xf32, #tpu.memory_space<vmem>>, vector<16xf32>,
      %get3A_329 = arith.index_cast %add3A_316 : i32 to index
      %get3A_330 = arith.constant 0 : index
      %get3A_331 = tpu.vector_load %arg6[%get3A_329, %get3A_330] {strides = array<i32>} : memref<625x32xf32, #tpu.memory_space<vmem>>, vector<16xf32>,
      %get3A_332 = arith.index_cast %add3A_320 : i32 to index
      %get3A_333 = arith.constant 0 : index
      %get3A_334 = tpu.vector_load %arg6[%get3A_332, %get3A_333] {strides = array<i32>} : memref<625x32xf32, #tpu.memory_space<vmem>>, vector<16xf32>,
      %get3A_335 = arith.index_cast %add3A_304 : i32 to index
      %get3A_336 = arith.constant 16 : index
      %get3A_337 = tpu.vector_load %arg6[%get3A_335, %get3A_336] {strides = array<i32>} : memref<625x32xf32, #tpu.memory_space<vmem>>, vector<16xf32>,
      %get3A_338 = arith.index_cast %add3A_308 : i32 to index
      %get3A_339 = arith.constant 16 : index
      %get3A_340 = tpu.vector_load %arg6[%get3A_338, %get3A_339] {strides = array<i32>} : memref<625x32xf32, #tpu.memory_space<vmem>>, vector<16xf32>,
      %get3A_341 = arith.index_cast %add3A_312 : i32 to index
      %get3A_342 = arith.constant 16 : index
      %get3A_343 = tpu.vector_load %arg6[%get3A_341, %get3A_342] {strides = array<i32>} : memref<625x32xf32, #tpu.memory_space<vmem>>, vector<16xf32>,
      %get3A_344 = arith.index_cast %add3A_316 : i32 to index
      %get3A_345 = arith.constant 16 : index
      %get3A_346 = tpu.vector_load %arg6[%get3A_344, %get3A_345] {strides = array<i32>} : memref<625x32xf32, #tpu.memory_space<vmem>>, vector<16xf32>,
      %get3A_347 = arith.index_cast %add3A_320 : i32 to index
      %get3A_348 = arith.constant 16 : index
      %get3A_349 = tpu.vector_load %arg6[%get3A_347, %get3A_348] {strides = array<i32>} : memref<625x32xf32, #tpu.memory_space<vmem>>, vector<16xf32>,
      %pack3A = tpu.pack_subelements %get3A_322, %get3A_337 {pack_format = #tpu.pack_format<interleaved>, positions = array<i32: 0, 1>} : vector<16xf32>, vector<16xf32> -> vector<32xbf16>
      %bitcast3A = vector.bitcast %pack3A : vector<32xbf16> to vector<16xi32>
      %pack3A_350 = tpu.pack_subelements %get3A_325, %get3A_340 {pack_format = #tpu.pack_format<interleaved>, positions = array<i32: 0, 1>} : vector<16xf32>, vector<16xf32> -> vector<32xbf16>
      %bitcast3A_351 = vector.bitcast %pack3A_350 : vector<32xbf16> to vector<16xi32>
      %pack3A_352 = tpu.pack_subelements %get3A_328, %get3A_343 {pack_format = #tpu.pack_format<interleaved>, positions = array<i32: 0, 1>} : vector<16xf32>, vector<16xf32> -> vector<32xbf16>
      %bitcast3A_353 = vector.bitcast %pack3A_352 : vector<32xbf16> to vector<16xi32>
      %pack3A_354 = tpu.pack_subelements %get3A_331, %get3A_346 {pack_format = #tpu.pack_format<interleaved>, positions = array<i32: 0, 1>} : vector<16xf32>, vector<16xf32> -> vector<32xbf16>
      %bitcast3A_355 = vector.bitcast %pack3A_354 : vector<32xbf16> to vector<16xi32>
      %pack3A_356 = tpu.pack_subelements %get3A_334, %get3A_349 {pack_format = #tpu.pack_format<interleaved>, positions = array<i32: 0, 1>} : vector<16xf32>, vector<16xf32> -> vector<32xbf16>
      %bitcast3A_357 = vector.bitcast %pack3A_356 : vector<32xbf16> to vector<16xi32>
      %swap3A = arith.index_cast %add3A_304 : i32 to index
      %swap3A_358 = arith.constant 0 : index
      %swap3A_359 = tpu.vector_load %arg8[%swap3A, %swap3A_358] {strides = array<i32>} : memref<625x16xi32, #tpu.memory_space<vmem>>, vector<16xi32>,
      tpu.vector_store %arg8[%swap3A, %swap3A_358], %bitcast3A {strides = array<i32>} : memref<625x16xi32, #tpu.memory_space<vmem>>, vector<16xi32>,
      %swap3A_360 = arith.index_cast %add3A_308 : i32 to index
      %swap3A_361 = arith.constant 0 : index
      %swap3A_362 = tpu.vector_load %arg8[%swap3A_360, %swap3A_361] {strides = array<i32>} : memref<625x16xi32, #tpu.memory_space<vmem>>, vector<16xi32>,
      tpu.vector_store %arg8[%swap3A_360, %swap3A_361], %bitcast3A_351 {strides = array<i32>} : memref<625x16xi32, #tpu.memory_space<vmem>>, vector<16xi32>,
      %swap3A_363 = arith.index_cast %add3A_312 : i32 to index
      %swap3A_364 = arith.constant 0 : index
      %swap3A_365 = tpu.vector_load %arg8[%swap3A_363, %swap3A_364] {strides = array<i32>} : memref<625x16xi32, #tpu.memory_space<vmem>>, vector<16xi32>,
      tpu.vector_store %arg8[%swap3A_363, %swap3A_364], %bitcast3A_353 {strides = array<i32>} : memref<625x16xi32, #tpu.memory_space<vmem>>, vector<16xi32>,
      %swap3A_366 = arith.index_cast %add3A_316 : i32 to index
      %swap3A_367 = arith.constant 0 : index
      %swap3A_368 = tpu.vector_load %arg8[%swap3A_366, %swap3A_367] {strides = array<i32>} : memref<625x16xi32, #tpu.memory_space<vmem>>, vector<16xi32>,
      tpu.vector_store %arg8[%swap3A_366, %swap3A_367], %bitcast3A_355 {strides = array<i32>} : memref<625x16xi32, #tpu.memory_space<vmem>>, vector<16xi32>,
      %swap3A_369 = arith.index_cast %add3A_320 : i32 to index
      %swap3A_370 = arith.constant 0 : index
      %swap3A_371 = tpu.vector_load %arg8[%swap3A_369, %swap3A_370] {strides = array<i32>} : memref<625x16xi32, #tpu.memory_space<vmem>>, vector<16xi32>,
      tpu.vector_store %arg8[%swap3A_369, %swap3A_370], %bitcast3A_357 {strides = array<i32>} : memref<625x16xi32, #tpu.memory_space<vmem>>, vector<16xi32>,
    }
    %scan3A_197 = arith.constant 125 : i32
    %add3A_198 = arith.constant 625 : i32
    %add3A_199 = arith.addi %mul3A_2, %add3A_198 : i32
    %dma_start3A_200 = arith.constant 0 : i32
    %dma_start3A_201 = tpu.memref_slice %arg5[%add3A_199, %dma_start3A_200] : memref<100000x16xi32, #tpu.memory_space<hbm>> -> memref<625x16xi32, #tpu.memory_space<hbm>>
    %dma_start3A_202 = arith.constant 0 : i32
    %dma_start3A_203 = tpu.memref_slice %arg5[%add3A_199, %dma_start3A_202] : memref<100000x16xi32, #tpu.memory_space<hbm>> -> memref<625x16xi32, #tpu.memory_space<hbm>>
    tpu.enqueue_dma source(%arg8 : memref<625x16xi32, #tpu.memory_space<vmem>>) target(%dma_start3A_203 : memref<625x16xi32, #tpu.memory_space<hbm>>) target_semaphore(%arg12 : memref<!tpu.dma_semaphore, #tpu.memory_space<semaphore_mem>>)
    %add3A_204 = arith.constant 1875 : i32
    %add3A_205 = arith.addi %mul3A_2, %add3A_204 : i32
    %dma_start3A_206 = arith.constant 0 : i32
    %dma_start3A_207 = tpu.memref_slice %arg3[%add3A_205, %dma_start3A_206] : memref<100000x32xf32, #tpu.memory_space<hbm>> -> memref<625x32xf32, #tpu.memory_space<hbm>>
    %dma_start3A_208 = arith.constant 0 : i32
    %dma_start3A_209 = tpu.memref_slice %arg3[%add3A_205, %dma_start3A_208] : memref<100000x32xf32, #tpu.memory_space<hbm>> -> memref<625x32xf32, #tpu.memory_space<hbm>>
    tpu.enqueue_dma source(%dma_start3A_209 : memref<625x32xf32, #tpu.memory_space<hbm>>) target(%arg6 : memref<625x32xf32, #tpu.memory_space<vmem>>) target_semaphore(%arg10 : memref<!tpu.dma_semaphore, #tpu.memory_space<semaphore_mem>>)
    %dma_wait3A_210 = arith.constant 0 : i32
    %dma_wait3A_211 = arith.constant 0 : i32
    %dma_wait3A_212 = tpu.memref_slice %arg3[%dma_wait3A_210, %dma_wait3A_211] : memref<100000x32xf32, #tpu.memory_space<hbm>> -> memref<625x32xf32, #tpu.memory_space<hbm>>
    %dma_wait3A_213 = arith.constant 0 : i32
    %dma_wait3A_214 = arith.constant 0 : i32
    %dma_wait3A_215 = tpu.memref_slice %arg3[%dma_wait3A_213, %dma_wait3A_214] : memref<100000x32xf32, #tpu.memory_space<hbm>> -> memref<625x32xf32, #tpu.memory_space<hbm>>
    tpu.wait_dma2 semaphore(%arg11 : memref<!tpu.dma_semaphore, #tpu.memory_space<semaphore_mem>>) src(%dma_wait3A_215 : memref<625x32xf32, #tpu.memory_space<hbm>>) dst(%arg7 : memref<625x32xf32, #tpu.memory_space<vmem>>)
    %dma_wait3A_216 = arith.constant 0 : i32
    %dma_wait3A_217 = arith.constant 0 : i32
    %dma_wait3A_218 = tpu.memref_slice %arg5[%dma_wait3A_216, %dma_wait3A_217] : memref<100000x16xi32, #tpu.memory_space<hbm>> -> memref<625x16xi32, #tpu.memory_space<hbm>>
    %dma_wait3A_219 = arith.constant 0 : i32
    %dma_wait3A_220 = arith.constant 0 : i32
    %dma_wait3A_221 = tpu.memref_slice %arg5[%dma_wait3A_219, %dma_wait3A_220] : memref<100000x16xi32, #tpu.memory_space<hbm>> -> memref<625x16xi32, #tpu.memory_space<hbm>>
    tpu.wait_dma2 semaphore(%arg13 : memref<!tpu.dma_semaphore, #tpu.memory_space<semaphore_mem>>) src(%arg9 : memref<625x16xi32, #tpu.memory_space<vmem>>) dst(%dma_wait3A_221 : memref<625x16xi32, #tpu.memory_space<hbm>>)
    %scan3A_222 = arith.constant 0 : i32
    %scan3A_223 = arith.constant 0 : i32
    %scan3A_224 = arith.constant 125 : i32
    %scan3A_225 = arith.addi %scan3A_223, %scan3A_224 : i32
    %scan3A_226 = arith.constant 1 : i32
    scf.for %scan3A_300 = %scan3A_223 to %scan3A_225 step %scan3A_226  : i32 {
      %mul3A_301 = arith.constant 5 : i32
      %mul3A_302 = arith.muli %scan3A_300, %mul3A_301 : i32
      %add3A_303 = arith.constant 0 : i32
      %add3A_304 = arith.addi %mul3A_302, %add3A_303 : i32
      %mul3A_305 = arith.constant 5 : i32
      %mul3A_306 = arith.muli %scan3A_300, %mul3A_305 : i32
      %add3A_307 = arith.constant 1 : i32
      %add3A_308 = arith.addi %mul3A_306, %add3A_307 : i32
      %mul3A_309 = arith.constant 5 : i32
      %mul3A_310 = arith.muli %scan3A_300, %mul3A_309 : i32
      %add3A_311 = arith.constant 2 : i32
      %add3A_312 = arith.addi %mul3A_310, %add3A_311 : i32
      %mul3A_313 = arith.constant 5 : i32
      %mul3A_314 = arith.muli %scan3A_300, %mul3A_313 : i32
      %add3A_315 = arith.constant 3 : i32
      %add3A_316 = arith.addi %mul3A_314, %add3A_315 : i32
      %mul3A_317 = arith.constant 5 : i32
      %mul3A_318 = arith.muli %scan3A_300, %mul3A_317 : i32
      %add3A_319 = arith.constant 4 : i32
      %add3A_320 = arith.addi %mul3A_318, %add3A_319 : i32
      %get3A = arith.index_cast %add3A_304 : i32 to index
      %get3A_321 = arith.constant 0 : index
      %get3A_322 = tpu.vector_load %arg7[%get3A, %get3A_321] {strides = array<i32>} : memref<625x32xf32, #tpu.memory_space<vmem>>, vector<16xf32>,
      %get3A_323 = arith.index_cast %add3A_308 : i32 to index
      %get3A_324 = arith.constant 0 : index
      %get3A_325 = tpu.vector_load %arg7[%get3A_323, %get3A_324] {strides = array<i32>} : memref<625x32xf32, #tpu.memory_space<vmem>>, vector<16xf32>,
      %get3A_326 = arith.index_cast %add3A_312 : i32 to index
      %get3A_327 = arith.constant 0 : index
      %get3A_328 = tpu.vector_load %arg7[%get3A_326, %get3A_327] {strides = array<i32>} : memref<625x32xf32, #tpu.memory_space<vmem>>, vector<16xf32>,
      %get3A_329 = arith.index_cast %add3A_316 : i32 to index
      %get3A_330 = arith.constant 0 : index
      %get3A_331 = tpu.vector_load %arg7[%get3A_329, %get3A_330] {strides = array<i32>} : memref<625x32xf32, #tpu.memory_space<vmem>>, vector<16xf32>,
      %get3A_332 = arith.index_cast %add3A_320 : i32 to index
      %get3A_333 = arith.constant 0 : index
      %get3A_334 = tpu.vector_load %arg7[%get3A_332, %get3A_333] {strides = array<i32>} : memref<625x32xf32, #tpu.memory_space<vmem>>, vector<16xf32>,
      %get3A_335 = arith.index_cast %add3A_304 : i32 to index
      %get3A_336 = arith.constant 16 : index
      %get3A_337 = tpu.vector_load %arg7[%get3A_335, %get3A_336] {strides = array<i32>} : memref<625x32xf32, #tpu.memory_space<vmem>>, vector<16xf32>,
      %get3A_338 = arith.index_cast %add3A_308 : i32 to index
      %get3A_339 = arith.constant 16 : index
      %get3A_340 = tpu.vector_load %arg7[%get3A_338, %get3A_339] {strides = array<i32>} : memref<625x32xf32, #tpu.memory_space<vmem>>, vector<16xf32>,
      %get3A_341 = arith.index_cast %add3A_312 : i32 to index
      %get3A_342 = arith.constant 16 : index
      %get3A_343 = tpu.vector_load %arg7[%get3A_341, %get3A_342] {strides = array<i32>} : memref<625x32xf32, #tpu.memory_space<vmem>>, vector<16xf32>,
      %get3A_344 = arith.index_cast %add3A_316 : i32 to index
      %get3A_345 = arith.constant 16 : index
      %get3A_346 = tpu.vector_load %arg7[%get3A_344, %get3A_345] {strides = array<i32>} : memref<625x32xf32, #tpu.memory_space<vmem>>, vector<16xf32>,
      %get3A_347 = arith.index_cast %add3A_320 : i32 to index
      %get3A_348 = arith.constant 16 : index
      %get3A_349 = tpu.vector_load %arg7[%get3A_347, %get3A_348] {strides = array<i32>} : memref<625x32xf32, #tpu.memory_space<vmem>>, vector<16xf32>,
      %pack3A = tpu.pack_subelements %get3A_322, %get3A_337 {pack_format = #tpu.pack_format<interleaved>, positions = array<i32: 0, 1>} : vector<16xf32>, vector<16xf32> -> vector<32xbf16>
      %bitcast3A = vector.bitcast %pack3A : vector<32xbf16> to vector<16xi32>
      %pack3A_350 = tpu.pack_subelements %get3A_325, %get3A_340 {pack_format = #tpu.pack_format<interleaved>, positions = array<i32: 0, 1>} : vector<16xf32>, vector<16xf32> -> vector<32xbf16>
      %bitcast3A_351 = vector.bitcast %pack3A_350 : vector<32xbf16> to vector<16xi32>
      %pack3A_352 = tpu.pack_subelements %get3A_328, %get3A_343 {pack_format = #tpu.pack_format<interleaved>, positions = array<i32: 0, 1>} : vector<16xf32>, vector<16xf32> -> vector<32xbf16>
      %bitcast3A_353 = vector.bitcast %pack3A_352 : vector<32xbf16> to vector<16xi32>
      %pack3A_354 = tpu.pack_subelements %get3A_331, %get3A_346 {pack_format = #tpu.pack_format<interleaved>, positions = array<i32: 0, 1>} : vector<16xf32>, vector<16xf32> -> vector<32xbf16>
      %bitcast3A_355 = vector.bitcast %pack3A_354 : vector<32xbf16> to vector<16xi32>
      %pack3A_356 = tpu.pack_subelements %get3A_334, %get3A_349 {pack_format = #tpu.pack_format<interleaved>, positions = array<i32: 0, 1>} : vector<16xf32>, vector<16xf32> -> vector<32xbf16>
      %bitcast3A_357 = vector.bitcast %pack3A_356 : vector<32xbf16> to vector<16xi32>
      %swap3A = arith.index_cast %add3A_304 : i32 to index
      %swap3A_358 = arith.constant 0 : index
      %swap3A_359 = tpu.vector_load %arg9[%swap3A, %swap3A_358] {strides = array<i32>} : memref<625x16xi32, #tpu.memory_space<vmem>>, vector<16xi32>,
      tpu.vector_store %arg9[%swap3A, %swap3A_358], %bitcast3A {strides = array<i32>} : memref<625x16xi32, #tpu.memory_space<vmem>>, vector<16xi32>,
      %swap3A_360 = arith.index_cast %add3A_308 : i32 to index
      %swap3A_361 = arith.constant 0 : index
      %swap3A_362 = tpu.vector_load %arg9[%swap3A_360, %swap3A_361] {strides = array<i32>} : memref<625x16xi32, #tpu.memory_space<vmem>>, vector<16xi32>,
      tpu.vector_store %arg9[%swap3A_360, %swap3A_361], %bitcast3A_351 {strides = array<i32>} : memref<625x16xi32, #tpu.memory_space<vmem>>, vector<16xi32>,
      %swap3A_363 = arith.index_cast %add3A_312 : i32 to index
      %swap3A_364 = arith.constant 0 : index
      %swap3A_365 = tpu.vector_load %arg9[%swap3A_363, %swap3A_364] {strides = array<i32>} : memref<625x16xi32, #tpu.memory_space<vmem>>, vector<16xi32>,
      tpu.vector_store %arg9[%swap3A_363, %swap3A_364], %bitcast3A_353 {strides = array<i32>} : memref<625x16xi32, #tpu.memory_space<vmem>>, vector<16xi32>,
      %swap3A_366 = arith.index_cast %add3A_316 : i32 to index
      %swap3A_367 = arith.constant 0 : index
      %swap3A_368 = tpu.vector_load %arg9[%swap3A_366, %swap3A_367] {strides = array<i32>} : memref<625x16xi32, #tpu.memory_space<vmem>>, vector<16xi32>,
      tpu.vector_store %arg9[%swap3A_366, %swap3A_367], %bitcast3A_355 {strides = array<i32>} : memref<625x16xi32, #tpu.memory_space<vmem>>, vector<16xi32>,
      %swap3A_369 = arith.index_cast %add3A_320 : i32 to index
      %swap3A_370 = arith.constant 0 : index
      %swap3A_371 = tpu.vector_load %arg9[%swap3A_369, %swap3A_370] {strides = array<i32>} : memref<625x16xi32, #tpu.memory_space<vmem>>, vector<16xi32>,
      tpu.vector_store %arg9[%swap3A_369, %swap3A_370], %bitcast3A_357 {strides = array<i32>} : memref<625x16xi32, #tpu.memory_space<vmem>>, vector<16xi32>,
    }
    %scan3A_227 = arith.constant 125 : i32
    %add3A_228 = arith.constant 1250 : i32
    %add3A_229 = arith.addi %mul3A_2, %add3A_228 : i32
    %dma_start3A_230 = arith.constant 0 : i32
    %dma_start3A_231 = tpu.memref_slice %arg5[%add3A_229, %dma_start3A_230] : memref<100000x16xi32, #tpu.memory_space<hbm>> -> memref<625x16xi32, #tpu.memory_space<hbm>>
    %dma_start3A_232 = arith.constant 0 : i32
    %dma_start3A_233 = tpu.memref_slice %arg5[%add3A_229, %dma_start3A_232] : memref<100000x16xi32, #tpu.memory_space<hbm>> -> memref<625x16xi32, #tpu.memory_space<hbm>>
    tpu.enqueue_dma source(%arg9 : memref<625x16xi32, #tpu.memory_space<vmem>>) target(%dma_start3A_233 : memref<625x16xi32, #tpu.memory_space<hbm>>) target_semaphore(%arg13 : memref<!tpu.dma_semaphore, #tpu.memory_space<semaphore_mem>>)
    %add3A_234 = arith.constant 2500 : i32
    %add3A_235 = arith.addi %mul3A_2, %add3A_234 : i32
    %dma_start3A_236 = arith.constant 0 : i32
    %dma_start3A_237 = tpu.memref_slice %arg3[%add3A_235, %dma_start3A_236] : memref<100000x32xf32, #tpu.memory_space<hbm>> -> memref<625x32xf32, #tpu.memory_space<hbm>>
    %dma_start3A_238 = arith.constant 0 : i32
    %dma_start3A_239 = tpu.memref_slice %arg3[%add3A_235, %dma_start3A_238] : memref<100000x32xf32, #tpu.memory_space<hbm>> -> memref<625x32xf32, #tpu.memory_space<hbm>>
    tpu.enqueue_dma source(%dma_start3A_239 : memref<625x32xf32, #tpu.memory_space<hbm>>) target(%arg7 : memref<625x32xf32, #tpu.memory_space<vmem>>) target_semaphore(%arg11 : memref<!tpu.dma_semaphore, #tpu.memory_space<semaphore_mem>>)
    %dma_wait3A_240 = arith.constant 0 : i32
    %dma_wait3A_241 = arith.constant 0 : i32
    %dma_wait3A_242 = tpu.memref_slice %arg3[%dma_wait3A_240, %dma_wait3A_241] : memref<100000x32xf32, #tpu.memory_space<hbm>> -> memref<625x32xf32, #tpu.memory_space<hbm>>
    %dma_wait3A_243 = arith.constant 0 : i32
    %dma_wait3A_244 = arith.constant 0 : i32
    %dma_wait3A_245 = tpu.memref_slice %arg3[%dma_wait3A_243, %dma_wait3A_244] : memref<100000x32xf32, #tpu.memory_space<hbm>> -> memref<625x32xf32, #tpu.memory_space<hbm>>
    tpu.wait_dma2 semaphore(%arg10 : memref<!tpu.dma_semaphore, #tpu.memory_space<semaphore_mem>>) src(%dma_wait3A_245 : memref<625x32xf32, #tpu.memory_space<hbm>>) dst(%arg6 : memref<625x32xf32, #tpu.memory_space<vmem>>)
    %dma_wait3A_246 = arith.constant 0 : i32
    %dma_wait3A_247 = arith.constant 0 : i32
    %dma_wait3A_248 = tpu.memref_slice %arg5[%dma_wait3A_246, %dma_wait3A_247] : memref<100000x16xi32, #tpu.memory_space<hbm>> -> memref<625x16xi32, #tpu.memory_space<hbm>>
    %dma_wait3A_249 = arith.constant 0 : i32
    %dma_wait3A_250 = arith.constant 0 : i32
    %dma_wait3A_251 = tpu.memref_slice %arg5[%dma_wait3A_249, %dma_wait3A_250] : memref<100000x16xi32, #tpu.memory_space<hbm>> -> memref<625x16xi32, #tpu.memory_space<hbm>>
    tpu.wait_dma2 semaphore(%arg12 : memref<!tpu.dma_semaphore, #tpu.memory_space<semaphore_mem>>) src(%arg8 : memref<625x16xi32, #tpu.memory_space<vmem>>) dst(%dma_wait3A_251 : memref<625x16xi32, #tpu.memory_space<hbm>>)
    %scan3A_252 = arith.constant 0 : i32
    %scan3A_253 = arith.constant 0 : i32
    %scan3A_254 = arith.constant 125 : i32
    %scan3A_255 = arith.addi %scan3A_253, %scan3A_254 : i32
    %scan3A_256 = arith.constant 1 : i32
    scf.for %scan3A_300 = %scan3A_253 to %scan3A_255 step %scan3A_256  : i32 {
      %mul3A_301 = arith.constant 5 : i32
      %mul3A_302 = arith.muli %scan3A_300, %mul3A_301 : i32
      %add3A_303 = arith.constant 0 : i32
      %add3A_304 = arith.addi %mul3A_302, %add3A_303 : i32
      %mul3A_305 = arith.constant 5 : i32
      %mul3A_306 = arith.muli %scan3A_300, %mul3A_305 : i32
      %add3A_307 = arith.constant 1 : i32
      %add3A_308 = arith.addi %mul3A_306, %add3A_307 : i32
      %mul3A_309 = arith.constant 5 : i32
      %mul3A_310 = arith.muli %scan3A_300, %mul3A_309 : i32
      %add3A_311 = arith.constant 2 : i32
      %add3A_312 = arith.addi %mul3A_310, %add3A_311 : i32
      %mul3A_313 = arith.constant 5 : i32
      %mul3A_314 = arith.muli %scan3A_300, %mul3A_313 : i32
      %add3A_315 = arith.constant 3 : i32
      %add3A_316 = arith.addi %mul3A_314, %add3A_315 : i32
      %mul3A_317 = arith.constant 5 : i32
      %mul3A_318 = arith.muli %scan3A_300, %mul3A_317 : i32
      %add3A_319 = arith.constant 4 : i32
      %add3A_320 = arith.addi %mul3A_318, %add3A_319 : i32
      %get3A = arith.index_cast %add3A_304 : i32 to index
      %get3A_321 = arith.constant 0 : index
      %get3A_322 = tpu.vector_load %arg6[%get3A, %get3A_321] {strides = array<i32>} : memref<625x32xf32, #tpu.memory_space<vmem>>, vector<16xf32>,
      %get3A_323 = arith.index_cast %add3A_308 : i32 to index
      %get3A_324 = arith.constant 0 : index
      %get3A_325 = tpu.vector_load %arg6[%get3A_323, %get3A_324] {strides = array<i32>} : memref<625x32xf32, #tpu.memory_space<vmem>>, vector<16xf32>,
      %get3A_326 = arith.index_cast %add3A_312 : i32 to index
      %get3A_327 = arith.constant 0 : index
      %get3A_328 = tpu.vector_load %arg6[%get3A_326, %get3A_327] {strides = array<i32>} : memref<625x32xf32, #tpu.memory_space<vmem>>, vector<16xf32>,
      %get3A_329 = arith.index_cast %add3A_316 : i32 to index
      %get3A_330 = arith.constant 0 : index
      %get3A_331 = tpu.vector_load %arg6[%get3A_329, %get3A_330] {strides = array<i32>} : memref<625x32xf32, #tpu.memory_space<vmem>>, vector<16xf32>,
      %get3A_332 = arith.index_cast %add3A_320 : i32 to index
      %get3A_333 = arith.constant 0 : index
      %get3A_334 = tpu.vector_load %arg6[%get3A_332, %get3A_333] {strides = array<i32>} : memref<625x32xf32, #tpu.memory_space<vmem>>, vector<16xf32>,
      %get3A_335 = arith.index_cast %add3A_304 : i32 to index
      %get3A_336 = arith.constant 16 : index
      %get3A_337 = tpu.vector_load %arg6[%get3A_335, %get3A_336] {strides = array<i32>} : memref<625x32xf32, #tpu.memory_space<vmem>>, vector<16xf32>,
      %get3A_338 = arith.index_cast %add3A_308 : i32 to index
      %get3A_339 = arith.constant 16 : index
      %get3A_340 = tpu.vector_load %arg6[%get3A_338, %get3A_339] {strides = array<i32>} : memref<625x32xf32, #tpu.memory_space<vmem>>, vector<16xf32>,
      %get3A_341 = arith.index_cast %add3A_312 : i32 to index
      %get3A_342 = arith.constant 16 : index
      %get3A_343 = tpu.vector_load %arg6[%get3A_341, %get3A_342] {strides = array<i32>} : memref<625x32xf32, #tpu.memory_space<vmem>>, vector<16xf32>,
      %get3A_344 = arith.index_cast %add3A_316 : i32 to index
      %get3A_345 = arith.constant 16 : index
      %get3A_346 = tpu.vector_load %arg6[%get3A_344, %get3A_345] {strides = array<i32>} : memref<625x32xf32, #tpu.memory_space<vmem>>, vector<16xf32>,
      %get3A_347 = arith.index_cast %add3A_320 : i32 to index
      %get3A_348 = arith.constant 16 : index
      %get3A_349 = tpu.vector_load %arg6[%get3A_347, %get3A_348] {strides = array<i32>} : memref<625x32xf32, #tpu.memory_space<vmem>>, vector<16xf32>,
      %pack3A = tpu.pack_subelements %get3A_322, %get3A_337 {pack_format = #tpu.pack_format<interleaved>, positions = array<i32: 0, 1>} : vector<16xf32>, vector<16xf32> -> vector<32xbf16>
      %bitcast3A = vector.bitcast %pack3A : vector<32xbf16> to vector<16xi32>
      %pack3A_350 = tpu.pack_subelements %get3A_325, %get3A_340 {pack_format = #tpu.pack_format<interleaved>, positions = array<i32: 0, 1>} : vector<16xf32>, vector<16xf32> -> vector<32xbf16>
      %bitcast3A_351 = vector.bitcast %pack3A_350 : vector<32xbf16> to vector<16xi32>
      %pack3A_352 = tpu.pack_subelements %get3A_328, %get3A_343 {pack_format = #tpu.pack_format<interleaved>, positions = array<i32: 0, 1>} : vector<16xf32>, vector<16xf32> -> vector<32xbf16>
      %bitcast3A_353 = vector.bitcast %pack3A_352 : vector<32xbf16> to vector<16xi32>
      %pack3A_354 = tpu.pack_subelements %get3A_331, %get3A_346 {pack_format = #tpu.pack_format<interleaved>, positions = array<i32: 0, 1>} : vector<16xf32>, vector<16xf32> -> vector<32xbf16>
      %bitcast3A_355 = vector.bitcast %pack3A_354 : vector<32xbf16> to vector<16xi32>
      %pack3A_356 = tpu.pack_subelements %get3A_334, %get3A_349 {pack_format = #tpu.pack_format<interleaved>, positions = array<i32: 0, 1>} : vector<16xf32>, vector<16xf32> -> vector<32xbf16>
      %bitcast3A_357 = vector.bitcast %pack3A_356 : vector<32xbf16> to vector<16xi32>
      %swap3A = arith.index_cast %add3A_304 : i32 to index
      %swap3A_358 = arith.constant 0 : index
      %swap3A_359 = tpu.vector_load %arg8[%swap3A, %swap3A_358] {strides = array<i32>} : memref<625x16xi32, #tpu.memory_space<vmem>>, vector<16xi32>,
      tpu.vector_store %arg8[%swap3A, %swap3A_358], %bitcast3A {strides = array<i32>} : memref<625x16xi32, #tpu.memory_space<vmem>>, vector<16xi32>,
      %swap3A_360 = arith.index_cast %add3A_308 : i32 to index
      %swap3A_361 = arith.constant 0 : index
      %swap3A_362 = tpu.vector_load %arg8[%swap3A_360, %swap3A_361] {strides = array<i32>} : memref<625x16xi32, #tpu.memory_space<vmem>>, vector<16xi32>,
      tpu.vector_store %arg8[%swap3A_360, %swap3A_361], %bitcast3A_351 {strides = array<i32>} : memref<625x16xi32, #tpu.memory_space<vmem>>, vector<16xi32>,
      %swap3A_363 = arith.index_cast %add3A_312 : i32 to index
      %swap3A_364 = arith.constant 0 : index
      %swap3A_365 = tpu.vector_load %arg8[%swap3A_363, %swap3A_364] {strides = array<i32>} : memref<625x16xi32, #tpu.memory_space<vmem>>, vector<16xi32>,
      tpu.vector_store %arg8[%swap3A_363, %swap3A_364], %bitcast3A_353 {strides = array<i32>} : memref<625x16xi32, #tpu.memory_space<vmem>>, vector<16xi32>,
      %swap3A_366 = arith.index_cast %add3A_316 : i32 to index
      %swap3A_367 = arith.constant 0 : index
      %swap3A_368 = tpu.vector_load %arg8[%swap3A_366, %swap3A_367] {strides = array<i32>} : memref<625x16xi32, #tpu.memory_space<vmem>>, vector<16xi32>,
      tpu.vector_store %arg8[%swap3A_366, %swap3A_367], %bitcast3A_355 {strides = array<i32>} : memref<625x16xi32, #tpu.memory_space<vmem>>, vector<16xi32>,
      %swap3A_369 = arith.index_cast %add3A_320 : i32 to index
      %swap3A_370 = arith.constant 0 : index
      %swap3A_371 = tpu.vector_load %arg8[%swap3A_369, %swap3A_370] {strides = array<i32>} : memref<625x16xi32, #tpu.memory_space<vmem>>, vector<16xi32>,
      tpu.vector_store %arg8[%swap3A_369, %swap3A_370], %bitcast3A_357 {strides = array<i32>} : memref<625x16xi32, #tpu.memory_space<vmem>>, vector<16xi32>,
    }
    %scan3A_257 = arith.constant 125 : i32
    %add3A_258 = arith.constant 1875 : i32
    %add3A_259 = arith.addi %mul3A_2, %add3A_258 : i32
    %dma_start3A_260 = arith.constant 0 : i32
    %dma_start3A_261 = tpu.memref_slice %arg5[%add3A_259, %dma_start3A_260] : memref<100000x16xi32, #tpu.memory_space<hbm>> -> memref<625x16xi32, #tpu.memory_space<hbm>>
    %dma_start3A_262 = arith.constant 0 : i32
    %dma_start3A_263 = tpu.memref_slice %arg5[%add3A_259, %dma_start3A_262] : memref<100000x16xi32, #tpu.memory_space<hbm>> -> memref<625x16xi32, #tpu.memory_space<hbm>>
    tpu.enqueue_dma source(%arg8 : memref<625x16xi32, #tpu.memory_space<vmem>>) target(%dma_start3A_263 : memref<625x16xi32, #tpu.memory_space<hbm>>) target_semaphore(%arg12 : memref<!tpu.dma_semaphore, #tpu.memory_space<semaphore_mem>>)
    %dma_wait3A_264 = arith.constant 0 : i32
    %dma_wait3A_265 = arith.constant 0 : i32
    %dma_wait3A_266 = tpu.memref_slice %arg3[%dma_wait3A_264, %dma_wait3A_265] : memref<100000x32xf32, #tpu.memory_space<hbm>> -> memref<625x32xf32, #tpu.memory_space<hbm>>
    %dma_wait3A_267 = arith.constant 0 : i32
    %dma_wait3A_268 = arith.constant 0 : i32
    %dma_wait3A_269 = tpu.memref_slice %arg3[%dma_wait3A_267, %dma_wait3A_268] : memref<100000x32xf32, #tpu.memory_space<hbm>> -> memref<625x32xf32, #tpu.memory_space<hbm>>
    tpu.wait_dma2 semaphore(%arg11 : memref<!tpu.dma_semaphore, #tpu.memory_space<semaphore_mem>>) src(%dma_wait3A_269 : memref<625x32xf32, #tpu.memory_space<hbm>>) dst(%arg7 : memref<625x32xf32, #tpu.memory_space<vmem>>)
    %dma_wait3A_270 = arith.constant 0 : i32
    %dma_wait3A_271 = arith.constant 0 : i32
    %dma_wait3A_272 = tpu.memref_slice %arg5[%dma_wait3A_270, %dma_wait3A_271] : memref<100000x16xi32, #tpu.memory_space<hbm>> -> memref<625x16xi32, #tpu.memory_space<hbm>>
    %dma_wait3A_273 = arith.constant 0 : i32
    %dma_wait3A_274 = arith.constant 0 : i32
    %dma_wait3A_275 = tpu.memref_slice %arg5[%dma_wait3A_273, %dma_wait3A_274] : memref<100000x16xi32, #tpu.memory_space<hbm>> -> memref<625x16xi32, #tpu.memory_space<hbm>>
    tpu.wait_dma2 semaphore(%arg13 : memref<!tpu.dma_semaphore, #tpu.memory_space<semaphore_mem>>) src(%arg9 : memref<625x16xi32, #tpu.memory_space<vmem>>) dst(%dma_wait3A_275 : memref<625x16xi32, #tpu.memory_space<hbm>>)
    %scan3A_276 = arith.constant 0 : i32
    %scan3A_277 = arith.constant 0 : i32
    %scan3A_278 = arith.constant 125 : i32
    %scan3A_279 = arith.addi %scan3A_277, %scan3A_278 : i32
    %scan3A_280 = arith.constant 1 : i32
    scf.for %scan3A_300 = %scan3A_277 to %scan3A_279 step %scan3A_280  : i32 {
      %mul3A_301 = arith.constant 5 : i32
      %mul3A_302 = arith.muli %scan3A_300, %mul3A_301 : i32
      %add3A_303 = arith.constant 0 : i32
      %add3A_304 = arith.addi %mul3A_302, %add3A_303 : i32
      %mul3A_305 = arith.constant 5 : i32
      %mul3A_306 = arith.muli %scan3A_300, %mul3A_305 : i32
      %add3A_307 = arith.constant 1 : i32
      %add3A_308 = arith.addi %mul3A_306, %add3A_307 : i32
      %mul3A_309 = arith.constant 5 : i32
      %mul3A_310 = arith.muli %scan3A_300, %mul3A_309 : i32
      %add3A_311 = arith.constant 2 : i32
      %add3A_312 = arith.addi %mul3A_310, %add3A_311 : i32
      %mul3A_313 = arith.constant 5 : i32
      %mul3A_314 = arith.muli %scan3A_300, %mul3A_313 : i32
      %add3A_315 = arith.constant 3 : i32
      %add3A_316 = arith.addi %mul3A_314, %add3A_315 : i32
      %mul3A_317 = arith.constant 5 : i32
      %mul3A_318 = arith.muli %scan3A_300, %mul3A_317 : i32
      %add3A_319 = arith.constant 4 : i32
      %add3A_320 = arith.addi %mul3A_318, %add3A_319 : i32
      %get3A = arith.index_cast %add3A_304 : i32 to index
      %get3A_321 = arith.constant 0 : index
      %get3A_322 = tpu.vector_load %arg7[%get3A, %get3A_321] {strides = array<i32>} : memref<625x32xf32, #tpu.memory_space<vmem>>, vector<16xf32>,
      %get3A_323 = arith.index_cast %add3A_308 : i32 to index
      %get3A_324 = arith.constant 0 : index
      %get3A_325 = tpu.vector_load %arg7[%get3A_323, %get3A_324] {strides = array<i32>} : memref<625x32xf32, #tpu.memory_space<vmem>>, vector<16xf32>,
      %get3A_326 = arith.index_cast %add3A_312 : i32 to index
      %get3A_327 = arith.constant 0 : index
      %get3A_328 = tpu.vector_load %arg7[%get3A_326, %get3A_327] {strides = array<i32>} : memref<625x32xf32, #tpu.memory_space<vmem>>, vector<16xf32>,
      %get3A_329 = arith.index_cast %add3A_316 : i32 to index
      %get3A_330 = arith.constant 0 : index
      %get3A_331 = tpu.vector_load %arg7[%get3A_329, %get3A_330] {strides = array<i32>} : memref<625x32xf32, #tpu.memory_space<vmem>>, vector<16xf32>,
      %get3A_332 = arith.index_cast %add3A_320 : i32 to index
      %get3A_333 = arith.constant 0 : index
      %get3A_334 = tpu.vector_load %arg7[%get3A_332, %get3A_333] {strides = array<i32>} : memref<625x32xf32, #tpu.memory_space<vmem>>, vector<16xf32>,
      %get3A_335 = arith.index_cast %add3A_304 : i32 to index
      %get3A_336 = arith.constant 16 : index
      %get3A_337 = tpu.vector_load %arg7[%get3A_335, %get3A_336] {strides = array<i32>} : memref<625x32xf32, #tpu.memory_space<vmem>>, vector<16xf32>,
      %get3A_338 = arith.index_cast %add3A_308 : i32 to index
      %get3A_339 = arith.constant 16 : index
      %get3A_340 = tpu.vector_load %arg7[%get3A_338, %get3A_339] {strides = array<i32>} : memref<625x32xf32, #tpu.memory_space<vmem>>, vector<16xf32>,
      %get3A_341 = arith.index_cast %add3A_312 : i32 to index
      %get3A_342 = arith.constant 16 : index
      %get3A_343 = tpu.vector_load %arg7[%get3A_341, %get3A_342] {strides = array<i32>} : memref<625x32xf32, #tpu.memory_space<vmem>>, vector<16xf32>,
      %get3A_344 = arith.index_cast %add3A_316 : i32 to index
      %get3A_345 = arith.constant 16 : index
      %get3A_346 = tpu.vector_load %arg7[%get3A_344, %get3A_345] {strides = array<i32>} : memref<625x32xf32, #tpu.memory_space<vmem>>, vector<16xf32>,
      %get3A_347 = arith.index_cast %add3A_320 : i32 to index
      %get3A_348 = arith.constant 16 : index
      %get3A_349 = tpu.vector_load %arg7[%get3A_347, %get3A_348] {strides = array<i32>} : memref<625x32xf32, #tpu.memory_space<vmem>>, vector<16xf32>,
      %pack3A = tpu.pack_subelements %get3A_322, %get3A_337 {pack_format = #tpu.pack_format<interleaved>, positions = array<i32: 0, 1>} : vector<16xf32>, vector<16xf32> -> vector<32xbf16>
      %bitcast3A = vector.bitcast %pack3A : vector<32xbf16> to vector<16xi32>
      %pack3A_350 = tpu.pack_subelements %get3A_325, %get3A_340 {pack_format = #tpu.pack_format<interleaved>, positions = array<i32: 0, 1>} : vector<16xf32>, vector<16xf32> -> vector<32xbf16>
      %bitcast3A_351 = vector.bitcast %pack3A_350 : vector<32xbf16> to vector<16xi32>
      %pack3A_352 = tpu.pack_subelements %get3A_328, %get3A_343 {pack_format = #tpu.pack_format<interleaved>, positions = array<i32: 0, 1>} : vector<16xf32>, vector<16xf32> -> vector<32xbf16>
      %bitcast3A_353 = vector.bitcast %pack3A_352 : vector<32xbf16> to vector<16xi32>
      %pack3A_354 = tpu.pack_subelements %get3A_331, %get3A_346 {pack_format = #tpu.pack_format<interleaved>, positions = array<i32: 0, 1>} : vector<16xf32>, vector<16xf32> -> vector<32xbf16>
      %bitcast3A_355 = vector.bitcast %pack3A_354 : vector<32xbf16> to vector<16xi32>
      %pack3A_356 = tpu.pack_subelements %get3A_334, %get3A_349 {pack_format = #tpu.pack_format<interleaved>, positions = array<i32: 0, 1>} : vector<16xf32>, vector<16xf32> -> vector<32xbf16>
      %bitcast3A_357 = vector.bitcast %pack3A_356 : vector<32xbf16> to vector<16xi32>
      %swap3A = arith.index_cast %add3A_304 : i32 to index
      %swap3A_358 = arith.constant 0 : index
      %swap3A_359 = tpu.vector_load %arg9[%swap3A, %swap3A_358] {strides = array<i32>} : memref<625x16xi32, #tpu.memory_space<vmem>>, vector<16xi32>,
      tpu.vector_store %arg9[%swap3A, %swap3A_358], %bitcast3A {strides = array<i32>} : memref<625x16xi32, #tpu.memory_space<vmem>>, vector<16xi32>,
      %swap3A_360 = arith.index_cast %add3A_308 : i32 to index
      %swap3A_361 = arith.constant 0 : index
      %swap3A_362 = tpu.vector_load %arg9[%swap3A_360, %swap3A_361] {strides = array<i32>} : memref<625x16xi32, #tpu.memory_space<vmem>>, vector<16xi32>,
      tpu.vector_store %arg9[%swap3A_360, %swap3A_361], %bitcast3A_351 {strides = array<i32>} : memref<625x16xi32, #tpu.memory_space<vmem>>, vector<16xi32>,
      %swap3A_363 = arith.index_cast %add3A_312 : i32 to index
      %swap3A_364 = arith.constant 0 : index
      %swap3A_365 = tpu.vector_load %arg9[%swap3A_363, %swap3A_364] {strides = array<i32>} : memref<625x16xi32, #tpu.memory_space<vmem>>, vector<16xi32>,
      tpu.vector_store %arg9[%swap3A_363, %swap3A_364], %bitcast3A_353 {strides = array<i32>} : memref<625x16xi32, #tpu.memory_space<vmem>>, vector<16xi32>,
      %swap3A_366 = arith.index_cast %add3A_316 : i32 to index
      %swap3A_367 = arith.constant 0 : index
      %swap3A_368 = tpu.vector_load %arg9[%swap3A_366, %swap3A_367] {strides = array<i32>} : memref<625x16xi32, #tpu.memory_space<vmem>>, vector<16xi32>,
      tpu.vector_store %arg9[%swap3A_366, %swap3A_367], %bitcast3A_355 {strides = array<i32>} : memref<625x16xi32, #tpu.memory_space<vmem>>, vector<16xi32>,
      %swap3A_369 = arith.index_cast %add3A_320 : i32 to index
      %swap3A_370 = arith.constant 0 : index
      %swap3A_371 = tpu.vector_load %arg9[%swap3A_369, %swap3A_370] {strides = array<i32>} : memref<625x16xi32, #tpu.memory_space<vmem>>, vector<16xi32>,
      tpu.vector_store %arg9[%swap3A_369, %swap3A_370], %bitcast3A_357 {strides = array<i32>} : memref<625x16xi32, #tpu.memory_space<vmem>>, vector<16xi32>,
    }
    %scan3A_281 = arith.constant 125 : i32
    %add3A_282 = arith.constant 2500 : i32
    %add3A_283 = arith.addi %mul3A_2, %add3A_282 : i32
    %dma_start3A_284 = arith.constant 0 : i32
    %dma_start3A_285 = tpu.memref_slice %arg5[%add3A_283, %dma_start3A_284] : memref<100000x16xi32, #tpu.memory_space<hbm>> -> memref<625x16xi32, #tpu.memory_space<hbm>>
    %dma_start3A_286 = arith.constant 0 : i32
    %dma_start3A_287 = tpu.memref_slice %arg5[%add3A_283, %dma_start3A_286] : memref<100000x16xi32, #tpu.memory_space<hbm>> -> memref<625x16xi32, #tpu.memory_space<hbm>>
    tpu.enqueue_dma source(%arg9 : memref<625x16xi32, #tpu.memory_space<vmem>>) target(%dma_start3A_287 : memref<625x16xi32, #tpu.memory_space<hbm>>) target_semaphore(%arg13 : memref<!tpu.dma_semaphore, #tpu.memory_space<semaphore_mem>>)
    %dma_wait3A_288 = arith.constant 0 : i32
    %dma_wait3A_289 = arith.constant 0 : i32
    %dma_wait3A_290 = tpu.memref_slice %arg4[%dma_wait3A_288, %dma_wait3A_289] : memref<100000x16xi32, #tpu.memory_space<hbm>> -> memref<625x16xi32, #tpu.memory_space<hbm>>
    %dma_wait3A_291 = arith.constant 0 : i32
    %dma_wait3A_292 = arith.constant 0 : i32
    %dma_wait3A_293 = tpu.memref_slice %arg4[%dma_wait3A_291, %dma_wait3A_292] : memref<100000x16xi32, #tpu.memory_space<hbm>> -> memref<625x16xi32, #tpu.memory_space<hbm>>
    tpu.wait_dma2 semaphore(%arg12 : memref<!tpu.dma_semaphore, #tpu.memory_space<semaphore_mem>>) src(%arg8 : memref<625x16xi32, #tpu.memory_space<vmem>>) dst(%dma_wait3A_293 : memref<625x16xi32, #tpu.memory_space<hbm>>)
    %dma_wait3A_294 = arith.constant 0 : i32
    %dma_wait3A_295 = arith.constant 0 : i32
    %dma_wait3A_296 = tpu.memref_slice %arg4[%dma_wait3A_294, %dma_wait3A_295] : memref<100000x16xi32, #tpu.memory_space<hbm>> -> memref<625x16xi32, #tpu.memory_space<hbm>>
    %dma_wait3A_297 = arith.constant 0 : i32
    %dma_wait3A_298 = arith.constant 0 : i32
    %dma_wait3A_299 = tpu.memref_slice %arg4[%dma_wait3A_297, %dma_wait3A_298] : memref<100000x16xi32, #tpu.memory_space<hbm>> -> memref<625x16xi32, #tpu.memory_space<hbm>>
    tpu.wait_dma2 semaphore(%arg13 : memref<!tpu.dma_semaphore, #tpu.memory_space<semaphore_mem>>) src(%arg9 : memref<625x16xi32, #tpu.memory_space<vmem>>) dst(%dma_wait3A_299 : memref<625x16xi32, #tpu.memory_space<hbm>>)
    return
  }
}

#map = affine_map<(d0, d1) -> (0, 0)>
#map1 = affine_map<(d0, d1) -> (0)>
module attributes {stable_mosaic.version = 14 : i64} {
  func.func @k(%arg0: i32, %arg1: i32, %arg2: memref<2x1600000xi32, #tpu.memory_space<hbm>>, %arg3: memref<100000x16xi32, #tpu.memory_space<hbm>>, %arg4: memref<100000x16xi32, #tpu.memory_space<hbm>>, %arg5: memref<1600000xf32, #tpu.memory_space<hbm>>, %arg6: memref<512xi32, #tpu.memory_space<vmem>>, %arg7: memref<512xi32, #tpu.memory_space<vmem>>, %arg8: memref<512xi32, #tpu.memory_space<vmem>>, %arg9: memref<512xi32, #tpu.memory_space<vmem>>, %arg10: memref<512x16xi32, #tpu.memory_space<vmem>>, %arg11: memref<512x16xi32, #tpu.memory_space<vmem>>, %arg12: memref<512x16xi32, #tpu.memory_space<vmem>>, %arg13: memref<512x16xi32, #tpu.memory_space<vmem>>, %arg14: memref<512xf32, #tpu.memory_space<vmem>>, %arg15: memref<512xf32, #tpu.memory_space<vmem>>, %arg16: memref<4x16x17xf32, #tpu.memory_space<vmem>>, %arg17: memref<!tpu.dma_semaphore, #tpu.memory_space<semaphore_mem>>, %arg18: memref<!tpu.dma_semaphore, #tpu.memory_space<semaphore_mem>>, %arg19: memref<!tpu.dma_semaphore, #tpu.memory_space<semaphore_mem>>, %arg20: memref<!tpu.dma_semaphore, #tpu.memory_space<semaphore_mem>>, %arg21: memref<!tpu.dma_semaphore, #tpu.memory_space<semaphore_mem>>, %arg22: memref<!tpu.dma_semaphore, #tpu.memory_space<semaphore_mem>>) attributes {dimension_semantics = [#tpu.dimension_semantics<core_parallel>, #tpu.dimension_semantics<subcore_parallel>], iteration_bounds = array<i64: 2, 16>, scalar_prefetch = 0 : i64, scratch_operands = 17 : i64, tpu.core_type = #tpu.core_type<sc_vector_subcore>, window_params = [{transform_indices = #map}, {transform_indices = #map}, {transform_indices = #map}, {transform_indices = #map1}]} {
    %mul3A = arith.constant 2 : i32
    %mul3A_0 = arith.muli %arg1, %mul3A : i32
    %add3A = arith.addi %mul3A_0, %arg0 : i32
    %lt3A = arith.constant 21 : i32
    %lt3A_1 = arith.cmpi slt, %add3A, %lt3A : i32
    %jit3A = arith.constant 98 : i32
    %jit3A_2 = arith.constant 97 : i32
    %select_n3A = arith.select %lt3A_1, %jit3A, %jit3A_2 : i32
    %iota3A = tpu.iota {dimensions = array<i32: 0>} : vector<16xi32>
    %add3A_3 = arith.constant 0 : i32
    %add3A_4 = arith.addi %add3A, %add3A_3 : i32
    %mul3A_5 = arith.constant 512 : i32
    %mul3A_6 = arith.muli %add3A_4, %mul3A_5 : i32
    %dma_start3A = arith.constant 0 : i32
    %dma_start3A_7 = tpu.memref_slice %arg2[%dma_start3A, %mul3A_6] : memref<2x1600000xi32, #tpu.memory_space<hbm>> -> memref<1x512xi32, #tpu.memory_space<hbm>>
    %dma_start3A_8 = tpu.memref_squeeze %dma_start3A_7 : memref<1x512xi32, #tpu.memory_space<hbm>> -> memref<512xi32, #tpu.memory_space<hbm>>
    %dma_start3A_9 = tpu.memref_slice %arg2[%dma_start3A, %mul3A_6] : memref<2x1600000xi32, #tpu.memory_space<hbm>> -> memref<1x512xi32, #tpu.memory_space<hbm>>
    %dma_start3A_10 = tpu.memref_squeeze %dma_start3A_9 : memref<1x512xi32, #tpu.memory_space<hbm>> -> memref<512xi32, #tpu.memory_space<hbm>>
    tpu.enqueue_dma source(%dma_start3A_10 : memref<512xi32, #tpu.memory_space<hbm>>) target(%arg6 : memref<512xi32, #tpu.memory_space<vmem>>) target_semaphore(%arg17 : memref<!tpu.dma_semaphore, #tpu.memory_space<semaphore_mem>>)
    %dma_start3A_11 = arith.constant 1 : i32
    %dma_start3A_12 = tpu.memref_slice %arg2[%dma_start3A_11, %mul3A_6] : memref<2x1600000xi32, #tpu.memory_space<hbm>> -> memref<1x512xi32, #tpu.memory_space<hbm>>
    %dma_start3A_13 = tpu.memref_squeeze %dma_start3A_12 : memref<1x512xi32, #tpu.memory_space<hbm>> -> memref<512xi32, #tpu.memory_space<hbm>>
    %dma_start3A_14 = tpu.memref_slice %arg2[%dma_start3A_11, %mul3A_6] : memref<2x1600000xi32, #tpu.memory_space<hbm>> -> memref<1x512xi32, #tpu.memory_space<hbm>>
    %dma_start3A_15 = tpu.memref_squeeze %dma_start3A_14 : memref<1x512xi32, #tpu.memory_space<hbm>> -> memref<512xi32, #tpu.memory_space<hbm>>
    tpu.enqueue_dma source(%dma_start3A_15 : memref<512xi32, #tpu.memory_space<hbm>>) target(%arg8 : memref<512xi32, #tpu.memory_space<vmem>>) target_semaphore(%arg17 : memref<!tpu.dma_semaphore, #tpu.memory_space<semaphore_mem>>)
    %dma_wait3A = arith.constant 0 : i32
    %dma_wait3A_16 = arith.constant 0 : i32
    %dma_wait3A_17 = tpu.memref_slice %arg2[%dma_wait3A, %dma_wait3A_16] : memref<2x1600000xi32, #tpu.memory_space<hbm>> -> memref<1x512xi32, #tpu.memory_space<hbm>>
    %dma_wait3A_18 = tpu.memref_squeeze %dma_wait3A_17 : memref<1x512xi32, #tpu.memory_space<hbm>> -> memref<512xi32, #tpu.memory_space<hbm>>
    %dma_wait3A_19 = arith.constant 0 : i32
    %dma_wait3A_20 = tpu.memref_slice %arg2[%dma_wait3A, %dma_wait3A_19] : memref<2x1600000xi32, #tpu.memory_space<hbm>> -> memref<1x512xi32, #tpu.memory_space<hbm>>
    %dma_wait3A_21 = tpu.memref_squeeze %dma_wait3A_20 : memref<1x512xi32, #tpu.memory_space<hbm>> -> memref<512xi32, #tpu.memory_space<hbm>>
    tpu.wait_dma2 semaphore(%arg17 : memref<!tpu.dma_semaphore, #tpu.memory_space<semaphore_mem>>) src(%dma_wait3A_21 : memref<512xi32, #tpu.memory_space<hbm>>) dst(%arg6 : memref<512xi32, #tpu.memory_space<vmem>>)
    %dma_wait3A_22 = arith.constant 1 : i32
    %dma_wait3A_23 = arith.constant 0 : i32
    %dma_wait3A_24 = tpu.memref_slice %arg2[%dma_wait3A_22, %dma_wait3A_23] : memref<2x1600000xi32, #tpu.memory_space<hbm>> -> memref<1x512xi32, #tpu.memory_space<hbm>>
    %dma_wait3A_25 = tpu.memref_squeeze %dma_wait3A_24 : memref<1x512xi32, #tpu.memory_space<hbm>> -> memref<512xi32, #tpu.memory_space<hbm>>
    %dma_wait3A_26 = arith.constant 0 : i32
    %dma_wait3A_27 = tpu.memref_slice %arg2[%dma_wait3A_22, %dma_wait3A_26] : memref<2x1600000xi32, #tpu.memory_space<hbm>> -> memref<1x512xi32, #tpu.memory_space<hbm>>
    %dma_wait3A_28 = tpu.memref_squeeze %dma_wait3A_27 : memref<1x512xi32, #tpu.memory_space<hbm>> -> memref<512xi32, #tpu.memory_space<hbm>>
    tpu.wait_dma2 semaphore(%arg17 : memref<!tpu.dma_semaphore, #tpu.memory_space<semaphore_mem>>) src(%dma_wait3A_28 : memref<512xi32, #tpu.memory_space<hbm>>) dst(%arg8 : memref<512xi32, #tpu.memory_space<vmem>>)
    %dma_start3A_29 = arith.constant 0 : i32
    %dma_start3A_30 = arith.constant 0 : i32
    %dma_start3A_31 = tpu.memref_slice %arg10[%dma_start3A_29, %dma_start3A_30] : memref<512x16xi32, #tpu.memory_space<vmem>> -> memref<128x16xi32, #tpu.memory_space<vmem>>
    %dma_start3A_32 = arith.constant 0 : i32
    %dma_start3A_33 = tpu.memref_slice %arg6[%dma_start3A_32] : memref<512xi32, #tpu.memory_space<vmem>> -> memref<128xi32, #tpu.memory_space<vmem>>
    %dma_start3A_34 = arith.constant 0 : i32
    %dma_start3A_35 = arith.constant 0 : i32
    %dma_start3A_36 = tpu.memref_slice %arg3[%dma_start3A_34, %dma_start3A_35] : memref<100000x16xi32, #tpu.memory_space<hbm>> -> memref<100000x16xi32, #tpu.memory_space<hbm>>
    tpu.enqueue_indirect_dma source(%dma_start3A_36 : memref<100000x16xi32, #tpu.memory_space<hbm>>) target(%dma_start3A_31 : memref<128x16xi32, #tpu.memory_space<vmem>>) offsets(%dma_start3A_33 : memref<128xi32, #tpu.memory_space<vmem>>) semaphore(%arg19 : memref<!tpu.dma_semaphore, #tpu.memory_space<semaphore_mem>>)
    %dma_start3A_37 = arith.constant 0 : i32
    %dma_start3A_38 = arith.constant 0 : i32
    %dma_start3A_39 = tpu.memref_slice %arg12[%dma_start3A_37, %dma_start3A_38] : memref<512x16xi32, #tpu.memory_space<vmem>> -> memref<128x16xi32, #tpu.memory_space<vmem>>
    %dma_start3A_40 = arith.constant 0 : i32
    %dma_start3A_41 = tpu.memref_slice %arg8[%dma_start3A_40] : memref<512xi32, #tpu.memory_space<vmem>> -> memref<128xi32, #tpu.memory_space<vmem>>
    %dma_start3A_42 = arith.constant 0 : i32
    %dma_start3A_43 = arith.constant 0 : i32
    %dma_start3A_44 = tpu.memref_slice %arg4[%dma_start3A_42, %dma_start3A_43] : memref<100000x16xi32, #tpu.memory_space<hbm>> -> memref<100000x16xi32, #tpu.memory_space<hbm>>
    tpu.enqueue_indirect_dma source(%dma_start3A_44 : memref<100000x16xi32, #tpu.memory_space<hbm>>) target(%dma_start3A_39 : memref<128x16xi32, #tpu.memory_space<vmem>>) offsets(%dma_start3A_41 : memref<128xi32, #tpu.memory_space<vmem>>) semaphore(%arg19 : memref<!tpu.dma_semaphore, #tpu.memory_space<semaphore_mem>>)
    %dma_start3A_45 = arith.constant 128 : i32
    %dma_start3A_46 = arith.constant 0 : i32
    %dma_start3A_47 = tpu.memref_slice %arg10[%dma_start3A_45, %dma_start3A_46] : memref<512x16xi32, #tpu.memory_space<vmem>> -> memref<128x16xi32, #tpu.memory_space<vmem>>
    %dma_start3A_48 = arith.constant 128 : i32
    %dma_start3A_49 = tpu.memref_slice %arg6[%dma_start3A_48] : memref<512xi32, #tpu.memory_space<vmem>> -> memref<128xi32, #tpu.memory_space<vmem>>
    %dma_start3A_50 = arith.constant 0 : i32
    %dma_start3A_51 = arith.constant 0 : i32
    %dma_start3A_52 = tpu.memref_slice %arg3[%dma_start3A_50, %dma_start3A_51] : memref<100000x16xi32, #tpu.memory_space<hbm>> -> memref<100000x16xi32, #tpu.memory_space<hbm>>
    tpu.enqueue_indirect_dma source(%dma_start3A_52 : memref<100000x16xi32, #tpu.memory_space<hbm>>) target(%dma_start3A_47 : memref<128x16xi32, #tpu.memory_space<vmem>>) offsets(%dma_start3A_49 : memref<128xi32, #tpu.memory_space<vmem>>) semaphore(%arg19 : memref<!tpu.dma_semaphore, #tpu.memory_space<semaphore_mem>>)
    %dma_start3A_53 = arith.constant 128 : i32
    %dma_start3A_54 = arith.constant 0 : i32
    %dma_start3A_55 = tpu.memref_slice %arg12[%dma_start3A_53, %dma_start3A_54] : memref<512x16xi32, #tpu.memory_space<vmem>> -> memref<128x16xi32, #tpu.memory_space<vmem>>
    %dma_start3A_56 = arith.constant 128 : i32
    %dma_start3A_57 = tpu.memref_slice %arg8[%dma_start3A_56] : memref<512xi32, #tpu.memory_space<vmem>> -> memref<128xi32, #tpu.memory_space<vmem>>
    %dma_start3A_58 = arith.constant 0 : i32
    %dma_start3A_59 = arith.constant 0 : i32
    %dma_start3A_60 = tpu.memref_slice %arg4[%dma_start3A_58, %dma_start3A_59] : memref<100000x16xi32, #tpu.memory_space<hbm>> -> memref<100000x16xi32, #tpu.memory_space<hbm>>
    tpu.enqueue_indirect_dma source(%dma_start3A_60 : memref<100000x16xi32, #tpu.memory_space<hbm>>) target(%dma_start3A_55 : memref<128x16xi32, #tpu.memory_space<vmem>>) offsets(%dma_start3A_57 : memref<128xi32, #tpu.memory_space<vmem>>) semaphore(%arg19 : memref<!tpu.dma_semaphore, #tpu.memory_space<semaphore_mem>>)
    %dma_start3A_61 = arith.constant 256 : i32
    %dma_start3A_62 = arith.constant 0 : i32
    %dma_start3A_63 = tpu.memref_slice %arg10[%dma_start3A_61, %dma_start3A_62] : memref<512x16xi32, #tpu.memory_space<vmem>> -> memref<128x16xi32, #tpu.memory_space<vmem>>
    %dma_start3A_64 = arith.constant 256 : i32
    %dma_start3A_65 = tpu.memref_slice %arg6[%dma_start3A_64] : memref<512xi32, #tpu.memory_space<vmem>> -> memref<128xi32, #tpu.memory_space<vmem>>
    %dma_start3A_66 = arith.constant 0 : i32
    %dma_start3A_67 = arith.constant 0 : i32
    %dma_start3A_68 = tpu.memref_slice %arg3[%dma_start3A_66, %dma_start3A_67] : memref<100000x16xi32, #tpu.memory_space<hbm>> -> memref<100000x16xi32, #tpu.memory_space<hbm>>
    tpu.enqueue_indirect_dma source(%dma_start3A_68 : memref<100000x16xi32, #tpu.memory_space<hbm>>) target(%dma_start3A_63 : memref<128x16xi32, #tpu.memory_space<vmem>>) offsets(%dma_start3A_65 : memref<128xi32, #tpu.memory_space<vmem>>) semaphore(%arg19 : memref<!tpu.dma_semaphore, #tpu.memory_space<semaphore_mem>>)
    %dma_start3A_69 = arith.constant 256 : i32
    %dma_start3A_70 = arith.constant 0 : i32
    %dma_start3A_71 = tpu.memref_slice %arg12[%dma_start3A_69, %dma_start3A_70] : memref<512x16xi32, #tpu.memory_space<vmem>> -> memref<128x16xi32, #tpu.memory_space<vmem>>
    %dma_start3A_72 = arith.constant 256 : i32
    %dma_start3A_73 = tpu.memref_slice %arg8[%dma_start3A_72] : memref<512xi32, #tpu.memory_space<vmem>> -> memref<128xi32, #tpu.memory_space<vmem>>
    %dma_start3A_74 = arith.constant 0 : i32
    %dma_start3A_75 = arith.constant 0 : i32
    %dma_start3A_76 = tpu.memref_slice %arg4[%dma_start3A_74, %dma_start3A_75] : memref<100000x16xi32, #tpu.memory_space<hbm>> -> memref<100000x16xi32, #tpu.memory_space<hbm>>
    tpu.enqueue_indirect_dma source(%dma_start3A_76 : memref<100000x16xi32, #tpu.memory_space<hbm>>) target(%dma_start3A_71 : memref<128x16xi32, #tpu.memory_space<vmem>>) offsets(%dma_start3A_73 : memref<128xi32, #tpu.memory_space<vmem>>) semaphore(%arg19 : memref<!tpu.dma_semaphore, #tpu.memory_space<semaphore_mem>>)
    %dma_start3A_77 = arith.constant 384 : i32
    %dma_start3A_78 = arith.constant 0 : i32
    %dma_start3A_79 = tpu.memref_slice %arg10[%dma_start3A_77, %dma_start3A_78] : memref<512x16xi32, #tpu.memory_space<vmem>> -> memref<128x16xi32, #tpu.memory_space<vmem>>
    %dma_start3A_80 = arith.constant 384 : i32
    %dma_start3A_81 = tpu.memref_slice %arg6[%dma_start3A_80] : memref<512xi32, #tpu.memory_space<vmem>> -> memref<128xi32, #tpu.memory_space<vmem>>
    %dma_start3A_82 = arith.constant 0 : i32
    %dma_start3A_83 = arith.constant 0 : i32
    %dma_start3A_84 = tpu.memref_slice %arg3[%dma_start3A_82, %dma_start3A_83] : memref<100000x16xi32, #tpu.memory_space<hbm>> -> memref<100000x16xi32, #tpu.memory_space<hbm>>
    tpu.enqueue_indirect_dma source(%dma_start3A_84 : memref<100000x16xi32, #tpu.memory_space<hbm>>) target(%dma_start3A_79 : memref<128x16xi32, #tpu.memory_space<vmem>>) offsets(%dma_start3A_81 : memref<128xi32, #tpu.memory_space<vmem>>) semaphore(%arg19 : memref<!tpu.dma_semaphore, #tpu.memory_space<semaphore_mem>>)
    %dma_start3A_85 = arith.constant 384 : i32
    %dma_start3A_86 = arith.constant 0 : i32
    %dma_start3A_87 = tpu.memref_slice %arg12[%dma_start3A_85, %dma_start3A_86] : memref<512x16xi32, #tpu.memory_space<vmem>> -> memref<128x16xi32, #tpu.memory_space<vmem>>
    %dma_start3A_88 = arith.constant 384 : i32
    %dma_start3A_89 = tpu.memref_slice %arg8[%dma_start3A_88] : memref<512xi32, #tpu.memory_space<vmem>> -> memref<128xi32, #tpu.memory_space<vmem>>
    %dma_start3A_90 = arith.constant 0 : i32
    %dma_start3A_91 = arith.constant 0 : i32
    %dma_start3A_92 = tpu.memref_slice %arg4[%dma_start3A_90, %dma_start3A_91] : memref<100000x16xi32, #tpu.memory_space<hbm>> -> memref<100000x16xi32, #tpu.memory_space<hbm>>
    tpu.enqueue_indirect_dma source(%dma_start3A_92 : memref<100000x16xi32, #tpu.memory_space<hbm>>) target(%dma_start3A_87 : memref<128x16xi32, #tpu.memory_space<vmem>>) offsets(%dma_start3A_89 : memref<128xi32, #tpu.memory_space<vmem>>) semaphore(%arg19 : memref<!tpu.dma_semaphore, #tpu.memory_space<semaphore_mem>>)
    %gt3A = arith.constant 1 : i32
    %gt3A_93 = arith.cmpi sgt, %select_n3A, %gt3A : i32
    %convert_element_type3A = arith.extui %gt3A_93 : i1 to i32
    %cond3A = arith.constant 0 : i32
    %cond3A_94 = arith.cmpi ne, %convert_element_type3A, %cond3A : i32
    scf.if %cond3A_94 {
      %add3A_108 = arith.constant 32 : i32
      %add3A_109 = arith.addi %add3A, %add3A_108 : i32
      %mul3A_110 = arith.constant 512 : i32
      %mul3A_111 = arith.muli %add3A_109, %mul3A_110 : i32
      %dma_start3A_112 = arith.constant 0 : i32
      %dma_start3A_113 = tpu.memref_slice %arg2[%dma_start3A_112, %mul3A_111] : memref<2x1600000xi32, #tpu.memory_space<hbm>> -> memref<1x512xi32, #tpu.memory_space<hbm>>
      %dma_start3A_114 = tpu.memref_squeeze %dma_start3A_113 : memref<1x512xi32, #tpu.memory_space<hbm>> -> memref<512xi32, #tpu.memory_space<hbm>>
      %dma_start3A_115 = tpu.memref_slice %arg2[%dma_start3A_112, %mul3A_111] : memref<2x1600000xi32, #tpu.memory_space<hbm>> -> memref<1x512xi32, #tpu.memory_space<hbm>>
      %dma_start3A_116 = tpu.memref_squeeze %dma_start3A_115 : memref<1x512xi32, #tpu.memory_space<hbm>> -> memref<512xi32, #tpu.memory_space<hbm>>
      tpu.enqueue_dma source(%dma_start3A_116 : memref<512xi32, #tpu.memory_space<hbm>>) target(%arg7 : memref<512xi32, #tpu.memory_space<vmem>>) target_semaphore(%arg18 : memref<!tpu.dma_semaphore, #tpu.memory_space<semaphore_mem>>)
      %dma_start3A_117 = arith.constant 1 : i32
      %dma_start3A_118 = tpu.memref_slice %arg2[%dma_start3A_117, %mul3A_111] : memref<2x1600000xi32, #tpu.memory_space<hbm>> -> memref<1x512xi32, #tpu.memory_space<hbm>>
      %dma_start3A_119 = tpu.memref_squeeze %dma_start3A_118 : memref<1x512xi32, #tpu.memory_space<hbm>> -> memref<512xi32, #tpu.memory_space<hbm>>
      %dma_start3A_120 = tpu.memref_slice %arg2[%dma_start3A_117, %mul3A_111] : memref<2x1600000xi32, #tpu.memory_space<hbm>> -> memref<1x512xi32, #tpu.memory_space<hbm>>
      %dma_start3A_121 = tpu.memref_squeeze %dma_start3A_120 : memref<1x512xi32, #tpu.memory_space<hbm>> -> memref<512xi32, #tpu.memory_space<hbm>>
      tpu.enqueue_dma source(%dma_start3A_121 : memref<512xi32, #tpu.memory_space<hbm>>) target(%arg9 : memref<512xi32, #tpu.memory_space<vmem>>) target_semaphore(%arg18 : memref<!tpu.dma_semaphore, #tpu.memory_space<semaphore_mem>>)
    } else {
    }
    %scan3A = arith.constant 0 : i32
    %scan3A_95 = arith.constant 0 : i32
    %scan3A_96 = arith.constant 49 : i32
    %scan3A_97 = arith.addi %scan3A_95, %scan3A_96 : i32
    %scan3A_98 = arith.constant 1 : i32
    scf.for %scan3A_108 = %scan3A_95 to %scan3A_97 step %scan3A_98  : i32 {
      %mul3A_109 = arith.constant 2 : i32
      %mul3A_110 = arith.muli %scan3A_108, %mul3A_109 : i32
      %add3A_111 = arith.constant 0 : i32
      %add3A_112 = arith.addi %mul3A_110, %add3A_111 : i32
      %lt3A_113 = arith.cmpi slt, %add3A_112, %select_n3A : i32
      %convert_element_type3A_114 = arith.extui %lt3A_113 : i1 to i32
      %cond3A_115 = arith.constant 0 : i32
      %cond3A_116 = arith.cmpi ne, %convert_element_type3A_114, %cond3A_115 : i32
      scf.if %cond3A_116 {
        %add3A_125 = arith.constant 1 : i32
        %add3A_126 = arith.addi %add3A_112, %add3A_125 : i32
        %lt3A_127 = arith.cmpi slt, %add3A_126, %select_n3A : i32
        %convert_element_type3A_128 = arith.extui %lt3A_127 : i1 to i32
        %cond3A_129 = arith.constant 0 : i32
        %cond3A_130 = arith.cmpi ne, %convert_element_type3A_128, %cond3A_129 : i32
        scf.if %cond3A_130 {
          %dma_wait3A_162 = arith.constant 0 : i32
          %dma_wait3A_163 = arith.constant 0 : i32
          %dma_wait3A_164 = tpu.memref_slice %arg2[%dma_wait3A_162, %dma_wait3A_163] : memref<2x1600000xi32, #tpu.memory_space<hbm>> -> memref<1x512xi32, #tpu.memory_space<hbm>>
          %dma_wait3A_165 = tpu.memref_squeeze %dma_wait3A_164 : memref<1x512xi32, #tpu.memory_space<hbm>> -> memref<512xi32, #tpu.memory_space<hbm>>
          %dma_wait3A_166 = arith.constant 0 : i32
          %dma_wait3A_167 = tpu.memref_slice %arg2[%dma_wait3A_162, %dma_wait3A_166] : memref<2x1600000xi32, #tpu.memory_space<hbm>> -> memref<1x512xi32, #tpu.memory_space<hbm>>
          %dma_wait3A_168 = tpu.memref_squeeze %dma_wait3A_167 : memref<1x512xi32, #tpu.memory_space<hbm>> -> memref<512xi32, #tpu.memory_space<hbm>>
          tpu.wait_dma2 semaphore(%arg18 : memref<!tpu.dma_semaphore, #tpu.memory_space<semaphore_mem>>) src(%dma_wait3A_168 : memref<512xi32, #tpu.memory_space<hbm>>) dst(%arg7 : memref<512xi32, #tpu.memory_space<vmem>>)
          %dma_wait3A_169 = arith.constant 1 : i32
          %dma_wait3A_170 = arith.constant 0 : i32
          %dma_wait3A_171 = tpu.memref_slice %arg2[%dma_wait3A_169, %dma_wait3A_170] : memref<2x1600000xi32, #tpu.memory_space<hbm>> -> memref<1x512xi32, #tpu.memory_space<hbm>>
          %dma_wait3A_172 = tpu.memref_squeeze %dma_wait3A_171 : memref<1x512xi32, #tpu.memory_space<hbm>> -> memref<512xi32, #tpu.memory_space<hbm>>
          %dma_wait3A_173 = arith.constant 0 : i32
          %dma_wait3A_174 = tpu.memref_slice %arg2[%dma_wait3A_169, %dma_wait3A_173] : memref<2x1600000xi32, #tpu.memory_space<hbm>> -> memref<1x512xi32, #tpu.memory_space<hbm>>
          %dma_wait3A_175 = tpu.memref_squeeze %dma_wait3A_174 : memref<1x512xi32, #tpu.memory_space<hbm>> -> memref<512xi32, #tpu.memory_space<hbm>>
          tpu.wait_dma2 semaphore(%arg18 : memref<!tpu.dma_semaphore, #tpu.memory_space<semaphore_mem>>) src(%dma_wait3A_175 : memref<512xi32, #tpu.memory_space<hbm>>) dst(%arg9 : memref<512xi32, #tpu.memory_space<vmem>>)
          %dma_start3A_176 = arith.constant 0 : i32
          %dma_start3A_177 = arith.constant 0 : i32
          %dma_start3A_178 = tpu.memref_slice %arg11[%dma_start3A_176, %dma_start3A_177] : memref<512x16xi32, #tpu.memory_space<vmem>> -> memref<128x16xi32, #tpu.memory_space<vmem>>
          %dma_start3A_179 = arith.constant 0 : i32
          %dma_start3A_180 = tpu.memref_slice %arg7[%dma_start3A_179] : memref<512xi32, #tpu.memory_space<vmem>> -> memref<128xi32, #tpu.memory_space<vmem>>
          %dma_start3A_181 = arith.constant 0 : i32
          %dma_start3A_182 = arith.constant 0 : i32
          %dma_start3A_183 = tpu.memref_slice %arg3[%dma_start3A_181, %dma_start3A_182] : memref<100000x16xi32, #tpu.memory_space<hbm>> -> memref<100000x16xi32, #tpu.memory_space<hbm>>
          tpu.enqueue_indirect_dma source(%dma_start3A_183 : memref<100000x16xi32, #tpu.memory_space<hbm>>) target(%dma_start3A_178 : memref<128x16xi32, #tpu.memory_space<vmem>>) offsets(%dma_start3A_180 : memref<128xi32, #tpu.memory_space<vmem>>) semaphore(%arg20 : memref<!tpu.dma_semaphore, #tpu.memory_space<semaphore_mem>>)
          %dma_start3A_184 = arith.constant 0 : i32
          %dma_start3A_185 = arith.constant 0 : i32
          %dma_start3A_186 = tpu.memref_slice %arg13[%dma_start3A_184, %dma_start3A_185] : memref<512x16xi32, #tpu.memory_space<vmem>> -> memref<128x16xi32, #tpu.memory_space<vmem>>
          %dma_start3A_187 = arith.constant 0 : i32
          %dma_start3A_188 = tpu.memref_slice %arg9[%dma_start3A_187] : memref<512xi32, #tpu.memory_space<vmem>> -> memref<128xi32, #tpu.memory_space<vmem>>
          %dma_start3A_189 = arith.constant 0 : i32
          %dma_start3A_190 = arith.constant 0 : i32
          %dma_start3A_191 = tpu.memref_slice %arg4[%dma_start3A_189, %dma_start3A_190] : memref<100000x16xi32, #tpu.memory_space<hbm>> -> memref<100000x16xi32, #tpu.memory_space<hbm>>
          tpu.enqueue_indirect_dma source(%dma_start3A_191 : memref<100000x16xi32, #tpu.memory_space<hbm>>) target(%dma_start3A_186 : memref<128x16xi32, #tpu.memory_space<vmem>>) offsets(%dma_start3A_188 : memref<128xi32, #tpu.memory_space<vmem>>) semaphore(%arg20 : memref<!tpu.dma_semaphore, #tpu.memory_space<semaphore_mem>>)
          %dma_start3A_192 = arith.constant 128 : i32
          %dma_start3A_193 = arith.constant 0 : i32
          %dma_start3A_194 = tpu.memref_slice %arg11[%dma_start3A_192, %dma_start3A_193] : memref<512x16xi32, #tpu.memory_space<vmem>> -> memref<128x16xi32, #tpu.memory_space<vmem>>
          %dma_start3A_195 = arith.constant 128 : i32
          %dma_start3A_196 = tpu.memref_slice %arg7[%dma_start3A_195] : memref<512xi32, #tpu.memory_space<vmem>> -> memref<128xi32, #tpu.memory_space<vmem>>
          %dma_start3A_197 = arith.constant 0 : i32
          %dma_start3A_198 = arith.constant 0 : i32
          %dma_start3A_199 = tpu.memref_slice %arg3[%dma_start3A_197, %dma_start3A_198] : memref<100000x16xi32, #tpu.memory_space<hbm>> -> memref<100000x16xi32, #tpu.memory_space<hbm>>
          tpu.enqueue_indirect_dma source(%dma_start3A_199 : memref<100000x16xi32, #tpu.memory_space<hbm>>) target(%dma_start3A_194 : memref<128x16xi32, #tpu.memory_space<vmem>>) offsets(%dma_start3A_196 : memref<128xi32, #tpu.memory_space<vmem>>) semaphore(%arg20 : memref<!tpu.dma_semaphore, #tpu.memory_space<semaphore_mem>>)
          %dma_start3A_200 = arith.constant 128 : i32
          %dma_start3A_201 = arith.constant 0 : i32
          %dma_start3A_202 = tpu.memref_slice %arg13[%dma_start3A_200, %dma_start3A_201] : memref<512x16xi32, #tpu.memory_space<vmem>> -> memref<128x16xi32, #tpu.memory_space<vmem>>
          %dma_start3A_203 = arith.constant 128 : i32
          %dma_start3A_204 = tpu.memref_slice %arg9[%dma_start3A_203] : memref<512xi32, #tpu.memory_space<vmem>> -> memref<128xi32, #tpu.memory_space<vmem>>
          %dma_start3A_205 = arith.constant 0 : i32
          %dma_start3A_206 = arith.constant 0 : i32
          %dma_start3A_207 = tpu.memref_slice %arg4[%dma_start3A_205, %dma_start3A_206] : memref<100000x16xi32, #tpu.memory_space<hbm>> -> memref<100000x16xi32, #tpu.memory_space<hbm>>
          tpu.enqueue_indirect_dma source(%dma_start3A_207 : memref<100000x16xi32, #tpu.memory_space<hbm>>) target(%dma_start3A_202 : memref<128x16xi32, #tpu.memory_space<vmem>>) offsets(%dma_start3A_204 : memref<128xi32, #tpu.memory_space<vmem>>) semaphore(%arg20 : memref<!tpu.dma_semaphore, #tpu.memory_space<semaphore_mem>>)
          %dma_start3A_208 = arith.constant 256 : i32
          %dma_start3A_209 = arith.constant 0 : i32
          %dma_start3A_210 = tpu.memref_slice %arg11[%dma_start3A_208, %dma_start3A_209] : memref<512x16xi32, #tpu.memory_space<vmem>> -> memref<128x16xi32, #tpu.memory_space<vmem>>
          %dma_start3A_211 = arith.constant 256 : i32
          %dma_start3A_212 = tpu.memref_slice %arg7[%dma_start3A_211] : memref<512xi32, #tpu.memory_space<vmem>> -> memref<128xi32, #tpu.memory_space<vmem>>
          %dma_start3A_213 = arith.constant 0 : i32
          %dma_start3A_214 = arith.constant 0 : i32
          %dma_start3A_215 = tpu.memref_slice %arg3[%dma_start3A_213, %dma_start3A_214] : memref<100000x16xi32, #tpu.memory_space<hbm>> -> memref<100000x16xi32, #tpu.memory_space<hbm>>
          tpu.enqueue_indirect_dma source(%dma_start3A_215 : memref<100000x16xi32, #tpu.memory_space<hbm>>) target(%dma_start3A_210 : memref<128x16xi32, #tpu.memory_space<vmem>>) offsets(%dma_start3A_212 : memref<128xi32, #tpu.memory_space<vmem>>) semaphore(%arg20 : memref<!tpu.dma_semaphore, #tpu.memory_space<semaphore_mem>>)
          %dma_start3A_216 = arith.constant 256 : i32
          %dma_start3A_217 = arith.constant 0 : i32
          %dma_start3A_218 = tpu.memref_slice %arg13[%dma_start3A_216, %dma_start3A_217] : memref<512x16xi32, #tpu.memory_space<vmem>> -> memref<128x16xi32, #tpu.memory_space<vmem>>
          %dma_start3A_219 = arith.constant 256 : i32
          %dma_start3A_220 = tpu.memref_slice %arg9[%dma_start3A_219] : memref<512xi32, #tpu.memory_space<vmem>> -> memref<128xi32, #tpu.memory_space<vmem>>
          %dma_start3A_221 = arith.constant 0 : i32
          %dma_start3A_222 = arith.constant 0 : i32
          %dma_start3A_223 = tpu.memref_slice %arg4[%dma_start3A_221, %dma_start3A_222] : memref<100000x16xi32, #tpu.memory_space<hbm>> -> memref<100000x16xi32, #tpu.memory_space<hbm>>
          tpu.enqueue_indirect_dma source(%dma_start3A_223 : memref<100000x16xi32, #tpu.memory_space<hbm>>) target(%dma_start3A_218 : memref<128x16xi32, #tpu.memory_space<vmem>>) offsets(%dma_start3A_220 : memref<128xi32, #tpu.memory_space<vmem>>) semaphore(%arg20 : memref<!tpu.dma_semaphore, #tpu.memory_space<semaphore_mem>>)
          %dma_start3A_224 = arith.constant 384 : i32
          %dma_start3A_225 = arith.constant 0 : i32
          %dma_start3A_226 = tpu.memref_slice %arg11[%dma_start3A_224, %dma_start3A_225] : memref<512x16xi32, #tpu.memory_space<vmem>> -> memref<128x16xi32, #tpu.memory_space<vmem>>
          %dma_start3A_227 = arith.constant 384 : i32
          %dma_start3A_228 = tpu.memref_slice %arg7[%dma_start3A_227] : memref<512xi32, #tpu.memory_space<vmem>> -> memref<128xi32, #tpu.memory_space<vmem>>
          %dma_start3A_229 = arith.constant 0 : i32
          %dma_start3A_230 = arith.constant 0 : i32
          %dma_start3A_231 = tpu.memref_slice %arg3[%dma_start3A_229, %dma_start3A_230] : memref<100000x16xi32, #tpu.memory_space<hbm>> -> memref<100000x16xi32, #tpu.memory_space<hbm>>
          tpu.enqueue_indirect_dma source(%dma_start3A_231 : memref<100000x16xi32, #tpu.memory_space<hbm>>) target(%dma_start3A_226 : memref<128x16xi32, #tpu.memory_space<vmem>>) offsets(%dma_start3A_228 : memref<128xi32, #tpu.memory_space<vmem>>) semaphore(%arg20 : memref<!tpu.dma_semaphore, #tpu.memory_space<semaphore_mem>>)
          %dma_start3A_232 = arith.constant 384 : i32
          %dma_start3A_233 = arith.constant 0 : i32
          %dma_start3A_234 = tpu.memref_slice %arg13[%dma_start3A_232, %dma_start3A_233] : memref<512x16xi32, #tpu.memory_space<vmem>> -> memref<128x16xi32, #tpu.memory_space<vmem>>
          %dma_start3A_235 = arith.constant 384 : i32
          %dma_start3A_236 = tpu.memref_slice %arg9[%dma_start3A_235] : memref<512xi32, #tpu.memory_space<vmem>> -> memref<128xi32, #tpu.memory_space<vmem>>
          %dma_start3A_237 = arith.constant 0 : i32
          %dma_start3A_238 = arith.constant 0 : i32
          %dma_start3A_239 = tpu.memref_slice %arg4[%dma_start3A_237, %dma_start3A_238] : memref<100000x16xi32, #tpu.memory_space<hbm>> -> memref<100000x16xi32, #tpu.memory_space<hbm>>
          tpu.enqueue_indirect_dma source(%dma_start3A_239 : memref<100000x16xi32, #tpu.memory_space<hbm>>) target(%dma_start3A_234 : memref<128x16xi32, #tpu.memory_space<vmem>>) offsets(%dma_start3A_236 : memref<128xi32, #tpu.memory_space<vmem>>) semaphore(%arg20 : memref<!tpu.dma_semaphore, #tpu.memory_space<semaphore_mem>>)
        } else {
        }
        %dma_wait3A_131 = arith.constant 0 : i32
        %dma_wait3A_132 = arith.constant 0 : i32
        %dma_wait3A_133 = tpu.memref_slice %arg3[%dma_wait3A_131, %dma_wait3A_132] : memref<100000x16xi32, #tpu.memory_space<hbm>> -> memref<512x16xi32, #tpu.memory_space<hbm>>
        %dma_wait3A_134 = arith.constant 0 : i32
        %dma_wait3A_135 = arith.constant 0 : i32
        %dma_wait3A_136 = tpu.memref_slice %arg3[%dma_wait3A_134, %dma_wait3A_135] : memref<100000x16xi32, #tpu.memory_space<hbm>> -> memref<512x16xi32, #tpu.memory_space<hbm>>
        tpu.wait_dma2 semaphore(%arg19 : memref<!tpu.dma_semaphore, #tpu.memory_space<semaphore_mem>>) src(%dma_wait3A_136 : memref<512x16xi32, #tpu.memory_space<hbm>>) dst(%arg10 : memref<512x16xi32, #tpu.memory_space<vmem>>)
        %dma_wait3A_137 = arith.constant 0 : i32
        %dma_wait3A_138 = arith.constant 0 : i32
        %dma_wait3A_139 = tpu.memref_slice %arg4[%dma_wait3A_137, %dma_wait3A_138] : memref<100000x16xi32, #tpu.memory_space<hbm>> -> memref<512x16xi32, #tpu.memory_space<hbm>>
        %dma_wait3A_140 = arith.constant 0 : i32
        %dma_wait3A_141 = arith.constant 0 : i32
        %dma_wait3A_142 = tpu.memref_slice %arg4[%dma_wait3A_140, %dma_wait3A_141] : memref<100000x16xi32, #tpu.memory_space<hbm>> -> memref<512x16xi32, #tpu.memory_space<hbm>>
        tpu.wait_dma2 semaphore(%arg19 : memref<!tpu.dma_semaphore, #tpu.memory_space<semaphore_mem>>) src(%dma_wait3A_142 : memref<512x16xi32, #tpu.memory_space<hbm>>) dst(%arg12 : memref<512x16xi32, #tpu.memory_space<vmem>>)
        %add3A_143 = arith.constant 2 : i32
        %add3A_144 = arith.addi %add3A_112, %add3A_143 : i32
        %lt3A_145 = arith.cmpi slt, %add3A_144, %select_n3A : i32
        %convert_element_type3A_146 = arith.extui %lt3A_145 : i1 to i32
        %cond3A_147 = arith.constant 0 : i32
        %cond3A_148 = arith.cmpi ne, %convert_element_type3A_146, %cond3A_147 : i32
        scf.if %cond3A_148 {
          %add3A_162 = arith.constant 2 : i32
          %add3A_163 = arith.addi %add3A_112, %add3A_162 : i32
          %mul3A_164 = arith.constant 32 : i32
          %mul3A_165 = arith.muli %add3A_163, %mul3A_164 : i32
          %add3A_166 = arith.addi %add3A, %mul3A_165 : i32
          %mul3A_167 = arith.constant 512 : i32
          %mul3A_168 = arith.muli %add3A_166, %mul3A_167 : i32
          %dma_start3A_169 = arith.constant 0 : i32
          %dma_start3A_170 = tpu.memref_slice %arg2[%dma_start3A_169, %mul3A_168] : memref<2x1600000xi32, #tpu.memory_space<hbm>> -> memref<1x512xi32, #tpu.memory_space<hbm>>
          %dma_start3A_171 = tpu.memref_squeeze %dma_start3A_170 : memref<1x512xi32, #tpu.memory_space<hbm>> -> memref<512xi32, #tpu.memory_space<hbm>>
          %dma_start3A_172 = tpu.memref_slice %arg2[%dma_start3A_169, %mul3A_168] : memref<2x1600000xi32, #tpu.memory_space<hbm>> -> memref<1x512xi32, #tpu.memory_space<hbm>>
          %dma_start3A_173 = tpu.memref_squeeze %dma_start3A_172 : memref<1x512xi32, #tpu.memory_space<hbm>> -> memref<512xi32, #tpu.memory_space<hbm>>
          tpu.enqueue_dma source(%dma_start3A_173 : memref<512xi32, #tpu.memory_space<hbm>>) target(%arg6 : memref<512xi32, #tpu.memory_space<vmem>>) target_semaphore(%arg17 : memref<!tpu.dma_semaphore, #tpu.memory_space<semaphore_mem>>)
          %dma_start3A_174 = arith.constant 1 : i32
          %dma_start3A_175 = tpu.memref_slice %arg2[%dma_start3A_174, %mul3A_168] : memref<2x1600000xi32, #tpu.memory_space<hbm>> -> memref<1x512xi32, #tpu.memory_space<hbm>>
          %dma_start3A_176 = tpu.memref_squeeze %dma_start3A_175 : memref<1x512xi32, #tpu.memory_space<hbm>> -> memref<512xi32, #tpu.memory_space<hbm>>
          %dma_start3A_177 = tpu.memref_slice %arg2[%dma_start3A_174, %mul3A_168] : memref<2x1600000xi32, #tpu.memory_space<hbm>> -> memref<1x512xi32, #tpu.memory_space<hbm>>
          %dma_start3A_178 = tpu.memref_squeeze %dma_start3A_177 : memref<1x512xi32, #tpu.memory_space<hbm>> -> memref<512xi32, #tpu.memory_space<hbm>>
          tpu.enqueue_dma source(%dma_start3A_178 : memref<512xi32, #tpu.memory_space<hbm>>) target(%arg8 : memref<512xi32, #tpu.memory_space<vmem>>) target_semaphore(%arg17 : memref<!tpu.dma_semaphore, #tpu.memory_space<semaphore_mem>>)
        } else {
        }
        %ge3A = arith.constant 2 : i32
        %ge3A_149 = arith.cmpi sge, %add3A_112, %ge3A : i32
        %convert_element_type3A_150 = arith.extui %ge3A_149 : i1 to i32
        %cond3A_151 = arith.constant 0 : i32
        %cond3A_152 = arith.cmpi ne, %convert_element_type3A_150, %cond3A_151 : i32
        scf.if %cond3A_152 {
          %dma_wait3A_162 = arith.constant 0 : i32
          %dma_wait3A_163 = tpu.memref_slice %arg5[%dma_wait3A_162] : memref<1600000xf32, #tpu.memory_space<hbm>> -> memref<512xf32, #tpu.memory_space<hbm>>
          %dma_wait3A_164 = arith.constant 0 : i32
          %dma_wait3A_165 = tpu.memref_slice %arg5[%dma_wait3A_164] : memref<1600000xf32, #tpu.memory_space<hbm>> -> memref<512xf32, #tpu.memory_space<hbm>>
          tpu.wait_dma2 semaphore(%arg21 : memref<!tpu.dma_semaphore, #tpu.memory_space<semaphore_mem>>) src(%arg14 : memref<512xf32, #tpu.memory_space<vmem>>) dst(%dma_wait3A_165 : memref<512xf32, #tpu.memory_space<hbm>>)
        } else {
        }
        %parallel_loop3A = arith.constant 0 : i32
        %parallel_loop3A_153 = arith.constant 32 : i32
        %parallel_loop3A_154 = arith.constant 1 : i32
        scf.for %parallel_loop3A_162 = %parallel_loop3A to %parallel_loop3A_153 step %parallel_loop3A_154  : i32 {
          %parallel_loop3A_163 = arith.constant 16 : i32
          %parallel_loop3A_164 = arith.muli %parallel_loop3A_162, %parallel_loop3A_163 : i32
          %parallel_loop3A_165 = arith.constant 3 : i32
          %parallel_loop3A_166 = arith.andi %parallel_loop3A_162, %parallel_loop3A_165 : i32
          %parallel_loop3A_167 = arith.constant 0 : i32
          %parallel_loop3A_168 = arith.addi %parallel_loop3A_164, %parallel_loop3A_167 : i32
          %parallel_loop3A_169 = arith.constant 0 : i32
          %parallel_loop3A_170 = arith.addi %parallel_loop3A_168, %parallel_loop3A_169 : i32
          %parallel_loop3A_171 = arith.constant 0 : i32
          %parallel_loop3A_172 = arith.addi %parallel_loop3A_164, %parallel_loop3A_171 : i32
          %parallel_loop3A_173 = arith.constant 1 : i32
          %parallel_loop3A_174 = arith.addi %parallel_loop3A_172, %parallel_loop3A_173 : i32
          %parallel_loop3A_175 = arith.constant 0 : i32
          %parallel_loop3A_176 = arith.addi %parallel_loop3A_164, %parallel_loop3A_175 : i32
          %parallel_loop3A_177 = arith.constant 2 : i32
          %parallel_loop3A_178 = arith.addi %parallel_loop3A_176, %parallel_loop3A_177 : i32
          %parallel_loop3A_179 = arith.constant 0 : i32
          %parallel_loop3A_180 = arith.addi %parallel_loop3A_164, %parallel_loop3A_179 : i32
          %parallel_loop3A_181 = arith.constant 3 : i32
          %parallel_loop3A_182 = arith.addi %parallel_loop3A_180, %parallel_loop3A_181 : i32
          %parallel_loop3A_183 = arith.index_cast %parallel_loop3A_170 : i32 to index
          %parallel_loop3A_184 = arith.constant 0 : index
          %parallel_loop3A_185 = tpu.vector_load %arg10[%parallel_loop3A_183, %parallel_loop3A_184] {strides = array<i32>} : memref<512x16xi32, #tpu.memory_space<vmem>>, vector<16xi32>,
          %parallel_loop3A_186 = arith.index_cast %parallel_loop3A_174 : i32 to index
          %parallel_loop3A_187 = arith.constant 0 : index
          %parallel_loop3A_188 = tpu.vector_load %arg10[%parallel_loop3A_186, %parallel_loop3A_187] {strides = array<i32>} : memref<512x16xi32, #tpu.memory_space<vmem>>, vector<16xi32>,
          %parallel_loop3A_189 = arith.index_cast %parallel_loop3A_178 : i32 to index
          %parallel_loop3A_190 = arith.constant 0 : index
          %parallel_loop3A_191 = tpu.vector_load %arg10[%parallel_loop3A_189, %parallel_loop3A_190] {strides = array<i32>} : memref<512x16xi32, #tpu.memory_space<vmem>>, vector<16xi32>,
          %parallel_loop3A_192 = arith.index_cast %parallel_loop3A_182 : i32 to index
          %parallel_loop3A_193 = arith.constant 0 : index
          %parallel_loop3A_194 = tpu.vector_load %arg10[%parallel_loop3A_192, %parallel_loop3A_193] {strides = array<i32>} : memref<512x16xi32, #tpu.memory_space<vmem>>, vector<16xi32>,
          %parallel_loop3A_195 = arith.index_cast %parallel_loop3A_170 : i32 to index
          %parallel_loop3A_196 = arith.constant 0 : index
          %parallel_loop3A_197 = tpu.vector_load %arg12[%parallel_loop3A_195, %parallel_loop3A_196] {strides = array<i32>} : memref<512x16xi32, #tpu.memory_space<vmem>>, vector<16xi32>,
          %parallel_loop3A_198 = arith.index_cast %parallel_loop3A_174 : i32 to index
          %parallel_loop3A_199 = arith.constant 0 : index
          %parallel_loop3A_200 = tpu.vector_load %arg12[%parallel_loop3A_198, %parallel_loop3A_199] {strides = array<i32>} : memref<512x16xi32, #tpu.memory_space<vmem>>, vector<16xi32>,
          %parallel_loop3A_201 = arith.index_cast %parallel_loop3A_178 : i32 to index
          %parallel_loop3A_202 = arith.constant 0 : index
          %parallel_loop3A_203 = tpu.vector_load %arg12[%parallel_loop3A_201, %parallel_loop3A_202] {strides = array<i32>} : memref<512x16xi32, #tpu.memory_space<vmem>>, vector<16xi32>,
          %parallel_loop3A_204 = arith.index_cast %parallel_loop3A_182 : i32 to index
          %parallel_loop3A_205 = arith.constant 0 : index
          %parallel_loop3A_206 = tpu.vector_load %arg12[%parallel_loop3A_204, %parallel_loop3A_205] {strides = array<i32>} : memref<512x16xi32, #tpu.memory_space<vmem>>, vector<16xi32>,
          %parallel_loop3A_207 = vector.bitcast %parallel_loop3A_185 : vector<16xi32> to vector<32xbf16>
          %parallel_loop3A_208 = vector.bitcast %parallel_loop3A_197 : vector<16xi32> to vector<32xbf16>
          %parallel_loop3A_209 = arith.mulf %parallel_loop3A_207, %parallel_loop3A_208 : vector<32xbf16>
          %parallel_loop3A_210 = vector.bitcast %parallel_loop3A_188 : vector<16xi32> to vector<32xbf16>
          %parallel_loop3A_211 = vector.bitcast %parallel_loop3A_200 : vector<16xi32> to vector<32xbf16>
          %parallel_loop3A_212 = arith.mulf %parallel_loop3A_210, %parallel_loop3A_211 : vector<32xbf16>
          %parallel_loop3A_213 = vector.bitcast %parallel_loop3A_191 : vector<16xi32> to vector<32xbf16>
          %parallel_loop3A_214 = vector.bitcast %parallel_loop3A_203 : vector<16xi32> to vector<32xbf16>
          %parallel_loop3A_215 = arith.mulf %parallel_loop3A_213, %parallel_loop3A_214 : vector<32xbf16>
          %parallel_loop3A_216 = vector.bitcast %parallel_loop3A_194 : vector<16xi32> to vector<32xbf16>
          %parallel_loop3A_217 = vector.bitcast %parallel_loop3A_206 : vector<16xi32> to vector<32xbf16>
          %parallel_loop3A_218 = arith.mulf %parallel_loop3A_216, %parallel_loop3A_217 : vector<32xbf16>
          %parallel_loop3A_219 = tpu.unpack_subelements %parallel_loop3A_209, 0 {pack_format = #tpu.pack_format<interleaved>} : vector<32xbf16> -> vector<16xf32>
          %parallel_loop3A_220 = tpu.unpack_subelements %parallel_loop3A_209, 1 {pack_format = #tpu.pack_format<interleaved>} : vector<32xbf16> -> vector<16xf32>
          %parallel_loop3A_221 = tpu.unpack_subelements %parallel_loop3A_212, 0 {pack_format = #tpu.pack_format<interleaved>} : vector<32xbf16> -> vector<16xf32>
          %parallel_loop3A_222 = tpu.unpack_subelements %parallel_loop3A_212, 1 {pack_format = #tpu.pack_format<interleaved>} : vector<32xbf16> -> vector<16xf32>
          %parallel_loop3A_223 = tpu.unpack_subelements %parallel_loop3A_215, 0 {pack_format = #tpu.pack_format<interleaved>} : vector<32xbf16> -> vector<16xf32>
          %parallel_loop3A_224 = tpu.unpack_subelements %parallel_loop3A_215, 1 {pack_format = #tpu.pack_format<interleaved>} : vector<32xbf16> -> vector<16xf32>
          %parallel_loop3A_225 = tpu.unpack_subelements %parallel_loop3A_218, 0 {pack_format = #tpu.pack_format<interleaved>} : vector<32xbf16> -> vector<16xf32>
          %parallel_loop3A_226 = tpu.unpack_subelements %parallel_loop3A_218, 1 {pack_format = #tpu.pack_format<interleaved>} : vector<32xbf16> -> vector<16xf32>
          %parallel_loop3A_227 = arith.addf %parallel_loop3A_219, %parallel_loop3A_220 : vector<16xf32>
          %parallel_loop3A_228 = arith.constant 0 : i32
          %parallel_loop3A_229 = arith.constant 0 : i32
          %parallel_loop3A_230 = arith.constant 0 : i32
          %parallel_loop3A_231 = tpu.memref_slice %arg16[%parallel_loop3A_166, %parallel_loop3A_229, %parallel_loop3A_230] : memref<4x16x17xf32, #tpu.memory_space<vmem>> -> memref<1x16x17xf32, #tpu.memory_space<vmem>>
          %parallel_loop3A_232 = tpu.memref_squeeze %parallel_loop3A_231 : memref<1x16x17xf32, #tpu.memory_space<vmem>> -> memref<16x17xf32, #tpu.memory_space<vmem>>
          %parallel_loop3A_233 = arith.index_cast %parallel_loop3A_228 : i32 to index
          %parallel_loop3A_234 = arith.constant 0 : index
          %parallel_loop3A_235 = tpu.vector_load %parallel_loop3A_232[%parallel_loop3A_233, %parallel_loop3A_234] {strides = array<i32>} : memref<16x17xf32, #tpu.memory_space<vmem>>, vector<16xf32>,
          tpu.vector_store %parallel_loop3A_232[%parallel_loop3A_233, %parallel_loop3A_234], %parallel_loop3A_227 {strides = array<i32>} : memref<16x17xf32, #tpu.memory_space<vmem>>, vector<16xf32>,
          %parallel_loop3A_236 = arith.addf %parallel_loop3A_221, %parallel_loop3A_222 : vector<16xf32>
          %parallel_loop3A_237 = arith.constant 1 : i32
          %parallel_loop3A_238 = arith.constant 0 : i32
          %parallel_loop3A_239 = arith.constant 0 : i32
          %parallel_loop3A_240 = tpu.memref_slice %arg16[%parallel_loop3A_166, %parallel_loop3A_238, %parallel_loop3A_239] : memref<4x16x17xf32, #tpu.memory_space<vmem>> -> memref<1x16x17xf32, #tpu.memory_space<vmem>>
          %parallel_loop3A_241 = tpu.memref_squeeze %parallel_loop3A_240 : memref<1x16x17xf32, #tpu.memory_space<vmem>> -> memref<16x17xf32, #tpu.memory_space<vmem>>
          %parallel_loop3A_242 = arith.index_cast %parallel_loop3A_237 : i32 to index
          %parallel_loop3A_243 = arith.constant 0 : index
          %parallel_loop3A_244 = tpu.vector_load %parallel_loop3A_241[%parallel_loop3A_242, %parallel_loop3A_243] {strides = array<i32>} : memref<16x17xf32, #tpu.memory_space<vmem>>, vector<16xf32>,
          tpu.vector_store %parallel_loop3A_241[%parallel_loop3A_242, %parallel_loop3A_243], %parallel_loop3A_236 {strides = array<i32>} : memref<16x17xf32, #tpu.memory_space<vmem>>, vector<16xf32>,
          %parallel_loop3A_245 = arith.addf %parallel_loop3A_223, %parallel_loop3A_224 : vector<16xf32>
          %parallel_loop3A_246 = arith.constant 2 : i32
          %parallel_loop3A_247 = arith.constant 0 : i32
          %parallel_loop3A_248 = arith.constant 0 : i32
          %parallel_loop3A_249 = tpu.memref_slice %arg16[%parallel_loop3A_166, %parallel_loop3A_247, %parallel_loop3A_248] : memref<4x16x17xf32, #tpu.memory_space<vmem>> -> memref<1x16x17xf32, #tpu.memory_space<vmem>>
          %parallel_loop3A_250 = tpu.memref_squeeze %parallel_loop3A_249 : memref<1x16x17xf32, #tpu.memory_space<vmem>> -> memref<16x17xf32, #tpu.memory_space<vmem>>
          %parallel_loop3A_251 = arith.index_cast %parallel_loop3A_246 : i32 to index
          %parallel_loop3A_252 = arith.constant 0 : index
          %parallel_loop3A_253 = tpu.vector_load %parallel_loop3A_250[%parallel_loop3A_251, %parallel_loop3A_252] {strides = array<i32>} : memref<16x17xf32, #tpu.memory_space<vmem>>, vector<16xf32>,
          tpu.vector_store %parallel_loop3A_250[%parallel_loop3A_251, %parallel_loop3A_252], %parallel_loop3A_245 {strides = array<i32>} : memref<16x17xf32, #tpu.memory_space<vmem>>, vector<16xf32>,
          %parallel_loop3A_254 = arith.addf %parallel_loop3A_225, %parallel_loop3A_226 : vector<16xf32>
          %parallel_loop3A_255 = arith.constant 3 : i32
          %parallel_loop3A_256 = arith.constant 0 : i32
          %parallel_loop3A_257 = arith.constant 0 : i32
          %parallel_loop3A_258 = tpu.memref_slice %arg16[%parallel_loop3A_166, %parallel_loop3A_256, %parallel_loop3A_257] : memref<4x16x17xf32, #tpu.memory_space<vmem>> -> memref<1x16x17xf32, #tpu.memory_space<vmem>>
          %parallel_loop3A_259 = tpu.memref_squeeze %parallel_loop3A_258 : memref<1x16x17xf32, #tpu.memory_space<vmem>> -> memref<16x17xf32, #tpu.memory_space<vmem>>
          %parallel_loop3A_260 = arith.index_cast %parallel_loop3A_255 : i32 to index
          %parallel_loop3A_261 = arith.constant 0 : index
          %parallel_loop3A_262 = tpu.vector_load %parallel_loop3A_259[%parallel_loop3A_260, %parallel_loop3A_261] {strides = array<i32>} : memref<16x17xf32, #tpu.memory_space<vmem>>, vector<16xf32>,
          tpu.vector_store %parallel_loop3A_259[%parallel_loop3A_260, %parallel_loop3A_261], %parallel_loop3A_254 {strides = array<i32>} : memref<16x17xf32, #tpu.memory_space<vmem>>, vector<16xf32>,
          %parallel_loop3A_263 = arith.constant 4 : i32
          %parallel_loop3A_264 = arith.addi %parallel_loop3A_164, %parallel_loop3A_263 : i32
          %parallel_loop3A_265 = arith.constant 0 : i32
          %parallel_loop3A_266 = arith.addi %parallel_loop3A_264, %parallel_loop3A_265 : i32
          %parallel_loop3A_267 = arith.constant 4 : i32
          %parallel_loop3A_268 = arith.addi %parallel_loop3A_164, %parallel_loop3A_267 : i32
          %parallel_loop3A_269 = arith.constant 1 : i32
          %parallel_loop3A_270 = arith.addi %parallel_loop3A_268, %parallel_loop3A_269 : i32
          %parallel_loop3A_271 = arith.constant 4 : i32
          %parallel_loop3A_272 = arith.addi %parallel_loop3A_164, %parallel_loop3A_271 : i32
          %parallel_loop3A_273 = arith.constant 2 : i32
          %parallel_loop3A_274 = arith.addi %parallel_loop3A_272, %parallel_loop3A_273 : i32
          %parallel_loop3A_275 = arith.constant 4 : i32
          %parallel_loop3A_276 = arith.addi %parallel_loop3A_164, %parallel_loop3A_275 : i32
          %parallel_loop3A_277 = arith.constant 3 : i32
          %parallel_loop3A_278 = arith.addi %parallel_loop3A_276, %parallel_loop3A_277 : i32
          %parallel_loop3A_279 = arith.index_cast %parallel_loop3A_266 : i32 to index
          %parallel_loop3A_280 = arith.constant 0 : index
          %parallel_loop3A_281 = tpu.vector_load %arg10[%parallel_loop3A_279, %parallel_loop3A_280] {strides = array<i32>} : memref<512x16xi32, #tpu.memory_space<vmem>>, vector<16xi32>,
          %parallel_loop3A_282 = arith.index_cast %parallel_loop3A_270 : i32 to index
          %parallel_loop3A_283 = arith.constant 0 : index
          %parallel_loop3A_284 = tpu.vector_load %arg10[%parallel_loop3A_282, %parallel_loop3A_283] {strides = array<i32>} : memref<512x16xi32, #tpu.memory_space<vmem>>, vector<16xi32>,
          %parallel_loop3A_285 = arith.index_cast %parallel_loop3A_274 : i32 to index
          %parallel_loop3A_286 = arith.constant 0 : index
          %parallel_loop3A_287 = tpu.vector_load %arg10[%parallel_loop3A_285, %parallel_loop3A_286] {strides = array<i32>} : memref<512x16xi32, #tpu.memory_space<vmem>>, vector<16xi32>,
          %parallel_loop3A_288 = arith.index_cast %parallel_loop3A_278 : i32 to index
          %parallel_loop3A_289 = arith.constant 0 : index
          %parallel_loop3A_290 = tpu.vector_load %arg10[%parallel_loop3A_288, %parallel_loop3A_289] {strides = array<i32>} : memref<512x16xi32, #tpu.memory_space<vmem>>, vector<16xi32>,
          %parallel_loop3A_291 = arith.index_cast %parallel_loop3A_266 : i32 to index
          %parallel_loop3A_292 = arith.constant 0 : index
          %parallel_loop3A_293 = tpu.vector_load %arg12[%parallel_loop3A_291, %parallel_loop3A_292] {strides = array<i32>} : memref<512x16xi32, #tpu.memory_space<vmem>>, vector<16xi32>,
          %parallel_loop3A_294 = arith.index_cast %parallel_loop3A_270 : i32 to index
          %parallel_loop3A_295 = arith.constant 0 : index
          %parallel_loop3A_296 = tpu.vector_load %arg12[%parallel_loop3A_294, %parallel_loop3A_295] {strides = array<i32>} : memref<512x16xi32, #tpu.memory_space<vmem>>, vector<16xi32>,
          %parallel_loop3A_297 = arith.index_cast %parallel_loop3A_274 : i32 to index
          %parallel_loop3A_298 = arith.constant 0 : index
          %parallel_loop3A_299 = tpu.vector_load %arg12[%parallel_loop3A_297, %parallel_loop3A_298] {strides = array<i32>} : memref<512x16xi32, #tpu.memory_space<vmem>>, vector<16xi32>,
          %parallel_loop3A_300 = arith.index_cast %parallel_loop3A_278 : i32 to index
          %parallel_loop3A_301 = arith.constant 0 : index
          %parallel_loop3A_302 = tpu.vector_load %arg12[%parallel_loop3A_300, %parallel_loop3A_301] {strides = array<i32>} : memref<512x16xi32, #tpu.memory_space<vmem>>, vector<16xi32>,
          %parallel_loop3A_303 = vector.bitcast %parallel_loop3A_281 : vector<16xi32> to vector<32xbf16>
          %parallel_loop3A_304 = vector.bitcast %parallel_loop3A_293 : vector<16xi32> to vector<32xbf16>
          %parallel_loop3A_305 = arith.mulf %parallel_loop3A_303, %parallel_loop3A_304 : vector<32xbf16>
          %parallel_loop3A_306 = vector.bitcast %parallel_loop3A_284 : vector<16xi32> to vector<32xbf16>
          %parallel_loop3A_307 = vector.bitcast %parallel_loop3A_296 : vector<16xi32> to vector<32xbf16>
          %parallel_loop3A_308 = arith.mulf %parallel_loop3A_306, %parallel_loop3A_307 : vector<32xbf16>
          %parallel_loop3A_309 = vector.bitcast %parallel_loop3A_287 : vector<16xi32> to vector<32xbf16>
          %parallel_loop3A_310 = vector.bitcast %parallel_loop3A_299 : vector<16xi32> to vector<32xbf16>
          %parallel_loop3A_311 = arith.mulf %parallel_loop3A_309, %parallel_loop3A_310 : vector<32xbf16>
          %parallel_loop3A_312 = vector.bitcast %parallel_loop3A_290 : vector<16xi32> to vector<32xbf16>
          %parallel_loop3A_313 = vector.bitcast %parallel_loop3A_302 : vector<16xi32> to vector<32xbf16>
          %parallel_loop3A_314 = arith.mulf %parallel_loop3A_312, %parallel_loop3A_313 : vector<32xbf16>
          %parallel_loop3A_315 = tpu.unpack_subelements %parallel_loop3A_305, 0 {pack_format = #tpu.pack_format<interleaved>} : vector<32xbf16> -> vector<16xf32>
          %parallel_loop3A_316 = tpu.unpack_subelements %parallel_loop3A_305, 1 {pack_format = #tpu.pack_format<interleaved>} : vector<32xbf16> -> vector<16xf32>
          %parallel_loop3A_317 = tpu.unpack_subelements %parallel_loop3A_308, 0 {pack_format = #tpu.pack_format<interleaved>} : vector<32xbf16> -> vector<16xf32>
          %parallel_loop3A_318 = tpu.unpack_subelements %parallel_loop3A_308, 1 {pack_format = #tpu.pack_format<interleaved>} : vector<32xbf16> -> vector<16xf32>
          %parallel_loop3A_319 = tpu.unpack_subelements %parallel_loop3A_311, 0 {pack_format = #tpu.pack_format<interleaved>} : vector<32xbf16> -> vector<16xf32>
          %parallel_loop3A_320 = tpu.unpack_subelements %parallel_loop3A_311, 1 {pack_format = #tpu.pack_format<interleaved>} : vector<32xbf16> -> vector<16xf32>
          %parallel_loop3A_321 = tpu.unpack_subelements %parallel_loop3A_314, 0 {pack_format = #tpu.pack_format<interleaved>} : vector<32xbf16> -> vector<16xf32>
          %parallel_loop3A_322 = tpu.unpack_subelements %parallel_loop3A_314, 1 {pack_format = #tpu.pack_format<interleaved>} : vector<32xbf16> -> vector<16xf32>
          %parallel_loop3A_323 = arith.addf %parallel_loop3A_315, %parallel_loop3A_316 : vector<16xf32>
          %parallel_loop3A_324 = arith.constant 4 : i32
          %parallel_loop3A_325 = arith.constant 0 : i32
          %parallel_loop3A_326 = arith.constant 0 : i32
          %parallel_loop3A_327 = tpu.memref_slice %arg16[%parallel_loop3A_166, %parallel_loop3A_325, %parallel_loop3A_326] : memref<4x16x17xf32, #tpu.memory_space<vmem>> -> memref<1x16x17xf32, #tpu.memory_space<vmem>>
          %parallel_loop3A_328 = tpu.memref_squeeze %parallel_loop3A_327 : memref<1x16x17xf32, #tpu.memory_space<vmem>> -> memref<16x17xf32, #tpu.memory_space<vmem>>
          %parallel_loop3A_329 = arith.index_cast %parallel_loop3A_324 : i32 to index
          %parallel_loop3A_330 = arith.constant 0 : index
          %parallel_loop3A_331 = tpu.vector_load %parallel_loop3A_328[%parallel_loop3A_329, %parallel_loop3A_330] {strides = array<i32>} : memref<16x17xf32, #tpu.memory_space<vmem>>, vector<16xf32>,
          tpu.vector_store %parallel_loop3A_328[%parallel_loop3A_329, %parallel_loop3A_330], %parallel_loop3A_323 {strides = array<i32>} : memref<16x17xf32, #tpu.memory_space<vmem>>, vector<16xf32>,
          %parallel_loop3A_332 = arith.addf %parallel_loop3A_317, %parallel_loop3A_318 : vector<16xf32>
          %parallel_loop3A_333 = arith.constant 5 : i32
          %parallel_loop3A_334 = arith.constant 0 : i32
          %parallel_loop3A_335 = arith.constant 0 : i32
          %parallel_loop3A_336 = tpu.memref_slice %arg16[%parallel_loop3A_166, %parallel_loop3A_334, %parallel_loop3A_335] : memref<4x16x17xf32, #tpu.memory_space<vmem>> -> memref<1x16x17xf32, #tpu.memory_space<vmem>>
          %parallel_loop3A_337 = tpu.memref_squeeze %parallel_loop3A_336 : memref<1x16x17xf32, #tpu.memory_space<vmem>> -> memref<16x17xf32, #tpu.memory_space<vmem>>
          %parallel_loop3A_338 = arith.index_cast %parallel_loop3A_333 : i32 to index
          %parallel_loop3A_339 = arith.constant 0 : index
          %parallel_loop3A_340 = tpu.vector_load %parallel_loop3A_337[%parallel_loop3A_338, %parallel_loop3A_339] {strides = array<i32>} : memref<16x17xf32, #tpu.memory_space<vmem>>, vector<16xf32>,
          tpu.vector_store %parallel_loop3A_337[%parallel_loop3A_338, %parallel_loop3A_339], %parallel_loop3A_332 {strides = array<i32>} : memref<16x17xf32, #tpu.memory_space<vmem>>, vector<16xf32>,
          %parallel_loop3A_341 = arith.addf %parallel_loop3A_319, %parallel_loop3A_320 : vector<16xf32>
          %parallel_loop3A_342 = arith.constant 6 : i32
          %parallel_loop3A_343 = arith.constant 0 : i32
          %parallel_loop3A_344 = arith.constant 0 : i32
          %parallel_loop3A_345 = tpu.memref_slice %arg16[%parallel_loop3A_166, %parallel_loop3A_343, %parallel_loop3A_344] : memref<4x16x17xf32, #tpu.memory_space<vmem>> -> memref<1x16x17xf32, #tpu.memory_space<vmem>>
          %parallel_loop3A_346 = tpu.memref_squeeze %parallel_loop3A_345 : memref<1x16x17xf32, #tpu.memory_space<vmem>> -> memref<16x17xf32, #tpu.memory_space<vmem>>
          %parallel_loop3A_347 = arith.index_cast %parallel_loop3A_342 : i32 to index
          %parallel_loop3A_348 = arith.constant 0 : index
          %parallel_loop3A_349 = tpu.vector_load %parallel_loop3A_346[%parallel_loop3A_347, %parallel_loop3A_348] {strides = array<i32>} : memref<16x17xf32, #tpu.memory_space<vmem>>, vector<16xf32>,
          tpu.vector_store %parallel_loop3A_346[%parallel_loop3A_347, %parallel_loop3A_348], %parallel_loop3A_341 {strides = array<i32>} : memref<16x17xf32, #tpu.memory_space<vmem>>, vector<16xf32>,
          %parallel_loop3A_350 = arith.addf %parallel_loop3A_321, %parallel_loop3A_322 : vector<16xf32>
          %parallel_loop3A_351 = arith.constant 7 : i32
          %parallel_loop3A_352 = arith.constant 0 : i32
          %parallel_loop3A_353 = arith.constant 0 : i32
          %parallel_loop3A_354 = tpu.memref_slice %arg16[%parallel_loop3A_166, %parallel_loop3A_352, %parallel_loop3A_353] : memref<4x16x17xf32, #tpu.memory_space<vmem>> -> memref<1x16x17xf32, #tpu.memory_space<vmem>>
          %parallel_loop3A_355 = tpu.memref_squeeze %parallel_loop3A_354 : memref<1x16x17xf32, #tpu.memory_space<vmem>> -> memref<16x17xf32, #tpu.memory_space<vmem>>
          %parallel_loop3A_356 = arith.index_cast %parallel_loop3A_351 : i32 to index
          %parallel_loop3A_357 = arith.constant 0 : index
          %parallel_loop3A_358 = tpu.vector_load %parallel_loop3A_355[%parallel_loop3A_356, %parallel_loop3A_357] {strides = array<i32>} : memref<16x17xf32, #tpu.memory_space<vmem>>, vector<16xf32>,
          tpu.vector_store %parallel_loop3A_355[%parallel_loop3A_356, %parallel_loop3A_357], %parallel_loop3A_350 {strides = array<i32>} : memref<16x17xf32, #tpu.memory_space<vmem>>, vector<16xf32>,
          %parallel_loop3A_359 = arith.constant 8 : i32
          %parallel_loop3A_360 = arith.addi %parallel_loop3A_164, %parallel_loop3A_359 : i32
          %parallel_loop3A_361 = arith.constant 0 : i32
          %parallel_loop3A_362 = arith.addi %parallel_loop3A_360, %parallel_loop3A_361 : i32
          %parallel_loop3A_363 = arith.constant 8 : i32
          %parallel_loop3A_364 = arith.addi %parallel_loop3A_164, %parallel_loop3A_363 : i32
          %parallel_loop3A_365 = arith.constant 1 : i32
          %parallel_loop3A_366 = arith.addi %parallel_loop3A_364, %parallel_loop3A_365 : i32
          %parallel_loop3A_367 = arith.constant 8 : i32
          %parallel_loop3A_368 = arith.addi %parallel_loop3A_164, %parallel_loop3A_367 : i32
          %parallel_loop3A_369 = arith.constant 2 : i32
          %parallel_loop3A_370 = arith.addi %parallel_loop3A_368, %parallel_loop3A_369 : i32
          %parallel_loop3A_371 = arith.constant 8 : i32
          %parallel_loop3A_372 = arith.addi %parallel_loop3A_164, %parallel_loop3A_371 : i32
          %parallel_loop3A_373 = arith.constant 3 : i32
          %parallel_loop3A_374 = arith.addi %parallel_loop3A_372, %parallel_loop3A_373 : i32
          %parallel_loop3A_375 = arith.index_cast %parallel_loop3A_362 : i32 to index
          %parallel_loop3A_376 = arith.constant 0 : index
          %parallel_loop3A_377 = tpu.vector_load %arg10[%parallel_loop3A_375, %parallel_loop3A_376] {strides = array<i32>} : memref<512x16xi32, #tpu.memory_space<vmem>>, vector<16xi32>,
          %parallel_loop3A_378 = arith.index_cast %parallel_loop3A_366 : i32 to index
          %parallel_loop3A_379 = arith.constant 0 : index
          %parallel_loop3A_380 = tpu.vector_load %arg10[%parallel_loop3A_378, %parallel_loop3A_379] {strides = array<i32>} : memref<512x16xi32, #tpu.memory_space<vmem>>, vector<16xi32>,
          %parallel_loop3A_381 = arith.index_cast %parallel_loop3A_370 : i32 to index
          %parallel_loop3A_382 = arith.constant 0 : index
          %parallel_loop3A_383 = tpu.vector_load %arg10[%parallel_loop3A_381, %parallel_loop3A_382] {strides = array<i32>} : memref<512x16xi32, #tpu.memory_space<vmem>>, vector<16xi32>,
          %parallel_loop3A_384 = arith.index_cast %parallel_loop3A_374 : i32 to index
          %parallel_loop3A_385 = arith.constant 0 : index
          %parallel_loop3A_386 = tpu.vector_load %arg10[%parallel_loop3A_384, %parallel_loop3A_385] {strides = array<i32>} : memref<512x16xi32, #tpu.memory_space<vmem>>, vector<16xi32>,
          %parallel_loop3A_387 = arith.index_cast %parallel_loop3A_362 : i32 to index
          %parallel_loop3A_388 = arith.constant 0 : index
          %parallel_loop3A_389 = tpu.vector_load %arg12[%parallel_loop3A_387, %parallel_loop3A_388] {strides = array<i32>} : memref<512x16xi32, #tpu.memory_space<vmem>>, vector<16xi32>,
          %parallel_loop3A_390 = arith.index_cast %parallel_loop3A_366 : i32 to index
          %parallel_loop3A_391 = arith.constant 0 : index
          %parallel_loop3A_392 = tpu.vector_load %arg12[%parallel_loop3A_390, %parallel_loop3A_391] {strides = array<i32>} : memref<512x16xi32, #tpu.memory_space<vmem>>, vector<16xi32>,
          %parallel_loop3A_393 = arith.index_cast %parallel_loop3A_370 : i32 to index
          %parallel_loop3A_394 = arith.constant 0 : index
          %parallel_loop3A_395 = tpu.vector_load %arg12[%parallel_loop3A_393, %parallel_loop3A_394] {strides = array<i32>} : memref<512x16xi32, #tpu.memory_space<vmem>>, vector<16xi32>,
          %parallel_loop3A_396 = arith.index_cast %parallel_loop3A_374 : i32 to index
          %parallel_loop3A_397 = arith.constant 0 : index
          %parallel_loop3A_398 = tpu.vector_load %arg12[%parallel_loop3A_396, %parallel_loop3A_397] {strides = array<i32>} : memref<512x16xi32, #tpu.memory_space<vmem>>, vector<16xi32>,
          %parallel_loop3A_399 = vector.bitcast %parallel_loop3A_377 : vector<16xi32> to vector<32xbf16>
          %parallel_loop3A_400 = vector.bitcast %parallel_loop3A_389 : vector<16xi32> to vector<32xbf16>
          %parallel_loop3A_401 = arith.mulf %parallel_loop3A_399, %parallel_loop3A_400 : vector<32xbf16>
          %parallel_loop3A_402 = vector.bitcast %parallel_loop3A_380 : vector<16xi32> to vector<32xbf16>
          %parallel_loop3A_403 = vector.bitcast %parallel_loop3A_392 : vector<16xi32> to vector<32xbf16>
          %parallel_loop3A_404 = arith.mulf %parallel_loop3A_402, %parallel_loop3A_403 : vector<32xbf16>
          %parallel_loop3A_405 = vector.bitcast %parallel_loop3A_383 : vector<16xi32> to vector<32xbf16>
          %parallel_loop3A_406 = vector.bitcast %parallel_loop3A_395 : vector<16xi32> to vector<32xbf16>
          %parallel_loop3A_407 = arith.mulf %parallel_loop3A_405, %parallel_loop3A_406 : vector<32xbf16>
          %parallel_loop3A_408 = vector.bitcast %parallel_loop3A_386 : vector<16xi32> to vector<32xbf16>
          %parallel_loop3A_409 = vector.bitcast %parallel_loop3A_398 : vector<16xi32> to vector<32xbf16>
          %parallel_loop3A_410 = arith.mulf %parallel_loop3A_408, %parallel_loop3A_409 : vector<32xbf16>
          %parallel_loop3A_411 = tpu.unpack_subelements %parallel_loop3A_401, 0 {pack_format = #tpu.pack_format<interleaved>} : vector<32xbf16> -> vector<16xf32>
          %parallel_loop3A_412 = tpu.unpack_subelements %parallel_loop3A_401, 1 {pack_format = #tpu.pack_format<interleaved>} : vector<32xbf16> -> vector<16xf32>
          %parallel_loop3A_413 = tpu.unpack_subelements %parallel_loop3A_404, 0 {pack_format = #tpu.pack_format<interleaved>} : vector<32xbf16> -> vector<16xf32>
          %parallel_loop3A_414 = tpu.unpack_subelements %parallel_loop3A_404, 1 {pack_format = #tpu.pack_format<interleaved>} : vector<32xbf16> -> vector<16xf32>
          %parallel_loop3A_415 = tpu.unpack_subelements %parallel_loop3A_407, 0 {pack_format = #tpu.pack_format<interleaved>} : vector<32xbf16> -> vector<16xf32>
          %parallel_loop3A_416 = tpu.unpack_subelements %parallel_loop3A_407, 1 {pack_format = #tpu.pack_format<interleaved>} : vector<32xbf16> -> vector<16xf32>
          %parallel_loop3A_417 = tpu.unpack_subelements %parallel_loop3A_410, 0 {pack_format = #tpu.pack_format<interleaved>} : vector<32xbf16> -> vector<16xf32>
          %parallel_loop3A_418 = tpu.unpack_subelements %parallel_loop3A_410, 1 {pack_format = #tpu.pack_format<interleaved>} : vector<32xbf16> -> vector<16xf32>
          %parallel_loop3A_419 = arith.addf %parallel_loop3A_411, %parallel_loop3A_412 : vector<16xf32>
          %parallel_loop3A_420 = arith.constant 8 : i32
          %parallel_loop3A_421 = arith.constant 0 : i32
          %parallel_loop3A_422 = arith.constant 0 : i32
          %parallel_loop3A_423 = tpu.memref_slice %arg16[%parallel_loop3A_166, %parallel_loop3A_421, %parallel_loop3A_422] : memref<4x16x17xf32, #tpu.memory_space<vmem>> -> memref<1x16x17xf32, #tpu.memory_space<vmem>>
          %parallel_loop3A_424 = tpu.memref_squeeze %parallel_loop3A_423 : memref<1x16x17xf32, #tpu.memory_space<vmem>> -> memref<16x17xf32, #tpu.memory_space<vmem>>
          %parallel_loop3A_425 = arith.index_cast %parallel_loop3A_420 : i32 to index
          %parallel_loop3A_426 = arith.constant 0 : index
          %parallel_loop3A_427 = tpu.vector_load %parallel_loop3A_424[%parallel_loop3A_425, %parallel_loop3A_426] {strides = array<i32>} : memref<16x17xf32, #tpu.memory_space<vmem>>, vector<16xf32>,
          tpu.vector_store %parallel_loop3A_424[%parallel_loop3A_425, %parallel_loop3A_426], %parallel_loop3A_419 {strides = array<i32>} : memref<16x17xf32, #tpu.memory_space<vmem>>, vector<16xf32>,
          %parallel_loop3A_428 = arith.addf %parallel_loop3A_413, %parallel_loop3A_414 : vector<16xf32>
          %parallel_loop3A_429 = arith.constant 9 : i32
          %parallel_loop3A_430 = arith.constant 0 : i32
          %parallel_loop3A_431 = arith.constant 0 : i32
          %parallel_loop3A_432 = tpu.memref_slice %arg16[%parallel_loop3A_166, %parallel_loop3A_430, %parallel_loop3A_431] : memref<4x16x17xf32, #tpu.memory_space<vmem>> -> memref<1x16x17xf32, #tpu.memory_space<vmem>>
          %parallel_loop3A_433 = tpu.memref_squeeze %parallel_loop3A_432 : memref<1x16x17xf32, #tpu.memory_space<vmem>> -> memref<16x17xf32, #tpu.memory_space<vmem>>
          %parallel_loop3A_434 = arith.index_cast %parallel_loop3A_429 : i32 to index
          %parallel_loop3A_435 = arith.constant 0 : index
          %parallel_loop3A_436 = tpu.vector_load %parallel_loop3A_433[%parallel_loop3A_434, %parallel_loop3A_435] {strides = array<i32>} : memref<16x17xf32, #tpu.memory_space<vmem>>, vector<16xf32>,
          tpu.vector_store %parallel_loop3A_433[%parallel_loop3A_434, %parallel_loop3A_435], %parallel_loop3A_428 {strides = array<i32>} : memref<16x17xf32, #tpu.memory_space<vmem>>, vector<16xf32>,
          %parallel_loop3A_437 = arith.addf %parallel_loop3A_415, %parallel_loop3A_416 : vector<16xf32>
          %parallel_loop3A_438 = arith.constant 10 : i32
          %parallel_loop3A_439 = arith.constant 0 : i32
          %parallel_loop3A_440 = arith.constant 0 : i32
          %parallel_loop3A_441 = tpu.memref_slice %arg16[%parallel_loop3A_166, %parallel_loop3A_439, %parallel_loop3A_440] : memref<4x16x17xf32, #tpu.memory_space<vmem>> -> memref<1x16x17xf32, #tpu.memory_space<vmem>>
          %parallel_loop3A_442 = tpu.memref_squeeze %parallel_loop3A_441 : memref<1x16x17xf32, #tpu.memory_space<vmem>> -> memref<16x17xf32, #tpu.memory_space<vmem>>
          %parallel_loop3A_443 = arith.index_cast %parallel_loop3A_438 : i32 to index
          %parallel_loop3A_444 = arith.constant 0 : index
          %parallel_loop3A_445 = tpu.vector_load %parallel_loop3A_442[%parallel_loop3A_443, %parallel_loop3A_444] {strides = array<i32>} : memref<16x17xf32, #tpu.memory_space<vmem>>, vector<16xf32>,
          tpu.vector_store %parallel_loop3A_442[%parallel_loop3A_443, %parallel_loop3A_444], %parallel_loop3A_437 {strides = array<i32>} : memref<16x17xf32, #tpu.memory_space<vmem>>, vector<16xf32>,
          %parallel_loop3A_446 = arith.addf %parallel_loop3A_417, %parallel_loop3A_418 : vector<16xf32>
          %parallel_loop3A_447 = arith.constant 11 : i32
          %parallel_loop3A_448 = arith.constant 0 : i32
          %parallel_loop3A_449 = arith.constant 0 : i32
          %parallel_loop3A_450 = tpu.memref_slice %arg16[%parallel_loop3A_166, %parallel_loop3A_448, %parallel_loop3A_449] : memref<4x16x17xf32, #tpu.memory_space<vmem>> -> memref<1x16x17xf32, #tpu.memory_space<vmem>>
          %parallel_loop3A_451 = tpu.memref_squeeze %parallel_loop3A_450 : memref<1x16x17xf32, #tpu.memory_space<vmem>> -> memref<16x17xf32, #tpu.memory_space<vmem>>
          %parallel_loop3A_452 = arith.index_cast %parallel_loop3A_447 : i32 to index
          %parallel_loop3A_453 = arith.constant 0 : index
          %parallel_loop3A_454 = tpu.vector_load %parallel_loop3A_451[%parallel_loop3A_452, %parallel_loop3A_453] {strides = array<i32>} : memref<16x17xf32, #tpu.memory_space<vmem>>, vector<16xf32>,
          tpu.vector_store %parallel_loop3A_451[%parallel_loop3A_452, %parallel_loop3A_453], %parallel_loop3A_446 {strides = array<i32>} : memref<16x17xf32, #tpu.memory_space<vmem>>, vector<16xf32>,
          %parallel_loop3A_455 = arith.constant 12 : i32
          %parallel_loop3A_456 = arith.addi %parallel_loop3A_164, %parallel_loop3A_455 : i32
          %parallel_loop3A_457 = arith.constant 0 : i32
          %parallel_loop3A_458 = arith.addi %parallel_loop3A_456, %parallel_loop3A_457 : i32
          %parallel_loop3A_459 = arith.constant 12 : i32
          %parallel_loop3A_460 = arith.addi %parallel_loop3A_164, %parallel_loop3A_459 : i32
          %parallel_loop3A_461 = arith.constant 1 : i32
          %parallel_loop3A_462 = arith.addi %parallel_loop3A_460, %parallel_loop3A_461 : i32
          %parallel_loop3A_463 = arith.constant 12 : i32
          %parallel_loop3A_464 = arith.addi %parallel_loop3A_164, %parallel_loop3A_463 : i32
          %parallel_loop3A_465 = arith.constant 2 : i32
          %parallel_loop3A_466 = arith.addi %parallel_loop3A_464, %parallel_loop3A_465 : i32
          %parallel_loop3A_467 = arith.constant 12 : i32
          %parallel_loop3A_468 = arith.addi %parallel_loop3A_164, %parallel_loop3A_467 : i32
          %parallel_loop3A_469 = arith.constant 3 : i32
          %parallel_loop3A_470 = arith.addi %parallel_loop3A_468, %parallel_loop3A_469 : i32
          %parallel_loop3A_471 = arith.index_cast %parallel_loop3A_458 : i32 to index
          %parallel_loop3A_472 = arith.constant 0 : index
          %parallel_loop3A_473 = tpu.vector_load %arg10[%parallel_loop3A_471, %parallel_loop3A_472] {strides = array<i32>} : memref<512x16xi32, #tpu.memory_space<vmem>>, vector<16xi32>,
          %parallel_loop3A_474 = arith.index_cast %parallel_loop3A_462 : i32 to index
          %parallel_loop3A_475 = arith.constant 0 : index
          %parallel_loop3A_476 = tpu.vector_load %arg10[%parallel_loop3A_474, %parallel_loop3A_475] {strides = array<i32>} : memref<512x16xi32, #tpu.memory_space<vmem>>, vector<16xi32>,
          %parallel_loop3A_477 = arith.index_cast %parallel_loop3A_466 : i32 to index
          %parallel_loop3A_478 = arith.constant 0 : index
          %parallel_loop3A_479 = tpu.vector_load %arg10[%parallel_loop3A_477, %parallel_loop3A_478] {strides = array<i32>} : memref<512x16xi32, #tpu.memory_space<vmem>>, vector<16xi32>,
          %parallel_loop3A_480 = arith.index_cast %parallel_loop3A_470 : i32 to index
          %parallel_loop3A_481 = arith.constant 0 : index
          %parallel_loop3A_482 = tpu.vector_load %arg10[%parallel_loop3A_480, %parallel_loop3A_481] {strides = array<i32>} : memref<512x16xi32, #tpu.memory_space<vmem>>, vector<16xi32>,
          %parallel_loop3A_483 = arith.index_cast %parallel_loop3A_458 : i32 to index
          %parallel_loop3A_484 = arith.constant 0 : index
          %parallel_loop3A_485 = tpu.vector_load %arg12[%parallel_loop3A_483, %parallel_loop3A_484] {strides = array<i32>} : memref<512x16xi32, #tpu.memory_space<vmem>>, vector<16xi32>,
          %parallel_loop3A_486 = arith.index_cast %parallel_loop3A_462 : i32 to index
          %parallel_loop3A_487 = arith.constant 0 : index
          %parallel_loop3A_488 = tpu.vector_load %arg12[%parallel_loop3A_486, %parallel_loop3A_487] {strides = array<i32>} : memref<512x16xi32, #tpu.memory_space<vmem>>, vector<16xi32>,
          %parallel_loop3A_489 = arith.index_cast %parallel_loop3A_466 : i32 to index
          %parallel_loop3A_490 = arith.constant 0 : index
          %parallel_loop3A_491 = tpu.vector_load %arg12[%parallel_loop3A_489, %parallel_loop3A_490] {strides = array<i32>} : memref<512x16xi32, #tpu.memory_space<vmem>>, vector<16xi32>,
          %parallel_loop3A_492 = arith.index_cast %parallel_loop3A_470 : i32 to index
          %parallel_loop3A_493 = arith.constant 0 : index
          %parallel_loop3A_494 = tpu.vector_load %arg12[%parallel_loop3A_492, %parallel_loop3A_493] {strides = array<i32>} : memref<512x16xi32, #tpu.memory_space<vmem>>, vector<16xi32>,
          %parallel_loop3A_495 = vector.bitcast %parallel_loop3A_473 : vector<16xi32> to vector<32xbf16>
          %parallel_loop3A_496 = vector.bitcast %parallel_loop3A_485 : vector<16xi32> to vector<32xbf16>
          %parallel_loop3A_497 = arith.mulf %parallel_loop3A_495, %parallel_loop3A_496 : vector<32xbf16>
          %parallel_loop3A_498 = vector.bitcast %parallel_loop3A_476 : vector<16xi32> to vector<32xbf16>
          %parallel_loop3A_499 = vector.bitcast %parallel_loop3A_488 : vector<16xi32> to vector<32xbf16>
          %parallel_loop3A_500 = arith.mulf %parallel_loop3A_498, %parallel_loop3A_499 : vector<32xbf16>
          %parallel_loop3A_501 = vector.bitcast %parallel_loop3A_479 : vector<16xi32> to vector<32xbf16>
          %parallel_loop3A_502 = vector.bitcast %parallel_loop3A_491 : vector<16xi32> to vector<32xbf16>
          %parallel_loop3A_503 = arith.mulf %parallel_loop3A_501, %parallel_loop3A_502 : vector<32xbf16>
          %parallel_loop3A_504 = vector.bitcast %parallel_loop3A_482 : vector<16xi32> to vector<32xbf16>
          %parallel_loop3A_505 = vector.bitcast %parallel_loop3A_494 : vector<16xi32> to vector<32xbf16>
          %parallel_loop3A_506 = arith.mulf %parallel_loop3A_504, %parallel_loop3A_505 : vector<32xbf16>
          %parallel_loop3A_507 = tpu.unpack_subelements %parallel_loop3A_497, 0 {pack_format = #tpu.pack_format<interleaved>} : vector<32xbf16> -> vector<16xf32>
          %parallel_loop3A_508 = tpu.unpack_subelements %parallel_loop3A_497, 1 {pack_format = #tpu.pack_format<interleaved>} : vector<32xbf16> -> vector<16xf32>
          %parallel_loop3A_509 = tpu.unpack_subelements %parallel_loop3A_500, 0 {pack_format = #tpu.pack_format<interleaved>} : vector<32xbf16> -> vector<16xf32>
          %parallel_loop3A_510 = tpu.unpack_subelements %parallel_loop3A_500, 1 {pack_format = #tpu.pack_format<interleaved>} : vector<32xbf16> -> vector<16xf32>
          %parallel_loop3A_511 = tpu.unpack_subelements %parallel_loop3A_503, 0 {pack_format = #tpu.pack_format<interleaved>} : vector<32xbf16> -> vector<16xf32>
          %parallel_loop3A_512 = tpu.unpack_subelements %parallel_loop3A_503, 1 {pack_format = #tpu.pack_format<interleaved>} : vector<32xbf16> -> vector<16xf32>
          %parallel_loop3A_513 = tpu.unpack_subelements %parallel_loop3A_506, 0 {pack_format = #tpu.pack_format<interleaved>} : vector<32xbf16> -> vector<16xf32>
          %parallel_loop3A_514 = tpu.unpack_subelements %parallel_loop3A_506, 1 {pack_format = #tpu.pack_format<interleaved>} : vector<32xbf16> -> vector<16xf32>
          %parallel_loop3A_515 = arith.addf %parallel_loop3A_507, %parallel_loop3A_508 : vector<16xf32>
          %parallel_loop3A_516 = arith.constant 12 : i32
          %parallel_loop3A_517 = arith.constant 0 : i32
          %parallel_loop3A_518 = arith.constant 0 : i32
          %parallel_loop3A_519 = tpu.memref_slice %arg16[%parallel_loop3A_166, %parallel_loop3A_517, %parallel_loop3A_518] : memref<4x16x17xf32, #tpu.memory_space<vmem>> -> memref<1x16x17xf32, #tpu.memory_space<vmem>>
          %parallel_loop3A_520 = tpu.memref_squeeze %parallel_loop3A_519 : memref<1x16x17xf32, #tpu.memory_space<vmem>> -> memref<16x17xf32, #tpu.memory_space<vmem>>
          %parallel_loop3A_521 = arith.index_cast %parallel_loop3A_516 : i32 to index
          %parallel_loop3A_522 = arith.constant 0 : index
          %parallel_loop3A_523 = tpu.vector_load %parallel_loop3A_520[%parallel_loop3A_521, %parallel_loop3A_522] {strides = array<i32>} : memref<16x17xf32, #tpu.memory_space<vmem>>, vector<16xf32>,
          tpu.vector_store %parallel_loop3A_520[%parallel_loop3A_521, %parallel_loop3A_522], %parallel_loop3A_515 {strides = array<i32>} : memref<16x17xf32, #tpu.memory_space<vmem>>, vector<16xf32>,
          %parallel_loop3A_524 = arith.addf %parallel_loop3A_509, %parallel_loop3A_510 : vector<16xf32>
          %parallel_loop3A_525 = arith.constant 13 : i32
          %parallel_loop3A_526 = arith.constant 0 : i32
          %parallel_loop3A_527 = arith.constant 0 : i32
          %parallel_loop3A_528 = tpu.memref_slice %arg16[%parallel_loop3A_166, %parallel_loop3A_526, %parallel_loop3A_527] : memref<4x16x17xf32, #tpu.memory_space<vmem>> -> memref<1x16x17xf32, #tpu.memory_space<vmem>>
          %parallel_loop3A_529 = tpu.memref_squeeze %parallel_loop3A_528 : memref<1x16x17xf32, #tpu.memory_space<vmem>> -> memref<16x17xf32, #tpu.memory_space<vmem>>
          %parallel_loop3A_530 = arith.index_cast %parallel_loop3A_525 : i32 to index
          %parallel_loop3A_531 = arith.constant 0 : index
          %parallel_loop3A_532 = tpu.vector_load %parallel_loop3A_529[%parallel_loop3A_530, %parallel_loop3A_531] {strides = array<i32>} : memref<16x17xf32, #tpu.memory_space<vmem>>, vector<16xf32>,
          tpu.vector_store %parallel_loop3A_529[%parallel_loop3A_530, %parallel_loop3A_531], %parallel_loop3A_524 {strides = array<i32>} : memref<16x17xf32, #tpu.memory_space<vmem>>, vector<16xf32>,
          %parallel_loop3A_533 = arith.addf %parallel_loop3A_511, %parallel_loop3A_512 : vector<16xf32>
          %parallel_loop3A_534 = arith.constant 14 : i32
          %parallel_loop3A_535 = arith.constant 0 : i32
          %parallel_loop3A_536 = arith.constant 0 : i32
          %parallel_loop3A_537 = tpu.memref_slice %arg16[%parallel_loop3A_166, %parallel_loop3A_535, %parallel_loop3A_536] : memref<4x16x17xf32, #tpu.memory_space<vmem>> -> memref<1x16x17xf32, #tpu.memory_space<vmem>>
          %parallel_loop3A_538 = tpu.memref_squeeze %parallel_loop3A_537 : memref<1x16x17xf32, #tpu.memory_space<vmem>> -> memref<16x17xf32, #tpu.memory_space<vmem>>
          %parallel_loop3A_539 = arith.index_cast %parallel_loop3A_534 : i32 to index
          %parallel_loop3A_540 = arith.constant 0 : index
          %parallel_loop3A_541 = tpu.vector_load %parallel_loop3A_538[%parallel_loop3A_539, %parallel_loop3A_540] {strides = array<i32>} : memref<16x17xf32, #tpu.memory_space<vmem>>, vector<16xf32>,
          tpu.vector_store %parallel_loop3A_538[%parallel_loop3A_539, %parallel_loop3A_540], %parallel_loop3A_533 {strides = array<i32>} : memref<16x17xf32, #tpu.memory_space<vmem>>, vector<16xf32>,
          %parallel_loop3A_542 = arith.addf %parallel_loop3A_513, %parallel_loop3A_514 : vector<16xf32>
          %parallel_loop3A_543 = arith.constant 15 : i32
          %parallel_loop3A_544 = arith.constant 0 : i32
          %parallel_loop3A_545 = arith.constant 0 : i32
          %parallel_loop3A_546 = tpu.memref_slice %arg16[%parallel_loop3A_166, %parallel_loop3A_544, %parallel_loop3A_545] : memref<4x16x17xf32, #tpu.memory_space<vmem>> -> memref<1x16x17xf32, #tpu.memory_space<vmem>>
          %parallel_loop3A_547 = tpu.memref_squeeze %parallel_loop3A_546 : memref<1x16x17xf32, #tpu.memory_space<vmem>> -> memref<16x17xf32, #tpu.memory_space<vmem>>
          %parallel_loop3A_548 = arith.index_cast %parallel_loop3A_543 : i32 to index
          %parallel_loop3A_549 = arith.constant 0 : index
          %parallel_loop3A_550 = tpu.vector_load %parallel_loop3A_547[%parallel_loop3A_548, %parallel_loop3A_549] {strides = array<i32>} : memref<16x17xf32, #tpu.memory_space<vmem>>, vector<16xf32>,
          tpu.vector_store %parallel_loop3A_547[%parallel_loop3A_548, %parallel_loop3A_549], %parallel_loop3A_542 {strides = array<i32>} : memref<16x17xf32, #tpu.memory_space<vmem>>, vector<16xf32>,
          %parallel_loop3A_551 = arith.constant 0 : i32
          %parallel_loop3A_552 = vector.broadcast %parallel_loop3A_551 : i32 to vector<16xi32>
          %parallel_loop3A_553 = arith.constant 0 : i32
          %parallel_loop3A_554 = arith.constant 0 : i32
          %parallel_loop3A_555 = tpu.memref_slice %arg16[%parallel_loop3A_166, %parallel_loop3A_553, %parallel_loop3A_554] : memref<4x16x17xf32, #tpu.memory_space<vmem>> -> memref<1x16x17xf32, #tpu.memory_space<vmem>>
          %parallel_loop3A_556 = tpu.memref_squeeze %parallel_loop3A_555 : memref<1x16x17xf32, #tpu.memory_space<vmem>> -> memref<16x17xf32, #tpu.memory_space<vmem>>
          %parallel_loop3A_557 = tpu.vector_load_idx %parallel_loop3A_556[%iota3A, %parallel_loop3A_552] : memref<16x17xf32, #tpu.memory_space<vmem>>[vector<16xi32>, vector<16xi32>], vector<16xf32>,
          %parallel_loop3A_558 = arith.constant 1 : i32
          %parallel_loop3A_559 = vector.broadcast %parallel_loop3A_558 : i32 to vector<16xi32>
          %parallel_loop3A_560 = arith.constant 0 : i32
          %parallel_loop3A_561 = arith.constant 0 : i32
          %parallel_loop3A_562 = tpu.memref_slice %arg16[%parallel_loop3A_166, %parallel_loop3A_560, %parallel_loop3A_561] : memref<4x16x17xf32, #tpu.memory_space<vmem>> -> memref<1x16x17xf32, #tpu.memory_space<vmem>>
          %parallel_loop3A_563 = tpu.memref_squeeze %parallel_loop3A_562 : memref<1x16x17xf32, #tpu.memory_space<vmem>> -> memref<16x17xf32, #tpu.memory_space<vmem>>
          %parallel_loop3A_564 = tpu.vector_load_idx %parallel_loop3A_563[%iota3A, %parallel_loop3A_559] : memref<16x17xf32, #tpu.memory_space<vmem>>[vector<16xi32>, vector<16xi32>], vector<16xf32>,
          %parallel_loop3A_565 = arith.constant 2 : i32
          %parallel_loop3A_566 = vector.broadcast %parallel_loop3A_565 : i32 to vector<16xi32>
          %parallel_loop3A_567 = arith.constant 0 : i32
          %parallel_loop3A_568 = arith.constant 0 : i32
          %parallel_loop3A_569 = tpu.memref_slice %arg16[%parallel_loop3A_166, %parallel_loop3A_567, %parallel_loop3A_568] : memref<4x16x17xf32, #tpu.memory_space<vmem>> -> memref<1x16x17xf32, #tpu.memory_space<vmem>>
          %parallel_loop3A_570 = tpu.memref_squeeze %parallel_loop3A_569 : memref<1x16x17xf32, #tpu.memory_space<vmem>> -> memref<16x17xf32, #tpu.memory_space<vmem>>
          %parallel_loop3A_571 = tpu.vector_load_idx %parallel_loop3A_570[%iota3A, %parallel_loop3A_566] : memref<16x17xf32, #tpu.memory_space<vmem>>[vector<16xi32>, vector<16xi32>], vector<16xf32>,
          %parallel_loop3A_572 = arith.constant 3 : i32
          %parallel_loop3A_573 = vector.broadcast %parallel_loop3A_572 : i32 to vector<16xi32>
          %parallel_loop3A_574 = arith.constant 0 : i32
          %parallel_loop3A_575 = arith.constant 0 : i32
          %parallel_loop3A_576 = tpu.memref_slice %arg16[%parallel_loop3A_166, %parallel_loop3A_574, %parallel_loop3A_575] : memref<4x16x17xf32, #tpu.memory_space<vmem>> -> memref<1x16x17xf32, #tpu.memory_space<vmem>>
          %parallel_loop3A_577 = tpu.memref_squeeze %parallel_loop3A_576 : memref<1x16x17xf32, #tpu.memory_space<vmem>> -> memref<16x17xf32, #tpu.memory_space<vmem>>
          %parallel_loop3A_578 = tpu.vector_load_idx %parallel_loop3A_577[%iota3A, %parallel_loop3A_573] : memref<16x17xf32, #tpu.memory_space<vmem>>[vector<16xi32>, vector<16xi32>], vector<16xf32>,
          %parallel_loop3A_579 = arith.constant 4 : i32
          %parallel_loop3A_580 = vector.broadcast %parallel_loop3A_579 : i32 to vector<16xi32>
          %parallel_loop3A_581 = arith.constant 0 : i32
          %parallel_loop3A_582 = arith.constant 0 : i32
          %parallel_loop3A_583 = tpu.memref_slice %arg16[%parallel_loop3A_166, %parallel_loop3A_581, %parallel_loop3A_582] : memref<4x16x17xf32, #tpu.memory_space<vmem>> -> memref<1x16x17xf32, #tpu.memory_space<vmem>>
          %parallel_loop3A_584 = tpu.memref_squeeze %parallel_loop3A_583 : memref<1x16x17xf32, #tpu.memory_space<vmem>> -> memref<16x17xf32, #tpu.memory_space<vmem>>
          %parallel_loop3A_585 = tpu.vector_load_idx %parallel_loop3A_584[%iota3A, %parallel_loop3A_580] : memref<16x17xf32, #tpu.memory_space<vmem>>[vector<16xi32>, vector<16xi32>], vector<16xf32>,
          %parallel_loop3A_586 = arith.constant 5 : i32
          %parallel_loop3A_587 = vector.broadcast %parallel_loop3A_586 : i32 to vector<16xi32>
          %parallel_loop3A_588 = arith.constant 0 : i32
          %parallel_loop3A_589 = arith.constant 0 : i32
          %parallel_loop3A_590 = tpu.memref_slice %arg16[%parallel_loop3A_166, %parallel_loop3A_588, %parallel_loop3A_589] : memref<4x16x17xf32, #tpu.memory_space<vmem>> -> memref<1x16x17xf32, #tpu.memory_space<vmem>>
          %parallel_loop3A_591 = tpu.memref_squeeze %parallel_loop3A_590 : memref<1x16x17xf32, #tpu.memory_space<vmem>> -> memref<16x17xf32, #tpu.memory_space<vmem>>
          %parallel_loop3A_592 = tpu.vector_load_idx %parallel_loop3A_591[%iota3A, %parallel_loop3A_587] : memref<16x17xf32, #tpu.memory_space<vmem>>[vector<16xi32>, vector<16xi32>], vector<16xf32>,
          %parallel_loop3A_593 = arith.constant 6 : i32
          %parallel_loop3A_594 = vector.broadcast %parallel_loop3A_593 : i32 to vector<16xi32>
          %parallel_loop3A_595 = arith.constant 0 : i32
          %parallel_loop3A_596 = arith.constant 0 : i32
          %parallel_loop3A_597 = tpu.memref_slice %arg16[%parallel_loop3A_166, %parallel_loop3A_595, %parallel_loop3A_596] : memref<4x16x17xf32, #tpu.memory_space<vmem>> -> memref<1x16x17xf32, #tpu.memory_space<vmem>>
          %parallel_loop3A_598 = tpu.memref_squeeze %parallel_loop3A_597 : memref<1x16x17xf32, #tpu.memory_space<vmem>> -> memref<16x17xf32, #tpu.memory_space<vmem>>
          %parallel_loop3A_599 = tpu.vector_load_idx %parallel_loop3A_598[%iota3A, %parallel_loop3A_594] : memref<16x17xf32, #tpu.memory_space<vmem>>[vector<16xi32>, vector<16xi32>], vector<16xf32>,
          %parallel_loop3A_600 = arith.constant 7 : i32
          %parallel_loop3A_601 = vector.broadcast %parallel_loop3A_600 : i32 to vector<16xi32>
          %parallel_loop3A_602 = arith.constant 0 : i32
          %parallel_loop3A_603 = arith.constant 0 : i32
          %parallel_loop3A_604 = tpu.memref_slice %arg16[%parallel_loop3A_166, %parallel_loop3A_602, %parallel_loop3A_603] : memref<4x16x17xf32, #tpu.memory_space<vmem>> -> memref<1x16x17xf32, #tpu.memory_space<vmem>>
          %parallel_loop3A_605 = tpu.memref_squeeze %parallel_loop3A_604 : memref<1x16x17xf32, #tpu.memory_space<vmem>> -> memref<16x17xf32, #tpu.memory_space<vmem>>
          %parallel_loop3A_606 = tpu.vector_load_idx %parallel_loop3A_605[%iota3A, %parallel_loop3A_601] : memref<16x17xf32, #tpu.memory_space<vmem>>[vector<16xi32>, vector<16xi32>], vector<16xf32>,
          %parallel_loop3A_607 = arith.constant 8 : i32
          %parallel_loop3A_608 = vector.broadcast %parallel_loop3A_607 : i32 to vector<16xi32>
          %parallel_loop3A_609 = arith.constant 0 : i32
          %parallel_loop3A_610 = arith.constant 0 : i32
          %parallel_loop3A_611 = tpu.memref_slice %arg16[%parallel_loop3A_166, %parallel_loop3A_609, %parallel_loop3A_610] : memref<4x16x17xf32, #tpu.memory_space<vmem>> -> memref<1x16x17xf32, #tpu.memory_space<vmem>>
          %parallel_loop3A_612 = tpu.memref_squeeze %parallel_loop3A_611 : memref<1x16x17xf32, #tpu.memory_space<vmem>> -> memref<16x17xf32, #tpu.memory_space<vmem>>
          %parallel_loop3A_613 = tpu.vector_load_idx %parallel_loop3A_612[%iota3A, %parallel_loop3A_608] : memref<16x17xf32, #tpu.memory_space<vmem>>[vector<16xi32>, vector<16xi32>], vector<16xf32>,
          %parallel_loop3A_614 = arith.constant 9 : i32
          %parallel_loop3A_615 = vector.broadcast %parallel_loop3A_614 : i32 to vector<16xi32>
          %parallel_loop3A_616 = arith.constant 0 : i32
          %parallel_loop3A_617 = arith.constant 0 : i32
          %parallel_loop3A_618 = tpu.memref_slice %arg16[%parallel_loop3A_166, %parallel_loop3A_616, %parallel_loop3A_617] : memref<4x16x17xf32, #tpu.memory_space<vmem>> -> memref<1x16x17xf32, #tpu.memory_space<vmem>>
          %parallel_loop3A_619 = tpu.memref_squeeze %parallel_loop3A_618 : memref<1x16x17xf32, #tpu.memory_space<vmem>> -> memref<16x17xf32, #tpu.memory_space<vmem>>
          %parallel_loop3A_620 = tpu.vector_load_idx %parallel_loop3A_619[%iota3A, %parallel_loop3A_615] : memref<16x17xf32, #tpu.memory_space<vmem>>[vector<16xi32>, vector<16xi32>], vector<16xf32>,
          %parallel_loop3A_621 = arith.constant 10 : i32
          %parallel_loop3A_622 = vector.broadcast %parallel_loop3A_621 : i32 to vector<16xi32>
          %parallel_loop3A_623 = arith.constant 0 : i32
          %parallel_loop3A_624 = arith.constant 0 : i32
          %parallel_loop3A_625 = tpu.memref_slice %arg16[%parallel_loop3A_166, %parallel_loop3A_623, %parallel_loop3A_624] : memref<4x16x17xf32, #tpu.memory_space<vmem>> -> memref<1x16x17xf32, #tpu.memory_space<vmem>>
          %parallel_loop3A_626 = tpu.memref_squeeze %parallel_loop3A_625 : memref<1x16x17xf32, #tpu.memory_space<vmem>> -> memref<16x17xf32, #tpu.memory_space<vmem>>
          %parallel_loop3A_627 = tpu.vector_load_idx %parallel_loop3A_626[%iota3A, %parallel_loop3A_622] : memref<16x17xf32, #tpu.memory_space<vmem>>[vector<16xi32>, vector<16xi32>], vector<16xf32>,
          %parallel_loop3A_628 = arith.constant 11 : i32
          %parallel_loop3A_629 = vector.broadcast %parallel_loop3A_628 : i32 to vector<16xi32>
          %parallel_loop3A_630 = arith.constant 0 : i32
          %parallel_loop3A_631 = arith.constant 0 : i32
          %parallel_loop3A_632 = tpu.memref_slice %arg16[%parallel_loop3A_166, %parallel_loop3A_630, %parallel_loop3A_631] : memref<4x16x17xf32, #tpu.memory_space<vmem>> -> memref<1x16x17xf32, #tpu.memory_space<vmem>>
          %parallel_loop3A_633 = tpu.memref_squeeze %parallel_loop3A_632 : memref<1x16x17xf32, #tpu.memory_space<vmem>> -> memref<16x17xf32, #tpu.memory_space<vmem>>
          %parallel_loop3A_634 = tpu.vector_load_idx %parallel_loop3A_633[%iota3A, %parallel_loop3A_629] : memref<16x17xf32, #tpu.memory_space<vmem>>[vector<16xi32>, vector<16xi32>], vector<16xf32>,
          %parallel_loop3A_635 = arith.constant 12 : i32
          %parallel_loop3A_636 = vector.broadcast %parallel_loop3A_635 : i32 to vector<16xi32>
          %parallel_loop3A_637 = arith.constant 0 : i32
          %parallel_loop3A_638 = arith.constant 0 : i32
          %parallel_loop3A_639 = tpu.memref_slice %arg16[%parallel_loop3A_166, %parallel_loop3A_637, %parallel_loop3A_638] : memref<4x16x17xf32, #tpu.memory_space<vmem>> -> memref<1x16x17xf32, #tpu.memory_space<vmem>>
          %parallel_loop3A_640 = tpu.memref_squeeze %parallel_loop3A_639 : memref<1x16x17xf32, #tpu.memory_space<vmem>> -> memref<16x17xf32, #tpu.memory_space<vmem>>
          %parallel_loop3A_641 = tpu.vector_load_idx %parallel_loop3A_640[%iota3A, %parallel_loop3A_636] : memref<16x17xf32, #tpu.memory_space<vmem>>[vector<16xi32>, vector<16xi32>], vector<16xf32>,
          %parallel_loop3A_642 = arith.constant 13 : i32
          %parallel_loop3A_643 = vector.broadcast %parallel_loop3A_642 : i32 to vector<16xi32>
          %parallel_loop3A_644 = arith.constant 0 : i32
          %parallel_loop3A_645 = arith.constant 0 : i32
          %parallel_loop3A_646 = tpu.memref_slice %arg16[%parallel_loop3A_166, %parallel_loop3A_644, %parallel_loop3A_645] : memref<4x16x17xf32, #tpu.memory_space<vmem>> -> memref<1x16x17xf32, #tpu.memory_space<vmem>>
          %parallel_loop3A_647 = tpu.memref_squeeze %parallel_loop3A_646 : memref<1x16x17xf32, #tpu.memory_space<vmem>> -> memref<16x17xf32, #tpu.memory_space<vmem>>
          %parallel_loop3A_648 = tpu.vector_load_idx %parallel_loop3A_647[%iota3A, %parallel_loop3A_643] : memref<16x17xf32, #tpu.memory_space<vmem>>[vector<16xi32>, vector<16xi32>], vector<16xf32>,
          %parallel_loop3A_649 = arith.constant 14 : i32
          %parallel_loop3A_650 = vector.broadcast %parallel_loop3A_649 : i32 to vector<16xi32>
          %parallel_loop3A_651 = arith.constant 0 : i32
          %parallel_loop3A_652 = arith.constant 0 : i32
          %parallel_loop3A_653 = tpu.memref_slice %arg16[%parallel_loop3A_166, %parallel_loop3A_651, %parallel_loop3A_652] : memref<4x16x17xf32, #tpu.memory_space<vmem>> -> memref<1x16x17xf32, #tpu.memory_space<vmem>>
          %parallel_loop3A_654 = tpu.memref_squeeze %parallel_loop3A_653 : memref<1x16x17xf32, #tpu.memory_space<vmem>> -> memref<16x17xf32, #tpu.memory_space<vmem>>
          %parallel_loop3A_655 = tpu.vector_load_idx %parallel_loop3A_654[%iota3A, %parallel_loop3A_650] : memref<16x17xf32, #tpu.memory_space<vmem>>[vector<16xi32>, vector<16xi32>], vector<16xf32>,
          %parallel_loop3A_656 = arith.constant 15 : i32
          %parallel_loop3A_657 = vector.broadcast %parallel_loop3A_656 : i32 to vector<16xi32>
          %parallel_loop3A_658 = arith.constant 0 : i32
          %parallel_loop3A_659 = arith.constant 0 : i32
          %parallel_loop3A_660 = tpu.memref_slice %arg16[%parallel_loop3A_166, %parallel_loop3A_658, %parallel_loop3A_659] : memref<4x16x17xf32, #tpu.memory_space<vmem>> -> memref<1x16x17xf32, #tpu.memory_space<vmem>>
          %parallel_loop3A_661 = tpu.memref_squeeze %parallel_loop3A_660 : memref<1x16x17xf32, #tpu.memory_space<vmem>> -> memref<16x17xf32, #tpu.memory_space<vmem>>
          %parallel_loop3A_662 = tpu.vector_load_idx %parallel_loop3A_661[%iota3A, %parallel_loop3A_657] : memref<16x17xf32, #tpu.memory_space<vmem>>[vector<16xi32>, vector<16xi32>], vector<16xf32>,
          %parallel_loop3A_663 = arith.addf %parallel_loop3A_557, %parallel_loop3A_564 : vector<16xf32>
          %parallel_loop3A_664 = arith.addf %parallel_loop3A_571, %parallel_loop3A_578 : vector<16xf32>
          %parallel_loop3A_665 = arith.addf %parallel_loop3A_585, %parallel_loop3A_592 : vector<16xf32>
          %parallel_loop3A_666 = arith.addf %parallel_loop3A_599, %parallel_loop3A_606 : vector<16xf32>
          %parallel_loop3A_667 = arith.addf %parallel_loop3A_613, %parallel_loop3A_620 : vector<16xf32>
          %parallel_loop3A_668 = arith.addf %parallel_loop3A_627, %parallel_loop3A_634 : vector<16xf32>
          %parallel_loop3A_669 = arith.addf %parallel_loop3A_641, %parallel_loop3A_648 : vector<16xf32>
          %parallel_loop3A_670 = arith.addf %parallel_loop3A_655, %parallel_loop3A_662 : vector<16xf32>
          %parallel_loop3A_671 = arith.addf %parallel_loop3A_663, %parallel_loop3A_664 : vector<16xf32>
          %parallel_loop3A_672 = arith.addf %parallel_loop3A_665, %parallel_loop3A_666 : vector<16xf32>
          %parallel_loop3A_673 = arith.addf %parallel_loop3A_667, %parallel_loop3A_668 : vector<16xf32>
          %parallel_loop3A_674 = arith.addf %parallel_loop3A_669, %parallel_loop3A_670 : vector<16xf32>
          %parallel_loop3A_675 = arith.addf %parallel_loop3A_671, %parallel_loop3A_672 : vector<16xf32>
          %parallel_loop3A_676 = arith.addf %parallel_loop3A_673, %parallel_loop3A_674 : vector<16xf32>
          %parallel_loop3A_677 = arith.addf %parallel_loop3A_675, %parallel_loop3A_676 : vector<16xf32>
          %parallel_loop3A_678 = arith.constant 0.000000e+00 : f32
          %parallel_loop3A_679 = vector.broadcast %parallel_loop3A_678 : f32 to vector<16xf32>
          %parallel_loop3A_680 = arith.subf %parallel_loop3A_679, %parallel_loop3A_677 : vector<16xf32>
          %parallel_loop3A_681 = math.exp %parallel_loop3A_680 : vector<16xf32>
          %parallel_loop3A_682 = arith.constant 1.000000e+00 : f32
          %parallel_loop3A_683 = vector.broadcast %parallel_loop3A_682 : f32 to vector<16xf32>
          %parallel_loop3A_684 = arith.addf %parallel_loop3A_683, %parallel_loop3A_681 : vector<16xf32>
          %parallel_loop3A_685 = arith.constant 1.000000e+00 : f32
          %parallel_loop3A_686 = vector.broadcast %parallel_loop3A_685 : f32 to vector<16xf32>
          %parallel_loop3A_687 = arith.divf %parallel_loop3A_686, %parallel_loop3A_684 : vector<16xf32>
          %parallel_loop3A_688 = arith.index_cast %parallel_loop3A_164 : i32 to index
          %parallel_loop3A_689 = tpu.vector_load %arg14[%parallel_loop3A_688] {strides = array<i32>} : memref<512xf32, #tpu.memory_space<vmem>>, vector<16xf32>,
          tpu.vector_store %arg14[%parallel_loop3A_688], %parallel_loop3A_687 {strides = array<i32>} : memref<512xf32, #tpu.memory_space<vmem>>, vector<16xf32>,
        } {sc.loop_unroll_factor = 2 : i64, sc.parallel_access}
        %mul3A_155 = arith.constant 32 : i32
        %mul3A_156 = arith.muli %add3A_112, %mul3A_155 : i32
        %add3A_157 = arith.addi %add3A, %mul3A_156 : i32
        %mul3A_158 = arith.constant 512 : i32
        %mul3A_159 = arith.muli %add3A_157, %mul3A_158 : i32
        %dma_start3A_160 = tpu.memref_slice %arg5[%mul3A_159] : memref<1600000xf32, #tpu.memory_space<hbm>> -> memref<512xf32, #tpu.memory_space<hbm>>
        %dma_start3A_161 = tpu.memref_slice %arg5[%mul3A_159] : memref<1600000xf32, #tpu.memory_space<hbm>> -> memref<512xf32, #tpu.memory_space<hbm>>
        tpu.enqueue_dma source(%arg14 : memref<512xf32, #tpu.memory_space<vmem>>) target(%dma_start3A_161 : memref<512xf32, #tpu.memory_space<hbm>>) target_semaphore(%arg21 : memref<!tpu.dma_semaphore, #tpu.memory_space<semaphore_mem>>)
      } else {
      }
      %mul3A_117 = arith.constant 2 : i32
      %mul3A_118 = arith.muli %scan3A_108, %mul3A_117 : i32
      %add3A_119 = arith.constant 1 : i32
      %add3A_120 = arith.addi %mul3A_118, %add3A_119 : i32
      %lt3A_121 = arith.cmpi slt, %add3A_120, %select_n3A : i32
      %convert_element_type3A_122 = arith.extui %lt3A_121 : i1 to i32
      %cond3A_123 = arith.constant 0 : i32
      %cond3A_124 = arith.cmpi ne, %convert_element_type3A_122, %cond3A_123 : i32
      scf.if %cond3A_124 {
        %add3A_125 = arith.constant 1 : i32
        %add3A_126 = arith.addi %add3A_120, %add3A_125 : i32
        %lt3A_127 = arith.cmpi slt, %add3A_126, %select_n3A : i32
        %convert_element_type3A_128 = arith.extui %lt3A_127 : i1 to i32
        %cond3A_129 = arith.constant 0 : i32
        %cond3A_130 = arith.cmpi ne, %convert_element_type3A_128, %cond3A_129 : i32
        scf.if %cond3A_130 {
          %dma_wait3A_162 = arith.constant 0 : i32
          %dma_wait3A_163 = arith.constant 0 : i32
          %dma_wait3A_164 = tpu.memref_slice %arg2[%dma_wait3A_162, %dma_wait3A_163] : memref<2x1600000xi32, #tpu.memory_space<hbm>> -> memref<1x512xi32, #tpu.memory_space<hbm>>
          %dma_wait3A_165 = tpu.memref_squeeze %dma_wait3A_164 : memref<1x512xi32, #tpu.memory_space<hbm>> -> memref<512xi32, #tpu.memory_space<hbm>>
          %dma_wait3A_166 = arith.constant 0 : i32
          %dma_wait3A_167 = tpu.memref_slice %arg2[%dma_wait3A_162, %dma_wait3A_166] : memref<2x1600000xi32, #tpu.memory_space<hbm>> -> memref<1x512xi32, #tpu.memory_space<hbm>>
          %dma_wait3A_168 = tpu.memref_squeeze %dma_wait3A_167 : memref<1x512xi32, #tpu.memory_space<hbm>> -> memref<512xi32, #tpu.memory_space<hbm>>
          tpu.wait_dma2 semaphore(%arg17 : memref<!tpu.dma_semaphore, #tpu.memory_space<semaphore_mem>>) src(%dma_wait3A_168 : memref<512xi32, #tpu.memory_space<hbm>>) dst(%arg6 : memref<512xi32, #tpu.memory_space<vmem>>)
          %dma_wait3A_169 = arith.constant 1 : i32
          %dma_wait3A_170 = arith.constant 0 : i32
          %dma_wait3A_171 = tpu.memref_slice %arg2[%dma_wait3A_169, %dma_wait3A_170] : memref<2x1600000xi32, #tpu.memory_space<hbm>> -> memref<1x512xi32, #tpu.memory_space<hbm>>
          %dma_wait3A_172 = tpu.memref_squeeze %dma_wait3A_171 : memref<1x512xi32, #tpu.memory_space<hbm>> -> memref<512xi32, #tpu.memory_space<hbm>>
          %dma_wait3A_173 = arith.constant 0 : i32
          %dma_wait3A_174 = tpu.memref_slice %arg2[%dma_wait3A_169, %dma_wait3A_173] : memref<2x1600000xi32, #tpu.memory_space<hbm>> -> memref<1x512xi32, #tpu.memory_space<hbm>>
          %dma_wait3A_175 = tpu.memref_squeeze %dma_wait3A_174 : memref<1x512xi32, #tpu.memory_space<hbm>> -> memref<512xi32, #tpu.memory_space<hbm>>
          tpu.wait_dma2 semaphore(%arg17 : memref<!tpu.dma_semaphore, #tpu.memory_space<semaphore_mem>>) src(%dma_wait3A_175 : memref<512xi32, #tpu.memory_space<hbm>>) dst(%arg8 : memref<512xi32, #tpu.memory_space<vmem>>)
          %dma_start3A_176 = arith.constant 0 : i32
          %dma_start3A_177 = arith.constant 0 : i32
          %dma_start3A_178 = tpu.memref_slice %arg10[%dma_start3A_176, %dma_start3A_177] : memref<512x16xi32, #tpu.memory_space<vmem>> -> memref<128x16xi32, #tpu.memory_space<vmem>>
          %dma_start3A_179 = arith.constant 0 : i32
          %dma_start3A_180 = tpu.memref_slice %arg6[%dma_start3A_179] : memref<512xi32, #tpu.memory_space<vmem>> -> memref<128xi32, #tpu.memory_space<vmem>>
          %dma_start3A_181 = arith.constant 0 : i32
          %dma_start3A_182 = arith.constant 0 : i32
          %dma_start3A_183 = tpu.memref_slice %arg3[%dma_start3A_181, %dma_start3A_182] : memref<100000x16xi32, #tpu.memory_space<hbm>> -> memref<100000x16xi32, #tpu.memory_space<hbm>>
          tpu.enqueue_indirect_dma source(%dma_start3A_183 : memref<100000x16xi32, #tpu.memory_space<hbm>>) target(%dma_start3A_178 : memref<128x16xi32, #tpu.memory_space<vmem>>) offsets(%dma_start3A_180 : memref<128xi32, #tpu.memory_space<vmem>>) semaphore(%arg19 : memref<!tpu.dma_semaphore, #tpu.memory_space<semaphore_mem>>)
          %dma_start3A_184 = arith.constant 0 : i32
          %dma_start3A_185 = arith.constant 0 : i32
          %dma_start3A_186 = tpu.memref_slice %arg12[%dma_start3A_184, %dma_start3A_185] : memref<512x16xi32, #tpu.memory_space<vmem>> -> memref<128x16xi32, #tpu.memory_space<vmem>>
          %dma_start3A_187 = arith.constant 0 : i32
          %dma_start3A_188 = tpu.memref_slice %arg8[%dma_start3A_187] : memref<512xi32, #tpu.memory_space<vmem>> -> memref<128xi32, #tpu.memory_space<vmem>>
          %dma_start3A_189 = arith.constant 0 : i32
          %dma_start3A_190 = arith.constant 0 : i32
          %dma_start3A_191 = tpu.memref_slice %arg4[%dma_start3A_189, %dma_start3A_190] : memref<100000x16xi32, #tpu.memory_space<hbm>> -> memref<100000x16xi32, #tpu.memory_space<hbm>>
          tpu.enqueue_indirect_dma source(%dma_start3A_191 : memref<100000x16xi32, #tpu.memory_space<hbm>>) target(%dma_start3A_186 : memref<128x16xi32, #tpu.memory_space<vmem>>) offsets(%dma_start3A_188 : memref<128xi32, #tpu.memory_space<vmem>>) semaphore(%arg19 : memref<!tpu.dma_semaphore, #tpu.memory_space<semaphore_mem>>)
          %dma_start3A_192 = arith.constant 128 : i32
          %dma_start3A_193 = arith.constant 0 : i32
          %dma_start3A_194 = tpu.memref_slice %arg10[%dma_start3A_192, %dma_start3A_193] : memref<512x16xi32, #tpu.memory_space<vmem>> -> memref<128x16xi32, #tpu.memory_space<vmem>>
          %dma_start3A_195 = arith.constant 128 : i32
          %dma_start3A_196 = tpu.memref_slice %arg6[%dma_start3A_195] : memref<512xi32, #tpu.memory_space<vmem>> -> memref<128xi32, #tpu.memory_space<vmem>>
          %dma_start3A_197 = arith.constant 0 : i32
          %dma_start3A_198 = arith.constant 0 : i32
          %dma_start3A_199 = tpu.memref_slice %arg3[%dma_start3A_197, %dma_start3A_198] : memref<100000x16xi32, #tpu.memory_space<hbm>> -> memref<100000x16xi32, #tpu.memory_space<hbm>>
          tpu.enqueue_indirect_dma source(%dma_start3A_199 : memref<100000x16xi32, #tpu.memory_space<hbm>>) target(%dma_start3A_194 : memref<128x16xi32, #tpu.memory_space<vmem>>) offsets(%dma_start3A_196 : memref<128xi32, #tpu.memory_space<vmem>>) semaphore(%arg19 : memref<!tpu.dma_semaphore, #tpu.memory_space<semaphore_mem>>)
          %dma_start3A_200 = arith.constant 128 : i32
          %dma_start3A_201 = arith.constant 0 : i32
          %dma_start3A_202 = tpu.memref_slice %arg12[%dma_start3A_200, %dma_start3A_201] : memref<512x16xi32, #tpu.memory_space<vmem>> -> memref<128x16xi32, #tpu.memory_space<vmem>>
          %dma_start3A_203 = arith.constant 128 : i32
          %dma_start3A_204 = tpu.memref_slice %arg8[%dma_start3A_203] : memref<512xi32, #tpu.memory_space<vmem>> -> memref<128xi32, #tpu.memory_space<vmem>>
          %dma_start3A_205 = arith.constant 0 : i32
          %dma_start3A_206 = arith.constant 0 : i32
          %dma_start3A_207 = tpu.memref_slice %arg4[%dma_start3A_205, %dma_start3A_206] : memref<100000x16xi32, #tpu.memory_space<hbm>> -> memref<100000x16xi32, #tpu.memory_space<hbm>>
          tpu.enqueue_indirect_dma source(%dma_start3A_207 : memref<100000x16xi32, #tpu.memory_space<hbm>>) target(%dma_start3A_202 : memref<128x16xi32, #tpu.memory_space<vmem>>) offsets(%dma_start3A_204 : memref<128xi32, #tpu.memory_space<vmem>>) semaphore(%arg19 : memref<!tpu.dma_semaphore, #tpu.memory_space<semaphore_mem>>)
          %dma_start3A_208 = arith.constant 256 : i32
          %dma_start3A_209 = arith.constant 0 : i32
          %dma_start3A_210 = tpu.memref_slice %arg10[%dma_start3A_208, %dma_start3A_209] : memref<512x16xi32, #tpu.memory_space<vmem>> -> memref<128x16xi32, #tpu.memory_space<vmem>>
          %dma_start3A_211 = arith.constant 256 : i32
          %dma_start3A_212 = tpu.memref_slice %arg6[%dma_start3A_211] : memref<512xi32, #tpu.memory_space<vmem>> -> memref<128xi32, #tpu.memory_space<vmem>>
          %dma_start3A_213 = arith.constant 0 : i32
          %dma_start3A_214 = arith.constant 0 : i32
          %dma_start3A_215 = tpu.memref_slice %arg3[%dma_start3A_213, %dma_start3A_214] : memref<100000x16xi32, #tpu.memory_space<hbm>> -> memref<100000x16xi32, #tpu.memory_space<hbm>>
          tpu.enqueue_indirect_dma source(%dma_start3A_215 : memref<100000x16xi32, #tpu.memory_space<hbm>>) target(%dma_start3A_210 : memref<128x16xi32, #tpu.memory_space<vmem>>) offsets(%dma_start3A_212 : memref<128xi32, #tpu.memory_space<vmem>>) semaphore(%arg19 : memref<!tpu.dma_semaphore, #tpu.memory_space<semaphore_mem>>)
          %dma_start3A_216 = arith.constant 256 : i32
          %dma_start3A_217 = arith.constant 0 : i32
          %dma_start3A_218 = tpu.memref_slice %arg12[%dma_start3A_216, %dma_start3A_217] : memref<512x16xi32, #tpu.memory_space<vmem>> -> memref<128x16xi32, #tpu.memory_space<vmem>>
          %dma_start3A_219 = arith.constant 256 : i32
          %dma_start3A_220 = tpu.memref_slice %arg8[%dma_start3A_219] : memref<512xi32, #tpu.memory_space<vmem>> -> memref<128xi32, #tpu.memory_space<vmem>>
          %dma_start3A_221 = arith.constant 0 : i32
          %dma_start3A_222 = arith.constant 0 : i32
          %dma_start3A_223 = tpu.memref_slice %arg4[%dma_start3A_221, %dma_start3A_222] : memref<100000x16xi32, #tpu.memory_space<hbm>> -> memref<100000x16xi32, #tpu.memory_space<hbm>>
          tpu.enqueue_indirect_dma source(%dma_start3A_223 : memref<100000x16xi32, #tpu.memory_space<hbm>>) target(%dma_start3A_218 : memref<128x16xi32, #tpu.memory_space<vmem>>) offsets(%dma_start3A_220 : memref<128xi32, #tpu.memory_space<vmem>>) semaphore(%arg19 : memref<!tpu.dma_semaphore, #tpu.memory_space<semaphore_mem>>)
          %dma_start3A_224 = arith.constant 384 : i32
          %dma_start3A_225 = arith.constant 0 : i32
          %dma_start3A_226 = tpu.memref_slice %arg10[%dma_start3A_224, %dma_start3A_225] : memref<512x16xi32, #tpu.memory_space<vmem>> -> memref<128x16xi32, #tpu.memory_space<vmem>>
          %dma_start3A_227 = arith.constant 384 : i32
          %dma_start3A_228 = tpu.memref_slice %arg6[%dma_start3A_227] : memref<512xi32, #tpu.memory_space<vmem>> -> memref<128xi32, #tpu.memory_space<vmem>>
          %dma_start3A_229 = arith.constant 0 : i32
          %dma_start3A_230 = arith.constant 0 : i32
          %dma_start3A_231 = tpu.memref_slice %arg3[%dma_start3A_229, %dma_start3A_230] : memref<100000x16xi32, #tpu.memory_space<hbm>> -> memref<100000x16xi32, #tpu.memory_space<hbm>>
          tpu.enqueue_indirect_dma source(%dma_start3A_231 : memref<100000x16xi32, #tpu.memory_space<hbm>>) target(%dma_start3A_226 : memref<128x16xi32, #tpu.memory_space<vmem>>) offsets(%dma_start3A_228 : memref<128xi32, #tpu.memory_space<vmem>>) semaphore(%arg19 : memref<!tpu.dma_semaphore, #tpu.memory_space<semaphore_mem>>)
          %dma_start3A_232 = arith.constant 384 : i32
          %dma_start3A_233 = arith.constant 0 : i32
          %dma_start3A_234 = tpu.memref_slice %arg12[%dma_start3A_232, %dma_start3A_233] : memref<512x16xi32, #tpu.memory_space<vmem>> -> memref<128x16xi32, #tpu.memory_space<vmem>>
          %dma_start3A_235 = arith.constant 384 : i32
          %dma_start3A_236 = tpu.memref_slice %arg8[%dma_start3A_235] : memref<512xi32, #tpu.memory_space<vmem>> -> memref<128xi32, #tpu.memory_space<vmem>>
          %dma_start3A_237 = arith.constant 0 : i32
          %dma_start3A_238 = arith.constant 0 : i32
          %dma_start3A_239 = tpu.memref_slice %arg4[%dma_start3A_237, %dma_start3A_238] : memref<100000x16xi32, #tpu.memory_space<hbm>> -> memref<100000x16xi32, #tpu.memory_space<hbm>>
          tpu.enqueue_indirect_dma source(%dma_start3A_239 : memref<100000x16xi32, #tpu.memory_space<hbm>>) target(%dma_start3A_234 : memref<128x16xi32, #tpu.memory_space<vmem>>) offsets(%dma_start3A_236 : memref<128xi32, #tpu.memory_space<vmem>>) semaphore(%arg19 : memref<!tpu.dma_semaphore, #tpu.memory_space<semaphore_mem>>)
        } else {
        }
        %dma_wait3A_131 = arith.constant 0 : i32
        %dma_wait3A_132 = arith.constant 0 : i32
        %dma_wait3A_133 = tpu.memref_slice %arg3[%dma_wait3A_131, %dma_wait3A_132] : memref<100000x16xi32, #tpu.memory_space<hbm>> -> memref<512x16xi32, #tpu.memory_space<hbm>>
        %dma_wait3A_134 = arith.constant 0 : i32
        %dma_wait3A_135 = arith.constant 0 : i32
        %dma_wait3A_136 = tpu.memref_slice %arg3[%dma_wait3A_134, %dma_wait3A_135] : memref<100000x16xi32, #tpu.memory_space<hbm>> -> memref<512x16xi32, #tpu.memory_space<hbm>>
        tpu.wait_dma2 semaphore(%arg20 : memref<!tpu.dma_semaphore, #tpu.memory_space<semaphore_mem>>) src(%dma_wait3A_136 : memref<512x16xi32, #tpu.memory_space<hbm>>) dst(%arg11 : memref<512x16xi32, #tpu.memory_space<vmem>>)
        %dma_wait3A_137 = arith.constant 0 : i32
        %dma_wait3A_138 = arith.constant 0 : i32
        %dma_wait3A_139 = tpu.memref_slice %arg4[%dma_wait3A_137, %dma_wait3A_138] : memref<100000x16xi32, #tpu.memory_space<hbm>> -> memref<512x16xi32, #tpu.memory_space<hbm>>
        %dma_wait3A_140 = arith.constant 0 : i32
        %dma_wait3A_141 = arith.constant 0 : i32
        %dma_wait3A_142 = tpu.memref_slice %arg4[%dma_wait3A_140, %dma_wait3A_141] : memref<100000x16xi32, #tpu.memory_space<hbm>> -> memref<512x16xi32, #tpu.memory_space<hbm>>
        tpu.wait_dma2 semaphore(%arg20 : memref<!tpu.dma_semaphore, #tpu.memory_space<semaphore_mem>>) src(%dma_wait3A_142 : memref<512x16xi32, #tpu.memory_space<hbm>>) dst(%arg13 : memref<512x16xi32, #tpu.memory_space<vmem>>)
        %add3A_143 = arith.constant 2 : i32
        %add3A_144 = arith.addi %add3A_120, %add3A_143 : i32
        %lt3A_145 = arith.cmpi slt, %add3A_144, %select_n3A : i32
        %convert_element_type3A_146 = arith.extui %lt3A_145 : i1 to i32
        %cond3A_147 = arith.constant 0 : i32
        %cond3A_148 = arith.cmpi ne, %convert_element_type3A_146, %cond3A_147 : i32
        scf.if %cond3A_148 {
          %add3A_162 = arith.constant 2 : i32
          %add3A_163 = arith.addi %add3A_120, %add3A_162 : i32
          %mul3A_164 = arith.constant 32 : i32
          %mul3A_165 = arith.muli %add3A_163, %mul3A_164 : i32
          %add3A_166 = arith.addi %add3A, %mul3A_165 : i32
          %mul3A_167 = arith.constant 512 : i32
          %mul3A_168 = arith.muli %add3A_166, %mul3A_167 : i32
          %dma_start3A_169 = arith.constant 0 : i32
          %dma_start3A_170 = tpu.memref_slice %arg2[%dma_start3A_169, %mul3A_168] : memref<2x1600000xi32, #tpu.memory_space<hbm>> -> memref<1x512xi32, #tpu.memory_space<hbm>>
          %dma_start3A_171 = tpu.memref_squeeze %dma_start3A_170 : memref<1x512xi32, #tpu.memory_space<hbm>> -> memref<512xi32, #tpu.memory_space<hbm>>
          %dma_start3A_172 = tpu.memref_slice %arg2[%dma_start3A_169, %mul3A_168] : memref<2x1600000xi32, #tpu.memory_space<hbm>> -> memref<1x512xi32, #tpu.memory_space<hbm>>
          %dma_start3A_173 = tpu.memref_squeeze %dma_start3A_172 : memref<1x512xi32, #tpu.memory_space<hbm>> -> memref<512xi32, #tpu.memory_space<hbm>>
          tpu.enqueue_dma source(%dma_start3A_173 : memref<512xi32, #tpu.memory_space<hbm>>) target(%arg7 : memref<512xi32, #tpu.memory_space<vmem>>) target_semaphore(%arg18 : memref<!tpu.dma_semaphore, #tpu.memory_space<semaphore_mem>>)
          %dma_start3A_174 = arith.constant 1 : i32
          %dma_start3A_175 = tpu.memref_slice %arg2[%dma_start3A_174, %mul3A_168] : memref<2x1600000xi32, #tpu.memory_space<hbm>> -> memref<1x512xi32, #tpu.memory_space<hbm>>
          %dma_start3A_176 = tpu.memref_squeeze %dma_start3A_175 : memref<1x512xi32, #tpu.memory_space<hbm>> -> memref<512xi32, #tpu.memory_space<hbm>>
          %dma_start3A_177 = tpu.memref_slice %arg2[%dma_start3A_174, %mul3A_168] : memref<2x1600000xi32, #tpu.memory_space<hbm>> -> memref<1x512xi32, #tpu.memory_space<hbm>>
          %dma_start3A_178 = tpu.memref_squeeze %dma_start3A_177 : memref<1x512xi32, #tpu.memory_space<hbm>> -> memref<512xi32, #tpu.memory_space<hbm>>
          tpu.enqueue_dma source(%dma_start3A_178 : memref<512xi32, #tpu.memory_space<hbm>>) target(%arg9 : memref<512xi32, #tpu.memory_space<vmem>>) target_semaphore(%arg18 : memref<!tpu.dma_semaphore, #tpu.memory_space<semaphore_mem>>)
        } else {
        }
        %ge3A = arith.constant 2 : i32
        %ge3A_149 = arith.cmpi sge, %add3A_120, %ge3A : i32
        %convert_element_type3A_150 = arith.extui %ge3A_149 : i1 to i32
        %cond3A_151 = arith.constant 0 : i32
        %cond3A_152 = arith.cmpi ne, %convert_element_type3A_150, %cond3A_151 : i32
        scf.if %cond3A_152 {
          %dma_wait3A_162 = arith.constant 0 : i32
          %dma_wait3A_163 = tpu.memref_slice %arg5[%dma_wait3A_162] : memref<1600000xf32, #tpu.memory_space<hbm>> -> memref<512xf32, #tpu.memory_space<hbm>>
          %dma_wait3A_164 = arith.constant 0 : i32
          %dma_wait3A_165 = tpu.memref_slice %arg5[%dma_wait3A_164] : memref<1600000xf32, #tpu.memory_space<hbm>> -> memref<512xf32, #tpu.memory_space<hbm>>
          tpu.wait_dma2 semaphore(%arg22 : memref<!tpu.dma_semaphore, #tpu.memory_space<semaphore_mem>>) src(%arg15 : memref<512xf32, #tpu.memory_space<vmem>>) dst(%dma_wait3A_165 : memref<512xf32, #tpu.memory_space<hbm>>)
        } else {
        }
        %parallel_loop3A = arith.constant 0 : i32
        %parallel_loop3A_153 = arith.constant 32 : i32
        %parallel_loop3A_154 = arith.constant 1 : i32
        scf.for %parallel_loop3A_162 = %parallel_loop3A to %parallel_loop3A_153 step %parallel_loop3A_154  : i32 {
          %parallel_loop3A_163 = arith.constant 16 : i32
          %parallel_loop3A_164 = arith.muli %parallel_loop3A_162, %parallel_loop3A_163 : i32
          %parallel_loop3A_165 = arith.constant 3 : i32
          %parallel_loop3A_166 = arith.andi %parallel_loop3A_162, %parallel_loop3A_165 : i32
          %parallel_loop3A_167 = arith.constant 0 : i32
          %parallel_loop3A_168 = arith.addi %parallel_loop3A_164, %parallel_loop3A_167 : i32
          %parallel_loop3A_169 = arith.constant 0 : i32
          %parallel_loop3A_170 = arith.addi %parallel_loop3A_168, %parallel_loop3A_169 : i32
          %parallel_loop3A_171 = arith.constant 0 : i32
          %parallel_loop3A_172 = arith.addi %parallel_loop3A_164, %parallel_loop3A_171 : i32
          %parallel_loop3A_173 = arith.constant 1 : i32
          %parallel_loop3A_174 = arith.addi %parallel_loop3A_172, %parallel_loop3A_173 : i32
          %parallel_loop3A_175 = arith.constant 0 : i32
          %parallel_loop3A_176 = arith.addi %parallel_loop3A_164, %parallel_loop3A_175 : i32
          %parallel_loop3A_177 = arith.constant 2 : i32
          %parallel_loop3A_178 = arith.addi %parallel_loop3A_176, %parallel_loop3A_177 : i32
          %parallel_loop3A_179 = arith.constant 0 : i32
          %parallel_loop3A_180 = arith.addi %parallel_loop3A_164, %parallel_loop3A_179 : i32
          %parallel_loop3A_181 = arith.constant 3 : i32
          %parallel_loop3A_182 = arith.addi %parallel_loop3A_180, %parallel_loop3A_181 : i32
          %parallel_loop3A_183 = arith.index_cast %parallel_loop3A_170 : i32 to index
          %parallel_loop3A_184 = arith.constant 0 : index
          %parallel_loop3A_185 = tpu.vector_load %arg11[%parallel_loop3A_183, %parallel_loop3A_184] {strides = array<i32>} : memref<512x16xi32, #tpu.memory_space<vmem>>, vector<16xi32>,
          %parallel_loop3A_186 = arith.index_cast %parallel_loop3A_174 : i32 to index
          %parallel_loop3A_187 = arith.constant 0 : index
          %parallel_loop3A_188 = tpu.vector_load %arg11[%parallel_loop3A_186, %parallel_loop3A_187] {strides = array<i32>} : memref<512x16xi32, #tpu.memory_space<vmem>>, vector<16xi32>,
          %parallel_loop3A_189 = arith.index_cast %parallel_loop3A_178 : i32 to index
          %parallel_loop3A_190 = arith.constant 0 : index
          %parallel_loop3A_191 = tpu.vector_load %arg11[%parallel_loop3A_189, %parallel_loop3A_190] {strides = array<i32>} : memref<512x16xi32, #tpu.memory_space<vmem>>, vector<16xi32>,
          %parallel_loop3A_192 = arith.index_cast %parallel_loop3A_182 : i32 to index
          %parallel_loop3A_193 = arith.constant 0 : index
          %parallel_loop3A_194 = tpu.vector_load %arg11[%parallel_loop3A_192, %parallel_loop3A_193] {strides = array<i32>} : memref<512x16xi32, #tpu.memory_space<vmem>>, vector<16xi32>,
          %parallel_loop3A_195 = arith.index_cast %parallel_loop3A_170 : i32 to index
          %parallel_loop3A_196 = arith.constant 0 : index
          %parallel_loop3A_197 = tpu.vector_load %arg13[%parallel_loop3A_195, %parallel_loop3A_196] {strides = array<i32>} : memref<512x16xi32, #tpu.memory_space<vmem>>, vector<16xi32>,
          %parallel_loop3A_198 = arith.index_cast %parallel_loop3A_174 : i32 to index
          %parallel_loop3A_199 = arith.constant 0 : index
          %parallel_loop3A_200 = tpu.vector_load %arg13[%parallel_loop3A_198, %parallel_loop3A_199] {strides = array<i32>} : memref<512x16xi32, #tpu.memory_space<vmem>>, vector<16xi32>,
          %parallel_loop3A_201 = arith.index_cast %parallel_loop3A_178 : i32 to index
          %parallel_loop3A_202 = arith.constant 0 : index
          %parallel_loop3A_203 = tpu.vector_load %arg13[%parallel_loop3A_201, %parallel_loop3A_202] {strides = array<i32>} : memref<512x16xi32, #tpu.memory_space<vmem>>, vector<16xi32>,
          %parallel_loop3A_204 = arith.index_cast %parallel_loop3A_182 : i32 to index
          %parallel_loop3A_205 = arith.constant 0 : index
          %parallel_loop3A_206 = tpu.vector_load %arg13[%parallel_loop3A_204, %parallel_loop3A_205] {strides = array<i32>} : memref<512x16xi32, #tpu.memory_space<vmem>>, vector<16xi32>,
          %parallel_loop3A_207 = vector.bitcast %parallel_loop3A_185 : vector<16xi32> to vector<32xbf16>
          %parallel_loop3A_208 = vector.bitcast %parallel_loop3A_197 : vector<16xi32> to vector<32xbf16>
          %parallel_loop3A_209 = arith.mulf %parallel_loop3A_207, %parallel_loop3A_208 : vector<32xbf16>
          %parallel_loop3A_210 = vector.bitcast %parallel_loop3A_188 : vector<16xi32> to vector<32xbf16>
          %parallel_loop3A_211 = vector.bitcast %parallel_loop3A_200 : vector<16xi32> to vector<32xbf16>
          %parallel_loop3A_212 = arith.mulf %parallel_loop3A_210, %parallel_loop3A_211 : vector<32xbf16>
          %parallel_loop3A_213 = vector.bitcast %parallel_loop3A_191 : vector<16xi32> to vector<32xbf16>
          %parallel_loop3A_214 = vector.bitcast %parallel_loop3A_203 : vector<16xi32> to vector<32xbf16>
          %parallel_loop3A_215 = arith.mulf %parallel_loop3A_213, %parallel_loop3A_214 : vector<32xbf16>
          %parallel_loop3A_216 = vector.bitcast %parallel_loop3A_194 : vector<16xi32> to vector<32xbf16>
          %parallel_loop3A_217 = vector.bitcast %parallel_loop3A_206 : vector<16xi32> to vector<32xbf16>
          %parallel_loop3A_218 = arith.mulf %parallel_loop3A_216, %parallel_loop3A_217 : vector<32xbf16>
          %parallel_loop3A_219 = tpu.unpack_subelements %parallel_loop3A_209, 0 {pack_format = #tpu.pack_format<interleaved>} : vector<32xbf16> -> vector<16xf32>
          %parallel_loop3A_220 = tpu.unpack_subelements %parallel_loop3A_209, 1 {pack_format = #tpu.pack_format<interleaved>} : vector<32xbf16> -> vector<16xf32>
          %parallel_loop3A_221 = tpu.unpack_subelements %parallel_loop3A_212, 0 {pack_format = #tpu.pack_format<interleaved>} : vector<32xbf16> -> vector<16xf32>
          %parallel_loop3A_222 = tpu.unpack_subelements %parallel_loop3A_212, 1 {pack_format = #tpu.pack_format<interleaved>} : vector<32xbf16> -> vector<16xf32>
          %parallel_loop3A_223 = tpu.unpack_subelements %parallel_loop3A_215, 0 {pack_format = #tpu.pack_format<interleaved>} : vector<32xbf16> -> vector<16xf32>
          %parallel_loop3A_224 = tpu.unpack_subelements %parallel_loop3A_215, 1 {pack_format = #tpu.pack_format<interleaved>} : vector<32xbf16> -> vector<16xf32>
          %parallel_loop3A_225 = tpu.unpack_subelements %parallel_loop3A_218, 0 {pack_format = #tpu.pack_format<interleaved>} : vector<32xbf16> -> vector<16xf32>
          %parallel_loop3A_226 = tpu.unpack_subelements %parallel_loop3A_218, 1 {pack_format = #tpu.pack_format<interleaved>} : vector<32xbf16> -> vector<16xf32>
          %parallel_loop3A_227 = arith.addf %parallel_loop3A_219, %parallel_loop3A_220 : vector<16xf32>
          %parallel_loop3A_228 = arith.constant 0 : i32
          %parallel_loop3A_229 = arith.constant 0 : i32
          %parallel_loop3A_230 = arith.constant 0 : i32
          %parallel_loop3A_231 = tpu.memref_slice %arg16[%parallel_loop3A_166, %parallel_loop3A_229, %parallel_loop3A_230] : memref<4x16x17xf32, #tpu.memory_space<vmem>> -> memref<1x16x17xf32, #tpu.memory_space<vmem>>
          %parallel_loop3A_232 = tpu.memref_squeeze %parallel_loop3A_231 : memref<1x16x17xf32, #tpu.memory_space<vmem>> -> memref<16x17xf32, #tpu.memory_space<vmem>>
          %parallel_loop3A_233 = arith.index_cast %parallel_loop3A_228 : i32 to index
          %parallel_loop3A_234 = arith.constant 0 : index
          %parallel_loop3A_235 = tpu.vector_load %parallel_loop3A_232[%parallel_loop3A_233, %parallel_loop3A_234] {strides = array<i32>} : memref<16x17xf32, #tpu.memory_space<vmem>>, vector<16xf32>,
          tpu.vector_store %parallel_loop3A_232[%parallel_loop3A_233, %parallel_loop3A_234], %parallel_loop3A_227 {strides = array<i32>} : memref<16x17xf32, #tpu.memory_space<vmem>>, vector<16xf32>,
          %parallel_loop3A_236 = arith.addf %parallel_loop3A_221, %parallel_loop3A_222 : vector<16xf32>
          %parallel_loop3A_237 = arith.constant 1 : i32
          %parallel_loop3A_238 = arith.constant 0 : i32
          %parallel_loop3A_239 = arith.constant 0 : i32
          %parallel_loop3A_240 = tpu.memref_slice %arg16[%parallel_loop3A_166, %parallel_loop3A_238, %parallel_loop3A_239] : memref<4x16x17xf32, #tpu.memory_space<vmem>> -> memref<1x16x17xf32, #tpu.memory_space<vmem>>
          %parallel_loop3A_241 = tpu.memref_squeeze %parallel_loop3A_240 : memref<1x16x17xf32, #tpu.memory_space<vmem>> -> memref<16x17xf32, #tpu.memory_space<vmem>>
          %parallel_loop3A_242 = arith.index_cast %parallel_loop3A_237 : i32 to index
          %parallel_loop3A_243 = arith.constant 0 : index
          %parallel_loop3A_244 = tpu.vector_load %parallel_loop3A_241[%parallel_loop3A_242, %parallel_loop3A_243] {strides = array<i32>} : memref<16x17xf32, #tpu.memory_space<vmem>>, vector<16xf32>,
          tpu.vector_store %parallel_loop3A_241[%parallel_loop3A_242, %parallel_loop3A_243], %parallel_loop3A_236 {strides = array<i32>} : memref<16x17xf32, #tpu.memory_space<vmem>>, vector<16xf32>,
          %parallel_loop3A_245 = arith.addf %parallel_loop3A_223, %parallel_loop3A_224 : vector<16xf32>
          %parallel_loop3A_246 = arith.constant 2 : i32
          %parallel_loop3A_247 = arith.constant 0 : i32
          %parallel_loop3A_248 = arith.constant 0 : i32
          %parallel_loop3A_249 = tpu.memref_slice %arg16[%parallel_loop3A_166, %parallel_loop3A_247, %parallel_loop3A_248] : memref<4x16x17xf32, #tpu.memory_space<vmem>> -> memref<1x16x17xf32, #tpu.memory_space<vmem>>
          %parallel_loop3A_250 = tpu.memref_squeeze %parallel_loop3A_249 : memref<1x16x17xf32, #tpu.memory_space<vmem>> -> memref<16x17xf32, #tpu.memory_space<vmem>>
          %parallel_loop3A_251 = arith.index_cast %parallel_loop3A_246 : i32 to index
          %parallel_loop3A_252 = arith.constant 0 : index
          %parallel_loop3A_253 = tpu.vector_load %parallel_loop3A_250[%parallel_loop3A_251, %parallel_loop3A_252] {strides = array<i32>} : memref<16x17xf32, #tpu.memory_space<vmem>>, vector<16xf32>,
          tpu.vector_store %parallel_loop3A_250[%parallel_loop3A_251, %parallel_loop3A_252], %parallel_loop3A_245 {strides = array<i32>} : memref<16x17xf32, #tpu.memory_space<vmem>>, vector<16xf32>,
          %parallel_loop3A_254 = arith.addf %parallel_loop3A_225, %parallel_loop3A_226 : vector<16xf32>
          %parallel_loop3A_255 = arith.constant 3 : i32
          %parallel_loop3A_256 = arith.constant 0 : i32
          %parallel_loop3A_257 = arith.constant 0 : i32
          %parallel_loop3A_258 = tpu.memref_slice %arg16[%parallel_loop3A_166, %parallel_loop3A_256, %parallel_loop3A_257] : memref<4x16x17xf32, #tpu.memory_space<vmem>> -> memref<1x16x17xf32, #tpu.memory_space<vmem>>
          %parallel_loop3A_259 = tpu.memref_squeeze %parallel_loop3A_258 : memref<1x16x17xf32, #tpu.memory_space<vmem>> -> memref<16x17xf32, #tpu.memory_space<vmem>>
          %parallel_loop3A_260 = arith.index_cast %parallel_loop3A_255 : i32 to index
          %parallel_loop3A_261 = arith.constant 0 : index
          %parallel_loop3A_262 = tpu.vector_load %parallel_loop3A_259[%parallel_loop3A_260, %parallel_loop3A_261] {strides = array<i32>} : memref<16x17xf32, #tpu.memory_space<vmem>>, vector<16xf32>,
          tpu.vector_store %parallel_loop3A_259[%parallel_loop3A_260, %parallel_loop3A_261], %parallel_loop3A_254 {strides = array<i32>} : memref<16x17xf32, #tpu.memory_space<vmem>>, vector<16xf32>,
          %parallel_loop3A_263 = arith.constant 4 : i32
          %parallel_loop3A_264 = arith.addi %parallel_loop3A_164, %parallel_loop3A_263 : i32
          %parallel_loop3A_265 = arith.constant 0 : i32
          %parallel_loop3A_266 = arith.addi %parallel_loop3A_264, %parallel_loop3A_265 : i32
          %parallel_loop3A_267 = arith.constant 4 : i32
          %parallel_loop3A_268 = arith.addi %parallel_loop3A_164, %parallel_loop3A_267 : i32
          %parallel_loop3A_269 = arith.constant 1 : i32
          %parallel_loop3A_270 = arith.addi %parallel_loop3A_268, %parallel_loop3A_269 : i32
          %parallel_loop3A_271 = arith.constant 4 : i32
          %parallel_loop3A_272 = arith.addi %parallel_loop3A_164, %parallel_loop3A_271 : i32
          %parallel_loop3A_273 = arith.constant 2 : i32
          %parallel_loop3A_274 = arith.addi %parallel_loop3A_272, %parallel_loop3A_273 : i32
          %parallel_loop3A_275 = arith.constant 4 : i32
          %parallel_loop3A_276 = arith.addi %parallel_loop3A_164, %parallel_loop3A_275 : i32
          %parallel_loop3A_277 = arith.constant 3 : i32
          %parallel_loop3A_278 = arith.addi %parallel_loop3A_276, %parallel_loop3A_277 : i32
          %parallel_loop3A_279 = arith.index_cast %parallel_loop3A_266 : i32 to index
          %parallel_loop3A_280 = arith.constant 0 : index
          %parallel_loop3A_281 = tpu.vector_load %arg11[%parallel_loop3A_279, %parallel_loop3A_280] {strides = array<i32>} : memref<512x16xi32, #tpu.memory_space<vmem>>, vector<16xi32>,
          %parallel_loop3A_282 = arith.index_cast %parallel_loop3A_270 : i32 to index
          %parallel_loop3A_283 = arith.constant 0 : index
          %parallel_loop3A_284 = tpu.vector_load %arg11[%parallel_loop3A_282, %parallel_loop3A_283] {strides = array<i32>} : memref<512x16xi32, #tpu.memory_space<vmem>>, vector<16xi32>,
          %parallel_loop3A_285 = arith.index_cast %parallel_loop3A_274 : i32 to index
          %parallel_loop3A_286 = arith.constant 0 : index
          %parallel_loop3A_287 = tpu.vector_load %arg11[%parallel_loop3A_285, %parallel_loop3A_286] {strides = array<i32>} : memref<512x16xi32, #tpu.memory_space<vmem>>, vector<16xi32>,
          %parallel_loop3A_288 = arith.index_cast %parallel_loop3A_278 : i32 to index
          %parallel_loop3A_289 = arith.constant 0 : index
          %parallel_loop3A_290 = tpu.vector_load %arg11[%parallel_loop3A_288, %parallel_loop3A_289] {strides = array<i32>} : memref<512x16xi32, #tpu.memory_space<vmem>>, vector<16xi32>,
          %parallel_loop3A_291 = arith.index_cast %parallel_loop3A_266 : i32 to index
          %parallel_loop3A_292 = arith.constant 0 : index
          %parallel_loop3A_293 = tpu.vector_load %arg13[%parallel_loop3A_291, %parallel_loop3A_292] {strides = array<i32>} : memref<512x16xi32, #tpu.memory_space<vmem>>, vector<16xi32>,
          %parallel_loop3A_294 = arith.index_cast %parallel_loop3A_270 : i32 to index
          %parallel_loop3A_295 = arith.constant 0 : index
          %parallel_loop3A_296 = tpu.vector_load %arg13[%parallel_loop3A_294, %parallel_loop3A_295] {strides = array<i32>} : memref<512x16xi32, #tpu.memory_space<vmem>>, vector<16xi32>,
          %parallel_loop3A_297 = arith.index_cast %parallel_loop3A_274 : i32 to index
          %parallel_loop3A_298 = arith.constant 0 : index
          %parallel_loop3A_299 = tpu.vector_load %arg13[%parallel_loop3A_297, %parallel_loop3A_298] {strides = array<i32>} : memref<512x16xi32, #tpu.memory_space<vmem>>, vector<16xi32>,
          %parallel_loop3A_300 = arith.index_cast %parallel_loop3A_278 : i32 to index
          %parallel_loop3A_301 = arith.constant 0 : index
          %parallel_loop3A_302 = tpu.vector_load %arg13[%parallel_loop3A_300, %parallel_loop3A_301] {strides = array<i32>} : memref<512x16xi32, #tpu.memory_space<vmem>>, vector<16xi32>,
          %parallel_loop3A_303 = vector.bitcast %parallel_loop3A_281 : vector<16xi32> to vector<32xbf16>
          %parallel_loop3A_304 = vector.bitcast %parallel_loop3A_293 : vector<16xi32> to vector<32xbf16>
          %parallel_loop3A_305 = arith.mulf %parallel_loop3A_303, %parallel_loop3A_304 : vector<32xbf16>
          %parallel_loop3A_306 = vector.bitcast %parallel_loop3A_284 : vector<16xi32> to vector<32xbf16>
          %parallel_loop3A_307 = vector.bitcast %parallel_loop3A_296 : vector<16xi32> to vector<32xbf16>
          %parallel_loop3A_308 = arith.mulf %parallel_loop3A_306, %parallel_loop3A_307 : vector<32xbf16>
          %parallel_loop3A_309 = vector.bitcast %parallel_loop3A_287 : vector<16xi32> to vector<32xbf16>
          %parallel_loop3A_310 = vector.bitcast %parallel_loop3A_299 : vector<16xi32> to vector<32xbf16>
          %parallel_loop3A_311 = arith.mulf %parallel_loop3A_309, %parallel_loop3A_310 : vector<32xbf16>
          %parallel_loop3A_312 = vector.bitcast %parallel_loop3A_290 : vector<16xi32> to vector<32xbf16>
          %parallel_loop3A_313 = vector.bitcast %parallel_loop3A_302 : vector<16xi32> to vector<32xbf16>
          %parallel_loop3A_314 = arith.mulf %parallel_loop3A_312, %parallel_loop3A_313 : vector<32xbf16>
          %parallel_loop3A_315 = tpu.unpack_subelements %parallel_loop3A_305, 0 {pack_format = #tpu.pack_format<interleaved>} : vector<32xbf16> -> vector<16xf32>
          %parallel_loop3A_316 = tpu.unpack_subelements %parallel_loop3A_305, 1 {pack_format = #tpu.pack_format<interleaved>} : vector<32xbf16> -> vector<16xf32>
          %parallel_loop3A_317 = tpu.unpack_subelements %parallel_loop3A_308, 0 {pack_format = #tpu.pack_format<interleaved>} : vector<32xbf16> -> vector<16xf32>
          %parallel_loop3A_318 = tpu.unpack_subelements %parallel_loop3A_308, 1 {pack_format = #tpu.pack_format<interleaved>} : vector<32xbf16> -> vector<16xf32>
          %parallel_loop3A_319 = tpu.unpack_subelements %parallel_loop3A_311, 0 {pack_format = #tpu.pack_format<interleaved>} : vector<32xbf16> -> vector<16xf32>
          %parallel_loop3A_320 = tpu.unpack_subelements %parallel_loop3A_311, 1 {pack_format = #tpu.pack_format<interleaved>} : vector<32xbf16> -> vector<16xf32>
          %parallel_loop3A_321 = tpu.unpack_subelements %parallel_loop3A_314, 0 {pack_format = #tpu.pack_format<interleaved>} : vector<32xbf16> -> vector<16xf32>
          %parallel_loop3A_322 = tpu.unpack_subelements %parallel_loop3A_314, 1 {pack_format = #tpu.pack_format<interleaved>} : vector<32xbf16> -> vector<16xf32>
          %parallel_loop3A_323 = arith.addf %parallel_loop3A_315, %parallel_loop3A_316 : vector<16xf32>
          %parallel_loop3A_324 = arith.constant 4 : i32
          %parallel_loop3A_325 = arith.constant 0 : i32
          %parallel_loop3A_326 = arith.constant 0 : i32
          %parallel_loop3A_327 = tpu.memref_slice %arg16[%parallel_loop3A_166, %parallel_loop3A_325, %parallel_loop3A_326] : memref<4x16x17xf32, #tpu.memory_space<vmem>> -> memref<1x16x17xf32, #tpu.memory_space<vmem>>
          %parallel_loop3A_328 = tpu.memref_squeeze %parallel_loop3A_327 : memref<1x16x17xf32, #tpu.memory_space<vmem>> -> memref<16x17xf32, #tpu.memory_space<vmem>>
          %parallel_loop3A_329 = arith.index_cast %parallel_loop3A_324 : i32 to index
          %parallel_loop3A_330 = arith.constant 0 : index
          %parallel_loop3A_331 = tpu.vector_load %parallel_loop3A_328[%parallel_loop3A_329, %parallel_loop3A_330] {strides = array<i32>} : memref<16x17xf32, #tpu.memory_space<vmem>>, vector<16xf32>,
          tpu.vector_store %parallel_loop3A_328[%parallel_loop3A_329, %parallel_loop3A_330], %parallel_loop3A_323 {strides = array<i32>} : memref<16x17xf32, #tpu.memory_space<vmem>>, vector<16xf32>,
          %parallel_loop3A_332 = arith.addf %parallel_loop3A_317, %parallel_loop3A_318 : vector<16xf32>
          %parallel_loop3A_333 = arith.constant 5 : i32
          %parallel_loop3A_334 = arith.constant 0 : i32
          %parallel_loop3A_335 = arith.constant 0 : i32
          %parallel_loop3A_336 = tpu.memref_slice %arg16[%parallel_loop3A_166, %parallel_loop3A_334, %parallel_loop3A_335] : memref<4x16x17xf32, #tpu.memory_space<vmem>> -> memref<1x16x17xf32, #tpu.memory_space<vmem>>
          %parallel_loop3A_337 = tpu.memref_squeeze %parallel_loop3A_336 : memref<1x16x17xf32, #tpu.memory_space<vmem>> -> memref<16x17xf32, #tpu.memory_space<vmem>>
          %parallel_loop3A_338 = arith.index_cast %parallel_loop3A_333 : i32 to index
          %parallel_loop3A_339 = arith.constant 0 : index
          %parallel_loop3A_340 = tpu.vector_load %parallel_loop3A_337[%parallel_loop3A_338, %parallel_loop3A_339] {strides = array<i32>} : memref<16x17xf32, #tpu.memory_space<vmem>>, vector<16xf32>,
          tpu.vector_store %parallel_loop3A_337[%parallel_loop3A_338, %parallel_loop3A_339], %parallel_loop3A_332 {strides = array<i32>} : memref<16x17xf32, #tpu.memory_space<vmem>>, vector<16xf32>,
          %parallel_loop3A_341 = arith.addf %parallel_loop3A_319, %parallel_loop3A_320 : vector<16xf32>
          %parallel_loop3A_342 = arith.constant 6 : i32
          %parallel_loop3A_343 = arith.constant 0 : i32
          %parallel_loop3A_344 = arith.constant 0 : i32
          %parallel_loop3A_345 = tpu.memref_slice %arg16[%parallel_loop3A_166, %parallel_loop3A_343, %parallel_loop3A_344] : memref<4x16x17xf32, #tpu.memory_space<vmem>> -> memref<1x16x17xf32, #tpu.memory_space<vmem>>
          %parallel_loop3A_346 = tpu.memref_squeeze %parallel_loop3A_345 : memref<1x16x17xf32, #tpu.memory_space<vmem>> -> memref<16x17xf32, #tpu.memory_space<vmem>>
          %parallel_loop3A_347 = arith.index_cast %parallel_loop3A_342 : i32 to index
          %parallel_loop3A_348 = arith.constant 0 : index
          %parallel_loop3A_349 = tpu.vector_load %parallel_loop3A_346[%parallel_loop3A_347, %parallel_loop3A_348] {strides = array<i32>} : memref<16x17xf32, #tpu.memory_space<vmem>>, vector<16xf32>,
          tpu.vector_store %parallel_loop3A_346[%parallel_loop3A_347, %parallel_loop3A_348], %parallel_loop3A_341 {strides = array<i32>} : memref<16x17xf32, #tpu.memory_space<vmem>>, vector<16xf32>,
          %parallel_loop3A_350 = arith.addf %parallel_loop3A_321, %parallel_loop3A_322 : vector<16xf32>
          %parallel_loop3A_351 = arith.constant 7 : i32
          %parallel_loop3A_352 = arith.constant 0 : i32
          %parallel_loop3A_353 = arith.constant 0 : i32
          %parallel_loop3A_354 = tpu.memref_slice %arg16[%parallel_loop3A_166, %parallel_loop3A_352, %parallel_loop3A_353] : memref<4x16x17xf32, #tpu.memory_space<vmem>> -> memref<1x16x17xf32, #tpu.memory_space<vmem>>
          %parallel_loop3A_355 = tpu.memref_squeeze %parallel_loop3A_354 : memref<1x16x17xf32, #tpu.memory_space<vmem>> -> memref<16x17xf32, #tpu.memory_space<vmem>>
          %parallel_loop3A_356 = arith.index_cast %parallel_loop3A_351 : i32 to index
          %parallel_loop3A_357 = arith.constant 0 : index
          %parallel_loop3A_358 = tpu.vector_load %parallel_loop3A_355[%parallel_loop3A_356, %parallel_loop3A_357] {strides = array<i32>} : memref<16x17xf32, #tpu.memory_space<vmem>>, vector<16xf32>,
          tpu.vector_store %parallel_loop3A_355[%parallel_loop3A_356, %parallel_loop3A_357], %parallel_loop3A_350 {strides = array<i32>} : memref<16x17xf32, #tpu.memory_space<vmem>>, vector<16xf32>,
          %parallel_loop3A_359 = arith.constant 8 : i32
          %parallel_loop3A_360 = arith.addi %parallel_loop3A_164, %parallel_loop3A_359 : i32
          %parallel_loop3A_361 = arith.constant 0 : i32
          %parallel_loop3A_362 = arith.addi %parallel_loop3A_360, %parallel_loop3A_361 : i32
          %parallel_loop3A_363 = arith.constant 8 : i32
          %parallel_loop3A_364 = arith.addi %parallel_loop3A_164, %parallel_loop3A_363 : i32
          %parallel_loop3A_365 = arith.constant 1 : i32
          %parallel_loop3A_366 = arith.addi %parallel_loop3A_364, %parallel_loop3A_365 : i32
          %parallel_loop3A_367 = arith.constant 8 : i32
          %parallel_loop3A_368 = arith.addi %parallel_loop3A_164, %parallel_loop3A_367 : i32
          %parallel_loop3A_369 = arith.constant 2 : i32
          %parallel_loop3A_370 = arith.addi %parallel_loop3A_368, %parallel_loop3A_369 : i32
          %parallel_loop3A_371 = arith.constant 8 : i32
          %parallel_loop3A_372 = arith.addi %parallel_loop3A_164, %parallel_loop3A_371 : i32
          %parallel_loop3A_373 = arith.constant 3 : i32
          %parallel_loop3A_374 = arith.addi %parallel_loop3A_372, %parallel_loop3A_373 : i32
          %parallel_loop3A_375 = arith.index_cast %parallel_loop3A_362 : i32 to index
          %parallel_loop3A_376 = arith.constant 0 : index
          %parallel_loop3A_377 = tpu.vector_load %arg11[%parallel_loop3A_375, %parallel_loop3A_376] {strides = array<i32>} : memref<512x16xi32, #tpu.memory_space<vmem>>, vector<16xi32>,
          %parallel_loop3A_378 = arith.index_cast %parallel_loop3A_366 : i32 to index
          %parallel_loop3A_379 = arith.constant 0 : index
          %parallel_loop3A_380 = tpu.vector_load %arg11[%parallel_loop3A_378, %parallel_loop3A_379] {strides = array<i32>} : memref<512x16xi32, #tpu.memory_space<vmem>>, vector<16xi32>,
          %parallel_loop3A_381 = arith.index_cast %parallel_loop3A_370 : i32 to index
          %parallel_loop3A_382 = arith.constant 0 : index
          %parallel_loop3A_383 = tpu.vector_load %arg11[%parallel_loop3A_381, %parallel_loop3A_382] {strides = array<i32>} : memref<512x16xi32, #tpu.memory_space<vmem>>, vector<16xi32>,
          %parallel_loop3A_384 = arith.index_cast %parallel_loop3A_374 : i32 to index
          %parallel_loop3A_385 = arith.constant 0 : index
          %parallel_loop3A_386 = tpu.vector_load %arg11[%parallel_loop3A_384, %parallel_loop3A_385] {strides = array<i32>} : memref<512x16xi32, #tpu.memory_space<vmem>>, vector<16xi32>,
          %parallel_loop3A_387 = arith.index_cast %parallel_loop3A_362 : i32 to index
          %parallel_loop3A_388 = arith.constant 0 : index
          %parallel_loop3A_389 = tpu.vector_load %arg13[%parallel_loop3A_387, %parallel_loop3A_388] {strides = array<i32>} : memref<512x16xi32, #tpu.memory_space<vmem>>, vector<16xi32>,
          %parallel_loop3A_390 = arith.index_cast %parallel_loop3A_366 : i32 to index
          %parallel_loop3A_391 = arith.constant 0 : index
          %parallel_loop3A_392 = tpu.vector_load %arg13[%parallel_loop3A_390, %parallel_loop3A_391] {strides = array<i32>} : memref<512x16xi32, #tpu.memory_space<vmem>>, vector<16xi32>,
          %parallel_loop3A_393 = arith.index_cast %parallel_loop3A_370 : i32 to index
          %parallel_loop3A_394 = arith.constant 0 : index
          %parallel_loop3A_395 = tpu.vector_load %arg13[%parallel_loop3A_393, %parallel_loop3A_394] {strides = array<i32>} : memref<512x16xi32, #tpu.memory_space<vmem>>, vector<16xi32>,
          %parallel_loop3A_396 = arith.index_cast %parallel_loop3A_374 : i32 to index
          %parallel_loop3A_397 = arith.constant 0 : index
          %parallel_loop3A_398 = tpu.vector_load %arg13[%parallel_loop3A_396, %parallel_loop3A_397] {strides = array<i32>} : memref<512x16xi32, #tpu.memory_space<vmem>>, vector<16xi32>,
          %parallel_loop3A_399 = vector.bitcast %parallel_loop3A_377 : vector<16xi32> to vector<32xbf16>
          %parallel_loop3A_400 = vector.bitcast %parallel_loop3A_389 : vector<16xi32> to vector<32xbf16>
          %parallel_loop3A_401 = arith.mulf %parallel_loop3A_399, %parallel_loop3A_400 : vector<32xbf16>
          %parallel_loop3A_402 = vector.bitcast %parallel_loop3A_380 : vector<16xi32> to vector<32xbf16>
          %parallel_loop3A_403 = vector.bitcast %parallel_loop3A_392 : vector<16xi32> to vector<32xbf16>
          %parallel_loop3A_404 = arith.mulf %parallel_loop3A_402, %parallel_loop3A_403 : vector<32xbf16>
          %parallel_loop3A_405 = vector.bitcast %parallel_loop3A_383 : vector<16xi32> to vector<32xbf16>
          %parallel_loop3A_406 = vector.bitcast %parallel_loop3A_395 : vector<16xi32> to vector<32xbf16>
          %parallel_loop3A_407 = arith.mulf %parallel_loop3A_405, %parallel_loop3A_406 : vector<32xbf16>
          %parallel_loop3A_408 = vector.bitcast %parallel_loop3A_386 : vector<16xi32> to vector<32xbf16>
          %parallel_loop3A_409 = vector.bitcast %parallel_loop3A_398 : vector<16xi32> to vector<32xbf16>
          %parallel_loop3A_410 = arith.mulf %parallel_loop3A_408, %parallel_loop3A_409 : vector<32xbf16>
          %parallel_loop3A_411 = tpu.unpack_subelements %parallel_loop3A_401, 0 {pack_format = #tpu.pack_format<interleaved>} : vector<32xbf16> -> vector<16xf32>
          %parallel_loop3A_412 = tpu.unpack_subelements %parallel_loop3A_401, 1 {pack_format = #tpu.pack_format<interleaved>} : vector<32xbf16> -> vector<16xf32>
          %parallel_loop3A_413 = tpu.unpack_subelements %parallel_loop3A_404, 0 {pack_format = #tpu.pack_format<interleaved>} : vector<32xbf16> -> vector<16xf32>
          %parallel_loop3A_414 = tpu.unpack_subelements %parallel_loop3A_404, 1 {pack_format = #tpu.pack_format<interleaved>} : vector<32xbf16> -> vector<16xf32>
          %parallel_loop3A_415 = tpu.unpack_subelements %parallel_loop3A_407, 0 {pack_format = #tpu.pack_format<interleaved>} : vector<32xbf16> -> vector<16xf32>
          %parallel_loop3A_416 = tpu.unpack_subelements %parallel_loop3A_407, 1 {pack_format = #tpu.pack_format<interleaved>} : vector<32xbf16> -> vector<16xf32>
          %parallel_loop3A_417 = tpu.unpack_subelements %parallel_loop3A_410, 0 {pack_format = #tpu.pack_format<interleaved>} : vector<32xbf16> -> vector<16xf32>
          %parallel_loop3A_418 = tpu.unpack_subelements %parallel_loop3A_410, 1 {pack_format = #tpu.pack_format<interleaved>} : vector<32xbf16> -> vector<16xf32>
          %parallel_loop3A_419 = arith.addf %parallel_loop3A_411, %parallel_loop3A_412 : vector<16xf32>
          %parallel_loop3A_420 = arith.constant 8 : i32
          %parallel_loop3A_421 = arith.constant 0 : i32
          %parallel_loop3A_422 = arith.constant 0 : i32
          %parallel_loop3A_423 = tpu.memref_slice %arg16[%parallel_loop3A_166, %parallel_loop3A_421, %parallel_loop3A_422] : memref<4x16x17xf32, #tpu.memory_space<vmem>> -> memref<1x16x17xf32, #tpu.memory_space<vmem>>
          %parallel_loop3A_424 = tpu.memref_squeeze %parallel_loop3A_423 : memref<1x16x17xf32, #tpu.memory_space<vmem>> -> memref<16x17xf32, #tpu.memory_space<vmem>>
          %parallel_loop3A_425 = arith.index_cast %parallel_loop3A_420 : i32 to index
          %parallel_loop3A_426 = arith.constant 0 : index
          %parallel_loop3A_427 = tpu.vector_load %parallel_loop3A_424[%parallel_loop3A_425, %parallel_loop3A_426] {strides = array<i32>} : memref<16x17xf32, #tpu.memory_space<vmem>>, vector<16xf32>,
          tpu.vector_store %parallel_loop3A_424[%parallel_loop3A_425, %parallel_loop3A_426], %parallel_loop3A_419 {strides = array<i32>} : memref<16x17xf32, #tpu.memory_space<vmem>>, vector<16xf32>,
          %parallel_loop3A_428 = arith.addf %parallel_loop3A_413, %parallel_loop3A_414 : vector<16xf32>
          %parallel_loop3A_429 = arith.constant 9 : i32
          %parallel_loop3A_430 = arith.constant 0 : i32
          %parallel_loop3A_431 = arith.constant 0 : i32
          %parallel_loop3A_432 = tpu.memref_slice %arg16[%parallel_loop3A_166, %parallel_loop3A_430, %parallel_loop3A_431] : memref<4x16x17xf32, #tpu.memory_space<vmem>> -> memref<1x16x17xf32, #tpu.memory_space<vmem>>
          %parallel_loop3A_433 = tpu.memref_squeeze %parallel_loop3A_432 : memref<1x16x17xf32, #tpu.memory_space<vmem>> -> memref<16x17xf32, #tpu.memory_space<vmem>>
          %parallel_loop3A_434 = arith.index_cast %parallel_loop3A_429 : i32 to index
          %parallel_loop3A_435 = arith.constant 0 : index
          %parallel_loop3A_436 = tpu.vector_load %parallel_loop3A_433[%parallel_loop3A_434, %parallel_loop3A_435] {strides = array<i32>} : memref<16x17xf32, #tpu.memory_space<vmem>>, vector<16xf32>,
          tpu.vector_store %parallel_loop3A_433[%parallel_loop3A_434, %parallel_loop3A_435], %parallel_loop3A_428 {strides = array<i32>} : memref<16x17xf32, #tpu.memory_space<vmem>>, vector<16xf32>,
          %parallel_loop3A_437 = arith.addf %parallel_loop3A_415, %parallel_loop3A_416 : vector<16xf32>
          %parallel_loop3A_438 = arith.constant 10 : i32
          %parallel_loop3A_439 = arith.constant 0 : i32
          %parallel_loop3A_440 = arith.constant 0 : i32
          %parallel_loop3A_441 = tpu.memref_slice %arg16[%parallel_loop3A_166, %parallel_loop3A_439, %parallel_loop3A_440] : memref<4x16x17xf32, #tpu.memory_space<vmem>> -> memref<1x16x17xf32, #tpu.memory_space<vmem>>
          %parallel_loop3A_442 = tpu.memref_squeeze %parallel_loop3A_441 : memref<1x16x17xf32, #tpu.memory_space<vmem>> -> memref<16x17xf32, #tpu.memory_space<vmem>>
          %parallel_loop3A_443 = arith.index_cast %parallel_loop3A_438 : i32 to index
          %parallel_loop3A_444 = arith.constant 0 : index
          %parallel_loop3A_445 = tpu.vector_load %parallel_loop3A_442[%parallel_loop3A_443, %parallel_loop3A_444] {strides = array<i32>} : memref<16x17xf32, #tpu.memory_space<vmem>>, vector<16xf32>,
          tpu.vector_store %parallel_loop3A_442[%parallel_loop3A_443, %parallel_loop3A_444], %parallel_loop3A_437 {strides = array<i32>} : memref<16x17xf32, #tpu.memory_space<vmem>>, vector<16xf32>,
          %parallel_loop3A_446 = arith.addf %parallel_loop3A_417, %parallel_loop3A_418 : vector<16xf32>
          %parallel_loop3A_447 = arith.constant 11 : i32
          %parallel_loop3A_448 = arith.constant 0 : i32
          %parallel_loop3A_449 = arith.constant 0 : i32
          %parallel_loop3A_450 = tpu.memref_slice %arg16[%parallel_loop3A_166, %parallel_loop3A_448, %parallel_loop3A_449] : memref<4x16x17xf32, #tpu.memory_space<vmem>> -> memref<1x16x17xf32, #tpu.memory_space<vmem>>
          %parallel_loop3A_451 = tpu.memref_squeeze %parallel_loop3A_450 : memref<1x16x17xf32, #tpu.memory_space<vmem>> -> memref<16x17xf32, #tpu.memory_space<vmem>>
          %parallel_loop3A_452 = arith.index_cast %parallel_loop3A_447 : i32 to index
          %parallel_loop3A_453 = arith.constant 0 : index
          %parallel_loop3A_454 = tpu.vector_load %parallel_loop3A_451[%parallel_loop3A_452, %parallel_loop3A_453] {strides = array<i32>} : memref<16x17xf32, #tpu.memory_space<vmem>>, vector<16xf32>,
          tpu.vector_store %parallel_loop3A_451[%parallel_loop3A_452, %parallel_loop3A_453], %parallel_loop3A_446 {strides = array<i32>} : memref<16x17xf32, #tpu.memory_space<vmem>>, vector<16xf32>,
          %parallel_loop3A_455 = arith.constant 12 : i32
          %parallel_loop3A_456 = arith.addi %parallel_loop3A_164, %parallel_loop3A_455 : i32
          %parallel_loop3A_457 = arith.constant 0 : i32
          %parallel_loop3A_458 = arith.addi %parallel_loop3A_456, %parallel_loop3A_457 : i32
          %parallel_loop3A_459 = arith.constant 12 : i32
          %parallel_loop3A_460 = arith.addi %parallel_loop3A_164, %parallel_loop3A_459 : i32
          %parallel_loop3A_461 = arith.constant 1 : i32
          %parallel_loop3A_462 = arith.addi %parallel_loop3A_460, %parallel_loop3A_461 : i32
          %parallel_loop3A_463 = arith.constant 12 : i32
          %parallel_loop3A_464 = arith.addi %parallel_loop3A_164, %parallel_loop3A_463 : i32
          %parallel_loop3A_465 = arith.constant 2 : i32
          %parallel_loop3A_466 = arith.addi %parallel_loop3A_464, %parallel_loop3A_465 : i32
          %parallel_loop3A_467 = arith.constant 12 : i32
          %parallel_loop3A_468 = arith.addi %parallel_loop3A_164, %parallel_loop3A_467 : i32
          %parallel_loop3A_469 = arith.constant 3 : i32
          %parallel_loop3A_470 = arith.addi %parallel_loop3A_468, %parallel_loop3A_469 : i32
          %parallel_loop3A_471 = arith.index_cast %parallel_loop3A_458 : i32 to index
          %parallel_loop3A_472 = arith.constant 0 : index
          %parallel_loop3A_473 = tpu.vector_load %arg11[%parallel_loop3A_471, %parallel_loop3A_472] {strides = array<i32>} : memref<512x16xi32, #tpu.memory_space<vmem>>, vector<16xi32>,
          %parallel_loop3A_474 = arith.index_cast %parallel_loop3A_462 : i32 to index
          %parallel_loop3A_475 = arith.constant 0 : index
          %parallel_loop3A_476 = tpu.vector_load %arg11[%parallel_loop3A_474, %parallel_loop3A_475] {strides = array<i32>} : memref<512x16xi32, #tpu.memory_space<vmem>>, vector<16xi32>,
          %parallel_loop3A_477 = arith.index_cast %parallel_loop3A_466 : i32 to index
          %parallel_loop3A_478 = arith.constant 0 : index
          %parallel_loop3A_479 = tpu.vector_load %arg11[%parallel_loop3A_477, %parallel_loop3A_478] {strides = array<i32>} : memref<512x16xi32, #tpu.memory_space<vmem>>, vector<16xi32>,
          %parallel_loop3A_480 = arith.index_cast %parallel_loop3A_470 : i32 to index
          %parallel_loop3A_481 = arith.constant 0 : index
          %parallel_loop3A_482 = tpu.vector_load %arg11[%parallel_loop3A_480, %parallel_loop3A_481] {strides = array<i32>} : memref<512x16xi32, #tpu.memory_space<vmem>>, vector<16xi32>,
          %parallel_loop3A_483 = arith.index_cast %parallel_loop3A_458 : i32 to index
          %parallel_loop3A_484 = arith.constant 0 : index
          %parallel_loop3A_485 = tpu.vector_load %arg13[%parallel_loop3A_483, %parallel_loop3A_484] {strides = array<i32>} : memref<512x16xi32, #tpu.memory_space<vmem>>, vector<16xi32>,
          %parallel_loop3A_486 = arith.index_cast %parallel_loop3A_462 : i32 to index
          %parallel_loop3A_487 = arith.constant 0 : index
          %parallel_loop3A_488 = tpu.vector_load %arg13[%parallel_loop3A_486, %parallel_loop3A_487] {strides = array<i32>} : memref<512x16xi32, #tpu.memory_space<vmem>>, vector<16xi32>,
          %parallel_loop3A_489 = arith.index_cast %parallel_loop3A_466 : i32 to index
          %parallel_loop3A_490 = arith.constant 0 : index
          %parallel_loop3A_491 = tpu.vector_load %arg13[%parallel_loop3A_489, %parallel_loop3A_490] {strides = array<i32>} : memref<512x16xi32, #tpu.memory_space<vmem>>, vector<16xi32>,
          %parallel_loop3A_492 = arith.index_cast %parallel_loop3A_470 : i32 to index
          %parallel_loop3A_493 = arith.constant 0 : index
          %parallel_loop3A_494 = tpu.vector_load %arg13[%parallel_loop3A_492, %parallel_loop3A_493] {strides = array<i32>} : memref<512x16xi32, #tpu.memory_space<vmem>>, vector<16xi32>,
          %parallel_loop3A_495 = vector.bitcast %parallel_loop3A_473 : vector<16xi32> to vector<32xbf16>
          %parallel_loop3A_496 = vector.bitcast %parallel_loop3A_485 : vector<16xi32> to vector<32xbf16>
          %parallel_loop3A_497 = arith.mulf %parallel_loop3A_495, %parallel_loop3A_496 : vector<32xbf16>
          %parallel_loop3A_498 = vector.bitcast %parallel_loop3A_476 : vector<16xi32> to vector<32xbf16>
          %parallel_loop3A_499 = vector.bitcast %parallel_loop3A_488 : vector<16xi32> to vector<32xbf16>
          %parallel_loop3A_500 = arith.mulf %parallel_loop3A_498, %parallel_loop3A_499 : vector<32xbf16>
          %parallel_loop3A_501 = vector.bitcast %parallel_loop3A_479 : vector<16xi32> to vector<32xbf16>
          %parallel_loop3A_502 = vector.bitcast %parallel_loop3A_491 : vector<16xi32> to vector<32xbf16>
          %parallel_loop3A_503 = arith.mulf %parallel_loop3A_501, %parallel_loop3A_502 : vector<32xbf16>
          %parallel_loop3A_504 = vector.bitcast %parallel_loop3A_482 : vector<16xi32> to vector<32xbf16>
          %parallel_loop3A_505 = vector.bitcast %parallel_loop3A_494 : vector<16xi32> to vector<32xbf16>
          %parallel_loop3A_506 = arith.mulf %parallel_loop3A_504, %parallel_loop3A_505 : vector<32xbf16>
          %parallel_loop3A_507 = tpu.unpack_subelements %parallel_loop3A_497, 0 {pack_format = #tpu.pack_format<interleaved>} : vector<32xbf16> -> vector<16xf32>
          %parallel_loop3A_508 = tpu.unpack_subelements %parallel_loop3A_497, 1 {pack_format = #tpu.pack_format<interleaved>} : vector<32xbf16> -> vector<16xf32>
          %parallel_loop3A_509 = tpu.unpack_subelements %parallel_loop3A_500, 0 {pack_format = #tpu.pack_format<interleaved>} : vector<32xbf16> -> vector<16xf32>
          %parallel_loop3A_510 = tpu.unpack_subelements %parallel_loop3A_500, 1 {pack_format = #tpu.pack_format<interleaved>} : vector<32xbf16> -> vector<16xf32>
          %parallel_loop3A_511 = tpu.unpack_subelements %parallel_loop3A_503, 0 {pack_format = #tpu.pack_format<interleaved>} : vector<32xbf16> -> vector<16xf32>
          %parallel_loop3A_512 = tpu.unpack_subelements %parallel_loop3A_503, 1 {pack_format = #tpu.pack_format<interleaved>} : vector<32xbf16> -> vector<16xf32>
          %parallel_loop3A_513 = tpu.unpack_subelements %parallel_loop3A_506, 0 {pack_format = #tpu.pack_format<interleaved>} : vector<32xbf16> -> vector<16xf32>
          %parallel_loop3A_514 = tpu.unpack_subelements %parallel_loop3A_506, 1 {pack_format = #tpu.pack_format<interleaved>} : vector<32xbf16> -> vector<16xf32>
          %parallel_loop3A_515 = arith.addf %parallel_loop3A_507, %parallel_loop3A_508 : vector<16xf32>
          %parallel_loop3A_516 = arith.constant 12 : i32
          %parallel_loop3A_517 = arith.constant 0 : i32
          %parallel_loop3A_518 = arith.constant 0 : i32
          %parallel_loop3A_519 = tpu.memref_slice %arg16[%parallel_loop3A_166, %parallel_loop3A_517, %parallel_loop3A_518] : memref<4x16x17xf32, #tpu.memory_space<vmem>> -> memref<1x16x17xf32, #tpu.memory_space<vmem>>
          %parallel_loop3A_520 = tpu.memref_squeeze %parallel_loop3A_519 : memref<1x16x17xf32, #tpu.memory_space<vmem>> -> memref<16x17xf32, #tpu.memory_space<vmem>>
          %parallel_loop3A_521 = arith.index_cast %parallel_loop3A_516 : i32 to index
          %parallel_loop3A_522 = arith.constant 0 : index
          %parallel_loop3A_523 = tpu.vector_load %parallel_loop3A_520[%parallel_loop3A_521, %parallel_loop3A_522] {strides = array<i32>} : memref<16x17xf32, #tpu.memory_space<vmem>>, vector<16xf32>,
          tpu.vector_store %parallel_loop3A_520[%parallel_loop3A_521, %parallel_loop3A_522], %parallel_loop3A_515 {strides = array<i32>} : memref<16x17xf32, #tpu.memory_space<vmem>>, vector<16xf32>,
          %parallel_loop3A_524 = arith.addf %parallel_loop3A_509, %parallel_loop3A_510 : vector<16xf32>
          %parallel_loop3A_525 = arith.constant 13 : i32
          %parallel_loop3A_526 = arith.constant 0 : i32
          %parallel_loop3A_527 = arith.constant 0 : i32
          %parallel_loop3A_528 = tpu.memref_slice %arg16[%parallel_loop3A_166, %parallel_loop3A_526, %parallel_loop3A_527] : memref<4x16x17xf32, #tpu.memory_space<vmem>> -> memref<1x16x17xf32, #tpu.memory_space<vmem>>
          %parallel_loop3A_529 = tpu.memref_squeeze %parallel_loop3A_528 : memref<1x16x17xf32, #tpu.memory_space<vmem>> -> memref<16x17xf32, #tpu.memory_space<vmem>>
          %parallel_loop3A_530 = arith.index_cast %parallel_loop3A_525 : i32 to index
          %parallel_loop3A_531 = arith.constant 0 : index
          %parallel_loop3A_532 = tpu.vector_load %parallel_loop3A_529[%parallel_loop3A_530, %parallel_loop3A_531] {strides = array<i32>} : memref<16x17xf32, #tpu.memory_space<vmem>>, vector<16xf32>,
          tpu.vector_store %parallel_loop3A_529[%parallel_loop3A_530, %parallel_loop3A_531], %parallel_loop3A_524 {strides = array<i32>} : memref<16x17xf32, #tpu.memory_space<vmem>>, vector<16xf32>,
          %parallel_loop3A_533 = arith.addf %parallel_loop3A_511, %parallel_loop3A_512 : vector<16xf32>
          %parallel_loop3A_534 = arith.constant 14 : i32
          %parallel_loop3A_535 = arith.constant 0 : i32
          %parallel_loop3A_536 = arith.constant 0 : i32
          %parallel_loop3A_537 = tpu.memref_slice %arg16[%parallel_loop3A_166, %parallel_loop3A_535, %parallel_loop3A_536] : memref<4x16x17xf32, #tpu.memory_space<vmem>> -> memref<1x16x17xf32, #tpu.memory_space<vmem>>
          %parallel_loop3A_538 = tpu.memref_squeeze %parallel_loop3A_537 : memref<1x16x17xf32, #tpu.memory_space<vmem>> -> memref<16x17xf32, #tpu.memory_space<vmem>>
          %parallel_loop3A_539 = arith.index_cast %parallel_loop3A_534 : i32 to index
          %parallel_loop3A_540 = arith.constant 0 : index
          %parallel_loop3A_541 = tpu.vector_load %parallel_loop3A_538[%parallel_loop3A_539, %parallel_loop3A_540] {strides = array<i32>} : memref<16x17xf32, #tpu.memory_space<vmem>>, vector<16xf32>,
          tpu.vector_store %parallel_loop3A_538[%parallel_loop3A_539, %parallel_loop3A_540], %parallel_loop3A_533 {strides = array<i32>} : memref<16x17xf32, #tpu.memory_space<vmem>>, vector<16xf32>,
          %parallel_loop3A_542 = arith.addf %parallel_loop3A_513, %parallel_loop3A_514 : vector<16xf32>
          %parallel_loop3A_543 = arith.constant 15 : i32
          %parallel_loop3A_544 = arith.constant 0 : i32
          %parallel_loop3A_545 = arith.constant 0 : i32
          %parallel_loop3A_546 = tpu.memref_slice %arg16[%parallel_loop3A_166, %parallel_loop3A_544, %parallel_loop3A_545] : memref<4x16x17xf32, #tpu.memory_space<vmem>> -> memref<1x16x17xf32, #tpu.memory_space<vmem>>
          %parallel_loop3A_547 = tpu.memref_squeeze %parallel_loop3A_546 : memref<1x16x17xf32, #tpu.memory_space<vmem>> -> memref<16x17xf32, #tpu.memory_space<vmem>>
          %parallel_loop3A_548 = arith.index_cast %parallel_loop3A_543 : i32 to index
          %parallel_loop3A_549 = arith.constant 0 : index
          %parallel_loop3A_550 = tpu.vector_load %parallel_loop3A_547[%parallel_loop3A_548, %parallel_loop3A_549] {strides = array<i32>} : memref<16x17xf32, #tpu.memory_space<vmem>>, vector<16xf32>,
          tpu.vector_store %parallel_loop3A_547[%parallel_loop3A_548, %parallel_loop3A_549], %parallel_loop3A_542 {strides = array<i32>} : memref<16x17xf32, #tpu.memory_space<vmem>>, vector<16xf32>,
          %parallel_loop3A_551 = arith.constant 0 : i32
          %parallel_loop3A_552 = vector.broadcast %parallel_loop3A_551 : i32 to vector<16xi32>
          %parallel_loop3A_553 = arith.constant 0 : i32
          %parallel_loop3A_554 = arith.constant 0 : i32
          %parallel_loop3A_555 = tpu.memref_slice %arg16[%parallel_loop3A_166, %parallel_loop3A_553, %parallel_loop3A_554] : memref<4x16x17xf32, #tpu.memory_space<vmem>> -> memref<1x16x17xf32, #tpu.memory_space<vmem>>
          %parallel_loop3A_556 = tpu.memref_squeeze %parallel_loop3A_555 : memref<1x16x17xf32, #tpu.memory_space<vmem>> -> memref<16x17xf32, #tpu.memory_space<vmem>>
          %parallel_loop3A_557 = tpu.vector_load_idx %parallel_loop3A_556[%iota3A, %parallel_loop3A_552] : memref<16x17xf32, #tpu.memory_space<vmem>>[vector<16xi32>, vector<16xi32>], vector<16xf32>,
          %parallel_loop3A_558 = arith.constant 1 : i32
          %parallel_loop3A_559 = vector.broadcast %parallel_loop3A_558 : i32 to vector<16xi32>
          %parallel_loop3A_560 = arith.constant 0 : i32
          %parallel_loop3A_561 = arith.constant 0 : i32
          %parallel_loop3A_562 = tpu.memref_slice %arg16[%parallel_loop3A_166, %parallel_loop3A_560, %parallel_loop3A_561] : memref<4x16x17xf32, #tpu.memory_space<vmem>> -> memref<1x16x17xf32, #tpu.memory_space<vmem>>
          %parallel_loop3A_563 = tpu.memref_squeeze %parallel_loop3A_562 : memref<1x16x17xf32, #tpu.memory_space<vmem>> -> memref<16x17xf32, #tpu.memory_space<vmem>>
          %parallel_loop3A_564 = tpu.vector_load_idx %parallel_loop3A_563[%iota3A, %parallel_loop3A_559] : memref<16x17xf32, #tpu.memory_space<vmem>>[vector<16xi32>, vector<16xi32>], vector<16xf32>,
          %parallel_loop3A_565 = arith.constant 2 : i32
          %parallel_loop3A_566 = vector.broadcast %parallel_loop3A_565 : i32 to vector<16xi32>
          %parallel_loop3A_567 = arith.constant 0 : i32
          %parallel_loop3A_568 = arith.constant 0 : i32
          %parallel_loop3A_569 = tpu.memref_slice %arg16[%parallel_loop3A_166, %parallel_loop3A_567, %parallel_loop3A_568] : memref<4x16x17xf32, #tpu.memory_space<vmem>> -> memref<1x16x17xf32, #tpu.memory_space<vmem>>
          %parallel_loop3A_570 = tpu.memref_squeeze %parallel_loop3A_569 : memref<1x16x17xf32, #tpu.memory_space<vmem>> -> memref<16x17xf32, #tpu.memory_space<vmem>>
          %parallel_loop3A_571 = tpu.vector_load_idx %parallel_loop3A_570[%iota3A, %parallel_loop3A_566] : memref<16x17xf32, #tpu.memory_space<vmem>>[vector<16xi32>, vector<16xi32>], vector<16xf32>,
          %parallel_loop3A_572 = arith.constant 3 : i32
          %parallel_loop3A_573 = vector.broadcast %parallel_loop3A_572 : i32 to vector<16xi32>
          %parallel_loop3A_574 = arith.constant 0 : i32
          %parallel_loop3A_575 = arith.constant 0 : i32
          %parallel_loop3A_576 = tpu.memref_slice %arg16[%parallel_loop3A_166, %parallel_loop3A_574, %parallel_loop3A_575] : memref<4x16x17xf32, #tpu.memory_space<vmem>> -> memref<1x16x17xf32, #tpu.memory_space<vmem>>
          %parallel_loop3A_577 = tpu.memref_squeeze %parallel_loop3A_576 : memref<1x16x17xf32, #tpu.memory_space<vmem>> -> memref<16x17xf32, #tpu.memory_space<vmem>>
          %parallel_loop3A_578 = tpu.vector_load_idx %parallel_loop3A_577[%iota3A, %parallel_loop3A_573] : memref<16x17xf32, #tpu.memory_space<vmem>>[vector<16xi32>, vector<16xi32>], vector<16xf32>,
          %parallel_loop3A_579 = arith.constant 4 : i32
          %parallel_loop3A_580 = vector.broadcast %parallel_loop3A_579 : i32 to vector<16xi32>
          %parallel_loop3A_581 = arith.constant 0 : i32
          %parallel_loop3A_582 = arith.constant 0 : i32
          %parallel_loop3A_583 = tpu.memref_slice %arg16[%parallel_loop3A_166, %parallel_loop3A_581, %parallel_loop3A_582] : memref<4x16x17xf32, #tpu.memory_space<vmem>> -> memref<1x16x17xf32, #tpu.memory_space<vmem>>
          %parallel_loop3A_584 = tpu.memref_squeeze %parallel_loop3A_583 : memref<1x16x17xf32, #tpu.memory_space<vmem>> -> memref<16x17xf32, #tpu.memory_space<vmem>>
          %parallel_loop3A_585 = tpu.vector_load_idx %parallel_loop3A_584[%iota3A, %parallel_loop3A_580] : memref<16x17xf32, #tpu.memory_space<vmem>>[vector<16xi32>, vector<16xi32>], vector<16xf32>,
          %parallel_loop3A_586 = arith.constant 5 : i32
          %parallel_loop3A_587 = vector.broadcast %parallel_loop3A_586 : i32 to vector<16xi32>
          %parallel_loop3A_588 = arith.constant 0 : i32
          %parallel_loop3A_589 = arith.constant 0 : i32
          %parallel_loop3A_590 = tpu.memref_slice %arg16[%parallel_loop3A_166, %parallel_loop3A_588, %parallel_loop3A_589] : memref<4x16x17xf32, #tpu.memory_space<vmem>> -> memref<1x16x17xf32, #tpu.memory_space<vmem>>
          %parallel_loop3A_591 = tpu.memref_squeeze %parallel_loop3A_590 : memref<1x16x17xf32, #tpu.memory_space<vmem>> -> memref<16x17xf32, #tpu.memory_space<vmem>>
          %parallel_loop3A_592 = tpu.vector_load_idx %parallel_loop3A_591[%iota3A, %parallel_loop3A_587] : memref<16x17xf32, #tpu.memory_space<vmem>>[vector<16xi32>, vector<16xi32>], vector<16xf32>,
          %parallel_loop3A_593 = arith.constant 6 : i32
          %parallel_loop3A_594 = vector.broadcast %parallel_loop3A_593 : i32 to vector<16xi32>
          %parallel_loop3A_595 = arith.constant 0 : i32
          %parallel_loop3A_596 = arith.constant 0 : i32
          %parallel_loop3A_597 = tpu.memref_slice %arg16[%parallel_loop3A_166, %parallel_loop3A_595, %parallel_loop3A_596] : memref<4x16x17xf32, #tpu.memory_space<vmem>> -> memref<1x16x17xf32, #tpu.memory_space<vmem>>
          %parallel_loop3A_598 = tpu.memref_squeeze %parallel_loop3A_597 : memref<1x16x17xf32, #tpu.memory_space<vmem>> -> memref<16x17xf32, #tpu.memory_space<vmem>>
          %parallel_loop3A_599 = tpu.vector_load_idx %parallel_loop3A_598[%iota3A, %parallel_loop3A_594] : memref<16x17xf32, #tpu.memory_space<vmem>>[vector<16xi32>, vector<16xi32>], vector<16xf32>,
          %parallel_loop3A_600 = arith.constant 7 : i32
          %parallel_loop3A_601 = vector.broadcast %parallel_loop3A_600 : i32 to vector<16xi32>
          %parallel_loop3A_602 = arith.constant 0 : i32
          %parallel_loop3A_603 = arith.constant 0 : i32
          %parallel_loop3A_604 = tpu.memref_slice %arg16[%parallel_loop3A_166, %parallel_loop3A_602, %parallel_loop3A_603] : memref<4x16x17xf32, #tpu.memory_space<vmem>> -> memref<1x16x17xf32, #tpu.memory_space<vmem>>
          %parallel_loop3A_605 = tpu.memref_squeeze %parallel_loop3A_604 : memref<1x16x17xf32, #tpu.memory_space<vmem>> -> memref<16x17xf32, #tpu.memory_space<vmem>>
          %parallel_loop3A_606 = tpu.vector_load_idx %parallel_loop3A_605[%iota3A, %parallel_loop3A_601] : memref<16x17xf32, #tpu.memory_space<vmem>>[vector<16xi32>, vector<16xi32>], vector<16xf32>,
          %parallel_loop3A_607 = arith.constant 8 : i32
          %parallel_loop3A_608 = vector.broadcast %parallel_loop3A_607 : i32 to vector<16xi32>
          %parallel_loop3A_609 = arith.constant 0 : i32
          %parallel_loop3A_610 = arith.constant 0 : i32
          %parallel_loop3A_611 = tpu.memref_slice %arg16[%parallel_loop3A_166, %parallel_loop3A_609, %parallel_loop3A_610] : memref<4x16x17xf32, #tpu.memory_space<vmem>> -> memref<1x16x17xf32, #tpu.memory_space<vmem>>
          %parallel_loop3A_612 = tpu.memref_squeeze %parallel_loop3A_611 : memref<1x16x17xf32, #tpu.memory_space<vmem>> -> memref<16x17xf32, #tpu.memory_space<vmem>>
          %parallel_loop3A_613 = tpu.vector_load_idx %parallel_loop3A_612[%iota3A, %parallel_loop3A_608] : memref<16x17xf32, #tpu.memory_space<vmem>>[vector<16xi32>, vector<16xi32>], vector<16xf32>,
          %parallel_loop3A_614 = arith.constant 9 : i32
          %parallel_loop3A_615 = vector.broadcast %parallel_loop3A_614 : i32 to vector<16xi32>
          %parallel_loop3A_616 = arith.constant 0 : i32
          %parallel_loop3A_617 = arith.constant 0 : i32
          %parallel_loop3A_618 = tpu.memref_slice %arg16[%parallel_loop3A_166, %parallel_loop3A_616, %parallel_loop3A_617] : memref<4x16x17xf32, #tpu.memory_space<vmem>> -> memref<1x16x17xf32, #tpu.memory_space<vmem>>
          %parallel_loop3A_619 = tpu.memref_squeeze %parallel_loop3A_618 : memref<1x16x17xf32, #tpu.memory_space<vmem>> -> memref<16x17xf32, #tpu.memory_space<vmem>>
          %parallel_loop3A_620 = tpu.vector_load_idx %parallel_loop3A_619[%iota3A, %parallel_loop3A_615] : memref<16x17xf32, #tpu.memory_space<vmem>>[vector<16xi32>, vector<16xi32>], vector<16xf32>,
          %parallel_loop3A_621 = arith.constant 10 : i32
          %parallel_loop3A_622 = vector.broadcast %parallel_loop3A_621 : i32 to vector<16xi32>
          %parallel_loop3A_623 = arith.constant 0 : i32
          %parallel_loop3A_624 = arith.constant 0 : i32
          %parallel_loop3A_625 = tpu.memref_slice %arg16[%parallel_loop3A_166, %parallel_loop3A_623, %parallel_loop3A_624] : memref<4x16x17xf32, #tpu.memory_space<vmem>> -> memref<1x16x17xf32, #tpu.memory_space<vmem>>
          %parallel_loop3A_626 = tpu.memref_squeeze %parallel_loop3A_625 : memref<1x16x17xf32, #tpu.memory_space<vmem>> -> memref<16x17xf32, #tpu.memory_space<vmem>>
          %parallel_loop3A_627 = tpu.vector_load_idx %parallel_loop3A_626[%iota3A, %parallel_loop3A_622] : memref<16x17xf32, #tpu.memory_space<vmem>>[vector<16xi32>, vector<16xi32>], vector<16xf32>,
          %parallel_loop3A_628 = arith.constant 11 : i32
          %parallel_loop3A_629 = vector.broadcast %parallel_loop3A_628 : i32 to vector<16xi32>
          %parallel_loop3A_630 = arith.constant 0 : i32
          %parallel_loop3A_631 = arith.constant 0 : i32
          %parallel_loop3A_632 = tpu.memref_slice %arg16[%parallel_loop3A_166, %parallel_loop3A_630, %parallel_loop3A_631] : memref<4x16x17xf32, #tpu.memory_space<vmem>> -> memref<1x16x17xf32, #tpu.memory_space<vmem>>
          %parallel_loop3A_633 = tpu.memref_squeeze %parallel_loop3A_632 : memref<1x16x17xf32, #tpu.memory_space<vmem>> -> memref<16x17xf32, #tpu.memory_space<vmem>>
          %parallel_loop3A_634 = tpu.vector_load_idx %parallel_loop3A_633[%iota3A, %parallel_loop3A_629] : memref<16x17xf32, #tpu.memory_space<vmem>>[vector<16xi32>, vector<16xi32>], vector<16xf32>,
          %parallel_loop3A_635 = arith.constant 12 : i32
          %parallel_loop3A_636 = vector.broadcast %parallel_loop3A_635 : i32 to vector<16xi32>
          %parallel_loop3A_637 = arith.constant 0 : i32
          %parallel_loop3A_638 = arith.constant 0 : i32
          %parallel_loop3A_639 = tpu.memref_slice %arg16[%parallel_loop3A_166, %parallel_loop3A_637, %parallel_loop3A_638] : memref<4x16x17xf32, #tpu.memory_space<vmem>> -> memref<1x16x17xf32, #tpu.memory_space<vmem>>
          %parallel_loop3A_640 = tpu.memref_squeeze %parallel_loop3A_639 : memref<1x16x17xf32, #tpu.memory_space<vmem>> -> memref<16x17xf32, #tpu.memory_space<vmem>>
          %parallel_loop3A_641 = tpu.vector_load_idx %parallel_loop3A_640[%iota3A, %parallel_loop3A_636] : memref<16x17xf32, #tpu.memory_space<vmem>>[vector<16xi32>, vector<16xi32>], vector<16xf32>,
          %parallel_loop3A_642 = arith.constant 13 : i32
          %parallel_loop3A_643 = vector.broadcast %parallel_loop3A_642 : i32 to vector<16xi32>
          %parallel_loop3A_644 = arith.constant 0 : i32
          %parallel_loop3A_645 = arith.constant 0 : i32
          %parallel_loop3A_646 = tpu.memref_slice %arg16[%parallel_loop3A_166, %parallel_loop3A_644, %parallel_loop3A_645] : memref<4x16x17xf32, #tpu.memory_space<vmem>> -> memref<1x16x17xf32, #tpu.memory_space<vmem>>
          %parallel_loop3A_647 = tpu.memref_squeeze %parallel_loop3A_646 : memref<1x16x17xf32, #tpu.memory_space<vmem>> -> memref<16x17xf32, #tpu.memory_space<vmem>>
          %parallel_loop3A_648 = tpu.vector_load_idx %parallel_loop3A_647[%iota3A, %parallel_loop3A_643] : memref<16x17xf32, #tpu.memory_space<vmem>>[vector<16xi32>, vector<16xi32>], vector<16xf32>,
          %parallel_loop3A_649 = arith.constant 14 : i32
          %parallel_loop3A_650 = vector.broadcast %parallel_loop3A_649 : i32 to vector<16xi32>
          %parallel_loop3A_651 = arith.constant 0 : i32
          %parallel_loop3A_652 = arith.constant 0 : i32
          %parallel_loop3A_653 = tpu.memref_slice %arg16[%parallel_loop3A_166, %parallel_loop3A_651, %parallel_loop3A_652] : memref<4x16x17xf32, #tpu.memory_space<vmem>> -> memref<1x16x17xf32, #tpu.memory_space<vmem>>
          %parallel_loop3A_654 = tpu.memref_squeeze %parallel_loop3A_653 : memref<1x16x17xf32, #tpu.memory_space<vmem>> -> memref<16x17xf32, #tpu.memory_space<vmem>>
          %parallel_loop3A_655 = tpu.vector_load_idx %parallel_loop3A_654[%iota3A, %parallel_loop3A_650] : memref<16x17xf32, #tpu.memory_space<vmem>>[vector<16xi32>, vector<16xi32>], vector<16xf32>,
          %parallel_loop3A_656 = arith.constant 15 : i32
          %parallel_loop3A_657 = vector.broadcast %parallel_loop3A_656 : i32 to vector<16xi32>
          %parallel_loop3A_658 = arith.constant 0 : i32
          %parallel_loop3A_659 = arith.constant 0 : i32
          %parallel_loop3A_660 = tpu.memref_slice %arg16[%parallel_loop3A_166, %parallel_loop3A_658, %parallel_loop3A_659] : memref<4x16x17xf32, #tpu.memory_space<vmem>> -> memref<1x16x17xf32, #tpu.memory_space<vmem>>
          %parallel_loop3A_661 = tpu.memref_squeeze %parallel_loop3A_660 : memref<1x16x17xf32, #tpu.memory_space<vmem>> -> memref<16x17xf32, #tpu.memory_space<vmem>>
          %parallel_loop3A_662 = tpu.vector_load_idx %parallel_loop3A_661[%iota3A, %parallel_loop3A_657] : memref<16x17xf32, #tpu.memory_space<vmem>>[vector<16xi32>, vector<16xi32>], vector<16xf32>,
          %parallel_loop3A_663 = arith.addf %parallel_loop3A_557, %parallel_loop3A_564 : vector<16xf32>
          %parallel_loop3A_664 = arith.addf %parallel_loop3A_571, %parallel_loop3A_578 : vector<16xf32>
          %parallel_loop3A_665 = arith.addf %parallel_loop3A_585, %parallel_loop3A_592 : vector<16xf32>
          %parallel_loop3A_666 = arith.addf %parallel_loop3A_599, %parallel_loop3A_606 : vector<16xf32>
          %parallel_loop3A_667 = arith.addf %parallel_loop3A_613, %parallel_loop3A_620 : vector<16xf32>
          %parallel_loop3A_668 = arith.addf %parallel_loop3A_627, %parallel_loop3A_634 : vector<16xf32>
          %parallel_loop3A_669 = arith.addf %parallel_loop3A_641, %parallel_loop3A_648 : vector<16xf32>
          %parallel_loop3A_670 = arith.addf %parallel_loop3A_655, %parallel_loop3A_662 : vector<16xf32>
          %parallel_loop3A_671 = arith.addf %parallel_loop3A_663, %parallel_loop3A_664 : vector<16xf32>
          %parallel_loop3A_672 = arith.addf %parallel_loop3A_665, %parallel_loop3A_666 : vector<16xf32>
          %parallel_loop3A_673 = arith.addf %parallel_loop3A_667, %parallel_loop3A_668 : vector<16xf32>
          %parallel_loop3A_674 = arith.addf %parallel_loop3A_669, %parallel_loop3A_670 : vector<16xf32>
          %parallel_loop3A_675 = arith.addf %parallel_loop3A_671, %parallel_loop3A_672 : vector<16xf32>
          %parallel_loop3A_676 = arith.addf %parallel_loop3A_673, %parallel_loop3A_674 : vector<16xf32>
          %parallel_loop3A_677 = arith.addf %parallel_loop3A_675, %parallel_loop3A_676 : vector<16xf32>
          %parallel_loop3A_678 = arith.constant 0.000000e+00 : f32
          %parallel_loop3A_679 = vector.broadcast %parallel_loop3A_678 : f32 to vector<16xf32>
          %parallel_loop3A_680 = arith.subf %parallel_loop3A_679, %parallel_loop3A_677 : vector<16xf32>
          %parallel_loop3A_681 = math.exp %parallel_loop3A_680 : vector<16xf32>
          %parallel_loop3A_682 = arith.constant 1.000000e+00 : f32
          %parallel_loop3A_683 = vector.broadcast %parallel_loop3A_682 : f32 to vector<16xf32>
          %parallel_loop3A_684 = arith.addf %parallel_loop3A_683, %parallel_loop3A_681 : vector<16xf32>
          %parallel_loop3A_685 = arith.constant 1.000000e+00 : f32
          %parallel_loop3A_686 = vector.broadcast %parallel_loop3A_685 : f32 to vector<16xf32>
          %parallel_loop3A_687 = arith.divf %parallel_loop3A_686, %parallel_loop3A_684 : vector<16xf32>
          %parallel_loop3A_688 = arith.index_cast %parallel_loop3A_164 : i32 to index
          %parallel_loop3A_689 = tpu.vector_load %arg15[%parallel_loop3A_688] {strides = array<i32>} : memref<512xf32, #tpu.memory_space<vmem>>, vector<16xf32>,
          tpu.vector_store %arg15[%parallel_loop3A_688], %parallel_loop3A_687 {strides = array<i32>} : memref<512xf32, #tpu.memory_space<vmem>>, vector<16xf32>,
        } {sc.loop_unroll_factor = 2 : i64, sc.parallel_access}
        %mul3A_155 = arith.constant 32 : i32
        %mul3A_156 = arith.muli %add3A_120, %mul3A_155 : i32
        %add3A_157 = arith.addi %add3A, %mul3A_156 : i32
        %mul3A_158 = arith.constant 512 : i32
        %mul3A_159 = arith.muli %add3A_157, %mul3A_158 : i32
        %dma_start3A_160 = tpu.memref_slice %arg5[%mul3A_159] : memref<1600000xf32, #tpu.memory_space<hbm>> -> memref<512xf32, #tpu.memory_space<hbm>>
        %dma_start3A_161 = tpu.memref_slice %arg5[%mul3A_159] : memref<1600000xf32, #tpu.memory_space<hbm>> -> memref<512xf32, #tpu.memory_space<hbm>>
        tpu.enqueue_dma source(%arg15 : memref<512xf32, #tpu.memory_space<vmem>>) target(%dma_start3A_161 : memref<512xf32, #tpu.memory_space<hbm>>) target_semaphore(%arg22 : memref<!tpu.dma_semaphore, #tpu.memory_space<semaphore_mem>>)
      } else {
      }
    }
    %scan3A_99 = arith.constant 49 : i32
    %dma_wait3A_100 = arith.constant 0 : i32
    %dma_wait3A_101 = tpu.memref_slice %arg5[%dma_wait3A_100] : memref<1600000xf32, #tpu.memory_space<hbm>> -> memref<512xf32, #tpu.memory_space<hbm>>
    %dma_wait3A_102 = arith.constant 0 : i32
    %dma_wait3A_103 = tpu.memref_slice %arg5[%dma_wait3A_102] : memref<1600000xf32, #tpu.memory_space<hbm>> -> memref<512xf32, #tpu.memory_space<hbm>>
    tpu.wait_dma2 semaphore(%arg21 : memref<!tpu.dma_semaphore, #tpu.memory_space<semaphore_mem>>) src(%arg14 : memref<512xf32, #tpu.memory_space<vmem>>) dst(%dma_wait3A_103 : memref<512xf32, #tpu.memory_space<hbm>>)
    %dma_wait3A_104 = arith.constant 0 : i32
    %dma_wait3A_105 = tpu.memref_slice %arg5[%dma_wait3A_104] : memref<1600000xf32, #tpu.memory_space<hbm>> -> memref<512xf32, #tpu.memory_space<hbm>>
    %dma_wait3A_106 = arith.constant 0 : i32
    %dma_wait3A_107 = tpu.memref_slice %arg5[%dma_wait3A_106] : memref<1600000xf32, #tpu.memory_space<hbm>> -> memref<512xf32, #tpu.memory_space<hbm>>
    tpu.wait_dma2 semaphore(%arg22 : memref<!tpu.dma_semaphore, #tpu.memory_space<semaphore_mem>>) src(%arg15 : memref<512xf32, #tpu.memory_space<vmem>>) dst(%dma_wait3A_107 : memref<512xf32, #tpu.memory_space<hbm>>)
    return
  }
}

</mosaic_0001>

<sc_bundles>
// kernel: kernel.4.cloned.1.call-start
scs
__scs_entry_jumppad:
0x0: {  	(pc) =	sbr.rel $0x88, $3  }
0x1: {  	(tag) =	ssettag $0x0;
	lr =	simm.s32 $0x1  }
0x2: {  	[smem:$0x3F9E] =	sst lr;
	_ =	strace $0xD0000000  }
0x3: {  	_ = 	snop  }
0x4: {  	_ = 	snop  }
0x5: {  	_ = 	snop  }
0x6: {  	_ = 	snop  }
0x7: {  	_ = 	snop  }
__scs_overlays_trampoline_lowered:
0x8: {  	[smem:$0x3FAD] =	sst s0  }
0x9: {  	[smem:$0x3FAE] =	sst s1  }
0xa: {  	[smem:$0x3FAF] =	sst s2  }
0xb: {  	[smem:$0x3FB0] =	sst s3  }
0xc: {  	[smem:$0x3FB1] =	sst s4  }
0xd: {  	[smem:$0x3FB2] =	sst s5  }
0xe: {  	[smem:$0x3FB3] =	sst s6  }
0xf: {  	[smem:$0x3FB4] =	sst s7  }
0x10: {  	[smem:$0x3FB5] =	sst s8  }
0x11: {  	[smem:$0x3FB6] =	sst s9;
	s0 =	simm.s32 @!p0 $0x0  }
0x12: {  	s1 =	sld [smem:$0x3F9C];
	s0 =	simm.s32 @p0 $0x1  }
0x13: {  	[smem:$0x3FB7] =	sst s0;
	s0 =	simm.s32 @!p1 $0x0  }
0x14: {  	s2 =	sld [smem:$0x3F9B];
	s0 =	simm.s32 @p1 $0x1  }
0x15: {  	[smem:$0x3FB8] =	sst s0;
	s0 =	simm.s32 @!p2 $0x0  }
0x16: {  	s3 =	sld [smem:$0x3FDB];
	s0 =	simm.s32 @p2 $0x1  }
0x17: {  	s4 =	simm.s32 $0x1BF5;
	[smem:$0x3FBA] =	sst s0  }
0x18: {  	s0 =	sld [smem:$0x3F9D];
	_ =	swait.ge [sflag:s4], $0x0  }
0x19: {  	s7 =	sld [smem:$0x3F9E]  }
0x1a: {  	s8 =	sadd.s32 $0xFFFFE003, lr  }
0x1b: {  	s9 =	sadd.s32 $0xFFFFFEF7, lr;
	s5 =	simm.s32 $0xFFFFFFFF;
	p2 =	slt.u32 s8, $0xFFFFF086  }
0x1c: {  	p1 =	slt.u32 s9, $0xF7A;
	s5 =	simm.s32 @!p2 $0x0  }
0x1d: {  	s5 =	simm.s32 @p1 $0x1;
	p0 =	seq.s32 s7, s2  }
0x1e: {  	s7 =	smul.u32 @!p0 $0xF7A, s2;
	p2 =	seq.s32 @!p0 s5, $0x0  }
0x1f: {  	s9 =	smul.u32 $0xF7A, s1;
	s8 =	simm.s32 @!p0 $0x1BF5;
	p2 =	por !p2, p0  }
0x20: {  	[sflag:s8] =	ssyncset.s32 @!p0 $0xFFFFF086;
	s6 =	sadd.s32 @!p0 s3, s7;
	s7 =	simm.s32 @!p0 $0x108  }
0x21: {  	s3 =	sadd.s32 s3, s9;
	s6 =	sadd.s32 @!p0 $0x88, s6;
	s7 =	simm.s32 @p2 $0x1082  }
0x22: {  	[simem:s7], [sflag:s8] =	dma.local @!p0 [hbm:s6], $0xF7A  }
0x23: {  	s9 =	sor.u32 $0xD0000000, s2;
	s6 =	simm.s32 $0x108;
	_ =	swait.ge @!p0 [sflag:s8], $0x0  }
0x24: {  	s3 =	sadd.s32 $0x88, s3;
	s6 =	simm.s32 @!p1 $0x1082;
	[sflag:s4] =	ssyncset.s32 $0xFFFFF086  }
0x25: {  	[simem:s6], [sflag:s4] =	dma.local [hbm:s3], $0xF7A  }
0x26: {  	[smem:$0x3F9E] =	sst s1;
	(tag) =	ssettag s2;
	_ =	strace s9  }
0x27: {  	s1 =	sld [smem:$0x3FAE]  }
0x28: {  	s2 =	sld [smem:$0x3FAF]  }
0x29: {  	s4 =	sld [smem:$0x3FB1]  }
0x2a: {  	p0 =	seq.s32 s5, $0x0;
	s5 =	sld [smem:$0x3FB2]  }
0x2b: {  	s6 =	sld [smem:$0x3FB3]  }
0x2c: {  	s7 =	sld [smem:$0x3FB4]  }
0x2d: {  	s3 =	simm.s32 $0x108;
	s8 =	sld [smem:$0x3FB5]  }
0x2e: {  	s3 =	simm.s32 @!p0 $0x1082;
	s9 =	sld [smem:$0x3FB6]  }
0x2f: {  	lr =	sadd.s32 s0, s3;
	s0 =	sld [smem:$0x3FAD]  }
0x30: {  	s3 =	sld [smem:$0x3FB0]  }
0x31: {  	[smem:$0x3FB9] =	sst s10  }
0x32: {  	s10 =	sld [smem:$0x3FB7];
	_ =	sdelay $0x3  }
0x33: {  	p0 =	seq.s32 s10, $0x1;
	s10 =	sld [smem:$0x3FB9];
	_ =	sdelay $0x3  }
0x34: {  	[smem:$0x3FB9] =	sst s10  }
0x35: {  	s10 =	sld [smem:$0x3FB8];
	_ =	sdelay $0x3  }
0x36: {  	p1 =	seq.s32 s10, $0x1;
	s10 =	sld [smem:$0x3FB9];
	_ =	sdelay $0x3  }
0x37: {  	[smem:$0x3FB9] =	sst s10  }
0x38: {  	s10 =	sld [smem:$0x3FBA]  }
0x39: {  	_ = 	snop;
	(pc) =	sbr.ind lr, $3  }
0x3a: {  	_ = 	snop  }
0x3b: {  	_ = 	snop  }
0x3c: {  	p2 =	seq.s32 s10, $0x1;
	s10 =	sld [smem:$0x3FB9]  }
0x3d: {  	_ =	shalt  }
0x3e: {  	_ =	shalt  }
0x3f: {  	_ =	shalt  }
0x40: {  	_ =	shalt  }
0x41: {  	_ =	shalt  }
0x42: {  	_ =	shalt  }
0x43: {  	_ =	shalt  }
0x44: {  	_ =	shalt  }
0x45: {  	_ =	shalt  }
0x46: {  	_ =	shalt  }
0x47: {  	_ =	shalt  }
0x48: {  	_ =	shalt  }
0x49: {  	_ =	shalt  }
0x4a: {  	_ =	shalt  }
0x4b: {  	_ =	shalt  }
0x4c: {  	_ =	shalt  }
0x4d: {  	_ =	shalt  }
0x4e: {  	_ =	shalt  }
0x4f: {  	_ =	shalt  }
0x50: {  	_ =	shalt  }
0x51: {  	_ =	shalt  }
0x52: {  	_ =	shalt  }
0x53: {  	_ =	shalt  }
0x54: {  	_ =	shalt  }
0x55: {  	_ =	shalt  }
0x56: {  	_ =	shalt  }
0x57: {  	_ =	shalt  }
0x58: {  	_ =	shalt  }
0x59: {  	_ =	shalt  }
0x5a: {  	_ =	shalt  }
0x5b: {  	_ =	shalt  }
0x5c: {  	_ =	shalt  }
0x5d: {  	_ =	shalt  }
0x5e: {  	_ =	shalt  }
0x5f: {  	_ =	shalt  }
0x60: {  	_ =	shalt  }
0x61: {  	_ =	shalt  }
0x62: {  	_ =	shalt  }
0x63: {  	_ =	shalt  }
0x64: {  	_ =	shalt  }
0x65: {  	_ =	shalt  }
0x66: {  	_ =	shalt  }
0x67: {  	_ =	shalt  }
0x68: {  	_ =	shalt  }
0x69: {  	_ =	shalt  }
0x6a: {  	_ =	shalt  }
0x6b: {  	_ =	shalt  }
0x6c: {  	_ =	shalt  }
0x6d: {  	_ =	shalt  }
0x6e: {  	_ =	shalt  }
0x6f: {  	_ =	shalt  }
0x70: {  	_ =	shalt  }
0x71: {  	_ =	shalt  }
0x72: {  	_ =	shalt  }
0x73: {  	_ =	shalt  }
0x74: {  	_ =	shalt  }
0x75: {  	_ =	shalt  }
0x76: {  	_ =	shalt  }
0x77: {  	_ =	shalt  }
0x78: {  	_ =	shalt  }
0x79: {  	_ =	shalt  }
0x7a: {  	_ =	shalt  }
0x7b: {  	_ =	shalt  }
0x7c: {  	_ =	shalt  }
0x7d: {  	_ =	shalt  }
0x7e: {  	_ =	shalt  }
0x7f: {  	_ =	shalt  }
0x80: {  	_ =	shalt  }
0x81: {  	_ =	shalt  }
0x82: {  	_ =	shalt  }
0x83: {  	_ =	shalt  }
0x84: {  	_ =	shalt  }
0x85: {  	_ =	shalt  }
0x86: {  	_ =	shalt  }
0x87: {  	_ =	shalt  }
.Lfunc_end0:
.L_simem_size_0:
called_computation_lowered:
.L_overlay_start_0:
0x88: {  	s2 =	sld [smem:$0x3FD9]  }
0x89: {  	s3 =	sld [smem:$0x3FFE];
	_ =	sdelay $0x1  }
0x8a: {  	s1 =	srdreg.scid  }
0x8b: {  	s0 =	sand.u32 $0x1, s1  }
0x8c: {  	s16 =	sshll.u32 s0, $0xA;
	s2 =	sadd.s32 s3, s2  }
0x8d: {  	s2 =	sadd.s32 s2, s16  }
0x8e: {  	[smem:$0x3FC5] =	sst s2  }
0x8f: {  	_ = 	snop  }
0x90: {  	(tm) =	ssettm $0x1  }
0x91: {  	s17 =	sld [smem:$0x3FFB];
	_ =	sdelay $0x3  }
0x92: {  	_ =	strace s17  }
0x93: {  	s2 =	sld [smem:$0x3FFC];
	_ =	sdelay $0x3  }
0x94: {  	_ =	strace s2  }
0x95: {  	s2 =	sld [smem:$0x3FFD];
	_ =	sdelay $0x3  }
0x96: {  	_ =	strace s2  }
0x97: {  	_ =	strace $0x8FFFFFFF  }
0x98: {  	s18 =	sld [smem:$0x3FDB];
	_ =	sdelay $0x1  }
0x99: {  	s19 =	simm.s32 $_scs_section_size  }
0x9a: {  	s4 =	simm.s32 $_size__tile_overlayer_lowered;
	s5 =	simm.s32 $_tile_overlayer_lowered  }
0x9b: {  	s22 =	simm.s32 $0x1BFF;
	s21 =	sshll.u32 s5, $0x1;
	s2 =	sadd.s32 s19, s18  }
0x9c: {  	s6 =	simm.s32 $0x0;
	s20 =	sshll.u32 s4, $0x1;
	s4 =	sadd.s32 s21, s2  }
0x9d: {  	[timem:s6], [sflag:s22] =	dma.local [hbm:s4], s20  }
0x9e: {  	_ =	swait.ge [sflag:s22], s20  }
0x9f: {  	s3 =	ssub.s32 $0x0, s20;
	[sflag:s22] =	ssyncset.done $0x0  }
0xa0: {  	[sflag:s22] =	ssyncadd.s32 s3;
	_ =	sdelay $0x1  }
0xa1: {  	s23 =	simm.s32 $0x1B8B  }
0xa2: {  	_ =	swait.ge [sflag:s23], $0x1  }
0xa3: {  	[sflag:s23] =	ssyncset.done $0x0  }
0xa4: {  	s25 =	simm.s32 $0x1B8E;
	s24 =	sld [smem:$0x3FFE];
	[sflag:s23] =	ssyncadd.s32 $0xFFFFFFFF  }
0xa5: {  	s26 =	simm.s32 $execute0_lowered;
	[smem:$0x3FD2] =	sst s25  }
0xa6: {  	s4 =	sshll.u32 s26, $0x1;
	_ =	strace $0x80000046;
	[dreg:$0x1] =	wrdreg $0xFFFFFFFF  }
0xa7: {  	s28 =	simm.s32 $_size_execute0_lowered;
	s2 =	sadd.s32 s2, s4;
	[dreg:$0x0] =	wrdreg $0x0  }
0xa8: {  	s4 =	sshll.u32 s28, $0x1;
	[dreg:$0x2] =	wrdreg s2  }
0xa9: {  	[dreg:$0x3] =	wrdreg s4  }
0xaa: {  	[dreg:$0x4] =	wrdreg $0xC0  }
0xab: {  	_ =	task [dreg:s6], $0x5FFFF  }
0xac: {  	[dreg:$0x1] =	wrdreg $0xFFFFFFFF  }
0xad: {  	[dreg:$0x0] =	wrdreg $0x60  }
0xae: {  	[dreg:$0x2] =	wrdreg s24  }
0xaf: {  	[dreg:$0x3] =	wrdreg $0x9  }
0xb0: {  	_ =	task.clear_ibuf [dreg:s6], $0x4FFFF;
	_ =	strace $0x90000046  }
0xb1: {  	s29 =	simm.s32 $0x9;
	_ =	strace $0x80000048  }
0xb2: {  	_ =	swait.ge [sflag:s29], $0x1  }
0xb3: {  	[sflag:s29] =	ssyncadd.s32 $0xFFFFFFFF  }
0xb4: {  	_ =	strace $0x90000048  }
0xb5: {  	_ =	sfence  }
0xb6: {  	s30 =	sld [smem:$0x0];
	_ =	sdelay $0x2  }
0xb7: {  	s31 =	sshll.u32 s1, $0xD;
	s1 =	sshrl.u32 s1, $0x2  }
0xb8: {  	s3 =	sand.u32 $0x4000, s31;
	s1 =	sadd.s32 s1, s30  }
0xb9: {  	s0 =	sor.u32 s3, s0;
	s1 =	sshll.u32 s1, $0x11  }
0xba: {  	s0 =	sor.u32 s1, s0  }
0xbb: {  	s0 =	sadd.s32 $0x8F2B, s0  }
0xbc: {  	[sflag:s0] =	ssyncadd.remote.s32 $0x1  }
0xbd: {  	_ =	sfence.sel $0xFFFF  }
0xbe: {  	[dreg:$0x0] =	wrdreg $0xFFFFFFFF;
	(pc) =	sbr.abs _section_cstart, $3  }
0xbf: {  	[dreg:$0x1] =	wrdreg $0xFFFFFFFF  }
0xc0: {  	_ =	task.clear_ibuf [dreg:s6], $0x2FFFF;
	_ =	strace $0x9FFFFFFF  }
0xc1: {  	(tm) =	ssettm $0x7FFFFFFF  }
tec
execute0_lowered:
.L_overlay_start_1:
0x0: {  	(tag) =	ssettag $0x1  }
0x1: {  	s0 =	rddreg [dreg:$0x0];
	s2 =	simm.s32 $0x0;
	s1 =	srdreg.scid  }
0x2: {  	s3 =	stileid.u32;
	s28 =	simm.s32 $0x2;
	s29 =	simm.s32 $0xC350  }
0x3: {  	s30 =	simm.s32 $0x3;
	s1 =	sand.u32 $0x1, s1;
	s3 =	sshll.u32 s3, $0x1  }
0x4: {  	s31 =	simm.s32 $0x4;
	s4 =	sadd.s32 $0x1EB200, s0;
	s3 =	sor.u32 s1, s3  }
0x5: {  	[smem:$0x7FF] =	sst s2;
	s20 =	sadd.s32 $0x189600, s0;
	s8 =	smul.u32 $0xC35, s3  }
0x6: {  	s13 =	sadd.s32 $0x2C00, s0;
	s1 =	ssub.s32 $0x2, s1;
	s12 =	smul.u32 $0x30D4, s3  }
0x7: {  	s0 =	sadd.s32 $0x33A00, s0;
	s5 =	sshrl.u32 s1, $0x1;
	s3 =	smul.u32 $0x186A, s3  }
0x8: {  	_ =	strace $0x80000047;
	s1 =	ssub.s32 s1, s5;
	s6 =	sadd.s32 $0x271, s8  }
0x9: {  	s23 =	sadd.s32 s4, s12;
	s9 =	sadd.s32 $0x4E2, s8;
	s25 =	sadd.s32 s13, s3  }
0xa: {  	s11 =	sadd.s32 $0x753, s8;
	s15 =	sadd.s32 $0x9C4, s8;
	[dreg:$0x2] =	wrdreg s23  }
0xb: {  	s12 =	sadd.s32 s20, s12;
	s14 =	sshll.u32 s6, $0x2;
	[dreg:$0x4] =	wrdreg s25  }
0xc: {  	s16 =	sshll.u32 s9, $0x2;
	s17 =	sshll.u32 s6, $0x1;
	s18 =	sshll.u32 s11, $0x2  }
0xd: {  	s19 =	sshll.u32 s9, $0x1;
	s21 =	sshll.u32 s15, $0x2;
	s26 =	sshll.u32 s11, $0x1  }
0xe: {  	s22 =	sshll.u32 s15, $0x1;
	s15 =	sadd.s32 s0, s3;
	s23 =	smax.u32 s1, $0x1  }
0xf: {  	s25 =	simm.s32 $0x1;
	s24 =	sadd.s32 s4, s14;
	s6 =	sadd.s32 s4, s16  }
0x10: {  	s7 =	sadd.s32 s13, s17;
	s8 =	sadd.s32 s4, s18;
	s9 =	sadd.s32 s13, s19  }
0x11: {  	s10 =	sadd.s32 s4, s21;
	s11 =	sadd.s32 s13, s26;
	s13 =	sadd.s32 s13, s22  }
0x12: {  	s14 =	sadd.s32 s20, s14;
	s16 =	sadd.s32 s20, s16;
	s17 =	sadd.s32 s0, s17  }
0x13: {  	s18 =	sadd.s32 s20, s18;
	s19 =	sadd.s32 s0, s19;
	s20 =	sadd.s32 s20, s21  }
0x14: {  	s21 =	sadd.s32 s0, s26;
	s22 =	sadd.s32 s0, s22;
	s26 =	simm.s32 $0x9C40  }
0x15: {  	s0 =	simm.s32 $0x0;
	[dreg:$0x3] =	wrdreg s24;
	s24 =	simm.s32 $0x4E20  }
.LBB2_1:
0x16: {  	s1 =	rddreg [dreg:$0x2]  }
0x17: {  	[tilespmem:s2], [sflag:$0x1] =	stream.linear.gather [hbm4b:s1+s2], $0x4E20, $0x38;
	[tilespmem:$0xEA60] =	vst v63  }
0x18: {  	s5 =	rddreg [dreg:$0x3]  }
0x19: {  	[tilespmem:s24], [sflag:$0x2] =	stream.linear.gather [hbm4b:s5+s2], $0x4E20, $0x38;
	[tilespmem:$0xEA60] =	vst v63  }
0x1a: {  	_ =	swait.ge [sflag:s25], $0x4E20  }
0x1b: {  	[sflag:s25] =	ssyncset.done $0x0  }
0x1c: {  	s1 =	simm.s32 $0x50;
	[sflag:s25] =	ssyncadd.s32 $0xFFFFB1E0  }
0x1d: {  	v0 =	vld [tilespmem:s1+$0x20]  }
0x1e: {  	v2 =	vld [tilespmem:s1+$0x40]  }
0x1f: {  	v1 =	vld [tilespmem:s1+$0xFFFFFFF0]  }
0x20: {  	s3 =	simm.s32 $0x100;
	s4 =	simm.s32 $0x240;
	v3 =	vld [tilespmem:s1+$0x30]  }
.LBB2_2:
0x21: {  	p0 =	sne.s32 s4, $0x9C00;
	v4 =	vld [tilespmem:s1+$0x0]  }
0x22: {  	v5 =	vld [tilespmem:s1+$0xFFFFFFB0]  }
0x23: {  	v6 =	vld [tilespmem:s1+$0xFFFFFFD0]  }
0x24: {  	v7 =	vld [tilespmem:s1+$0x10]  }
0x25: {  	s5 =	sshra.s32 s3, $0x2;
	s3 =	smov.u32 s4;
	v8 =	vld [tilespmem:s1+$0xFFFFFFC0];
	v2 =	vpack.i.f32.bf16 v2, v3  }
0x26: {  	v3 =	vld [tilespmem:s1+$0xFFFFFFE0];
	v1 =	vpack.i.f32.bf16 v4, v1;
	[tilespmem:s5+$0x9C40] =	vst v2  }
0x27: {  	[tilespmem:s5+$0x9C20] =	vst v1;
	_ =	sdelay $0x1  }
0x28: {  	v0 =	vpack.i.f32.bf16 v0, v7  }
0x29: {  	v1 =	vpack.i.f32.bf16 v8, v5;
	[tilespmem:s5+$0x9C30] =	vst v0  }
0x2a: {  	v0 =	vpack.i.f32.bf16 v3, v6;
	[tilespmem:s5+$0x9C00] =	vst v1  }
.Ltmp0:
0x2b: {  	s1 =	sadd.s32 $0xA0, s1;
	[tilespmem:s5+$0x9C10] =	vst v0;
	(pc) =	sbr.rel @p0 .LBB2_2-.Ltmp0, $4  }
0x2c: {  	v0 =	vld [tilespmem:s1+$0x20]  }
0x2d: {  	v2 =	vld [tilespmem:s1+$0x40]  }
0x2e: {  	v1 =	vld [tilespmem:s1+$0xFFFFFFF0]  }
0x2f: {  	s4 =	sadd.s32 $0x140, s4;
	v3 =	vld [tilespmem:s1+$0x30]  }
0x30: {  	v4 =	vld [tilespmem:s1+$0x0]  }
0x31: {  	v5 =	vld [tilespmem:s1+$0xFFFFFFB0]  }
0x32: {  	v6 =	vld [tilespmem:s1+$0xFFFFFFD0]  }
0x33: {  	v7 =	vld [tilespmem:s1+$0x10]  }
0x34: {  	v8 =	vld [tilespmem:s1+$0xFFFFFFC0]  }
0x35: {  	v9 =	vld [tilespmem:s1+$0xFFFFFFE0]  }
0x36: {  	s4 =	sshra.s32 s3, $0x2;
	v2 =	vpack.i.f32.bf16 v2, v3  }
0x37: {  	v1 =	vpack.i.f32.bf16 v4, v1;
	[tilespmem:s4+$0x9C40] =	vst v2  }
0x38: {  	v0 =	vpack.i.f32.bf16 v0, v7;
	[tilespmem:s4+$0x9C20] =	vst v1  }
0x39: {  	v1 =	vpack.i.f32.bf16 v8, v5;
	[tilespmem:s4+$0x9C30] =	vst v0  }
0x3a: {  	v0 =	vpack.i.f32.bf16 v9, v6;
	[tilespmem:s4+$0x9C00] =	vst v1  }
0x3b: {  	s5 =	rddreg [dreg:$0x4];
	[tilespmem:s4+$0x9C10] =	vst v0  }
0x3c: {  	[hbm4b:s5+s2] =	stream.linear.scatter [tilespmem:s26], [sflag:$0x3], $0x2710, $0x38;
	[tilespmem:$0xEA60] =	vst v63  }
0x3d: {  	_ = 	snop  }
0x3e: {  	[tilespmem:s2], [sflag:$0x1] =	stream.linear.gather [hbm4b:s6+s2], $0x4E20, $0x38;
	[tilespmem:$0xEA60] =	vst v63  }
0x3f: {  	_ =	swait.ge [sflag:s28], $0x4E20  }
0x40: {  	[sflag:s28] =	ssyncset.done $0x0  }
0x41: {  	s1 =	simm.s32 $0x4E70;
	[sflag:s28] =	ssyncadd.s32 $0xFFFFB1E0  }
0x42: {  	v0 =	vld [tilespmem:s1+$0x20]  }
0x43: {  	v2 =	vld [tilespmem:s1+$0x40]  }
0x44: {  	v1 =	vld [tilespmem:s1+$0xFFFFFFF0]  }
0x45: {  	s3 =	simm.s32 $0x100;
	s4 =	simm.s32 $0x240;
	v3 =	vld [tilespmem:s1+$0x30]  }
.LBB2_4:
0x46: {  	p0 =	sne.s32 s4, $0x9C00;
	v4 =	vld [tilespmem:s1+$0x0]  }
0x47: {  	v5 =	vld [tilespmem:s1+$0xFFFFFFB0]  }
0x48: {  	v6 =	vld [tilespmem:s1+$0xFFFFFFD0]  }
0x49: {  	v7 =	vld [tilespmem:s1+$0x10]  }
0x4a: {  	s5 =	sshra.s32 s3, $0x2;
	s3 =	smov.u32 s4;
	v8 =	vld [tilespmem:s1+$0xFFFFFFC0];
	v2 =	vpack.i.f32.bf16 v2, v3  }
0x4b: {  	v3 =	vld [tilespmem:s1+$0xFFFFFFE0];
	v1 =	vpack.i.f32.bf16 v4, v1;
	[tilespmem:s5+$0xC350] =	vst v2  }
0x4c: {  	[tilespmem:s5+$0xC330] =	vst v1;
	_ =	sdelay $0x1  }
0x4d: {  	v0 =	vpack.i.f32.bf16 v0, v7  }
0x4e: {  	v1 =	vpack.i.f32.bf16 v8, v5;
	[tilespmem:s5+$0xC340] =	vst v0  }
0x4f: {  	v0 =	vpack.i.f32.bf16 v3, v6;
	[tilespmem:s5+$0xC310] =	vst v1  }
.Ltmp1:
0x50: {  	s1 =	sadd.s32 $0xA0, s1;
	[tilespmem:s5+$0xC320] =	vst v0;
	(pc) =	sbr.rel @p0 .LBB2_4-.Ltmp1, $4  }
0x51: {  	v0 =	vld [tilespmem:s1+$0x20]  }
0x52: {  	v2 =	vld [tilespmem:s1+$0x40]  }
0x53: {  	v1 =	vld [tilespmem:s1+$0xFFFFFFF0]  }
0x54: {  	s4 =	sadd.s32 $0x140, s4;
	v3 =	vld [tilespmem:s1+$0x30]  }
0x55: {  	v4 =	vld [tilespmem:s1+$0x0]  }
0x56: {  	v5 =	vld [tilespmem:s1+$0xFFFFFFB0]  }
0x57: {  	v6 =	vld [tilespmem:s1+$0xFFFFFFD0]  }
0x58: {  	v7 =	vld [tilespmem:s1+$0x10]  }
0x59: {  	v8 =	vld [tilespmem:s1+$0xFFFFFFC0]  }
0x5a: {  	v9 =	vld [tilespmem:s1+$0xFFFFFFE0]  }
0x5b: {  	s5 =	sshra.s32 s3, $0x2;
	v2 =	vpack.i.f32.bf16 v2, v3  }
0x5c: {  	v1 =	vpack.i.f32.bf16 v4, v1;
	[tilespmem:s5+$0xC350] =	vst v2  }
0x5d: {  	v0 =	vpack.i.f32.bf16 v0, v7;
	[tilespmem:s5+$0xC330] =	vst v1  }
0x5e: {  	v1 =	vpack.i.f32.bf16 v8, v5;
	[tilespmem:s5+$0xC340] =	vst v0  }
0x5f: {  	v0 =	vpack.i.f32.bf16 v9, v6;
	[tilespmem:s5+$0xC310] =	vst v1  }
0x60: {  	[tilespmem:s5+$0xC320] =	vst v0  }
0x61: {  	[hbm4b:s7+s2] =	stream.linear.scatter [tilespmem:s29], [sflag:$0x4], $0x2710, $0x38;
	[tilespmem:$0xEA60] =	vst v63  }
0x62: {  	_ = 	snop  }
0x63: {  	[tilespmem:s24], [sflag:$0x2] =	stream.linear.gather [hbm4b:s8+s2], $0x4E20, $0x38;
	[tilespmem:$0xEA60] =	vst v63  }
0x64: {  	_ =	swait.ge [sflag:s25], $0x4E20  }
0x65: {  	[sflag:s25] =	ssyncset.done $0x0  }
0x66: {  	[sflag:s25] =	ssyncadd.s32 $0xFFFFB1E0  }
0x67: {  	_ =	swait.ge [sflag:s30], $0x2710  }
0x68: {  	[sflag:s30] =	ssyncset.done $0x0  }
0x69: {  	s1 =	simm.s32 $0x50;
	[sflag:s30] =	ssyncadd.s32 $0xFFFFD8F0  }
0x6a: {  	v0 =	vld [tilespmem:s1+$0x20]  }
0x6b: {  	v2 =	vld [tilespmem:s1+$0x40]  }
0x6c: {  	v1 =	vld [tilespmem:s1+$0xFFFFFFF0]  }
0x6d: {  	s3 =	simm.s32 $0x100;
	s4 =	simm.s32 $0x240;
	v3 =	vld [tilespmem:s1+$0x30]  }
.LBB2_6:
0x6e: {  	p0 =	sne.s32 s4, $0x9C00;
	v4 =	vld [tilespmem:s1+$0x0]  }
0x6f: {  	v5 =	vld [tilespmem:s1+$0xFFFFFFB0]  }
0x70: {  	v6 =	vld [tilespmem:s1+$0xFFFFFFD0]  }
0x71: {  	v7 =	vld [tilespmem:s1+$0x10]  }
0x72: {  	s5 =	sshra.s32 s3, $0x2;
	s3 =	smov.u32 s4;
	v8 =	vld [tilespmem:s1+$0xFFFFFFC0];
	v2 =	vpack.i.f32.bf16 v2, v3  }
0x73: {  	v3 =	vld [tilespmem:s1+$0xFFFFFFE0];
	v1 =	vpack.i.f32.bf16 v4, v1;
	[tilespmem:s5+$0x9C40] =	vst v2  }
0x74: {  	[tilespmem:s5+$0x9C20] =	vst v1;
	_ =	sdelay $0x1  }
0x75: {  	v0 =	vpack.i.f32.bf16 v0, v7  }
0x76: {  	v1 =	vpack.i.f32.bf16 v8, v5;
	[tilespmem:s5+$0x9C30] =	vst v0  }
0x77: {  	v0 =	vpack.i.f32.bf16 v3, v6;
	[tilespmem:s5+$0x9C00] =	vst v1  }
.Ltmp2:
0x78: {  	s1 =	sadd.s32 $0xA0, s1;
	[tilespmem:s5+$0x9C10] =	vst v0;
	(pc) =	sbr.rel @p0 .LBB2_6-.Ltmp2, $4  }
0x79: {  	v0 =	vld [tilespmem:s1+$0x20]  }
0x7a: {  	v2 =	vld [tilespmem:s1+$0x40]  }
0x7b: {  	v1 =	vld [tilespmem:s1+$0xFFFFFFF0]  }
0x7c: {  	s4 =	sadd.s32 $0x140, s4;
	v3 =	vld [tilespmem:s1+$0x30]  }
0x7d: {  	v4 =	vld [tilespmem:s1+$0x0]  }
0x7e: {  	v5 =	vld [tilespmem:s1+$0xFFFFFFB0]  }
0x7f: {  	v6 =	vld [tilespmem:s1+$0xFFFFFFD0]  }
0x80: {  	v7 =	vld [tilespmem:s1+$0x10]  }
0x81: {  	v8 =	vld [tilespmem:s1+$0xFFFFFFC0]  }
0x82: {  	v9 =	vld [tilespmem:s1+$0xFFFFFFE0]  }
0x83: {  	s5 =	sshra.s32 s3, $0x2;
	v2 =	vpack.i.f32.bf16 v2, v3  }
0x84: {  	v1 =	vpack.i.f32.bf16 v4, v1;
	[tilespmem:s5+$0x9C40] =	vst v2  }
0x85: {  	v0 =	vpack.i.f32.bf16 v0, v7;
	[tilespmem:s5+$0x9C20] =	vst v1  }
0x86: {  	v1 =	vpack.i.f32.bf16 v8, v5;
	[tilespmem:s5+$0x9C30] =	vst v0  }
0x87: {  	v0 =	vpack.i.f32.bf16 v9, v6;
	[tilespmem:s5+$0x9C00] =	vst v1  }
0x88: {  	[tilespmem:s5+$0x9C10] =	vst v0  }
0x89: {  	[hbm4b:s9+s2] =	stream.linear.scatter [tilespmem:s26], [sflag:$0x3], $0x2710, $0x38;
	[tilespmem:$0xEA60] =	vst v63  }
0x8a: {  	_ = 	snop  }
0x8b: {  	[tilespmem:s2], [sflag:$0x1] =	stream.linear.gather [hbm4b:s10+s2], $0x4E20, $0x38;
	[tilespmem:$0xEA60] =	vst v63  }
0x8c: {  	_ =	swait.ge [sflag:s28], $0x4E20  }
0x8d: {  	[sflag:s28] =	ssyncset.done $0x0  }
0x8e: {  	[sflag:s28] =	ssyncadd.s32 $0xFFFFB1E0  }
0x8f: {  	_ =	swait.ge [sflag:s31], $0x2710  }
0x90: {  	[sflag:s31] =	ssyncset.done $0x0  }
0x91: {  	s1 =	simm.s32 $0x4E70;
	[sflag:s31] =	ssyncadd.s32 $0xFFFFD8F0  }
0x92: {  	v0 =	vld [tilespmem:s1+$0x20]  }
0x93: {  	v2 =	vld [tilespmem:s1+$0x40]  }
0x94: {  	v1 =	vld [tilespmem:s1+$0xFFFFFFF0]  }
0x95: {  	s3 =	simm.s32 $0x100;
	s4 =	simm.s32 $0x240;
	v3 =	vld [tilespmem:s1+$0x30]  }
.LBB2_8:
0x96: {  	p0 =	sne.s32 s4, $0x9C00;
	v4 =	vld [tilespmem:s1+$0x0]  }
0x97: {  	v5 =	vld [tilespmem:s1+$0xFFFFFFB0]  }
0x98: {  	v6 =	vld [tilespmem:s1+$0xFFFFFFD0]  }
0x99: {  	v7 =	vld [tilespmem:s1+$0x10]  }
0x9a: {  	s5 =	sshra.s32 s3, $0x2;
	s3 =	smov.u32 s4;
	v8 =	vld [tilespmem:s1+$0xFFFFFFC0];
	v2 =	vpack.i.f32.bf16 v2, v3  }
0x9b: {  	v3 =	vld [tilespmem:s1+$0xFFFFFFE0];
	v1 =	vpack.i.f32.bf16 v4, v1;
	[tilespmem:s5+$0xC350] =	vst v2  }
0x9c: {  	[tilespmem:s5+$0xC330] =	vst v1;
	_ =	sdelay $0x1  }
0x9d: {  	v0 =	vpack.i.f32.bf16 v0, v7  }
0x9e: {  	v1 =	vpack.i.f32.bf16 v8, v5;
	[tilespmem:s5+$0xC340] =	vst v0  }
0x9f: {  	v0 =	vpack.i.f32.bf16 v3, v6;
	[tilespmem:s5+$0xC310] =	vst v1  }
.Ltmp3:
0xa0: {  	s1 =	sadd.s32 $0xA0, s1;
	[tilespmem:s5+$0xC320] =	vst v0;
	(pc) =	sbr.rel @p0 .LBB2_8-.Ltmp3, $4  }
0xa1: {  	v0 =	vld [tilespmem:s1+$0x20]  }
0xa2: {  	v2 =	vld [tilespmem:s1+$0x40]  }
0xa3: {  	v1 =	vld [tilespmem:s1+$0xFFFFFFF0]  }
0xa4: {  	s4 =	sadd.s32 $0x140, s4;
	v3 =	vld [tilespmem:s1+$0x30]  }
0xa5: {  	v4 =	vld [tilespmem:s1+$0x0]  }
0xa6: {  	v5 =	vld [tilespmem:s1+$0xFFFFFFB0]  }
0xa7: {  	v6 =	vld [tilespmem:s1+$0xFFFFFFD0]  }
0xa8: {  	v7 =	vld [tilespmem:s1+$0x10]  }
0xa9: {  	v8 =	vld [tilespmem:s1+$0xFFFFFFC0]  }
0xaa: {  	v9 =	vld [tilespmem:s1+$0xFFFFFFE0]  }
0xab: {  	s5 =	sshra.s32 s3, $0x2;
	v2 =	vpack.i.f32.bf16 v2, v3  }
0xac: {  	v1 =	vpack.i.f32.bf16 v4, v1;
	[tilespmem:s5+$0xC350] =	vst v2  }
0xad: {  	v0 =	vpack.i.f32.bf16 v0, v7;
	[tilespmem:s5+$0xC330] =	vst v1  }
0xae: {  	v1 =	vpack.i.f32.bf16 v8, v5;
	[tilespmem:s5+$0xC340] =	vst v0  }
0xaf: {  	v0 =	vpack.i.f32.bf16 v9, v6;
	[tilespmem:s5+$0xC310] =	vst v1  }
0xb0: {  	[tilespmem:s5+$0xC320] =	vst v0  }
0xb1: {  	[hbm4b:s11+s2] =	stream.linear.scatter [tilespmem:s29], [sflag:$0x4], $0x2710, $0x38;
	[tilespmem:$0xEA60] =	vst v63  }
0xb2: {  	_ = 	snop  }
0xb3: {  	[tilespmem:s24], [sflag:$0x2] =	stream.linear.gather [hbm4b:s12+s2], $0x4E20, $0x38;
	[tilespmem:$0xEA60] =	vst v63  }
0xb4: {  	_ =	swait.ge [sflag:s25], $0x4E20  }
0xb5: {  	[sflag:s25] =	ssyncset.done $0x0  }
0xb6: {  	[sflag:s25] =	ssyncadd.s32 $0xFFFFB1E0  }
0xb7: {  	_ =	swait.ge [sflag:s30], $0x2710  }
0xb8: {  	[sflag:s30] =	ssyncset.done $0x0  }
0xb9: {  	s1 =	simm.s32 $0x50;
	[sflag:s30] =	ssyncadd.s32 $0xFFFFD8F0  }
0xba: {  	v0 =	vld [tilespmem:s1+$0x20]  }
0xbb: {  	v2 =	vld [tilespmem:s1+$0x40]  }
0xbc: {  	v1 =	vld [tilespmem:s1+$0xFFFFFFF0]  }
0xbd: {  	s3 =	simm.s32 $0x100;
	s4 =	simm.s32 $0x240;
	v3 =	vld [tilespmem:s1+$0x30]  }
.LBB2_10:
0xbe: {  	p0 =	sne.s32 s4, $0x9C00;
	v4 =	vld [tilespmem:s1+$0x0]  }
0xbf: {  	v5 =	vld [tilespmem:s1+$0xFFFFFFB0]  }
0xc0: {  	v6 =	vld [tilespmem:s1+$0xFFFFFFD0]  }
0xc1: {  	v7 =	vld [tilespmem:s1+$0x10]  }
0xc2: {  	s5 =	sshra.s32 s3, $0x2;
	s3 =	smov.u32 s4;
	v8 =	vld [tilespmem:s1+$0xFFFFFFC0];
	v2 =	vpack.i.f32.bf16 v2, v3  }
0xc3: {  	v3 =	vld [tilespmem:s1+$0xFFFFFFE0];
	v1 =	vpack.i.f32.bf16 v4, v1;
	[tilespmem:s5+$0x9C40] =	vst v2  }
0xc4: {  	[tilespmem:s5+$0x9C20] =	vst v1;
	_ =	sdelay $0x1  }
0xc5: {  	v0 =	vpack.i.f32.bf16 v0, v7  }
0xc6: {  	v1 =	vpack.i.f32.bf16 v8, v5;
	[tilespmem:s5+$0x9C30] =	vst v0  }
0xc7: {  	v0 =	vpack.i.f32.bf16 v3, v6;
	[tilespmem:s5+$0x9C00] =	vst v1  }
.Ltmp4:
0xc8: {  	s1 =	sadd.s32 $0xA0, s1;
	[tilespmem:s5+$0x9C10] =	vst v0;
	(pc) =	sbr.rel @p0 .LBB2_10-.Ltmp4, $4  }
0xc9: {  	v0 =	vld [tilespmem:s1+$0x20]  }
0xca: {  	v2 =	vld [tilespmem:s1+$0x40]  }
0xcb: {  	v1 =	vld [tilespmem:s1+$0xFFFFFFF0]  }
0xcc: {  	s4 =	sadd.s32 $0x140, s4;
	v3 =	vld [tilespmem:s1+$0x30]  }
0xcd: {  	v4 =	vld [tilespmem:s1+$0x0]  }
0xce: {  	v5 =	vld [tilespmem:s1+$0xFFFFFFB0]  }
0xcf: {  	v6 =	vld [tilespmem:s1+$0xFFFFFFD0]  }
0xd0: {  	v7 =	vld [tilespmem:s1+$0x10]  }
0xd1: {  	v8 =	vld [tilespmem:s1+$0xFFFFFFC0]  }
0xd2: {  	v9 =	vld [tilespmem:s1+$0xFFFFFFE0]  }
0xd3: {  	s5 =	sshra.s32 s3, $0x2;
	v2 =	vpack.i.f32.bf16 v2, v3  }
0xd4: {  	v1 =	vpack.i.f32.bf16 v4, v1;
	[tilespmem:s5+$0x9C40] =	vst v2  }
0xd5: {  	v0 =	vpack.i.f32.bf16 v0, v7;
	[tilespmem:s5+$0x9C20] =	vst v1  }
0xd6: {  	v1 =	vpack.i.f32.bf16 v8, v5;
	[tilespmem:s5+$0x9C30] =	vst v0  }
0xd7: {  	v0 =	vpack.i.f32.bf16 v9, v6;
	[tilespmem:s5+$0x9C00] =	vst v1  }
0xd8: {  	[tilespmem:s5+$0x9C10] =	vst v0  }
0xd9: {  	[hbm4b:s13+s2] =	stream.linear.scatter [tilespmem:s26], [sflag:$0x3], $0x2710, $0x38;
	[tilespmem:$0xEA60] =	vst v63  }
0xda: {  	_ = 	snop  }
0xdb: {  	[tilespmem:s2], [sflag:$0x1] =	stream.linear.gather [hbm4b:s14+s2], $0x4E20, $0x38;
	[tilespmem:$0xEA60] =	vst v63  }
0xdc: {  	_ =	swait.ge [sflag:s28], $0x4E20  }
0xdd: {  	[sflag:s28] =	ssyncset.done $0x0  }
0xde: {  	[sflag:s28] =	ssyncadd.s32 $0xFFFFB1E0  }
0xdf: {  	_ =	swait.ge [sflag:s31], $0x2710  }
0xe0: {  	[sflag:s31] =	ssyncset.done $0x0  }
0xe1: {  	s1 =	simm.s32 $0x4E70;
	[sflag:s31] =	ssyncadd.s32 $0xFFFFD8F0  }
0xe2: {  	v0 =	vld [tilespmem:s1+$0x20]  }
0xe3: {  	v2 =	vld [tilespmem:s1+$0x40]  }
0xe4: {  	v1 =	vld [tilespmem:s1+$0xFFFFFFF0]  }
0xe5: {  	s3 =	simm.s32 $0x100;
	s4 =	simm.s32 $0x240;
	v3 =	vld [tilespmem:s1+$0x30]  }
.LBB2_12:
0xe6: {  	p0 =	sne.s32 s4, $0x9C00;
	v4 =	vld [tilespmem:s1+$0x0]  }
0xe7: {  	v5 =	vld [tilespmem:s1+$0xFFFFFFB0]  }
0xe8: {  	v6 =	vld [tilespmem:s1+$0xFFFFFFD0]  }
0xe9: {  	v7 =	vld [tilespmem:s1+$0x10]  }
0xea: {  	s5 =	sshra.s32 s3, $0x2;
	s3 =	smov.u32 s4;
	v8 =	vld [tilespmem:s1+$0xFFFFFFC0];
	v2 =	vpack.i.f32.bf16 v2, v3  }
0xeb: {  	v3 =	vld [tilespmem:s1+$0xFFFFFFE0];
	v1 =	vpack.i.f32.bf16 v4, v1;
	[tilespmem:s5+$0xC350] =	vst v2  }
0xec: {  	[tilespmem:s5+$0xC330] =	vst v1;
	_ =	sdelay $0x1  }
0xed: {  	v0 =	vpack.i.f32.bf16 v0, v7  }
0xee: {  	v1 =	vpack.i.f32.bf16 v8, v5;
	[tilespmem:s5+$0xC340] =	vst v0  }
0xef: {  	v0 =	vpack.i.f32.bf16 v3, v6;
	[tilespmem:s5+$0xC310] =	vst v1  }
.Ltmp5:
0xf0: {  	s1 =	sadd.s32 $0xA0, s1;
	[tilespmem:s5+$0xC320] =	vst v0;
	(pc) =	sbr.rel @p0 .LBB2_12-.Ltmp5, $4  }
0xf1: {  	v0 =	vld [tilespmem:s1+$0x20]  }
0xf2: {  	v2 =	vld [tilespmem:s1+$0x40]  }
0xf3: {  	v1 =	vld [tilespmem:s1+$0xFFFFFFF0]  }
0xf4: {  	s4 =	sadd.s32 $0x140, s4;
	v3 =	vld [tilespmem:s1+$0x30]  }
0xf5: {  	v4 =	vld [tilespmem:s1+$0x0]  }
0xf6: {  	v5 =	vld [tilespmem:s1+$0xFFFFFFB0]  }
0xf7: {  	v6 =	vld [tilespmem:s1+$0xFFFFFFD0]  }
0xf8: {  	v7 =	vld [tilespmem:s1+$0x10]  }
0xf9: {  	v8 =	vld [tilespmem:s1+$0xFFFFFFC0]  }
0xfa: {  	v9 =	vld [tilespmem:s1+$0xFFFFFFE0]  }
0xfb: {  	s5 =	sshra.s32 s3, $0x2;
	v2 =	vpack.i.f32.bf16 v2, v3  }
0xfc: {  	v1 =	vpack.i.f32.bf16 v4, v1;
	[tilespmem:s5+$0xC350] =	vst v2  }
0xfd: {  	v0 =	vpack.i.f32.bf16 v0, v7;
	[tilespmem:s5+$0xC330] =	vst v1  }
0xfe: {  	v1 =	vpack.i.f32.bf16 v8, v5;
	[tilespmem:s5+$0xC340] =	vst v0  }
0xff: {  	v0 =	vpack.i.f32.bf16 v9, v6;
	[tilespmem:s5+$0xC310] =	vst v1  }
0x100: {  	[tilespmem:s5+$0xC320] =	vst v0  }
0x101: {  	[hbm4b:s15+s2] =	stream.linear.scatter [tilespmem:s29], [sflag:$0x4], $0x2710, $0x38;
	[tilespmem:$0xEA60] =	vst v63  }
0x102: {  	_ = 	snop  }
0x103: {  	[tilespmem:s24], [sflag:$0x2] =	stream.linear.gather [hbm4b:s16+s2], $0x4E20, $0x38;
	[tilespmem:$0xEA60] =	vst v63  }
0x104: {  	_ =	swait.ge [sflag:s25], $0x4E20  }
0x105: {  	[sflag:s25] =	ssyncset.done $0x0  }
0x106: {  	[sflag:s25] =	ssyncadd.s32 $0xFFFFB1E0  }
0x107: {  	_ =	swait.ge [sflag:s30], $0x2710  }
0x108: {  	[sflag:s30] =	ssyncset.done $0x0  }
0x109: {  	s1 =	simm.s32 $0x50;
	[sflag:s30] =	ssyncadd.s32 $0xFFFFD8F0  }
0x10a: {  	v0 =	vld [tilespmem:s1+$0x20]  }
0x10b: {  	v2 =	vld [tilespmem:s1+$0x40]  }
0x10c: {  	v1 =	vld [tilespmem:s1+$0xFFFFFFF0]  }
0x10d: {  	s3 =	simm.s32 $0x100;
	s4 =	simm.s32 $0x240;
	v3 =	vld [tilespmem:s1+$0x30]  }
.LBB2_14:
0x10e: {  	p0 =	sne.s32 s4, $0x9C00;
	v4 =	vld [tilespmem:s1+$0x0]  }
0x10f: {  	v5 =	vld [tilespmem:s1+$0xFFFFFFB0]  }
0x110: {  	v6 =	vld [tilespmem:s1+$0xFFFFFFD0]  }
0x111: {  	v7 =	vld [tilespmem:s1+$0x10]  }
0x112: {  	s5 =	sshra.s32 s3, $0x2;
	s3 =	smov.u32 s4;
	v8 =	vld [tilespmem:s1+$0xFFFFFFC0];
	v2 =	vpack.i.f32.bf16 v2, v3  }
0x113: {  	v3 =	vld [tilespmem:s1+$0xFFFFFFE0];
	v1 =	vpack.i.f32.bf16 v4, v1;
	[tilespmem:s5+$0x9C40] =	vst v2  }
0x114: {  	[tilespmem:s5+$0x9C20] =	vst v1;
	_ =	sdelay $0x1  }
0x115: {  	v0 =	vpack.i.f32.bf16 v0, v7  }
0x116: {  	v1 =	vpack.i.f32.bf16 v8, v5;
	[tilespmem:s5+$0x9C30] =	vst v0  }
0x117: {  	v0 =	vpack.i.f32.bf16 v3, v6;
	[tilespmem:s5+$0x9C00] =	vst v1  }
.Ltmp6:
0x118: {  	s1 =	sadd.s32 $0xA0, s1;
	[tilespmem:s5+$0x9C10] =	vst v0;
	(pc) =	sbr.rel @p0 .LBB2_14-.Ltmp6, $4  }
0x119: {  	v0 =	vld [tilespmem:s1+$0x20]  }
0x11a: {  	v2 =	vld [tilespmem:s1+$0x40]  }
0x11b: {  	v1 =	vld [tilespmem:s1+$0xFFFFFFF0]  }
0x11c: {  	s4 =	sadd.s32 $0x140, s4;
	v3 =	vld [tilespmem:s1+$0x30]  }
0x11d: {  	v4 =	vld [tilespmem:s1+$0x0]  }
0x11e: {  	v5 =	vld [tilespmem:s1+$0xFFFFFFB0]  }
0x11f: {  	v6 =	vld [tilespmem:s1+$0xFFFFFFD0]  }
0x120: {  	v7 =	vld [tilespmem:s1+$0x10]  }
0x121: {  	v8 =	vld [tilespmem:s1+$0xFFFFFFC0]  }
0x122: {  	v9 =	vld [tilespmem:s1+$0xFFFFFFE0]  }
0x123: {  	s5 =	sshra.s32 s3, $0x2;
	v2 =	vpack.i.f32.bf16 v2, v3  }
0x124: {  	v1 =	vpack.i.f32.bf16 v4, v1;
	[tilespmem:s5+$0x9C40] =	vst v2  }
0x125: {  	v0 =	vpack.i.f32.bf16 v0, v7;
	[tilespmem:s5+$0x9C20] =	vst v1  }
0x126: {  	v1 =	vpack.i.f32.bf16 v8, v5;
	[tilespmem:s5+$0x9C30] =	vst v0  }
0x127: {  	v0 =	vpack.i.f32.bf16 v9, v6;
	[tilespmem:s5+$0x9C00] =	vst v1  }
0x128: {  	[tilespmem:s5+$0x9C10] =	vst v0  }
0x129: {  	[hbm4b:s17+s2] =	stream.linear.scatter [tilespmem:s26], [sflag:$0x3], $0x2710, $0x38;
	[tilespmem:$0xEA60] =	vst v63  }
0x12a: {  	_ = 	snop  }
0x12b: {  	[tilespmem:s2], [sflag:$0x1] =	stream.linear.gather [hbm4b:s18+s2], $0x4E20, $0x38;
	[tilespmem:$0xEA60] =	vst v63  }
0x12c: {  	_ =	swait.ge [sflag:s28], $0x4E20  }
0x12d: {  	[sflag:s28] =	ssyncset.done $0x0  }
0x12e: {  	[sflag:s28] =	ssyncadd.s32 $0xFFFFB1E0  }
0x12f: {  	_ =	swait.ge [sflag:s31], $0x2710  }
0x130: {  	[sflag:s31] =	ssyncset.done $0x0  }
0x131: {  	s1 =	simm.s32 $0x4E70;
	[sflag:s31] =	ssyncadd.s32 $0xFFFFD8F0  }
0x132: {  	v0 =	vld [tilespmem:s1+$0x20]  }
0x133: {  	v2 =	vld [tilespmem:s1+$0x40]  }
0x134: {  	v1 =	vld [tilespmem:s1+$0xFFFFFFF0]  }
0x135: {  	s3 =	simm.s32 $0x100;
	s4 =	simm.s32 $0x240;
	v3 =	vld [tilespmem:s1+$0x30]  }
.LBB2_16:
0x136: {  	p0 =	sne.s32 s4, $0x9C00;
	v4 =	vld [tilespmem:s1+$0x0]  }
0x137: {  	v5 =	vld [tilespmem:s1+$0xFFFFFFB0]  }
0x138: {  	v6 =	vld [tilespmem:s1+$0xFFFFFFD0]  }
0x139: {  	v7 =	vld [tilespmem:s1+$0x10]  }
0x13a: {  	s5 =	sshra.s32 s3, $0x2;
	s3 =	smov.u32 s4;
	v8 =	vld [tilespmem:s1+$0xFFFFFFC0];
	v2 =	vpack.i.f32.bf16 v2, v3  }
0x13b: {  	v3 =	vld [tilespmem:s1+$0xFFFFFFE0];
	v1 =	vpack.i.f32.bf16 v4, v1;
	[tilespmem:s5+$0xC350] =	vst v2  }
0x13c: {  	[tilespmem:s5+$0xC330] =	vst v1;
	_ =	sdelay $0x1  }
0x13d: {  	v0 =	vpack.i.f32.bf16 v0, v7  }
0x13e: {  	v1 =	vpack.i.f32.bf16 v8, v5;
	[tilespmem:s5+$0xC340] =	vst v0  }
0x13f: {  	v0 =	vpack.i.f32.bf16 v3, v6;
	[tilespmem:s5+$0xC310] =	vst v1  }
.Ltmp7:
0x140: {  	s1 =	sadd.s32 $0xA0, s1;
	[tilespmem:s5+$0xC320] =	vst v0;
	(pc) =	sbr.rel @p0 .LBB2_16-.Ltmp7, $4  }
0x141: {  	v0 =	vld [tilespmem:s1+$0x20]  }
0x142: {  	v2 =	vld [tilespmem:s1+$0x40]  }
0x143: {  	v1 =	vld [tilespmem:s1+$0xFFFFFFF0]  }
0x144: {  	s4 =	sadd.s32 $0x140, s4;
	v3 =	vld [tilespmem:s1+$0x30]  }
0x145: {  	v4 =	vld [tilespmem:s1+$0x0]  }
0x146: {  	v5 =	vld [tilespmem:s1+$0xFFFFFFB0]  }
0x147: {  	v6 =	vld [tilespmem:s1+$0xFFFFFFD0]  }
0x148: {  	v7 =	vld [tilespmem:s1+$0x10]  }
0x149: {  	v8 =	vld [tilespmem:s1+$0xFFFFFFC0]  }
0x14a: {  	v9 =	vld [tilespmem:s1+$0xFFFFFFE0]  }
0x14b: {  	s5 =	sshra.s32 s3, $0x2;
	v2 =	vpack.i.f32.bf16 v2, v3  }
0x14c: {  	v1 =	vpack.i.f32.bf16 v4, v1;
	[tilespmem:s5+$0xC350] =	vst v2  }
0x14d: {  	v0 =	vpack.i.f32.bf16 v0, v7;
	[tilespmem:s5+$0xC330] =	vst v1  }
0x14e: {  	v1 =	vpack.i.f32.bf16 v8, v5;
	[tilespmem:s5+$0xC340] =	vst v0  }
0x14f: {  	v0 =	vpack.i.f32.bf16 v9, v6;
	[tilespmem:s5+$0xC310] =	vst v1  }
0x150: {  	[tilespmem:s5+$0xC320] =	vst v0  }
0x151: {  	[hbm4b:s19+s2] =	stream.linear.scatter [tilespmem:s29], [sflag:$0x4], $0x2710, $0x38;
	[tilespmem:$0xEA60] =	vst v63  }
0x152: {  	_ = 	snop  }
0x153: {  	[tilespmem:s24], [sflag:$0x2] =	stream.linear.gather [hbm4b:s20+s2], $0x4E20, $0x38;
	[tilespmem:$0xEA60] =	vst v63  }
0x154: {  	_ =	swait.ge [sflag:s25], $0x4E20  }
0x155: {  	[sflag:s25] =	ssyncset.done $0x0  }
0x156: {  	[sflag:s25] =	ssyncadd.s32 $0xFFFFB1E0  }
0x157: {  	_ =	swait.ge [sflag:s30], $0x2710  }
0x158: {  	[sflag:s30] =	ssyncset.done $0x0  }
0x159: {  	s1 =	simm.s32 $0x50;
	[sflag:s30] =	ssyncadd.s32 $0xFFFFD8F0  }
0x15a: {  	v0 =	vld [tilespmem:s1+$0x20]  }
0x15b: {  	v2 =	vld [tilespmem:s1+$0x40]  }
0x15c: {  	v1 =	vld [tilespmem:s1+$0xFFFFFFF0]  }
0x15d: {  	s3 =	simm.s32 $0x100;
	s4 =	simm.s32 $0x240;
	v3 =	vld [tilespmem:s1+$0x30]  }
.LBB2_18:
0x15e: {  	p0 =	sne.s32 s4, $0x9C00;
	v4 =	vld [tilespmem:s1+$0x0]  }
0x15f: {  	v5 =	vld [tilespmem:s1+$0xFFFFFFB0]  }
0x160: {  	v6 =	vld [tilespmem:s1+$0xFFFFFFD0]  }
0x161: {  	v7 =	vld [tilespmem:s1+$0x10]  }
0x162: {  	s5 =	sshra.s32 s3, $0x2;
	s3 =	smov.u32 s4;
	v8 =	vld [tilespmem:s1+$0xFFFFFFC0];
	v2 =	vpack.i.f32.bf16 v2, v3  }
0x163: {  	v3 =	vld [tilespmem:s1+$0xFFFFFFE0];
	v1 =	vpack.i.f32.bf16 v4, v1;
	[tilespmem:s5+$0x9C40] =	vst v2  }
0x164: {  	[tilespmem:s5+$0x9C20] =	vst v1;
	_ =	sdelay $0x1  }
0x165: {  	v0 =	vpack.i.f32.bf16 v0, v7  }
0x166: {  	v1 =	vpack.i.f32.bf16 v8, v5;
	[tilespmem:s5+$0x9C30] =	vst v0  }
0x167: {  	v0 =	vpack.i.f32.bf16 v3, v6;
	[tilespmem:s5+$0x9C00] =	vst v1  }
.Ltmp8:
0x168: {  	s1 =	sadd.s32 $0xA0, s1;
	[tilespmem:s5+$0x9C10] =	vst v0;
	(pc) =	sbr.rel @p0 .LBB2_18-.Ltmp8, $4  }
0x169: {  	v0 =	vld [tilespmem:s1+$0x20]  }
0x16a: {  	v2 =	vld [tilespmem:s1+$0x40]  }
0x16b: {  	v1 =	vld [tilespmem:s1+$0xFFFFFFF0]  }
0x16c: {  	s4 =	sadd.s32 $0x140, s4;
	v3 =	vld [tilespmem:s1+$0x30]  }
0x16d: {  	v4 =	vld [tilespmem:s1+$0x0]  }
0x16e: {  	v5 =	vld [tilespmem:s1+$0xFFFFFFB0]  }
0x16f: {  	v6 =	vld [tilespmem:s1+$0xFFFFFFD0]  }
0x170: {  	v7 =	vld [tilespmem:s1+$0x10]  }
0x171: {  	v8 =	vld [tilespmem:s1+$0xFFFFFFC0]  }
0x172: {  	v9 =	vld [tilespmem:s1+$0xFFFFFFE0]  }
0x173: {  	s5 =	sshra.s32 s3, $0x2;
	v2 =	vpack.i.f32.bf16 v2, v3  }
0x174: {  	v1 =	vpack.i.f32.bf16 v4, v1;
	[tilespmem:s5+$0x9C40] =	vst v2  }
0x175: {  	v0 =	vpack.i.f32.bf16 v0, v7;
	[tilespmem:s5+$0x9C20] =	vst v1  }
0x176: {  	v1 =	vpack.i.f32.bf16 v8, v5;
	[tilespmem:s5+$0x9C30] =	vst v0  }
0x177: {  	v0 =	vpack.i.f32.bf16 v9, v6;
	[tilespmem:s5+$0x9C00] =	vst v1  }
0x178: {  	[tilespmem:s5+$0x9C10] =	vst v0  }
0x179: {  	[hbm4b:s21+s2] =	stream.linear.scatter [tilespmem:s26], [sflag:$0x3], $0x2710, $0x38;
	[tilespmem:$0xEA60] =	vst v63  }
0x17a: {  	_ =	swait.ge [sflag:s28], $0x4E20  }
0x17b: {  	[sflag:s28] =	ssyncset.done $0x0  }
0x17c: {  	[sflag:s28] =	ssyncadd.s32 $0xFFFFB1E0  }
0x17d: {  	_ =	swait.ge [sflag:s31], $0x2710  }
0x17e: {  	[sflag:s31] =	ssyncset.done $0x0  }
0x17f: {  	s1 =	simm.s32 $0x4E70;
	[sflag:s31] =	ssyncadd.s32 $0xFFFFD8F0  }
0x180: {  	v0 =	vld [tilespmem:s1+$0x20]  }
0x181: {  	v2 =	vld [tilespmem:s1+$0x40]  }
0x182: {  	v1 =	vld [tilespmem:s1+$0xFFFFFFF0]  }
0x183: {  	s3 =	simm.s32 $0x100;
	s4 =	simm.s32 $0x240;
	v3 =	vld [tilespmem:s1+$0x30]  }
.LBB2_20:
0x184: {  	p0 =	sne.s32 s4, $0x9C00;
	v4 =	vld [tilespmem:s1+$0x0]  }
0x185: {  	v5 =	vld [tilespmem:s1+$0xFFFFFFB0]  }
0x186: {  	v6 =	vld [tilespmem:s1+$0xFFFFFFD0]  }
0x187: {  	v7 =	vld [tilespmem:s1+$0x10]  }
0x188: {  	s5 =	sshra.s32 s3, $0x2;
	s3 =	smov.u32 s4;
	v8 =	vld [tilespmem:s1+$0xFFFFFFC0];
	v2 =	vpack.i.f32.bf16 v2, v3  }
0x189: {  	v3 =	vld [tilespmem:s1+$0xFFFFFFE0];
	v1 =	vpack.i.f32.bf16 v4, v1;
	[tilespmem:s5+$0xC350] =	vst v2  }
0x18a: {  	[tilespmem:s5+$0xC330] =	vst v1;
	_ =	sdelay $0x1  }
0x18b: {  	v0 =	vpack.i.f32.bf16 v0, v7  }
0x18c: {  	v1 =	vpack.i.f32.bf16 v8, v5;
	[tilespmem:s5+$0xC340] =	vst v0  }
0x18d: {  	v0 =	vpack.i.f32.bf16 v3, v6;
	[tilespmem:s5+$0xC310] =	vst v1  }
.Ltmp9:
0x18e: {  	s1 =	sadd.s32 $0xA0, s1;
	[tilespmem:s5+$0xC320] =	vst v0;
	(pc) =	sbr.rel @p0 .LBB2_20-.Ltmp9, $4  }
0x18f: {  	v0 =	vld [tilespmem:s1+$0x20]  }
0x190: {  	v2 =	vld [tilespmem:s1+$0x40]  }
0x191: {  	v1 =	vld [tilespmem:s1+$0xFFFFFFF0]  }
0x192: {  	s4 =	sadd.s32 $0x140, s4;
	v3 =	vld [tilespmem:s1+$0x30]  }
0x193: {  	v4 =	vld [tilespmem:s1+$0x0]  }
0x194: {  	v5 =	vld [tilespmem:s1+$0xFFFFFFB0]  }
0x195: {  	v6 =	vld [tilespmem:s1+$0xFFFFFFD0]  }
0x196: {  	v7 =	vld [tilespmem:s1+$0x10]  }
0x197: {  	v8 =	vld [tilespmem:s1+$0xFFFFFFC0]  }
0x198: {  	v9 =	vld [tilespmem:s1+$0xFFFFFFE0]  }
0x199: {  	s5 =	sshra.s32 s3, $0x2;
	v2 =	vpack.i.f32.bf16 v2, v3  }
0x19a: {  	v1 =	vpack.i.f32.bf16 v4, v1;
	[tilespmem:s5+$0xC350] =	vst v2  }
0x19b: {  	v0 =	vpack.i.f32.bf16 v0, v7;
	[tilespmem:s5+$0xC330] =	vst v1  }
0x19c: {  	v62 =	vpack.i.f32.bf16 v8, v5;
	[tilespmem:s5+$0xC340] =	vst v0  }
0x19d: {  	v63 =	vpack.i.f32.bf16 v9, v6;
	[tilespmem:s5+$0xC310] =	vst v62  }
0x19e: {  	s0 =	sadd.s32 $0x1, s0;
	[tilespmem:s5+$0xC320] =	vst v63  }
0x19f: {  	[hbm4b:s22+s2] =	stream.linear.scatter [tilespmem:s29], [sflag:$0x4], $0x2710, $0x38;
	[tilespmem:$0xEA60] =	vst v63  }
0x1a0: {  	p0 =	sne.s32 s0, s23;
	_ =	swait.ge [sflag:s30], $0x2710  }
.Ltmp10:
0x1a1: {  	[sflag:s30] =	ssyncset.done $0x0;
	(pc) =	sbr.rel @p0 .LBB2_1-.Ltmp10, $4  }
0x1a2: {  	[sflag:s30] =	ssyncadd.s32 $0xFFFFD8F0  }
0x1a3: {  	_ =	swait.ge [sflag:s31], $0x2710  }
0x1a4: {  	[sflag:s31] =	ssyncset.done $0x0  }
0x1a5: {  	[sflag:s31] =	ssyncadd.s32 $0xFFFFD8F0  }
0x1a6: {  	_ =	sfence.sel $0x180000  }
0x1a7: {  	[bflag:$0x0] =	sbarrier.arrive $0xFFFF  }
0x1a8: {  	_ =	strace $0x90000047  }
0x1a9: {  	s0 =	stileid.u32;
	[bflag:$0x2] =	sbarrier.arrive $0xFFFF  }
0x1aa: {  	p0 =	sne.s32 s0, $0x0;
	s0 =	rddreg [dreg:$0x1]  }
0x1ab: {  	s0 =	sadd.s32 @!p0 $0x100000, s0  }
0x1ac: {  	[sflag:s0] =	ssyncadd.tile.s32 @!p0 $0x1;
	_ =	shalt  }
.Lfunc_end2:
_tile_overlayer_lowered:
.L_overlay_start_2:
0x1ad: {  	(tag) =	ssettag $0x2  }
0x1ae: {  	s0 =	rddreg [dreg:$0x0];
	s2 =	stileid.u32  }
0x1af: {  	s1 =	rddreg [dreg:$0x1];
	p0 =	sne.s32 s2, $0x0  }
0x1b0: {  	s3 =	rddreg [dreg:$0x2];
	[bflag:$0x3] =	sbarrier.arrive $0xFFFF;
	s2 =	simm.s32 @!p0 $0x1C05  }
0x1b1: {  	[timem:s3], [sflag:s2] =	dma.local @!p0 [hbm:s0], s1  }
0x1b2: {  	s0 =	simm.s32 @!p0 $0x5  }
0x1b3: {  	_ =	swait.ge @!p0 [sflag:s0], s1  }
0x1b4: {  	s1 =	ssub.s32 @!p0 $0x0, s1;
	[sflag:s0] =	ssyncset.done @!p0 $0x0  }
0x1b5: {  	[sflag:s0] =	ssyncadd.s32 @!p0 s1  }
0x1b6: {  	[bflag:$0x3] =	sbarrier.arrive $0xFFFF  }
0x1b7: {  	_ =	shalt  }

// kernel: kernel.7.cloned.1.call-start
scs
__scs_entry_jumppad:
0x0: {  	(pc) =	sbr.rel $0x88, $3  }
0x1: {  	(tag) =	ssettag $0x0;
	lr =	simm.s32 $0x1  }
0x2: {  	[smem:$0x3F9E] =	sst lr;
	_ =	strace $0xD0000000  }
0x3: {  	_ = 	snop  }
0x4: {  	_ = 	snop  }
0x5: {  	_ = 	snop  }
0x6: {  	_ = 	snop  }
0x7: {  	_ = 	snop  }
__scs_overlays_trampoline_lowered:
0x8: {  	[smem:$0x3FAD] =	sst s0  }
0x9: {  	[smem:$0x3FAE] =	sst s1  }
0xa: {  	[smem:$0x3FAF] =	sst s2  }
0xb: {  	[smem:$0x3FB0] =	sst s3  }
0xc: {  	[smem:$0x3FB1] =	sst s4  }
0xd: {  	[smem:$0x3FB2] =	sst s5  }
0xe: {  	[smem:$0x3FB3] =	sst s6  }
0xf: {  	[smem:$0x3FB4] =	sst s7  }
0x10: {  	[smem:$0x3FB5] =	sst s8  }
0x11: {  	[smem:$0x3FB6] =	sst s9;
	s0 =	simm.s32 @!p0 $0x0  }
0x12: {  	s1 =	sld [smem:$0x3F9C];
	s0 =	simm.s32 @p0 $0x1  }
0x13: {  	[smem:$0x3FB7] =	sst s0;
	s0 =	simm.s32 @!p1 $0x0  }
0x14: {  	s2 =	sld [smem:$0x3F9B];
	s0 =	simm.s32 @p1 $0x1  }
0x15: {  	[smem:$0x3FB8] =	sst s0;
	s0 =	simm.s32 @!p2 $0x0  }
0x16: {  	s3 =	sld [smem:$0x3FDB];
	s0 =	simm.s32 @p2 $0x1  }
0x17: {  	s4 =	simm.s32 $0x1BF5;
	[smem:$0x3FBA] =	sst s0  }
0x18: {  	s0 =	sld [smem:$0x3F9D];
	_ =	swait.ge [sflag:s4], $0x0  }
0x19: {  	s7 =	sld [smem:$0x3F9E]  }
0x1a: {  	s8 =	sadd.s32 $0xFFFFE003, lr  }
0x1b: {  	s9 =	sadd.s32 $0xFFFFFEF7, lr;
	s5 =	simm.s32 $0xFFFFFFFF;
	p2 =	slt.u32 s8, $0xFFFFF086  }
0x1c: {  	p1 =	slt.u32 s9, $0xF7A;
	s5 =	simm.s32 @!p2 $0x0  }
0x1d: {  	s5 =	simm.s32 @p1 $0x1;
	p0 =	seq.s32 s7, s2  }
0x1e: {  	s7 =	smul.u32 @!p0 $0xF7A, s2;
	p2 =	seq.s32 @!p0 s5, $0x0  }
0x1f: {  	s9 =	smul.u32 $0xF7A, s1;
	s8 =	simm.s32 @!p0 $0x1BF5;
	p2 =	por !p2, p0  }
0x20: {  	[sflag:s8] =	ssyncset.s32 @!p0 $0xFFFFF086;
	s6 =	sadd.s32 @!p0 s3, s7;
	s7 =	simm.s32 @!p0 $0x108  }
0x21: {  	s3 =	sadd.s32 s3, s9;
	s6 =	sadd.s32 @!p0 $0x88, s6;
	s7 =	simm.s32 @p2 $0x1082  }
0x22: {  	[simem:s7], [sflag:s8] =	dma.local @!p0 [hbm:s6], $0xF7A  }
0x23: {  	s9 =	sor.u32 $0xD0000000, s2;
	s6 =	simm.s32 $0x108;
	_ =	swait.ge @!p0 [sflag:s8], $0x0  }
0x24: {  	s3 =	sadd.s32 $0x88, s3;
	s6 =	simm.s32 @!p1 $0x1082;
	[sflag:s4] =	ssyncset.s32 $0xFFFFF086  }
0x25: {  	[simem:s6], [sflag:s4] =	dma.local [hbm:s3], $0xF7A  }
0x26: {  	[smem:$0x3F9E] =	sst s1;
	(tag) =	ssettag s2;
	_ =	strace s9  }
0x27: {  	s1 =	sld [smem:$0x3FAE]  }
0x28: {  	s2 =	sld [smem:$0x3FAF]  }
0x29: {  	s4 =	sld [smem:$0x3FB1]  }
0x2a: {  	p0 =	seq.s32 s5, $0x0;
	s5 =	sld [smem:$0x3FB2]  }
0x2b: {  	s6 =	sld [smem:$0x3FB3]  }
0x2c: {  	s7 =	sld [smem:$0x3FB4]  }
0x2d: {  	s3 =	simm.s32 $0x108;
	s8 =	sld [smem:$0x3FB5]  }
0x2e: {  	s3 =	simm.s32 @!p0 $0x1082;
	s9 =	sld [smem:$0x3FB6]  }
0x2f: {  	lr =	sadd.s32 s0, s3;
	s0 =	sld [smem:$0x3FAD]  }
0x30: {  	s3 =	sld [smem:$0x3FB0]  }
0x31: {  	[smem:$0x3FB9] =	sst s10  }
0x32: {  	s10 =	sld [smem:$0x3FB7];
	_ =	sdelay $0x3  }
0x33: {  	p0 =	seq.s32 s10, $0x1;
	s10 =	sld [smem:$0x3FB9];
	_ =	sdelay $0x3  }
0x34: {  	[smem:$0x3FB9] =	sst s10  }
0x35: {  	s10 =	sld [smem:$0x3FB8];
	_ =	sdelay $0x3  }
0x36: {  	p1 =	seq.s32 s10, $0x1;
	s10 =	sld [smem:$0x3FB9];
	_ =	sdelay $0x3  }
0x37: {  	[smem:$0x3FB9] =	sst s10  }
0x38: {  	s10 =	sld [smem:$0x3FBA]  }
0x39: {  	_ = 	snop;
	(pc) =	sbr.ind lr, $3  }
0x3a: {  	_ = 	snop  }
0x3b: {  	_ = 	snop  }
0x3c: {  	p2 =	seq.s32 s10, $0x1;
	s10 =	sld [smem:$0x3FB9]  }
0x3d: {  	_ =	shalt  }
0x3e: {  	_ =	shalt  }
0x3f: {  	_ =	shalt  }
0x40: {  	_ =	shalt  }
0x41: {  	_ =	shalt  }
0x42: {  	_ =	shalt  }
0x43: {  	_ =	shalt  }
0x44: {  	_ =	shalt  }
0x45: {  	_ =	shalt  }
0x46: {  	_ =	shalt  }
0x47: {  	_ =	shalt  }
0x48: {  	_ =	shalt  }
0x49: {  	_ =	shalt  }
0x4a: {  	_ =	shalt  }
0x4b: {  	_ =	shalt  }
0x4c: {  	_ =	shalt  }
0x4d: {  	_ =	shalt  }
0x4e: {  	_ =	shalt  }
0x4f: {  	_ =	shalt  }
0x50: {  	_ =	shalt  }
0x51: {  	_ =	shalt  }
0x52: {  	_ =	shalt  }
0x53: {  	_ =	shalt  }
0x54: {  	_ =	shalt  }
0x55: {  	_ =	shalt  }
0x56: {  	_ =	shalt  }
0x57: {  	_ =	shalt  }
0x58: {  	_ =	shalt  }
0x59: {  	_ =	shalt  }
0x5a: {  	_ =	shalt  }
0x5b: {  	_ =	shalt  }
0x5c: {  	_ =	shalt  }
0x5d: {  	_ =	shalt  }
0x5e: {  	_ =	shalt  }
0x5f: {  	_ =	shalt  }
0x60: {  	_ =	shalt  }
0x61: {  	_ =	shalt  }
0x62: {  	_ =	shalt  }
0x63: {  	_ =	shalt  }
0x64: {  	_ =	shalt  }
0x65: {  	_ =	shalt  }
0x66: {  	_ =	shalt  }
0x67: {  	_ =	shalt  }
0x68: {  	_ =	shalt  }
0x69: {  	_ =	shalt  }
0x6a: {  	_ =	shalt  }
0x6b: {  	_ =	shalt  }
0x6c: {  	_ =	shalt  }
0x6d: {  	_ =	shalt  }
0x6e: {  	_ =	shalt  }
0x6f: {  	_ =	shalt  }
0x70: {  	_ =	shalt  }
0x71: {  	_ =	shalt  }
0x72: {  	_ =	shalt  }
0x73: {  	_ =	shalt  }
0x74: {  	_ =	shalt  }
0x75: {  	_ =	shalt  }
0x76: {  	_ =	shalt  }
0x77: {  	_ =	shalt  }
0x78: {  	_ =	shalt  }
0x79: {  	_ =	shalt  }
0x7a: {  	_ =	shalt  }
0x7b: {  	_ =	shalt  }
0x7c: {  	_ =	shalt  }
0x7d: {  	_ =	shalt  }
0x7e: {  	_ =	shalt  }
0x7f: {  	_ =	shalt  }
0x80: {  	_ =	shalt  }
0x81: {  	_ =	shalt  }
0x82: {  	_ =	shalt  }
0x83: {  	_ =	shalt  }
0x84: {  	_ =	shalt  }
0x85: {  	_ =	shalt  }
0x86: {  	_ =	shalt  }
0x87: {  	_ =	shalt  }
.Lfunc_end0:
.L_simem_size_0:
called_computation.1_lowered:
.L_overlay_start_0:
0x88: {  	s2 =	sld [smem:$0x3FD9]  }
0x89: {  	s3 =	sld [smem:$0x3FFE];
	_ =	sdelay $0x1  }
0x8a: {  	s1 =	srdreg.scid  }
0x8b: {  	s0 =	sand.u32 $0x1, s1  }
0x8c: {  	s17 =	sshll.u32 s0, $0xA;
	s2 =	sadd.s32 s3, s2  }
0x8d: {  	s2 =	sadd.s32 s2, s17  }
0x8e: {  	[smem:$0x3FC5] =	sst s2  }
0x8f: {  	_ = 	snop  }
0x90: {  	s2 =	sld [smem:$0x3FD0];
	(tm) =	ssettm $0x1  }
0x91: {  	s18 =	sld [smem:$0x3FFB];
	_ =	sdelay $0x3  }
0x92: {  	_ =	strace s18  }
0x93: {  	s3 =	sld [smem:$0x3FFC];
	_ =	sdelay $0x3  }
0x94: {  	_ =	strace s3  }
0x95: {  	s3 =	sld [smem:$0x3FFD];
	_ =	sdelay $0x3  }
0x96: {  	_ =	strace s3  }
0x97: {  	_ =	strace $0x8FFFFFFF  }
0x98: {  	s19 =	sld [smem:$0x3FDB];
	_ =	sdelay $0x1  }
0x99: {  	s4 =	simm.s32 $_scs_section_size  }
0x9a: {  	s5 =	simm.s32 $_size__tile_overlayer_lowered;
	s6 =	simm.s32 $_tile_overlayer_lowered  }
0x9b: {  	s22 =	simm.s32 $0x1BFF;
	s21 =	sshll.u32 s6, $0x1;
	s3 =	sadd.s32 s4, s19  }
0x9c: {  	s7 =	simm.s32 $0x0;
	s20 =	sshll.u32 s5, $0x1;
	s5 =	sadd.s32 s21, s3  }
0x9d: {  	[timem:s7], [sflag:s22] =	dma.local [hbm:s5], s20  }
0x9e: {  	_ =	swait.ge [sflag:s22], s20  }
0x9f: {  	s4 =	ssub.s32 $0x0, s20;
	[sflag:s22] =	ssyncset.done $0x0  }
0xa0: {  	[sflag:s22] =	ssyncadd.s32 s4;
	_ =	sdelay $0x1  }
0xa1: {  	s23 =	simm.s32 $0x1B8B  }
0xa2: {  	_ =	swait.ge [sflag:s23], $0x1  }
0xa3: {  	[sflag:s23] =	ssyncset.done $0x0  }
0xa4: {  	s25 =	simm.s32 $0x1B8E;
	s24 =	sld [smem:$0x3FFE];
	[sflag:s23] =	ssyncadd.s32 $0xFFFFFFFF  }
0xa5: {  	s26 =	simm.s32 $execute0_lowered;
	[smem:$0x3FD2] =	sst s25  }
0xa6: {  	s5 =	sshll.u32 s26, $0x1;
	_ =	strace $0x80000049;
	[dreg:$0x1] =	wrdreg $0xFFFFFFFF  }
0xa7: {  	s28 =	simm.s32 $_size_execute0_lowered;
	s3 =	sadd.s32 s3, s5;
	[dreg:$0x0] =	wrdreg $0x0  }
0xa8: {  	s5 =	sshll.u32 s28, $0x1;
	[dreg:$0x2] =	wrdreg s3  }
0xa9: {  	[dreg:$0x3] =	wrdreg s5  }
0xaa: {  	[dreg:$0x4] =	wrdreg $0xC0  }
0xab: {  	_ =	task [dreg:s7], $0x5FFFF  }
0xac: {  	[dreg:$0x1] =	wrdreg $0xFFFFFFFF  }
0xad: {  	[dreg:$0x0] =	wrdreg $0x60  }
0xae: {  	[dreg:$0x2] =	wrdreg s24  }
0xaf: {  	[dreg:$0x3] =	wrdreg s2  }
0xb0: {  	[dreg:$0x4] =	wrdreg $0x9  }
0xb1: {  	_ =	task.clear_ibuf [dreg:s7], $0x5FFFF;
	_ =	strace $0x90000049  }
0xb2: {  	s29 =	simm.s32 $0x9;
	_ =	strace $0x8000004B  }
0xb3: {  	_ =	swait.ge [sflag:s29], $0x1  }
0xb4: {  	[sflag:s29] =	ssyncadd.s32 $0xFFFFFFFF  }
0xb5: {  	_ =	strace $0x9000004B  }
0xb6: {  	_ =	sfence  }
0xb7: {  	s30 =	sld [smem:$0x0];
	_ =	sdelay $0x2  }
0xb8: {  	s31 =	sshll.u32 s1, $0xD;
	s1 =	sshrl.u32 s1, $0x2  }
0xb9: {  	s3 =	sand.u32 $0x4000, s31;
	s1 =	sadd.s32 s1, s30  }
0xba: {  	s0 =	sor.u32 s3, s0;
	s1 =	sshll.u32 s1, $0x11  }
0xbb: {  	s0 =	sor.u32 s1, s0  }
0xbc: {  	s0 =	sadd.s32 $0x8F2B, s0  }
0xbd: {  	[sflag:s0] =	ssyncadd.remote.s32 $0x1  }
0xbe: {  	_ =	sfence.sel $0xFFFF  }
0xbf: {  	[dreg:$0x0] =	wrdreg $0xFFFFFFFF;
	(pc) =	sbr.abs _section_cstart, $3  }
0xc0: {  	[dreg:$0x1] =	wrdreg $0xFFFFFFFF  }
0xc1: {  	_ =	task.clear_ibuf [dreg:s7], $0x2FFFF;
	_ =	strace $0x9FFFFFFF  }
0xc2: {  	(tm) =	ssettm $0x7FFFFFFF  }
0xc3: {  	_ =	shalt  }
tec
execute0_lowered:
.L_overlay_start_1:
0x0: {  	(tag) =	ssettag $0x1  }
0x1: {  	s0 =	rddreg [dreg:$0x0]  }
0x2: {  	s1 =	rddreg [dreg:$0x1];
	s2 =	simm.s32 $0x0  }
0x3: {  	s3 =	srdreg.scid;
	s4 =	stileid.u32;
	s17 =	simm.s32 $0x1  }
0x4: {  	s18 =	simm.s32 $0x80;
	s20 =	simm.s32 $0x3;
	s21 =	simm.s32 $0x8800  }
0x5: {  	s22 =	simm.s32 $0x4;
	s23 =	simm.s32 $0x8A00;
	s24 =	simm.s32 $0x5  }
0x6: {  	s25 =	simm.s32 $0x6;
	s26 =	simm.s32 $0x0;
	[smem:$0x7FF] =	sst s2  }
0x7: {  	s5 =	sand.u32 $0x1, s3;
	s3 =	sadd.s32 $0x64800, s0;
	s7 =	sshll.u32 s4, $0x1  }
0x8: {  	v0 =	vlaneseq.u32;
	s4 =	sadd.s32 $0x2C00, s0;
	_ =	strace $0x8000004A;
	s6 =	ssub.s32 $0x2, s5  }
0x9: {  	v0 =	vmul.u32 $0x18, v0;
	s7 =	sor.u32 s5, s7;
	s5 =	sadd.s32 $0x33A00, s0;
	s8 =	sshrl.u32 s6, $0x1  }
0xa: {  	p0 =	slt.u32 s7, $0x15;
	s9 =	sshll.u32 s7, $0x6;
	s31 =	ssub.s32 s6, s8  }
.Ltmp0:
0xb: {  	v1 =	vor.u32 $0x1, v0;
	v2 =	vor.u32 $0x2, v0;
	v3 =	vor.u32 $0x3, v0;
	s6 =	sshll.u32 s7, $0x9;
	s7 =	simm.s32 $0x62;
	(pc) =	sbr.rel .LBB2_1-.Ltmp0, $4  }
0xc: {  	v4 =	vor.u32 $0x4, v0;
	v5 =	vor.u32 $0x5, v0;
	v6 =	vor.u32 $0x6, v0;
	s8 =	sadd.s32 s3, s9;
	s14 =	sadd.s32 s1, s9;
	s10 =	sshrl.u32 s6, $0x3  }
0xd: {  	v7 =	vor.u32 $0x7, v0;
	v8 =	vadd.s32 $0x8, v0;
	v9 =	vadd.s32 $0x9, v0;
	s7 =	simm.s32 @!p0 $0x61;
	s15 =	smax.u32 s31, $0x1;
	s11 =	sadd.s32 s3, s10  }
0xe: {  	v10 =	vadd.s32 $0xA, v0;
	v11 =	vadd.s32 $0xB, v0;
	v12 =	vadd.s32 $0xC, v0;
	s12 =	sadd.s32 $0xFFFFFFFF, s7;
	s13 =	sadd.s32 $0xFFFFFFFE, s7;
	s10 =	sadd.s32 $0x30D40, s11  }
0xf: {  	v13 =	vadd.s32 $0xD, v0;
	v14 =	vadd.s32 $0xE, v0;
	v15 =	vadd.s32 $0xF, v0;
	s11 =	sadd.s32 $0x31540, s11;
	[dreg:$0x3] =	wrdreg s10;
	s10 =	sadd.s32 $0x800, s8  }
.LBB2_11:
0x10: {  	s26 =	sadd.s32 $0x1, s26  }
0x11: {  	_ =	swait.ge [sflag:s24], $0x200;
	p0 =	sne.s32 s26, s15  }
.Ltmp1:
0x12: {  	[sflag:s24] =	ssyncset.done $0x0;
	(pc) =	sbr.rel @!p0 .LBB2_12-.Ltmp1, $4  }
0x13: {  	[sflag:s24] =	ssyncadd.s32 $0xFFFFFE00  }
0x14: {  	_ =	swait.ge [sflag:s25], $0x200  }
0x15: {  	[sflag:s25] =	ssyncset.done $0x0  }
0x16: {  	[sflag:s25] =	ssyncadd.s32 $0xFFFFFE00  }
.LBB2_1:
0x17: {  	[tilespmem:s2], [sflag:$0x1] =	stream.linear.gather [hbm4b:s8+s2], $0x200, $0x38;
	[tilespmem:$0x9200] =	vst v63  }
0x18: {  	s0 =	rddreg [dreg:$0x3];
	s1 =	simm.s32 $0x400  }
0x19: {  	[tilespmem:s1], [sflag:$0x1] =	stream.linear.gather [hbm4b:s0+s2], $0x200, $0x38;
	[tilespmem:$0x9200] =	vst v63  }
0x1a: {  	_ =	swait.ge [sflag:s17], $0x200  }
0x1b: {  	[sflag:s17] =	ssyncset.done $0x0  }
0x1c: {  	[sflag:s17] =	ssyncadd.s32 $0xFFFFFE00  }
0x1d: {  	_ =	swait.ge [sflag:s17], $0x200  }
0x1e: {  	[sflag:s17] =	ssyncset.done $0x0  }
0x1f: {  	s30 =	simm.s32 $0x800;
	[sflag:s17] =	ssyncadd.s32 $0xFFFFFE00  }
0x20: {  	[tilespmem:s30], [sflag:$0x3] =	stream.indirect.gather [hbm4b:s4+s18], $0x10, s2, s18, $0xb8;
	[tilespmem:$0x9200] =	vst v63  }
0x21: {  	s31 =	simm.s32 $0x4800  }
0x22: {  	[tilespmem:s31], [sflag:$0x3] =	stream.indirect.gather [hbm4b:s5+s18], $0x10, s1, s18, $0xb8;
	[tilespmem:$0x9200] =	vst v63  }
0x23: {  	s1 =	simm.s32 $0x1000  }
0x24: {  	[tilespmem:s1], [sflag:$0x3] =	stream.indirect.gather [hbm4b:s4+s18], $0x10, s18, s18, $0xb8;
	[tilespmem:$0x9200] =	vst v63  }
0x25: {  	s9 =	simm.s32 $0x480;
	s16 =	simm.s32 $0x5000  }
0x26: {  	[tilespmem:s16], [sflag:$0x3] =	stream.indirect.gather [hbm4b:s5+s18], $0x10, s9, s18, $0xb8;
	[tilespmem:$0x9200] =	vst v63  }
0x27: {  	s19 =	simm.s32 $0x100;
	s29 =	simm.s32 $0x1800  }
0x28: {  	[tilespmem:s29], [sflag:$0x3] =	stream.indirect.gather [hbm4b:s4+s18], $0x10, s19, s18, $0xb8;
	[tilespmem:$0x9200] =	vst v63  }
0x29: {  	s30 =	simm.s32 $0x500;
	s31 =	simm.s32 $0x5800  }
0x2a: {  	[tilespmem:s31], [sflag:$0x3] =	stream.indirect.gather [hbm4b:s5+s18], $0x10, s30, s18, $0xb8;
	[tilespmem:$0x9200] =	vst v63  }
0x2b: {  	s9 =	simm.s32 $0x180;
	s16 =	simm.s32 $0x2000  }
0x2c: {  	[tilespmem:s16], [sflag:$0x3] =	stream.indirect.gather [hbm4b:s4+s18], $0x10, s9, s18, $0xb8;
	[tilespmem:$0x9200] =	vst v63  }
0x2d: {  	s19 =	simm.s32 $0x580;
	s29 =	simm.s32 $0x6000  }
0x2e: {  	[tilespmem:s29], [sflag:$0x3] =	stream.indirect.gather [hbm4b:s5+s18], $0x10, s19, s18, $0xb8;
	[tilespmem:$0x9200] =	vst v63  }
.Ltmp2:
0x2f: {  	_ = 	snop;
	(pc) =	sbr.rel .LBB2_2-.Ltmp2, $4  }
0x30: {  	s30 =	simm.s32 $0x200  }
0x31: {  	[tilespmem:s30], [sflag:$0x2] =	stream.linear.gather [hbm4b:s10+s2], $0x200, $0x38;
	[tilespmem:$0x9200] =	vst v63  }
0x32: {  	s28 =	simm.s32 $0x0;
	s31 =	simm.s32 $0x600  }
0x33: {  	[tilespmem:s31], [sflag:$0x2] =	stream.linear.gather [hbm4b:s11+s2], $0x200, $0x38;
	[tilespmem:$0x9200] =	vst v63  }
.LBB2_10:
0x34: {  	s28 =	sadd.s32 $0x1, s28  }
0x35: {  	p0 =	sne.s32 s28, $0x31  }
.Ltmp3:
0x36: {  	_ = 	snop;
	(pc) =	sbr.rel @!p0 .LBB2_11-.Ltmp3, $1  }
0x37: {  	_ =	sdelay $0x3  }
.LBB2_2:
0x38: {  	s29 =	sshll.u32 s28, $0x1  }
0x39: {  	p0 =	sge.u32 s29, s7  }
.Ltmp4:
0x3a: {  	_ = 	snop;
	(pc) =	sbr.rel @p0 .LBB2_6-.Ltmp4, $1  }
0x3b: {  	_ =	sdelay $0x3  }
0x3c: {  	p0 =	sge.u32 s29, s12  }
0x3d: {  	s0 =	simm.s32 @!p0 $0x2  }
0x3e: {  	_ =	swait.ge @!p0 [sflag:s0], $0x200  }
0x3f: {  	[sflag:s0] =	ssyncset.done @!p0 $0x0  }
0x40: {  	[sflag:s0] =	ssyncadd.s32 @!p0 $0xFFFFFE00  }
0x41: {  	_ =	swait.ge @!p0 [sflag:s0], $0x200  }
0x42: {  	s1 =	simm.s32 @!p0 $0x200;
	[sflag:s0] =	ssyncset.done @!p0 $0x0  }
0x43: {  	s9 =	simm.s32 @!p0 $0x2800;
	[sflag:s0] =	ssyncadd.s32 @!p0 $0xFFFFFE00;
	s0 =	simm.s32 @!p0 $0x80  }
0x44: {  	[tilespmem:s9], [sflag:$0x4] =	stream.indirect.gather @!p0 [hbm4b:s4+s0], $0x10, s1, s0, $0xb8;
	[tilespmem:$0x9200] =	vst v63  }
0x45: {  	s1 =	simm.s32 @!p0 $0x600;
	s9 =	simm.s32 @!p0 $0x6800  }
0x46: {  	[tilespmem:s9], [sflag:$0x4] =	stream.indirect.gather @!p0 [hbm4b:s5+s0], $0x10, s1, s0, $0xb8;
	[tilespmem:$0x9200] =	vst v63  }
0x47: {  	s1 =	simm.s32 @!p0 $0x280;
	s9 =	simm.s32 @!p0 $0x3000  }
0x48: {  	[tilespmem:s9], [sflag:$0x4] =	stream.indirect.gather @!p0 [hbm4b:s4+s0], $0x10, s1, s0, $0xb8;
	[tilespmem:$0x9200] =	vst v63  }
0x49: {  	s1 =	simm.s32 @!p0 $0x680;
	s9 =	simm.s32 @!p0 $0x7000  }
0x4a: {  	[tilespmem:s9], [sflag:$0x4] =	stream.indirect.gather @!p0 [hbm4b:s5+s0], $0x10, s1, s0, $0xb8;
	[tilespmem:$0x9200] =	vst v63  }
0x4b: {  	s1 =	simm.s32 @!p0 $0x300;
	s9 =	simm.s32 @!p0 $0x3800  }
0x4c: {  	[tilespmem:s9], [sflag:$0x4] =	stream.indirect.gather @!p0 [hbm4b:s4+s0], $0x10, s1, s0, $0xb8;
	[tilespmem:$0x9200] =	vst v63  }
0x4d: {  	s1 =	simm.s32 @!p0 $0x700;
	s9 =	simm.s32 @!p0 $0x7800  }
0x4e: {  	[tilespmem:s9], [sflag:$0x4] =	stream.indirect.gather @!p0 [hbm4b:s5+s0], $0x10, s1, s0, $0xb8;
	[tilespmem:$0x9200] =	vst v63  }
0x4f: {  	s1 =	simm.s32 @!p0 $0x380;
	s9 =	simm.s32 @!p0 $0x4000  }
0x50: {  	[tilespmem:s9], [sflag:$0x4] =	stream.indirect.gather @!p0 [hbm4b:s4+s0], $0x10, s1, s0, $0xb8;
	[tilespmem:$0x9200] =	vst v63  }
0x51: {  	s1 =	simm.s32 @!p0 $0x780;
	s9 =	simm.s32 @!p0 $0x8000  }
0x52: {  	[tilespmem:s9], [sflag:$0x4] =	stream.indirect.gather @!p0 [hbm4b:s5+s0], $0x10, s1, s0, $0xb8;
	[tilespmem:$0x9200] =	vst v63  }
0x53: {  	s0 =	sadd.s32 $0x2, s29;
	_ =	swait.ge [sflag:s20], $0x2000  }
0x54: {  	p0 =	sge.u32 s0, s7;
	[sflag:s20] =	ssyncset.done $0x0  }
0x55: {  	s0 =	sshll.u32 @!p0 s0, $0xE;
	[sflag:s20] =	ssyncadd.s32 $0xFFFFE000  }
0x56: {  	s0 =	sor.u32 @!p0 s6, s0;
	_ =	swait.ge [sflag:s20], $0x2000  }
0x57: {  	s0 =	sshrl.u32 @!p0 s0, $0x3;
	[sflag:s20] =	ssyncset.done $0x0  }
0x58: {  	s1 =	simm.s32 @!p0 $0x0;
	s0 =	sadd.s32 @!p0 s3, s0;
	[sflag:s20] =	ssyncadd.s32 $0xFFFFE000  }
0x59: {  	[tilespmem:s1], [sflag:$0x1] =	stream.linear.gather @!p0 [hbm4b:s0+s1], $0x200, $0x38;
	[tilespmem:$0x9200] =	vst v63  }
0x5a: {  	s9 =	simm.s32 @!p0 $0x400;
	s0 =	sadd.s32 @!p0 $0x30D40, s0  }
0x5b: {  	[tilespmem:s9], [sflag:$0x1] =	stream.linear.gather @!p0 [hbm4b:s0+s1], $0x200, $0x38;
	[tilespmem:$0x9200] =	vst v63  }
0x5c: {  	p0 =	seq.s32 s28, $0x0  }
0x5d: {  	s0 =	simm.s32 @!p0 $0x5  }
0x5e: {  	_ =	swait.ge @!p0 [sflag:s0], $0x200  }
0x5f: {  	[sflag:s0] =	ssyncset.done @!p0 $0x0  }
0x60: {  	s9 =	simm.s32 $0x900;
	[sflag:s0] =	ssyncadd.s32 @!p0 $0xFFFFFE00  }
0x61: {  	v16 =	vld [tilespmem:s9+$0x0]  }
0x62: {  	v17 =	vld [tilespmem:s9+$0x10]  }
0x63: {  	v18 =	vld [tilespmem:s9+$0x20]  }
0x64: {  	s1 =	simm.s32 $0x4900;
	v19 =	vld [tilespmem:s9+$0x30]  }
0x65: {  	v20 =	vld [tilespmem:s1+$0x0]  }
0x66: {  	v21 =	vld [tilespmem:s1+$0x10]  }
0x67: {  	v22 =	vld [tilespmem:s1+$0x20]  }
0x68: {  	v23 =	vld [tilespmem:s1+$0x30];
	_ =	sdelay $0x2  }
0x69: {  	s19 =	simm.s32 $0xFFFFFFFD;
	v24 =	vld [tilespmem:s9+$0xFFFFFF00];
	v16 =	vmul.bf16 v20, v16  }
0x6a: {  	s0 =	sand.u32 $0x3, s19;
	v20 =	vld [tilespmem:s9+$0xFFFFFF10];
	v17 =	vmul.bf16 v21, v17;
	v18 =	vmul.bf16 v22, v18  }
0x6b: {  	s0 =	smul.u32 $0x600, s0;
	v21 =	vld [tilespmem:s9+$0xFFFFFF20];
	v19 =	vmul.bf16 v23, v19;
	v22 =	vunpack.i.u.bf16.f32 v16;
	v16 =	vunpack.i.l.bf16.f32 v16  }
0x6c: {  	v23 =	vld [tilespmem:s9+$0xFFFFFF30];
	v25 =	vunpack.i.u.bf16.f32 v17;
	v17 =	vunpack.i.l.bf16.f32 v17;
	v16 =	vadd.f32 v16, v22  }
0x6d: {  	s0 =	sshrl.u32 s0, $0x2;
	v26 =	vunpack.i.u.bf16.f32 v18;
	v18 =	vunpack.i.l.bf16.f32 v18;
	v22 =	vld [tilespmem:s1+$0xFFFFFF00];
	v17 =	vadd.f32 v17, v25  }
0x6e: {  	v27 =	vunpack.i.u.bf16.f32 v19;
	v19 =	vunpack.i.l.bf16.f32 v19;
	v25 =	vld [tilespmem:s1+$0xFFFFFF10];
	[tilespmem:s0+$0x8C00] =	vst v16;
	v16 =	vadd.f32 v18, v26  }
0x6f: {  	v18 =	vld [tilespmem:s1+$0xFFFFFF20];
	[tilespmem:s0+$0x8C18] =	vst v17;
	v17 =	vadd.f32 v19, v27  }
0x70: {  	v19 =	vld [tilespmem:s1+$0xFFFFFF30];
	[tilespmem:s0+$0x8C30] =	vst v16  }
0x71: {  	[tilespmem:s0+$0x8C48] =	vst v17  }
0x72: {  	v16 =	vld [tilespmem:s9+$0x40]  }
0x73: {  	s16 =	simm.s32 $0x0;
	v17 =	vmul.bf16 v22, v24;
	v22 =	vld [tilespmem:s9+$0x50]  }
0x74: {  	s16 =	sand.u32 $0x2, s16;
	v20 =	vmul.bf16 v25, v20;
	v18 =	vmul.bf16 v18, v21;
	v21 =	vld [tilespmem:s9+$0x60]  }
0x75: {  	s16 =	smul.u32 $0x600, s16;
	v24 =	vunpack.i.u.bf16.f32 v17;
	v17 =	vunpack.i.l.bf16.f32 v17;
	v19 =	vmul.bf16 v19, v23;
	v23 =	vld [tilespmem:s1+$0x40]  }
0x76: {  	v25 =	vunpack.i.u.bf16.f32 v20;
	v20 =	vunpack.i.l.bf16.f32 v20;
	v17 =	vadd.f32 v17, v24;
	v24 =	vld [tilespmem:s1+$0x50]  }
0x77: {  	s16 =	sshrl.u32 s16, $0x2;
	v20 =	vadd.f32 v20, v25;
	v25 =	vld [tilespmem:s1+$0x60];
	v26 =	vunpack.i.u.bf16.f32 v18;
	v18 =	vunpack.i.l.bf16.f32 v18  }
0x78: {  	v27 =	vunpack.i.u.bf16.f32 v19;
	v19 =	vunpack.i.l.bf16.f32 v19;
	[tilespmem:s16+$0x8C00] =	vst v17;
	v17 =	vadd.f32 v18, v26;
	v18 =	vld [tilespmem:s9+$0x70]  }
0x79: {  	s30 =	simm.s32 $0x4B00;
	[tilespmem:s16+$0x8C18] =	vst v20;
	v19 =	vadd.f32 v19, v27;
	v20 =	vld [tilespmem:s1+$0x70]  }
0x7a: {  	v38 =	vld [tilespmem:s30+$0x0];
	[tilespmem:s16+$0x8C30] =	vst v17  }
0x7b: {  	v41 =	vld [tilespmem:s30+$0x10];
	[tilespmem:s16+$0x8C48] =	vst v19;
	v16 =	vmul.bf16 v23, v16;
	v17 =	vmul.bf16 v24, v22  }
0x7c: {  	v19 =	vld [tilespmem:s9+$0xFFFFFF40];
	v21 =	vmul.bf16 v25, v21  }
0x7d: {  	v22 =	vld [tilespmem:s9+$0xFFFFFF50];
	v23 =	vunpack.i.u.bf16.f32 v16;
	v16 =	vunpack.i.l.bf16.f32 v16;
	v24 =	vunpack.i.u.bf16.f32 v17  }
0x7e: {  	v25 =	vld [tilespmem:s9+$0xFFFFFF60];
	v17 =	vunpack.i.l.bf16.f32 v17;
	v16 =	vadd.f32 v16, v23;
	v18 =	vmul.bf16 v20, v18  }
0x7f: {  	v20 =	vld [tilespmem:s9+$0xFFFFFF70];
	v23 =	vunpack.i.u.bf16.f32 v21;
	v21 =	vunpack.i.l.bf16.f32 v21;
	v17 =	vadd.f32 v17, v24  }
0x80: {  	v24 =	vld [tilespmem:s1+$0xFFFFFF40];
	v21 =	vadd.f32 v21, v23;
	[tilespmem:s0+$0x8C60] =	vst v16;
	v16 =	vunpack.i.u.bf16.f32 v18;
	v18 =	vunpack.i.l.bf16.f32 v18  }
0x81: {  	v23 =	vld [tilespmem:s1+$0xFFFFFF50];
	[tilespmem:s0+$0x8C78] =	vst v17;
	v16 =	vadd.f32 v18, v16  }
0x82: {  	v17 =	vld [tilespmem:s1+$0xFFFFFF60];
	[tilespmem:s0+$0x8C90] =	vst v21  }
0x83: {  	v18 =	vld [tilespmem:s1+$0xFFFFFF70];
	[tilespmem:s0+$0x8CA8] =	vst v16  }
0x84: {  	v16 =	vld [tilespmem:s9+$0x80]  }
0x85: {  	v21 =	vld [tilespmem:s9+$0x90]  }
0x86: {  	v19 =	vmul.bf16 v24, v19;
	v24 =	vld [tilespmem:s9+$0xA0]  }
0x87: {  	v22 =	vmul.bf16 v23, v22;
	v23 =	vld [tilespmem:s9+$0xB0];
	v17 =	vmul.bf16 v17, v25  }
0x88: {  	v25 =	vunpack.i.u.bf16.f32 v19;
	v19 =	vunpack.i.l.bf16.f32 v19;
	v18 =	vmul.bf16 v18, v20;
	v20 =	vld [tilespmem:s1+$0x80]  }
0x89: {  	v26 =	vunpack.i.u.bf16.f32 v22;
	v22 =	vunpack.i.l.bf16.f32 v22;
	v19 =	vadd.f32 v19, v25;
	v25 =	vld [tilespmem:s1+$0x90]  }
0x8a: {  	v22 =	vadd.f32 v22, v26;
	v26 =	vld [tilespmem:s1+$0xA0];
	v27 =	vunpack.i.u.bf16.f32 v17;
	v17 =	vunpack.i.l.bf16.f32 v17  }
0x8b: {  	v28 =	vunpack.i.u.bf16.f32 v18;
	v18 =	vunpack.i.l.bf16.f32 v18;
	[tilespmem:s16+$0x8C60] =	vst v19;
	v17 =	vadd.f32 v17, v27;
	v19 =	vld [tilespmem:s1+$0xB0]  }
0x8c: {  	v42 =	vld [tilespmem:s30+$0x20];
	v18 =	vadd.f32 v18, v28;
	[tilespmem:s16+$0x8C78] =	vst v22  }
0x8d: {  	v43 =	vld [tilespmem:s30+$0x30];
	[tilespmem:s16+$0x8C90] =	vst v17  }
0x8e: {  	v56 =	vld [tilespmem:s30+$0xFFFFFF00];
	[tilespmem:s16+$0x8CA8] =	vst v18;
	v16 =	vmul.bf16 v20, v16  }
0x8f: {  	v17 =	vld [tilespmem:s9+$0xFFFFFF80];
	v18 =	vmul.bf16 v25, v21;
	v20 =	vmul.bf16 v26, v24  }
0x90: {  	v21 =	vld [tilespmem:s9+$0xFFFFFF90];
	v22 =	vunpack.i.u.bf16.f32 v16;
	v16 =	vunpack.i.l.bf16.f32 v16;
	v19 =	vmul.bf16 v19, v23  }
0x91: {  	v23 =	vld [tilespmem:s9+$0xFFFFFFA0];
	v24 =	vunpack.i.u.bf16.f32 v18;
	v18 =	vunpack.i.l.bf16.f32 v18;
	v16 =	vadd.f32 v16, v22  }
0x92: {  	v22 =	vld [tilespmem:s9+$0xFFFFFFB0];
	v25 =	vunpack.i.u.bf16.f32 v20;
	v20 =	vunpack.i.l.bf16.f32 v20;
	v18 =	vadd.f32 v18, v24  }
0x93: {  	v24 =	vld [tilespmem:s1+$0xFFFFFF80];
	v26 =	vunpack.i.u.bf16.f32 v19;
	v19 =	vunpack.i.l.bf16.f32 v19;
	[tilespmem:s0+$0x8CC0] =	vst v16;
	v16 =	vadd.f32 v20, v25  }
0x94: {  	v20 =	vld [tilespmem:s1+$0xFFFFFF90];
	[tilespmem:s0+$0x8CD8] =	vst v18;
	v18 =	vadd.f32 v19, v26  }
0x95: {  	v19 =	vld [tilespmem:s1+$0xFFFFFFA0];
	[tilespmem:s0+$0x8CF0] =	vst v16  }
0x96: {  	v16 =	vld [tilespmem:s1+$0xFFFFFFB0];
	[tilespmem:s0+$0x8D08] =	vst v18  }
0x97: {  	v18 =	vld [tilespmem:s9+$0xC0]  }
0x98: {  	v25 =	vld [tilespmem:s9+$0xD0]  }
0x99: {  	v17 =	vmul.bf16 v24, v17;
	v24 =	vld [tilespmem:s9+$0xE0]  }
0x9a: {  	v20 =	vmul.bf16 v20, v21;
	v21 =	vld [tilespmem:s9+$0xF0];
	v19 =	vmul.bf16 v19, v23  }
0x9b: {  	v23 =	vunpack.i.u.bf16.f32 v17;
	v17 =	vunpack.i.l.bf16.f32 v17;
	v16 =	vmul.bf16 v16, v22;
	v22 =	vld [tilespmem:s1+$0xC0]  }
0x9c: {  	v26 =	vunpack.i.u.bf16.f32 v20;
	v20 =	vunpack.i.l.bf16.f32 v20;
	v17 =	vadd.f32 v17, v23;
	v23 =	vld [tilespmem:s1+$0xD0]  }
0x9d: {  	v27 =	vunpack.i.u.bf16.f32 v19;
	v19 =	vunpack.i.l.bf16.f32 v19;
	v20 =	vadd.f32 v20, v26;
	v26 =	vld [tilespmem:s1+$0xE0]  }
0x9e: {  	v28 =	vunpack.i.u.bf16.f32 v16;
	v16 =	vunpack.i.l.bf16.f32 v16;
	[tilespmem:s16+$0x8CC0] =	vst v17;
	v17 =	vadd.f32 v19, v27;
	v19 =	vld [tilespmem:s1+$0xF0]  }
0x9f: {  	v57 =	vld [tilespmem:s30+$0xFFFFFF10];
	v16 =	vadd.f32 v16, v28;
	[tilespmem:s16+$0x8CD8] =	vst v20  }
0xa0: {  	v47 =	vld [tilespmem:s30+$0xFFFFFF20];
	[tilespmem:s16+$0x8CF0] =	vst v17  }
0xa1: {  	v59 =	vld [tilespmem:s30+$0xFFFFFF30];
	[tilespmem:s16+$0x8D08] =	vst v16;
	v16 =	vmul.bf16 v22, v18  }
0xa2: {  	v18 =	vmul.bf16 v23, v25;
	v17 =	vld [tilespmem:s9+$0xFFFFFFC0];
	v20 =	vmul.bf16 v26, v24  }
0xa3: {  	v22 =	vld [tilespmem:s9+$0xFFFFFFD0];
	v19 =	vmul.bf16 v19, v21;
	v21 =	vunpack.i.u.bf16.f32 v16;
	v16 =	vunpack.i.l.bf16.f32 v16  }
0xa4: {  	v23 =	vld [tilespmem:s9+$0xFFFFFFE0];
	v24 =	vunpack.i.u.bf16.f32 v18;
	v18 =	vunpack.i.l.bf16.f32 v18;
	v16 =	vadd.f32 v16, v21  }
0xa5: {  	v29 =	vld [tilespmem:s1+$0xFFFFFFC0];
	v25 =	vunpack.i.u.bf16.f32 v20;
	v20 =	vunpack.i.l.bf16.f32 v20;
	v18 =	vadd.f32 v18, v24  }
0xa6: {  	v21 =	vld [tilespmem:s9+$0xFFFFFFF0];
	v24 =	vunpack.i.u.bf16.f32 v19;
	v19 =	vunpack.i.l.bf16.f32 v19;
	[tilespmem:s0+$0x8D20] =	vst v16;
	v16 =	vadd.f32 v20, v25  }
0xa7: {  	v20 =	vld [tilespmem:s1+$0xFFFFFFD0];
	[tilespmem:s0+$0x8D38] =	vst v18;
	v18 =	vadd.f32 v19, v24  }
0xa8: {  	v19 =	vld [tilespmem:s1+$0xFFFFFFE0];
	[tilespmem:s0+$0x8D50] =	vst v16  }
0xa9: {  	v16 =	vld [tilespmem:s1+$0xFFFFFFF0];
	[tilespmem:s0+$0x8D68] =	vst v18  }
0xaa: {  	v37 =	vld.idx.msk [tilespmem:v0+s0+$0x8C00], $0xffff  }
0xab: {  	v39 =	vld.idx.msk [tilespmem:v1+s0+$0x8C00], $0xffff  }
0xac: {  	v27 =	vld.idx.msk [tilespmem:v2+s0+$0x8C00], $0xffff  }
0xad: {  	v28 =	vld.idx.msk [tilespmem:v3+s0+$0x8C00], $0xffff  }
0xae: {  	v24 =	vld.idx.msk [tilespmem:v4+s0+$0x8C00], $0xffff  }
0xaf: {  	v25 =	vld.idx.msk [tilespmem:v5+s0+$0x8C00], $0xffff  }
0xb0: {  	v17 =	vmul.bf16 v29, v17;
	v26 =	vld.idx.msk [tilespmem:v6+s0+$0x8C00], $0xffff  }
0xb1: {  	v29 =	vld.idx.msk [tilespmem:v7+s0+$0x8C00], $0xffff  }
0xb2: {  	v30 =	vld.idx.msk [tilespmem:v8+s0+$0x8C00], $0xffff;
	v18 =	vmul.bf16 v20, v22;
	v20 =	vunpack.i.u.bf16.f32 v17;
	v17 =	vunpack.i.l.bf16.f32 v17  }
0xb3: {  	v31 =	vld.idx.msk [tilespmem:v9+s0+$0x8C00], $0xffff;
	v19 =	vmul.bf16 v19, v23;
	v17 =	vadd.f32 v17, v20  }
0xb4: {  	v32 =	vld.idx.msk [tilespmem:v10+s0+$0x8C00], $0xffff;
	v16 =	vmul.bf16 v16, v21;
	v21 =	vunpack.i.u.bf16.f32 v18;
	v18 =	vunpack.i.l.bf16.f32 v18  }
0xb5: {  	v33 =	vld.idx.msk [tilespmem:v11+s0+$0x8C00], $0xffff;
	v20 =	vunpack.i.u.bf16.f32 v19;
	v19 =	vunpack.i.l.bf16.f32 v19;
	v18 =	vadd.f32 v18, v21  }
0xb6: {  	v34 =	vld.idx.msk [tilespmem:v12+s0+$0x8C00], $0xffff;
	[tilespmem:s16+$0x8D20] =	vst v17;
	v17 =	vadd.f32 v19, v20;
	v21 =	vunpack.i.u.bf16.f32 v16;
	v16 =	vunpack.i.l.bf16.f32 v16  }
0xb7: {  	v35 =	vld.idx.msk [tilespmem:v13+s0+$0x8C00], $0xffff;
	v16 =	vadd.f32 v16, v21;
	[tilespmem:s16+$0x8D38] =	vst v18  }
0xb8: {  	v36 =	vld.idx.msk [tilespmem:v14+s0+$0x8C00], $0xffff;
	[tilespmem:s16+$0x8D50] =	vst v17  }
0xb9: {  	s1 =	sor.u32 $0x8C00, s16;
	v40 =	vld.idx.msk [tilespmem:v15+s0+$0x8C00], $0xffff;
	[tilespmem:s16+$0x8D68] =	vst v16;
	s16 =	simm.s32 $0xB00  }
0xba: {  	v20 =	vld [tilespmem:s16+$0x0]  }
0xbb: {  	v21 =	vld [tilespmem:s16+$0x10]  }
0xbc: {  	v22 =	vld [tilespmem:s16+$0x20]  }
0xbd: {  	v23 =	vld [tilespmem:s16+$0x30]  }
0xbe: {  	v16 =	vld.idx.msk [tilespmem:v0+s1+$0x0], $0xffff  }
0xbf: {  	v17 =	vld.idx.msk [tilespmem:v1+s1+$0x0], $0xffff  }
0xc0: {  	s9 =	simm.s32 $0xFFFFFFFF;
	v18 =	vld.idx.msk [tilespmem:v2+s1+$0x0], $0xffff;
	v20 =	vmul.bf16 v38, v20  }
0xc1: {  	s0 =	sand.u32 $0x3, s9;
	v19 =	vld.idx.msk [tilespmem:v3+s1+$0x0], $0xffff;
	v21 =	vmul.bf16 v41, v21;
	v22 =	vmul.bf16 v42, v22  }
0xc2: {  	s0 =	smul.u32 $0x600, s0;
	v44 =	vld [tilespmem:s16+$0xFFFFFF00];
	v23 =	vmul.bf16 v43, v23;
	v58 =	vunpack.i.u.bf16.f32 v20;
	v20 =	vunpack.i.l.bf16.f32 v20  }
0xc3: {  	v45 =	vld [tilespmem:s16+$0xFFFFFF10];
	v48 =	vunpack.i.u.bf16.f32 v21;
	v21 =	vunpack.i.l.bf16.f32 v21;
	v20 =	vadd.f32 v20, v58  }
0xc4: {  	s0 =	sshrl.u32 s0, $0x2;
	v46 =	vld [tilespmem:s16+$0xFFFFFF20];
	v49 =	vunpack.i.u.bf16.f32 v22;
	v22 =	vunpack.i.l.bf16.f32 v22;
	v21 =	vadd.f32 v21, v48  }
0xc5: {  	v55 =	vld [tilespmem:s16+$0xFFFFFF30];
	v60 =	vunpack.i.u.bf16.f32 v23;
	v23 =	vunpack.i.l.bf16.f32 v23;
	v22 =	vadd.f32 v22, v49;
	[tilespmem:s0+$0x8C00] =	vst v20  }
0xc6: {  	v23 =	vadd.f32 v23, v60;
	v48 =	vld.idx.msk [tilespmem:v13+s1+$0x0], $0xffff;
	[tilespmem:s0+$0x8C18] =	vst v21  }
0xc7: {  	v20 =	vld.idx.msk [tilespmem:v4+s1+$0x0], $0xffff;
	[tilespmem:s0+$0x8C30] =	vst v22  }
0xc8: {  	v21 =	vld.idx.msk [tilespmem:v5+s1+$0x0], $0xffff;
	[tilespmem:s0+$0x8C48] =	vst v23  }
0xc9: {  	v42 =	vmul.bf16 v57, v45;
	v45 =	vld [tilespmem:s16+$0x40]  }
0xca: {  	s31 =	simm.s32 $0x2;
	v41 =	vmul.bf16 v56, v44;
	v43 =	vld [tilespmem:s16+$0x50]  }
0xcb: {  	s19 =	sand.u32 $0x2, s31;
	v61 =	vmul.bf16 v47, v46;
	v52 =	vld [tilespmem:s16+$0x60]  }
0xcc: {  	s9 =	smul.u32 $0x600, s19;
	v38 =	vmul.bf16 v59, v55;
	v62 =	vunpack.i.u.bf16.f32 v41;
	v41 =	vunpack.i.l.bf16.f32 v41;
	v54 =	vld [tilespmem:s30+$0x40]  }
0xcd: {  	v63 =	vunpack.i.u.bf16.f32 v42;
	v42 =	vunpack.i.l.bf16.f32 v42;
	v41 =	vadd.f32 v41, v62;
	v57 =	vld [tilespmem:s30+$0x50]  }
0xce: {  	s9 =	sshrl.u32 s9, $0x2;
	v53 =	vunpack.i.u.bf16.f32 v61;
	v44 =	vunpack.i.l.bf16.f32 v61;
	v42 =	vadd.f32 v42, v63;
	v58 =	vld [tilespmem:s30+$0x60]  }
0xcf: {  	v55 =	vunpack.i.u.bf16.f32 v38;
	v38 =	vunpack.i.l.bf16.f32 v38;
	v56 =	vadd.f32 v44, v53;
	[tilespmem:s9+$0x8C00] =	vst v41;
	v59 =	vld [tilespmem:s16+$0x70]  }
0xd0: {  	v38 =	vadd.f32 v38, v55;
	[tilespmem:s9+$0x8C18] =	vst v42;
	v60 =	vld [tilespmem:s30+$0x70]  }
0xd1: {  	v22 =	vld.idx.msk [tilespmem:v6+s1+$0x0], $0xffff;
	[tilespmem:s9+$0x8C30] =	vst v56  }
0xd2: {  	v23 =	vld.idx.msk [tilespmem:v7+s1+$0x0], $0xffff;
	[tilespmem:s9+$0x8C48] =	vst v38  }
0xd3: {  	v61 =	vld [tilespmem:s16+$0xFFFFFF40];
	v45 =	vmul.bf16 v54, v45  }
0xd4: {  	v62 =	vld [tilespmem:s16+$0xFFFFFF50];
	v43 =	vmul.bf16 v57, v43;
	v42 =	vmul.bf16 v58, v52  }
0xd5: {  	v63 =	vld [tilespmem:s16+$0xFFFFFF60];
	v38 =	vmul.bf16 v60, v59;
	v53 =	vunpack.i.u.bf16.f32 v45;
	v45 =	vunpack.i.l.bf16.f32 v45  }
0xd6: {  	v56 =	vld [tilespmem:s30+$0xFFFFFF50];
	v50 =	vunpack.i.u.bf16.f32 v43;
	v43 =	vunpack.i.l.bf16.f32 v43;
	v45 =	vadd.f32 v45, v53  }
0xd7: {  	v49 =	vld [tilespmem:s16+$0xFFFFFF70];
	v57 =	vunpack.i.u.bf16.f32 v42;
	v42 =	vunpack.i.l.bf16.f32 v42;
	v55 =	vadd.f32 v43, v50  }
0xd8: {  	v54 =	vld [tilespmem:s30+$0xFFFFFF40];
	v59 =	vunpack.i.u.bf16.f32 v38;
	v38 =	vunpack.i.l.bf16.f32 v38;
	v42 =	vadd.f32 v42, v57;
	[tilespmem:s0+$0x8C60] =	vst v45  }
0xd9: {  	v58 =	vld [tilespmem:s30+$0xFFFFFF60];
	v60 =	vadd.f32 v38, v59;
	[tilespmem:s0+$0x8C78] =	vst v55  }
0xda: {  	v51 =	vld [tilespmem:s30+$0xFFFFFF70];
	[tilespmem:s0+$0x8C90] =	vst v42  }
0xdb: {  	v41 =	vld.idx.msk [tilespmem:v9+s1+$0x0], $0xffff;
	v62 =	vmul.bf16 v56, v62;
	[tilespmem:s0+$0x8CA8] =	vst v60  }
0xdc: {  	v37 =	vadd.f32 v39, v37;
	v27 =	vadd.f32 v28, v27;
	v46 =	vld [tilespmem:s16+$0x80]  }
0xdd: {  	v56 =	vunpack.i.u.bf16.f32 v62;
	v39 =	vunpack.i.l.bf16.f32 v62;
	v61 =	vmul.bf16 v54, v61;
	v52 =	vld [tilespmem:s16+$0x90]  }
0xde: {  	v24 =	vadd.f32 v25, v24;
	v39 =	vadd.f32 v39, v56;
	v63 =	vmul.bf16 v58, v63;
	v55 =	vld [tilespmem:s16+$0xA0]  }
0xdf: {  	v54 =	vmul.bf16 v51, v49;
	v57 =	vld [tilespmem:s16+$0xB0];
	v53 =	vunpack.i.u.bf16.f32 v61;
	v42 =	vunpack.i.l.bf16.f32 v61  }
0xe0: {  	v59 =	vld [tilespmem:s30+$0x80];
	v58 =	vunpack.i.u.bf16.f32 v63;
	v43 =	vunpack.i.l.bf16.f32 v63;
	v42 =	vadd.f32 v42, v53  }
0xe1: {  	[tilespmem:s9+$0x8C78] =	vst v39;
	v62 =	vld [tilespmem:s30+$0xA0];
	v60 =	vunpack.i.u.bf16.f32 v54;
	v47 =	vunpack.i.l.bf16.f32 v54;
	v43 =	vadd.f32 v43, v58  }
0xe2: {  	v25 =	vadd.f32 v29, v26;
	v26 =	vld [tilespmem:s30+$0xB0];
	v28 =	vadd.f32 v47, v60;
	[tilespmem:s9+$0x8C60] =	vst v42  }
0xe3: {  	v61 =	vld [tilespmem:s30+$0x90];
	[tilespmem:s9+$0x8C90] =	vst v43  }
0xe4: {  	v29 =	vadd.f32 v31, v30;
	v30 =	vadd.f32 v33, v32;
	v38 =	vld.idx.msk [tilespmem:v8+s1+$0x0], $0xffff;
	[tilespmem:s9+$0x8CA8] =	vst v28  }
0xe5: {  	v31 =	vadd.f32 v35, v34;
	v27 =	vadd.f32 v27, v37;
	v47 =	vld [tilespmem:s16+$0xFFFFFF80]  }
0xe6: {  	v24 =	vadd.f32 v25, v24;
	v29 =	vadd.f32 v30, v29;
	v25 =	vld [tilespmem:s16+$0xFFFFFF90];
	v51 =	vmul.bf16 v59, v46  }
0xe7: {  	v63 =	vadd.f32 v40, v36;
	v30 =	vld [tilespmem:s16+$0xFFFFFFA0];
	v53 =	vmul.bf16 v62, v55;
	v26 =	vmul.bf16 v26, v57  }
0xe8: {  	v54 =	vld [tilespmem:s16+$0xFFFFFFB0];
	v52 =	vmul.bf16 v61, v52;
	v55 =	vunpack.i.u.bf16.f32 v51;
	v34 =	vunpack.i.l.bf16.f32 v51  }
0xe9: {  	v56 =	vld [tilespmem:s30+$0xFFFFFF80];
	v59 =	vunpack.i.u.bf16.f32 v53;
	v36 =	vunpack.i.l.bf16.f32 v53;
	v34 =	vadd.f32 v34, v55  }
0xea: {  	v58 =	vld [tilespmem:s30+$0xFFFFFF90];
	v61 =	vunpack.i.u.bf16.f32 v26;
	v26 =	vunpack.i.l.bf16.f32 v26;
	v36 =	vadd.f32 v36, v59  }
0xeb: {  	v60 =	vld [tilespmem:s30+$0xFFFFFFA0];
	v57 =	vunpack.i.u.bf16.f32 v52;
	v35 =	vunpack.i.l.bf16.f32 v52;
	v26 =	vadd.f32 v26, v61;
	[tilespmem:s0+$0x8CC0] =	vst v34  }
0xec: {  	v31 =	vadd.f32 v63, v31;
	v62 =	vld [tilespmem:s30+$0xFFFFFFB0];
	v35 =	vadd.f32 v35, v57;
	[tilespmem:s0+$0x8CF0] =	vst v36  }
0xed: {  	v63 =	vld.idx.msk [tilespmem:v11+s1+$0x0], $0xffff;
	[tilespmem:s0+$0x8D08] =	vst v26  }
0xee: {  	v24 =	vadd.f32 v24, v27;
	v28 =	vld.idx.msk [tilespmem:v10+s1+$0x0], $0xffff;
	v27 =	vadd.f32 v31, v29;
	[tilespmem:s0+$0x8CD8] =	vst v35  }
0xef: {  	v29 =	vmul.bf16 v56, v47;
	v31 =	vld [tilespmem:s16+$0xC0]  }
0xf0: {  	v24 =	vadd.f32 v27, v24;
	v25 =	vmul.bf16 v58, v25;
	v27 =	vmul.bf16 v60, v30;
	v30 =	vld [tilespmem:s16+$0xD0]  }
0xf1: {  	v32 =	vmul.bf16 v62, v54;
	v33 =	vunpack.i.u.bf16.f32 v29;
	v29 =	vunpack.i.l.bf16.f32 v29;
	v42 =	vld [tilespmem:s16+$0xE0]  }
0xf2: {  	v43 =	vunpack.i.u.bf16.f32 v25;
	v25 =	vunpack.i.l.bf16.f32 v25;
	v44 =	vld [tilespmem:s16+$0xF0];
	v29 =	vadd.f32 v29, v33  }
0xf3: {  	v45 =	vunpack.i.u.bf16.f32 v27;
	v27 =	vunpack.i.l.bf16.f32 v27;
	v46 =	vld [tilespmem:s30+$0xC0];
	v25 =	vadd.f32 v25, v43  }
0xf4: {  	v47 =	vunpack.i.u.bf16.f32 v32;
	v32 =	vunpack.i.l.bf16.f32 v32;
	v27 =	vadd.f32 v27, v45;
	[tilespmem:s9+$0x8CC0] =	vst v29;
	v29 =	vld [tilespmem:s30+$0xD0]  }
0xf5: {  	v24 =	vsub.f32 $0.0e+00, v24;
	v32 =	vadd.f32 v32, v47;
	[tilespmem:s9+$0x8CD8] =	vst v25;
	v25 =	vld [tilespmem:s30+$0xE0]  }
0xf6: {  	[tilespmem:s9+$0x8CF0] =	vst v27;
	v27 =	vld [tilespmem:s30+$0xF0]  }
0xf7: {  	v26 =	vld.idx.msk [tilespmem:v12+s1+$0x0], $0xffff;
	v24 =	vmul.f32 $1.442695020e+00, v24;
	[tilespmem:s9+$0x8D08] =	vst v32  }
0xf8: {  	v49 =	vld [tilespmem:s16+$0xFFFFFFC0];
	v31 =	vmul.bf16 v46, v31  }
0xf9: {  	(erf) = vpow2.f32 v24;
	v24 =	vld [tilespmem:s16+$0xFFFFFFD0]  }
0xfa: {  	v50 =	vld [tilespmem:s16+$0xFFFFFFE0];
	v51 =	vunpack.i.u.bf16.f32 v31;
	v29 =	vmul.bf16 v29, v30  }
0xfb: {  	v52 =	vld [tilespmem:s30+$0xFFFFFFC0];
	v31 =	vunpack.i.l.bf16.f32 v31;
	v25 =	vmul.bf16 v25, v42;
	v27 =	vmul.bf16 v27, v44  }
0xfc: {  	v54 =	vld [tilespmem:s30+$0xFFFFFFD0];
	v31 =	vadd.f32 v31, v51;
	v53 =	vunpack.i.u.bf16.f32 v29;
	v29 =	vunpack.i.l.bf16.f32 v29  }
0xfd: {  	v30 =	vld [tilespmem:s16+$0xFFFFFFF0];
	v55 =	vunpack.i.u.bf16.f32 v25;
	v25 =	vunpack.i.l.bf16.f32 v25;
	v29 =	vadd.f32 v29, v53  }
0xfe: {  	[tilespmem:s0+$0x8D20] =	vst v31;
	v31 =	vld [tilespmem:s30+$0xFFFFFFE0];
	v56 =	vunpack.i.u.bf16.f32 v27;
	v27 =	vunpack.i.l.bf16.f32 v27;
	v25 =	vadd.f32 v25, v55  }
0xff: {  	v27 =	vadd.f32 v27, v56;
	[tilespmem:s0+$0x8D38] =	vst v29;
	v29 =	vld [tilespmem:s30+$0xFFFFFFF0]  }
0x100: {  	v16 =	vadd.f32 v17, v16;
	v17 =	vadd.f32 v19, v18;
	[tilespmem:s0+$0x8D50] =	vst v25;
	v25 =	vld.idx.msk [tilespmem:v14+s1+$0x0], $0xffff  }
0x101: {  	v18 =	vadd.f32 v21, v20;
	v19 =	vadd.f32 v23, v22;
	[tilespmem:s0+$0x8D68] =	vst v27;
	v27 =	vld.idx.msk [tilespmem:v15+s1+$0x0], $0xffff  }
0x102: {  	v57 =	vld.idx.msk [tilespmem:v0+s0+$0x8C00], $0xffff  }
0x103: {  	v16 =	vadd.f32 v17, v16;
	v18 =	vadd.f32 v19, v18;
	v20 =	vld.idx.msk [tilespmem:v1+s0+$0x8C00], $0xffff  }
0x104: {  	v19 =	vadd.f32 v41, v38;
	v21 =	vadd.f32 v63, v28;
	v17 =	vpop (erf);
	v58 =	vld.idx.msk [tilespmem:v2+s0+$0x8C00], $0xffff  }
0x105: {  	v17 =	vadd.f32 $1.000000000e+00, v17;
	v59 =	vld.idx.msk [tilespmem:v3+s0+$0x8C00], $0xffff  }
0x106: {  	v21 =	vadd.f32 v21, v19;
	v19 =	vmul.bf16 v54, v24;
	v60 =	vld.idx.msk [tilespmem:v4+s0+$0x8C00], $0xffff  }
0x107: {  	v16 =	vadd.f32 v18, v16;
	(erf) = vrcp.f32 v17;
	v17 =	vmul.bf16 v52, v49;
	v61 =	vld.idx.msk [tilespmem:v5+s0+$0x8C00], $0xffff  }
0x108: {  	v18 =	vadd.f32 v48, v26;
	v62 =	vld.idx.msk [tilespmem:v6+s0+$0x8C00], $0xffff;
	v22 =	vadd.f32 v27, v25  }
0x109: {  	v28 =	vunpack.i.l.bf16.f32 v19;
	v63 =	vld.idx.msk [tilespmem:v7+s0+$0x8C00], $0xffff;
	v23 =	vmul.bf16 v31, v50;
	v24 =	vunpack.i.u.bf16.f32 v17  }
0x10a: {  	v25 =	vunpack.i.l.bf16.f32 v17;
	v17 =	vld.idx.msk [tilespmem:v8+s0+$0x8C00], $0xffff;
	v26 =	vmul.bf16 v29, v30;
	v22 =	vadd.f32 v22, v18  }
0x10b: {  	v27 =	vunpack.i.u.bf16.f32 v19;
	v29 =	vunpack.i.u.bf16.f32 v23;
	v19 =	vld.idx.msk [tilespmem:v10+s0+$0x8C00], $0xffff;
	v24 =	vadd.f32 v25, v24  }
0x10c: {  	v23 =	vunpack.i.l.bf16.f32 v23;
	v25 =	vadd.f32 v28, v27;
	v18 =	vld.idx.msk [tilespmem:v9+s0+$0x8C00], $0xffff;
	v21 =	vadd.f32 v22, v21  }
0x10d: {  	[tilespmem:s9+$0x8D20] =	vst v24;
	v24 =	vadd.f32 v23, v29;
	v23 =	vld.idx.msk [tilespmem:v12+s0+$0x8C00], $0xffff  }
0x10e: {  	v27 =	vunpack.i.u.bf16.f32 v26;
	v26 =	vunpack.i.l.bf16.f32 v26;
	[tilespmem:s9+$0x8D38] =	vst v25;
	v25 =	vld.idx.msk [tilespmem:v13+s0+$0x8C00], $0xffff;
	v16 =	vadd.f32 v21, v16  }
0x10f: {  	v27 =	vadd.f32 v26, v27;
	v26 =	vld.idx.msk [tilespmem:v14+s0+$0x8C00], $0xffff  }
0x110: {  	v22 =	vld.idx.msk [tilespmem:v11+s0+$0x8C00], $0xffff;
	[tilespmem:s9+$0x8D50] =	vst v24;
	v21 =	vsub.f32 $0.0e+00, v16  }
0x111: {  	s19 =	sor.u32 $0x8C00, s9;
	[tilespmem:s9+$0x8D68] =	vst v27;
	v27 =	vld.idx.msk [tilespmem:v15+s0+$0x8C00], $0xffff  }
0x112: {  	v28 =	vadd.f32 v20, v57;
	v20 =	vld.idx.msk [tilespmem:v2+s19+$0x0], $0xffff;
	v24 =	vmul.f32 $1.442695020e+00, v21  }
0x113: {  	v16 =	vld.idx.msk [tilespmem:v0+s19+$0x0], $0xffff  }
0x114: {  	v31 =	vadd.f32 v63, v62;
	v30 =	vpop (erf);
	s0 =	simm.s32 $0x8810;
	v21 =	vld.idx.msk [tilespmem:v1+s19+$0x0], $0xffff;
	(erf) = vpow2.f32 v24  }
0x115: {  	s1 =	simm.s32 $0xD00;
	v29 =	vadd.f32 v59, v58;
	[tilespmem:s0+$0x0] =	vst v30;
	v30 =	vadd.f32 v61, v60;
	v24 =	vld.idx.msk [tilespmem:v3+s19+$0x0], $0xffff  }
.LBB2_4:
0x116: {  	v32 =	vld [tilespmem:s1+$0x0];
	v17 =	vadd.f32 v18, v17;
	v18 =	vadd.f32 v22, v19  }
0x117: {  	v22 =	vadd.f32 v25, v23;
	v23 =	vadd.f32 v27, v26;
	v19 =	vld [tilespmem:s1+$0x10]  }
0x118: {  	v26 =	vadd.f32 v29, v28;
	v27 =	vadd.f32 v31, v30;
	v25 =	vld [tilespmem:s1+$0x20]  }
0x119: {  	s30 =	sadd.s32 $0x200, s30;
	v17 =	vadd.f32 v18, v17;
	v18 =	vadd.f32 v23, v22;
	v28 =	vld [tilespmem:s1+$0x30]  }
0x11a: {  	v16 =	vadd.f32 v21, v16;
	v22 =	vld [tilespmem:s30+$0x0]  }
0x11b: {  	v26 =	vadd.f32 v27, v26;
	v17 =	vadd.f32 v18, v17;
	v21 =	vld [tilespmem:s30+$0x10]  }
0x11c: {  	v20 =	vadd.f32 v24, v20;
	v18 =	vld [tilespmem:s30+$0x20]  }
0x11d: {  	v17 =	vadd.f32 v17, v26;
	v24 =	vld [tilespmem:s30+$0x30];
	v23 =	vpop (erf)  }
0x11e: {  	v16 =	vadd.f32 v20, v16;
	v26 =	vld [tilespmem:s1+$0xFFFFFF00];
	v20 =	vadd.f32 $1.000000000e+00, v23  }
0x11f: {  	v17 =	vsub.f32 $0.0e+00, v17;
	v23 =	vld [tilespmem:s1+$0xFFFFFF10]  }
0x120: {  	v22 =	vmul.bf16 v22, v32;
	v27 =	vld [tilespmem:s1+$0xFFFFFF20];
	(erf) = vrcp.f32 v20  }
0x121: {  	s9 =	sadd.s32 $0xFFFFFFFF, s31;
	v19 =	vmul.bf16 v21, v19;
	v17 =	vmul.f32 $1.442695020e+00, v17;
	v20 =	vld [tilespmem:s1+$0xFFFFFF30]  }
0x122: {  	s9 =	sand.u32 $0x3, s9;
	v18 =	vmul.bf16 v18, v25;
	v21 =	vld [tilespmem:s30+$0xFFFFFF00];
	v24 =	vmul.bf16 v24, v28  }
0x123: {  	s9 =	smul.u32 $0x600, s9;
	v28 =	vunpack.i.u.bf16.f32 v22;
	v22 =	vunpack.i.l.bf16.f32 v22;
	v25 =	vld [tilespmem:s30+$0xFFFFFF10];
	(erf) = vpow2.f32 v17  }
0x124: {  	v29 =	vunpack.i.u.bf16.f32 v19;
	v19 =	vunpack.i.l.bf16.f32 v19;
	v22 =	vadd.f32 v22, v28;
	v17 =	vld [tilespmem:s30+$0xFFFFFF20]  }
0x125: {  	s16 =	sshrl.u32 s9, $0x2;
	v30 =	vunpack.i.u.bf16.f32 v18;
	v18 =	vunpack.i.l.bf16.f32 v18;
	v19 =	vadd.f32 v19, v29;
	v28 =	vld [tilespmem:s30+$0xFFFFFF30]  }
0x126: {  	v29 =	vunpack.i.u.bf16.f32 v24;
	v24 =	vunpack.i.l.bf16.f32 v24;
	v18 =	vadd.f32 v18, v30;
	[tilespmem:s16+$0x8C00] =	vst v22;
	v22 =	vld.idx.msk [tilespmem:v4+s19+$0x0], $0xffff  }
0x127: {  	v21 =	vmul.bf16 v21, v26;
	[tilespmem:s16+$0x8C18] =	vst v19;
	v19 =	vadd.f32 v24, v29;
	v24 =	vld.idx.msk [tilespmem:v5+s19+$0x0], $0xffff  }
0x128: {  	s31 =	sadd.s32 $0x2, s31;
	v23 =	vmul.bf16 v25, v23;
	[tilespmem:s16+$0x8C30] =	vst v18;
	v18 =	vld.idx.msk [tilespmem:v6+s19+$0x0], $0xffff  }
0x129: {  	p0 =	slt.u32 s31, $0x1E;
	s9 =	sand.u32 $0x2, s31;
	v17 =	vmul.bf16 v17, v27;
	v25 =	vunpack.i.u.bf16.f32 v21;
	v21 =	vunpack.i.l.bf16.f32 v21;
	[tilespmem:s16+$0x8C48] =	vst v19;
	v19 =	vld.idx.msk [tilespmem:v7+s19+$0x0], $0xffff;
	v26 =	vpop (erf)  }
0x12a: {  	s9 =	smul.u32 $0x600, s9;
	v20 =	vmul.bf16 v28, v20;
	v27 =	vunpack.i.u.bf16.f32 v23;
	v23 =	vunpack.i.l.bf16.f32 v23;
	v28 =	vld [tilespmem:s1+$0x40];
	[tilespmem:s0+$0xFFFFFFF0] =	vst v26  }
0x12b: {  	v21 =	vadd.f32 v21, v25;
	v26 =	vunpack.i.u.bf16.f32 v17;
	v17 =	vunpack.i.l.bf16.f32 v17;
	v25 =	vld [tilespmem:s1+$0x50]  }
0x12c: {  	s9 =	sshrl.u32 s9, $0x2;
	v23 =	vadd.f32 v23, v27;
	v29 =	vunpack.i.u.bf16.f32 v20;
	v20 =	vunpack.i.l.bf16.f32 v20;
	v27 =	vld [tilespmem:s1+$0x60];
	v30 =	vpop (erf)  }
0x12d: {  	v17 =	vadd.f32 v17, v26;
	[tilespmem:s9+$0x8C00] =	vst v21;
	v21 =	vld [tilespmem:s30+$0x40];
	v26 =	vadd.f32 $1.000000000e+00, v30  }
0x12e: {  	v22 =	vadd.f32 v24, v22;
	v20 =	vadd.f32 v20, v29;
	[tilespmem:s9+$0x8C18] =	vst v23;
	v23 =	vld [tilespmem:s30+$0x50]  }
0x12f: {  	v18 =	vadd.f32 v19, v18;
	[tilespmem:s9+$0x8C30] =	vst v17;
	v17 =	vld [tilespmem:s30+$0x60];
	(erf) = vrcp.f32 v26  }
0x130: {  	[tilespmem:s9+$0x8C48] =	vst v20;
	v19 =	vld [tilespmem:s1+$0x70]  }
0x131: {  	v18 =	vadd.f32 v18, v22;
	v20 =	vld [tilespmem:s30+$0x70]  }
0x132: {  	v22 =	vld [tilespmem:s1+$0xFFFFFF40];
	v21 =	vmul.bf16 v21, v28  }
0x133: {  	v16 =	vadd.f32 v18, v16;
	v24 =	vld [tilespmem:s1+$0xFFFFFF50];
	v23 =	vmul.bf16 v23, v25  }
0x134: {  	v18 =	vld [tilespmem:s1+$0xFFFFFF60];
	v17 =	vmul.bf16 v17, v27;
	v25 =	vunpack.i.u.bf16.f32 v21;
	v21 =	vunpack.i.l.bf16.f32 v21  }
0x135: {  	v26 =	vld [tilespmem:s1+$0xFFFFFF70];
	v27 =	vunpack.i.u.bf16.f32 v23;
	v23 =	vunpack.i.l.bf16.f32 v23;
	v21 =	vadd.f32 v21, v25  }
0x136: {  	v25 =	vld [tilespmem:s30+$0xFFFFFF40];
	v19 =	vmul.bf16 v20, v19;
	v29 =	vadd.f32 v23, v27  }
0x137: {  	v27 =	vunpack.i.u.bf16.f32 v17;
	v17 =	vunpack.i.l.bf16.f32 v17;
	v23 =	vld [tilespmem:s30+$0xFFFFFF50];
	[tilespmem:s16+$0x8C60] =	vst v21  }
0x138: {  	s0 =	sadd.s32 $0x20, s0;
	v17 =	vadd.f32 v17, v27;
	v21 =	vld [tilespmem:s30+$0xFFFFFF60];
	v28 =	vunpack.i.u.bf16.f32 v19;
	v19 =	vunpack.i.l.bf16.f32 v19;
	[tilespmem:s16+$0x8C78] =	vst v29;
	v20 =	vpop (erf)  }
0x139: {  	v27 =	vld [tilespmem:s30+$0xFFFFFF70];
	v19 =	vadd.f32 v19, v28;
	[tilespmem:s0+$0x0] =	vst v20  }
0x13a: {  	[tilespmem:s16+$0x8C90] =	vst v17;
	v17 =	vld.idx.msk [tilespmem:v8+s19+$0x0], $0xffff  }
0x13b: {  	v20 =	vmul.bf16 v25, v22;
	[tilespmem:s16+$0x8CA8] =	vst v19;
	v19 =	vld.idx.msk [tilespmem:v9+s19+$0x0], $0xffff  }
0x13c: {  	v22 =	vmul.bf16 v23, v24;
	v23 =	vld [tilespmem:s1+$0x80]  }
0x13d: {  	v18 =	vmul.bf16 v21, v18;
	v21 =	vunpack.i.u.bf16.f32 v20;
	v20 =	vunpack.i.l.bf16.f32 v20;
	v24 =	vld [tilespmem:s1+$0x90]  }
0x13e: {  	v25 =	vmul.bf16 v27, v26;
	v26 =	vunpack.i.u.bf16.f32 v22;
	v22 =	vunpack.i.l.bf16.f32 v22;
	v27 =	vld [tilespmem:s1+$0xA0]  }
0x13f: {  	v20 =	vadd.f32 v20, v21;
	v28 =	vunpack.i.u.bf16.f32 v18;
	v18 =	vunpack.i.l.bf16.f32 v18;
	v21 =	vld [tilespmem:s1+$0xB0]  }
0x140: {  	v22 =	vadd.f32 v22, v26;
	v29 =	vunpack.i.u.bf16.f32 v25;
	v25 =	vunpack.i.l.bf16.f32 v25;
	v26 =	vld [tilespmem:s30+$0x80]  }
0x141: {  	v18 =	vadd.f32 v18, v28;
	[tilespmem:s9+$0x8C60] =	vst v20;
	v20 =	vadd.f32 v25, v29;
	v25 =	vld [tilespmem:s30+$0x90]  }
0x142: {  	v17 =	vadd.f32 v19, v17;
	[tilespmem:s9+$0x8C78] =	vst v22;
	v22 =	vld [tilespmem:s30+$0xA0]  }
0x143: {  	[tilespmem:s9+$0x8C90] =	vst v18;
	v18 =	vld [tilespmem:s30+$0xB0]  }
0x144: {  	[tilespmem:s9+$0x8CA8] =	vst v20;
	v19 =	vld.idx.msk [tilespmem:v10+s19+$0x0], $0xffff  }
0x145: {  	v20 =	vld [tilespmem:s1+$0xFFFFFF80]  }
0x146: {  	v23 =	vmul.bf16 v26, v23;
	v28 =	vld [tilespmem:s1+$0xFFFFFF90]  }
0x147: {  	v24 =	vmul.bf16 v25, v24;
	v26 =	vld [tilespmem:s1+$0xFFFFFFA0];
	v22 =	vmul.bf16 v22, v27  }
0x148: {  	v25 =	vld [tilespmem:s1+$0xFFFFFFB0];
	v18 =	vmul.bf16 v18, v21;
	v21 =	vunpack.i.u.bf16.f32 v23;
	v23 =	vunpack.i.l.bf16.f32 v23  }
0x149: {  	v29 =	vunpack.i.u.bf16.f32 v24;
	v24 =	vunpack.i.l.bf16.f32 v24;
	v27 =	vld [tilespmem:s30+$0xFFFFFF80];
	v21 =	vadd.f32 v23, v21  }
0x14a: {  	v30 =	vunpack.i.u.bf16.f32 v22;
	v22 =	vunpack.i.l.bf16.f32 v22;
	v24 =	vadd.f32 v24, v29;
	v23 =	vld [tilespmem:s30+$0xFFFFFF90]  }
0x14b: {  	v31 =	vunpack.i.u.bf16.f32 v18;
	v18 =	vunpack.i.l.bf16.f32 v18;
	v29 =	vld [tilespmem:s30+$0xFFFFFFA0];
	[tilespmem:s16+$0x8CC0] =	vst v21;
	v21 =	vadd.f32 v22, v30  }
0x14c: {  	v18 =	vadd.f32 v18, v31;
	v22 =	vld [tilespmem:s30+$0xFFFFFFB0];
	[tilespmem:s16+$0x8CD8] =	vst v24  }
0x14d: {  	[tilespmem:s16+$0x8CF0] =	vst v21;
	v21 =	vld.idx.msk [tilespmem:v11+s19+$0x0], $0xffff  }
0x14e: {  	v20 =	vmul.bf16 v27, v20;
	[tilespmem:s16+$0x8D08] =	vst v18;
	v18 =	vld.idx.msk [tilespmem:v12+s19+$0x0], $0xffff  }
0x14f: {  	v23 =	vmul.bf16 v23, v28;
	v24 =	vld [tilespmem:s1+$0xC0]  }
0x150: {  	v26 =	vmul.bf16 v29, v26;
	v27 =	vunpack.i.u.bf16.f32 v20;
	v20 =	vunpack.i.l.bf16.f32 v20;
	v28 =	vld [tilespmem:s1+$0xD0]  }
0x151: {  	v22 =	vmul.bf16 v22, v25;
	v25 =	vunpack.i.u.bf16.f32 v23;
	v23 =	vunpack.i.l.bf16.f32 v23;
	v29 =	vld [tilespmem:s1+$0xE0]  }
0x152: {  	v20 =	vadd.f32 v20, v27;
	v30 =	vunpack.i.u.bf16.f32 v26;
	v26 =	vunpack.i.l.bf16.f32 v26;
	v27 =	vld [tilespmem:s1+$0xF0]  }
0x153: {  	v23 =	vadd.f32 v23, v25;
	v31 =	vunpack.i.u.bf16.f32 v22;
	v22 =	vunpack.i.l.bf16.f32 v22;
	v25 =	vld [tilespmem:s30+$0xC0]  }
0x154: {  	[tilespmem:s9+$0x8CC0] =	vst v20;
	v20 =	vadd.f32 v26, v30;
	v22 =	vadd.f32 v22, v31;
	v26 =	vld [tilespmem:s30+$0xD0]  }
0x155: {  	v19 =	vadd.f32 v21, v19;
	[tilespmem:s9+$0x8CD8] =	vst v23;
	v23 =	vld [tilespmem:s30+$0xE0]  }
0x156: {  	[tilespmem:s9+$0x8CF0] =	vst v20;
	v20 =	vld [tilespmem:s30+$0xF0]  }
0x157: {  	[tilespmem:s9+$0x8D08] =	vst v22;
	v21 =	vld.idx.msk [tilespmem:v13+s19+$0x0], $0xffff;
	v22 =	vadd.f32 v19, v17  }
0x158: {  	v17 =	vld [tilespmem:s1+$0xFFFFFFC0]  }
0x159: {  	v24 =	vmul.bf16 v25, v24;
	v19 =	vld [tilespmem:s1+$0xFFFFFFD0]  }
0x15a: {  	v26 =	vmul.bf16 v26, v28;
	v25 =	vld [tilespmem:s1+$0xFFFFFFE0];
	v23 =	vmul.bf16 v23, v29  }
0x15b: {  	v28 =	vld [tilespmem:s1+$0xFFFFFFF0];
	v20 =	vmul.bf16 v20, v27;
	v27 =	vunpack.i.u.bf16.f32 v24;
	v24 =	vunpack.i.l.bf16.f32 v24  }
0x15c: {  	v30 =	vunpack.i.u.bf16.f32 v26;
	v26 =	vunpack.i.l.bf16.f32 v26;
	v29 =	vld [tilespmem:s30+$0xFFFFFFC0];
	v24 =	vadd.f32 v24, v27  }
0x15d: {  	v31 =	vunpack.i.u.bf16.f32 v23;
	v23 =	vunpack.i.l.bf16.f32 v23;
	v26 =	vadd.f32 v26, v30;
	v27 =	vld [tilespmem:s30+$0xFFFFFFD0]  }
0x15e: {  	v32 =	vunpack.i.u.bf16.f32 v20;
	v20 =	vunpack.i.l.bf16.f32 v20;
	v23 =	vadd.f32 v23, v31;
	v30 =	vld [tilespmem:s30+$0xFFFFFFE0];
	[tilespmem:s16+$0x8D20] =	vst v24  }
0x15f: {  	v18 =	vadd.f32 v21, v18;
	v20 =	vadd.f32 v20, v32;
	v24 =	vld [tilespmem:s30+$0xFFFFFFF0];
	[tilespmem:s16+$0x8D38] =	vst v26  }
0x160: {  	[tilespmem:s16+$0x8D50] =	vst v23;
	v21 =	vld.idx.msk [tilespmem:v14+s19+$0x0], $0xffff  }
0x161: {  	v17 =	vmul.bf16 v29, v17;
	[tilespmem:s16+$0x8D68] =	vst v20;
	v20 =	vld.idx.msk [tilespmem:v15+s19+$0x0], $0xffff  }
0x162: {  	v19 =	vmul.bf16 v27, v19;
	v29 =	vld.idx.msk [tilespmem:v0+s16+$0x8C00], $0xffff  }
0x163: {  	v23 =	vmul.bf16 v30, v25;
	v25 =	vunpack.i.u.bf16.f32 v17;
	v17 =	vunpack.i.l.bf16.f32 v17;
	v30 =	vld.idx.msk [tilespmem:v1+s16+$0x8C00], $0xffff  }
0x164: {  	v24 =	vmul.bf16 v24, v28;
	v26 =	vunpack.i.u.bf16.f32 v19;
	v19 =	vunpack.i.l.bf16.f32 v19;
	v31 =	vld.idx.msk [tilespmem:v2+s16+$0x8C00], $0xffff  }
0x165: {  	v17 =	vadd.f32 v17, v25;
	v27 =	vunpack.i.u.bf16.f32 v23;
	v23 =	vunpack.i.l.bf16.f32 v23;
	v32 =	vld.idx.msk [tilespmem:v3+s16+$0x8C00], $0xffff  }
0x166: {  	v19 =	vadd.f32 v19, v26;
	v25 =	vunpack.i.u.bf16.f32 v24;
	v24 =	vunpack.i.l.bf16.f32 v24;
	v33 =	vld.idx.msk [tilespmem:v4+s16+$0x8C00], $0xffff  }
0x167: {  	[tilespmem:s9+$0x8D20] =	vst v17;
	v17 =	vadd.f32 v23, v27;
	v23 =	vadd.f32 v24, v25;
	v34 =	vld.idx.msk [tilespmem:v5+s16+$0x8C00], $0xffff  }
0x168: {  	[tilespmem:s9+$0x8D38] =	vst v19;
	v35 =	vld.idx.msk [tilespmem:v6+s16+$0x8C00], $0xffff;
	v19 =	vadd.f32 v20, v21  }
0x169: {  	[tilespmem:s9+$0x8D50] =	vst v17;
	v36 =	vld.idx.msk [tilespmem:v7+s16+$0x8C00], $0xffff  }
0x16a: {  	[tilespmem:s9+$0x8D68] =	vst v23;
	v17 =	vld.idx.msk [tilespmem:v8+s16+$0x8C00], $0xffff;
	v20 =	vadd.f32 v19, v18  }
0x16b: {  	v18 =	vld.idx.msk [tilespmem:v9+s16+$0x8C00], $0xffff  }
0x16c: {  	v19 =	vld.idx.msk [tilespmem:v10+s16+$0x8C00], $0xffff;
	v20 =	vadd.f32 v20, v22  }
0x16d: {  	v22 =	vld.idx.msk [tilespmem:v11+s16+$0x8C00], $0xffff  }
0x16e: {  	v23 =	vld.idx.msk [tilespmem:v12+s16+$0x8C00], $0xffff;
	v16 =	vadd.f32 v20, v16  }
0x16f: {  	v25 =	vld.idx.msk [tilespmem:v13+s16+$0x8C00], $0xffff  }
0x170: {  	v26 =	vld.idx.msk [tilespmem:v14+s16+$0x8C00], $0xffff;
	v20 =	vsub.f32 $0.0e+00, v16  }
.Ltmp5:
0x171: {  	s19 =	sor.u32 $0x8C00, s9;
	v27 =	vld.idx.msk [tilespmem:v15+s16+$0x8C00], $0xffff;
	(pc) =	sbr.rel @p0 .LBB2_4-.Ltmp5, $4  }
0x172: {  	v16 =	vld.idx.msk [tilespmem:v0+s19+$0x0], $0xffff;
	v24 =	vmul.f32 $1.442695020e+00, v20  }
0x173: {  	v21 =	vld.idx.msk [tilespmem:v1+s19+$0x0], $0xffff  }
0x174: {  	v28 =	vadd.f32 v30, v29;
	v29 =	vadd.f32 v32, v31;
	v20 =	vld.idx.msk [tilespmem:v2+s19+$0x0], $0xffff;
	(erf) = vpow2.f32 v24  }
0x175: {  	s1 =	sadd.s32 $0x200, s1;
	v30 =	vadd.f32 v34, v33;
	v31 =	vadd.f32 v36, v35;
	v24 =	vld.idx.msk [tilespmem:v3+s19+$0x0], $0xffff  }
0x176: {  	_ =	sdelay $0x3  }
0x177: {  	v32 =	vld.idx.msk [tilespmem:v4+s19+$0x0], $0xffff  }
0x178: {  	v33 =	vld.idx.msk [tilespmem:v5+s19+$0x0], $0xffff  }
0x179: {  	v17 =	vadd.f32 v18, v17;
	v41 =	vadd.f32 v22, v19;
	v42 =	vld.idx.msk [tilespmem:v6+s19+$0x0], $0xffff  }
0x17a: {  	v43 =	vadd.f32 v25, v23;
	v44 =	vadd.f32 v27, v26;
	v48 =	vld.idx.msk [tilespmem:v8+s19+$0x0], $0xffff  }
0x17b: {  	v46 =	vadd.f32 v29, v28;
	v50 =	vld.idx.msk [tilespmem:v9+s19+$0x0], $0xffff;
	v47 =	vadd.f32 v31, v30  }
0x17c: {  	v51 =	vld.idx.msk [tilespmem:v10+s19+$0x0], $0xffff;
	v17 =	vadd.f32 v41, v17;
	v49 =	vadd.f32 v44, v43  }
0x17d: {  	v52 =	vld.idx.msk [tilespmem:v11+s19+$0x0], $0xffff  }
0x17e: {  	v53 =	vld.idx.msk [tilespmem:v12+s19+$0x0], $0xffff;
	v26 =	vadd.f32 v47, v46;
	v17 =	vadd.f32 v49, v17  }
0x17f: {  	v54 =	vld.idx.msk [tilespmem:v13+s19+$0x0], $0xffff  }
0x180: {  	v55 =	vld.idx.msk [tilespmem:v14+s19+$0x0], $0xffff;
	v17 =	vadd.f32 v17, v26  }
0x181: {  	v57 =	vld.idx.msk [tilespmem:v15+s19+$0x0], $0xffff  }
0x182: {  	v45 =	vld.idx.msk [tilespmem:v7+s19+$0x0], $0xffff;
	v56 =	vpop (erf);
	v17 =	vsub.f32 $0.0e+00, v17  }
0x183: {  	v30 =	vadd.f32 $1.000000000e+00, v56  }
0x184: {  	v16 =	vadd.f32 v21, v16;
	v20 =	vadd.f32 v24, v20;
	v17 =	vmul.f32 $1.442695020e+00, v17  }
0x185: {  	v18 =	vadd.f32 v52, v51;
	v59 =	vadd.f32 v54, v53;
	(erf) = vrcp.f32 v30  }
0x186: {  	v60 =	vadd.f32 v57, v55;
	(erf) = vpow2.f32 v17;
	v17 =	vadd.f32 v50, v48  }
0x187: {  	v58 =	vadd.f32 v33, v32;
	v19 =	vadd.f32 v45, v42  }
0x188: {  	v61 =	vadd.f32 v60, v59;
	v17 =	vadd.f32 v18, v17  }
0x189: {  	v16 =	vadd.f32 v20, v16;
	v19 =	vadd.f32 v19, v58  }
0x18a: {  	v17 =	vadd.f32 v61, v17  }
0x18b: {  	v16 =	vadd.f32 v19, v16;
	_ =	sdelay $0x1  }
0x18c: {  	v16 =	vadd.f32 v17, v16  }
0x18d: {  	v17 =	vpop (erf)  }
0x18e: {  	v16 =	vsub.f32 $0.0e+00, v16;
	v62 =	vpop (erf)  }
0x18f: {  	v18 =	vadd.f32 $1.000000000e+00, v62  }
0x190: {  	v16 =	vmul.f32 $1.442695020e+00, v16  }
0x191: {  	(erf) = vrcp.f32 v18  }
0x192: {  	(erf) = vpow2.f32 v16;
	_ =	sdelay $0x7  }
0x193: {  	v16 =	vpop (erf)  }
0x194: {  	v63 =	vpop (erf)  }
0x195: {  	v18 =	vadd.f32 $1.000000000e+00, v63;
	_ =	sdelay $0x1  }
0x196: {  	(erf) = vrcp.f32 v18;
	_ =	sdelay $0x7  }
0x197: {  	s30 =	sadd.s32 $0x20, s0;
	[tilespmem:s0+$0xFFFFFFF0] =	vst v17  }
0x198: {  	s1 =	sshll.u32 s28, $0xC;
	[tilespmem:s30+$0x0] =	vst v16;
	v16 =	vpop (erf)  }
0x199: {  	s31 =	sadd.s32 s1, s14;
	[tilespmem:s30+$0xFFFFFFF0] =	vst v16  }
0x19a: {  	[hbm4b:s31+s2] =	stream.linear.scatter [tilespmem:s21], [sflag:$0x5], $0x200, $0x38;
	[tilespmem:$0x9200] =	vst v63  }
.LBB2_6:
0x19b: {  	s30 =	sor.u32 $0x1, s29  }
0x19c: {  	p0 =	sge.u32 s30, s7  }
.Ltmp6:
0x19d: {  	_ = 	snop;
	(pc) =	sbr.rel @p0 .LBB2_10-.Ltmp6, $1  }
0x19e: {  	_ =	sdelay $0x3  }
0x19f: {  	p0 =	sge.u32 s29, s13  }
0x1a0: {  	s0 =	simm.s32 @!p0 $0x1  }
0x1a1: {  	_ =	swait.ge @!p0 [sflag:s0], $0x200  }
0x1a2: {  	[sflag:s0] =	ssyncset.done @!p0 $0x0  }
0x1a3: {  	[sflag:s0] =	ssyncadd.s32 @!p0 $0xFFFFFE00  }
0x1a4: {  	_ =	swait.ge @!p0 [sflag:s0], $0x200  }
0x1a5: {  	s1 =	simm.s32 @!p0 $0x0;
	[sflag:s0] =	ssyncset.done @!p0 $0x0  }
0x1a6: {  	s9 =	simm.s32 @!p0 $0x800;
	[sflag:s0] =	ssyncadd.s32 @!p0 $0xFFFFFE00;
	s0 =	simm.s32 @!p0 $0x80  }
0x1a7: {  	[tilespmem:s9], [sflag:$0x3] =	stream.indirect.gather @!p0 [hbm4b:s4+s0], $0x10, s1, s0, $0xb8;
	[tilespmem:$0x9200] =	vst v63  }
0x1a8: {  	s1 =	simm.s32 @!p0 $0x400;
	s9 =	simm.s32 @!p0 $0x4800  }
0x1a9: {  	[tilespmem:s9], [sflag:$0x3] =	stream.indirect.gather @!p0 [hbm4b:s5+s0], $0x10, s1, s0, $0xb8;
	[tilespmem:$0x9200] =	vst v63  }
0x1aa: {  	s1 =	simm.s32 @!p0 $0x1000  }
0x1ab: {  	[tilespmem:s1], [sflag:$0x3] =	stream.indirect.gather @!p0 [hbm4b:s4+s0], $0x10, s0, s0, $0xb8;
	[tilespmem:$0x9200] =	vst v63  }
0x1ac: {  	s9 =	simm.s32 @!p0 $0x5000;
	s1 =	simm.s32 @!p0 $0x480  }
0x1ad: {  	[tilespmem:s9], [sflag:$0x3] =	stream.indirect.gather @!p0 [hbm4b:s5+s0], $0x10, s1, s0, $0xb8;
	[tilespmem:$0x9200] =	vst v63  }
0x1ae: {  	s1 =	simm.s32 @!p0 $0x100;
	s9 =	simm.s32 @!p0 $0x1800  }
0x1af: {  	[tilespmem:s9], [sflag:$0x3] =	stream.indirect.gather @!p0 [hbm4b:s4+s0], $0x10, s1, s0, $0xb8;
	[tilespmem:$0x9200] =	vst v63  }
0x1b0: {  	s1 =	simm.s32 @!p0 $0x500;
	s9 =	simm.s32 @!p0 $0x5800  }
0x1b1: {  	[tilespmem:s9], [sflag:$0x3] =	stream.indirect.gather @!p0 [hbm4b:s5+s0], $0x10, s1, s0, $0xb8;
	[tilespmem:$0x9200] =	vst v63  }
0x1b2: {  	s1 =	simm.s32 @!p0 $0x180;
	s9 =	simm.s32 @!p0 $0x2000  }
0x1b3: {  	[tilespmem:s9], [sflag:$0x3] =	stream.indirect.gather @!p0 [hbm4b:s4+s0], $0x10, s1, s0, $0xb8;
	[tilespmem:$0x9200] =	vst v63  }
0x1b4: {  	s1 =	simm.s32 @!p0 $0x580;
	s9 =	simm.s32 @!p0 $0x6000  }
0x1b5: {  	[tilespmem:s9], [sflag:$0x3] =	stream.indirect.gather @!p0 [hbm4b:s5+s0], $0x10, s1, s0, $0xb8;
	[tilespmem:$0x9200] =	vst v63  }
0x1b6: {  	s0 =	sadd.s32 $0x3, s29;
	_ =	swait.ge [sflag:s22], $0x2000  }
0x1b7: {  	p0 =	sge.u32 s0, s7;
	[sflag:s22] =	ssyncset.done $0x0  }
0x1b8: {  	s0 =	sshll.u32 @!p0 s0, $0xE;
	[sflag:s22] =	ssyncadd.s32 $0xFFFFE000  }
0x1b9: {  	s0 =	sor.u32 @!p0 s6, s0;
	_ =	swait.ge [sflag:s22], $0x2000  }
0x1ba: {  	s1 =	simm.s32 @!p0 $0x0;
	s0 =	sshrl.u32 @!p0 s0, $0x3;
	[sflag:s22] =	ssyncset.done $0x0  }
0x1bb: {  	s9 =	simm.s32 @!p0 $0x200;
	s0 =	sadd.s32 @!p0 s3, s0;
	[sflag:s22] =	ssyncadd.s32 $0xFFFFE000  }
0x1bc: {  	[tilespmem:s9], [sflag:$0x2] =	stream.linear.gather @!p0 [hbm4b:s0+s1], $0x200, $0x38;
	[tilespmem:$0x9200] =	vst v63  }
0x1bd: {  	s0 =	sadd.s32 @!p0 $0x30D40, s0;
	s9 =	simm.s32 @!p0 $0x600  }
0x1be: {  	[tilespmem:s9], [sflag:$0x2] =	stream.linear.gather @!p0 [hbm4b:s0+s1], $0x200, $0x38;
	[tilespmem:$0x9200] =	vst v63  }
0x1bf: {  	p0 =	seq.s32 s28, $0x0  }
0x1c0: {  	s0 =	simm.s32 @!p0 $0x6  }
0x1c1: {  	_ =	swait.ge @!p0 [sflag:s0], $0x200  }
0x1c2: {  	[sflag:s0] =	ssyncset.done @!p0 $0x0  }
0x1c3: {  	s9 =	simm.s32 $0x2900;
	[sflag:s0] =	ssyncadd.s32 @!p0 $0xFFFFFE00  }
0x1c4: {  	v16 =	vld [tilespmem:s9+$0x0]  }
0x1c5: {  	v17 =	vld [tilespmem:s9+$0x10]  }
0x1c6: {  	v18 =	vld [tilespmem:s9+$0x20]  }
0x1c7: {  	s1 =	simm.s32 $0x6900;
	v19 =	vld [tilespmem:s9+$0x30]  }
0x1c8: {  	v20 =	vld [tilespmem:s1+$0x0]  }
0x1c9: {  	v21 =	vld [tilespmem:s1+$0x10]  }
0x1ca: {  	v22 =	vld [tilespmem:s1+$0x20]  }
0x1cb: {  	v23 =	vld [tilespmem:s1+$0x30];
	_ =	sdelay $0x2  }
0x1cc: {  	s19 =	simm.s32 $0xFFFFFFFD;
	v24 =	vld [tilespmem:s9+$0xFFFFFF00];
	v16 =	vmul.bf16 v20, v16  }
0x1cd: {  	s0 =	sand.u32 $0x3, s19;
	v20 =	vld [tilespmem:s9+$0xFFFFFF10];
	v17 =	vmul.bf16 v21, v17;
	v18 =	vmul.bf16 v22, v18  }
0x1ce: {  	s0 =	smul.u32 $0x600, s0;
	v21 =	vld [tilespmem:s9+$0xFFFFFF20];
	v19 =	vmul.bf16 v23, v19;
	v22 =	vunpack.i.u.bf16.f32 v16;
	v16 =	vunpack.i.l.bf16.f32 v16  }
0x1cf: {  	v23 =	vld [tilespmem:s9+$0xFFFFFF30];
	v25 =	vunpack.i.u.bf16.f32 v17;
	v17 =	vunpack.i.l.bf16.f32 v17;
	v16 =	vadd.f32 v16, v22  }
0x1d0: {  	s0 =	sshrl.u32 s0, $0x2;
	v26 =	vunpack.i.u.bf16.f32 v18;
	v18 =	vunpack.i.l.bf16.f32 v18;
	v22 =	vld [tilespmem:s1+$0xFFFFFF00];
	v17 =	vadd.f32 v17, v25  }
0x1d1: {  	v27 =	vunpack.i.u.bf16.f32 v19;
	v19 =	vunpack.i.l.bf16.f32 v19;
	v25 =	vld [tilespmem:s1+$0xFFFFFF10];
	[tilespmem:s0+$0x8C00] =	vst v16;
	v16 =	vadd.f32 v18, v26  }
0x1d2: {  	v18 =	vld [tilespmem:s1+$0xFFFFFF20];
	[tilespmem:s0+$0x8C18] =	vst v17;
	v17 =	vadd.f32 v19, v27  }
0x1d3: {  	v19 =	vld [tilespmem:s1+$0xFFFFFF30];
	[tilespmem:s0+$0x8C30] =	vst v16  }
0x1d4: {  	[tilespmem:s0+$0x8C48] =	vst v17  }
0x1d5: {  	v16 =	vld [tilespmem:s9+$0x40]  }
0x1d6: {  	s16 =	simm.s32 $0x0;
	v17 =	vmul.bf16 v22, v24;
	v22 =	vld [tilespmem:s9+$0x50]  }
0x1d7: {  	s16 =	sand.u32 $0x2, s16;
	v20 =	vmul.bf16 v25, v20;
	v18 =	vmul.bf16 v18, v21;
	v21 =	vld [tilespmem:s9+$0x60]  }
0x1d8: {  	s16 =	smul.u32 $0x600, s16;
	v24 =	vunpack.i.u.bf16.f32 v17;
	v17 =	vunpack.i.l.bf16.f32 v17;
	v19 =	vmul.bf16 v19, v23;
	v23 =	vld [tilespmem:s1+$0x40]  }
0x1d9: {  	v25 =	vunpack.i.u.bf16.f32 v20;
	v20 =	vunpack.i.l.bf16.f32 v20;
	v17 =	vadd.f32 v17, v24;
	v24 =	vld [tilespmem:s1+$0x50]  }
0x1da: {  	s16 =	sshrl.u32 s16, $0x2;
	v20 =	vadd.f32 v20, v25;
	v25 =	vld [tilespmem:s1+$0x60];
	v26 =	vunpack.i.u.bf16.f32 v18;
	v18 =	vunpack.i.l.bf16.f32 v18  }
0x1db: {  	v27 =	vunpack.i.u.bf16.f32 v19;
	v19 =	vunpack.i.l.bf16.f32 v19;
	[tilespmem:s16+$0x8C00] =	vst v17;
	v17 =	vadd.f32 v18, v26;
	v18 =	vld [tilespmem:s9+$0x70]  }
0x1dc: {  	s29 =	simm.s32 $0x6B00;
	[tilespmem:s16+$0x8C18] =	vst v20;
	v19 =	vadd.f32 v19, v27;
	v20 =	vld [tilespmem:s1+$0x70]  }
0x1dd: {  	v38 =	vld [tilespmem:s29+$0x0];
	[tilespmem:s16+$0x8C30] =	vst v17  }
0x1de: {  	v41 =	vld [tilespmem:s29+$0x10];
	[tilespmem:s16+$0x8C48] =	vst v19;
	v16 =	vmul.bf16 v23, v16;
	v17 =	vmul.bf16 v24, v22  }
0x1df: {  	v19 =	vld [tilespmem:s9+$0xFFFFFF40];
	v21 =	vmul.bf16 v25, v21  }
0x1e0: {  	v22 =	vld [tilespmem:s9+$0xFFFFFF50];
	v23 =	vunpack.i.u.bf16.f32 v16;
	v16 =	vunpack.i.l.bf16.f32 v16;
	v24 =	vunpack.i.u.bf16.f32 v17  }
0x1e1: {  	v25 =	vld [tilespmem:s9+$0xFFFFFF60];
	v17 =	vunpack.i.l.bf16.f32 v17;
	v16 =	vadd.f32 v16, v23;
	v18 =	vmul.bf16 v20, v18  }
0x1e2: {  	v20 =	vld [tilespmem:s9+$0xFFFFFF70];
	v23 =	vunpack.i.u.bf16.f32 v21;
	v21 =	vunpack.i.l.bf16.f32 v21;
	v17 =	vadd.f32 v17, v24  }
0x1e3: {  	v24 =	vld [tilespmem:s1+$0xFFFFFF40];
	v21 =	vadd.f32 v21, v23;
	[tilespmem:s0+$0x8C60] =	vst v16;
	v16 =	vunpack.i.u.bf16.f32 v18;
	v18 =	vunpack.i.l.bf16.f32 v18  }
0x1e4: {  	v23 =	vld [tilespmem:s1+$0xFFFFFF50];
	[tilespmem:s0+$0x8C78] =	vst v17;
	v16 =	vadd.f32 v18, v16  }
0x1e5: {  	v17 =	vld [tilespmem:s1+$0xFFFFFF60];
	[tilespmem:s0+$0x8C90] =	vst v21  }
0x1e6: {  	v18 =	vld [tilespmem:s1+$0xFFFFFF70];
	[tilespmem:s0+$0x8CA8] =	vst v16  }
0x1e7: {  	v16 =	vld [tilespmem:s9+$0x80]  }
0x1e8: {  	v21 =	vld [tilespmem:s9+$0x90]  }
0x1e9: {  	v19 =	vmul.bf16 v24, v19;
	v24 =	vld [tilespmem:s9+$0xA0]  }
0x1ea: {  	v22 =	vmul.bf16 v23, v22;
	v23 =	vld [tilespmem:s9+$0xB0];
	v17 =	vmul.bf16 v17, v25  }
0x1eb: {  	v25 =	vunpack.i.u.bf16.f32 v19;
	v19 =	vunpack.i.l.bf16.f32 v19;
	v18 =	vmul.bf16 v18, v20;
	v20 =	vld [tilespmem:s1+$0x80]  }
0x1ec: {  	v26 =	vunpack.i.u.bf16.f32 v22;
	v22 =	vunpack.i.l.bf16.f32 v22;
	v19 =	vadd.f32 v19, v25;
	v25 =	vld [tilespmem:s1+$0x90]  }
0x1ed: {  	v22 =	vadd.f32 v22, v26;
	v26 =	vld [tilespmem:s1+$0xA0];
	v27 =	vunpack.i.u.bf16.f32 v17;
	v17 =	vunpack.i.l.bf16.f32 v17  }
0x1ee: {  	v28 =	vunpack.i.u.bf16.f32 v18;
	v18 =	vunpack.i.l.bf16.f32 v18;
	[tilespmem:s16+$0x8C60] =	vst v19;
	v17 =	vadd.f32 v17, v27;
	v19 =	vld [tilespmem:s1+$0xB0]  }
0x1ef: {  	v42 =	vld [tilespmem:s29+$0x20];
	v18 =	vadd.f32 v18, v28;
	[tilespmem:s16+$0x8C78] =	vst v22  }
0x1f0: {  	v43 =	vld [tilespmem:s29+$0x30];
	[tilespmem:s16+$0x8C90] =	vst v17  }
0x1f1: {  	v56 =	vld [tilespmem:s29+$0xFFFFFF00];
	[tilespmem:s16+$0x8CA8] =	vst v18;
	v16 =	vmul.bf16 v20, v16  }
0x1f2: {  	v17 =	vld [tilespmem:s9+$0xFFFFFF80];
	v18 =	vmul.bf16 v25, v21;
	v20 =	vmul.bf16 v26, v24  }
0x1f3: {  	v21 =	vld [tilespmem:s9+$0xFFFFFF90];
	v22 =	vunpack.i.u.bf16.f32 v16;
	v16 =	vunpack.i.l.bf16.f32 v16;
	v19 =	vmul.bf16 v19, v23  }
0x1f4: {  	v23 =	vld [tilespmem:s9+$0xFFFFFFA0];
	v24 =	vunpack.i.u.bf16.f32 v18;
	v18 =	vunpack.i.l.bf16.f32 v18;
	v16 =	vadd.f32 v16, v22  }
0x1f5: {  	v22 =	vld [tilespmem:s9+$0xFFFFFFB0];
	v25 =	vunpack.i.u.bf16.f32 v20;
	v20 =	vunpack.i.l.bf16.f32 v20;
	v18 =	vadd.f32 v18, v24  }
0x1f6: {  	v24 =	vld [tilespmem:s1+$0xFFFFFF80];
	v26 =	vunpack.i.u.bf16.f32 v19;
	v19 =	vunpack.i.l.bf16.f32 v19;
	[tilespmem:s0+$0x8CC0] =	vst v16;
	v16 =	vadd.f32 v20, v25  }
0x1f7: {  	v20 =	vld [tilespmem:s1+$0xFFFFFF90];
	[tilespmem:s0+$0x8CD8] =	vst v18;
	v18 =	vadd.f32 v19, v26  }
0x1f8: {  	v19 =	vld [tilespmem:s1+$0xFFFFFFA0];
	[tilespmem:s0+$0x8CF0] =	vst v16  }
0x1f9: {  	v16 =	vld [tilespmem:s1+$0xFFFFFFB0];
	[tilespmem:s0+$0x8D08] =	vst v18  }
0x1fa: {  	v18 =	vld [tilespmem:s9+$0xC0]  }
0x1fb: {  	v25 =	vld [tilespmem:s9+$0xD0]  }
0x1fc: {  	v17 =	vmul.bf16 v24, v17;
	v24 =	vld [tilespmem:s9+$0xE0]  }
0x1fd: {  	v20 =	vmul.bf16 v20, v21;
	v21 =	vld [tilespmem:s9+$0xF0];
	v19 =	vmul.bf16 v19, v23  }
0x1fe: {  	v23 =	vunpack.i.u.bf16.f32 v17;
	v17 =	vunpack.i.l.bf16.f32 v17;
	v16 =	vmul.bf16 v16, v22;
	v22 =	vld [tilespmem:s1+$0xC0]  }
0x1ff: {  	v26 =	vunpack.i.u.bf16.f32 v20;
	v20 =	vunpack.i.l.bf16.f32 v20;
	v17 =	vadd.f32 v17, v23;
	v23 =	vld [tilespmem:s1+$0xD0]  }
0x200: {  	v27 =	vunpack.i.u.bf16.f32 v19;
	v19 =	vunpack.i.l.bf16.f32 v19;
	v20 =	vadd.f32 v20, v26;
	v26 =	vld [tilespmem:s1+$0xE0]  }
0x201: {  	v28 =	vunpack.i.u.bf16.f32 v16;
	v16 =	vunpack.i.l.bf16.f32 v16;
	[tilespmem:s16+$0x8CC0] =	vst v17;
	v17 =	vadd.f32 v19, v27;
	v19 =	vld [tilespmem:s1+$0xF0]  }
0x202: {  	v57 =	vld [tilespmem:s29+$0xFFFFFF10];
	v16 =	vadd.f32 v16, v28;
	[tilespmem:s16+$0x8CD8] =	vst v20  }
0x203: {  	v47 =	vld [tilespmem:s29+$0xFFFFFF20];
	[tilespmem:s16+$0x8CF0] =	vst v17  }
0x204: {  	v59 =	vld [tilespmem:s29+$0xFFFFFF30];
	[tilespmem:s16+$0x8D08] =	vst v16;
	v16 =	vmul.bf16 v22, v18  }
0x205: {  	v18 =	vmul.bf16 v23, v25;
	v17 =	vld [tilespmem:s9+$0xFFFFFFC0];
	v20 =	vmul.bf16 v26, v24  }
0x206: {  	v22 =	vld [tilespmem:s9+$0xFFFFFFD0];
	v19 =	vmul.bf16 v19, v21;
	v21 =	vunpack.i.u.bf16.f32 v16;
	v16 =	vunpack.i.l.bf16.f32 v16  }
0x207: {  	v23 =	vld [tilespmem:s9+$0xFFFFFFE0];
	v24 =	vunpack.i.u.bf16.f32 v18;
	v18 =	vunpack.i.l.bf16.f32 v18;
	v16 =	vadd.f32 v16, v21  }
0x208: {  	v29 =	vld [tilespmem:s1+$0xFFFFFFC0];
	v25 =	vunpack.i.u.bf16.f32 v20;
	v20 =	vunpack.i.l.bf16.f32 v20;
	v18 =	vadd.f32 v18, v24  }
0x209: {  	v21 =	vld [tilespmem:s9+$0xFFFFFFF0];
	v24 =	vunpack.i.u.bf16.f32 v19;
	v19 =	vunpack.i.l.bf16.f32 v19;
	[tilespmem:s0+$0x8D20] =	vst v16;
	v16 =	vadd.f32 v20, v25  }
0x20a: {  	v20 =	vld [tilespmem:s1+$0xFFFFFFD0];
	[tilespmem:s0+$0x8D38] =	vst v18;
	v18 =	vadd.f32 v19, v24  }
0x20b: {  	v19 =	vld [tilespmem:s1+$0xFFFFFFE0];
	[tilespmem:s0+$0x8D50] =	vst v16  }
0x20c: {  	v16 =	vld [tilespmem:s1+$0xFFFFFFF0];
	[tilespmem:s0+$0x8D68] =	vst v18  }
0x20d: {  	v37 =	vld.idx.msk [tilespmem:v0+s0+$0x8C00], $0xffff  }
0x20e: {  	v39 =	vld.idx.msk [tilespmem:v1+s0+$0x8C00], $0xffff  }
0x20f: {  	v27 =	vld.idx.msk [tilespmem:v2+s0+$0x8C00], $0xffff  }
0x210: {  	v28 =	vld.idx.msk [tilespmem:v3+s0+$0x8C00], $0xffff  }
0x211: {  	v24 =	vld.idx.msk [tilespmem:v4+s0+$0x8C00], $0xffff  }
0x212: {  	v25 =	vld.idx.msk [tilespmem:v5+s0+$0x8C00], $0xffff  }
0x213: {  	v17 =	vmul.bf16 v29, v17;
	v26 =	vld.idx.msk [tilespmem:v6+s0+$0x8C00], $0xffff  }
0x214: {  	v29 =	vld.idx.msk [tilespmem:v7+s0+$0x8C00], $0xffff  }
0x215: {  	v30 =	vld.idx.msk [tilespmem:v8+s0+$0x8C00], $0xffff;
	v18 =	vmul.bf16 v20, v22;
	v20 =	vunpack.i.u.bf16.f32 v17;
	v17 =	vunpack.i.l.bf16.f32 v17  }
0x216: {  	v31 =	vld.idx.msk [tilespmem:v9+s0+$0x8C00], $0xffff;
	v19 =	vmul.bf16 v19, v23;
	v17 =	vadd.f32 v17, v20  }
0x217: {  	v32 =	vld.idx.msk [tilespmem:v10+s0+$0x8C00], $0xffff;
	v16 =	vmul.bf16 v16, v21;
	v21 =	vunpack.i.u.bf16.f32 v18;
	v18 =	vunpack.i.l.bf16.f32 v18  }
0x218: {  	v33 =	vld.idx.msk [tilespmem:v11+s0+$0x8C00], $0xffff;
	v20 =	vunpack.i.u.bf16.f32 v19;
	v19 =	vunpack.i.l.bf16.f32 v19;
	v18 =	vadd.f32 v18, v21  }
0x219: {  	v34 =	vld.idx.msk [tilespmem:v12+s0+$0x8C00], $0xffff;
	[tilespmem:s16+$0x8D20] =	vst v17;
	v17 =	vadd.f32 v19, v20;
	v21 =	vunpack.i.u.bf16.f32 v16;
	v16 =	vunpack.i.l.bf16.f32 v16  }
0x21a: {  	v35 =	vld.idx.msk [tilespmem:v13+s0+$0x8C00], $0xffff;
	v16 =	vadd.f32 v16, v21;
	[tilespmem:s16+$0x8D38] =	vst v18  }
0x21b: {  	v36 =	vld.idx.msk [tilespmem:v14+s0+$0x8C00], $0xffff;
	[tilespmem:s16+$0x8D50] =	vst v17  }
0x21c: {  	s1 =	sor.u32 $0x8C00, s16;
	v40 =	vld.idx.msk [tilespmem:v15+s0+$0x8C00], $0xffff;
	[tilespmem:s16+$0x8D68] =	vst v16;
	s16 =	simm.s32 $0x2B00  }
0x21d: {  	v20 =	vld [tilespmem:s16+$0x0]  }
0x21e: {  	v21 =	vld [tilespmem:s16+$0x10]  }
0x21f: {  	v22 =	vld [tilespmem:s16+$0x20]  }
0x220: {  	v23 =	vld [tilespmem:s16+$0x30]  }
0x221: {  	v16 =	vld.idx.msk [tilespmem:v0+s1+$0x0], $0xffff  }
0x222: {  	v17 =	vld.idx.msk [tilespmem:v1+s1+$0x0], $0xffff  }
0x223: {  	s9 =	simm.s32 $0xFFFFFFFF;
	v18 =	vld.idx.msk [tilespmem:v2+s1+$0x0], $0xffff;
	v20 =	vmul.bf16 v38, v20  }
0x224: {  	s0 =	sand.u32 $0x3, s9;
	v19 =	vld.idx.msk [tilespmem:v3+s1+$0x0], $0xffff;
	v21 =	vmul.bf16 v41, v21;
	v22 =	vmul.bf16 v42, v22  }
0x225: {  	s0 =	smul.u32 $0x600, s0;
	v44 =	vld [tilespmem:s16+$0xFFFFFF00];
	v23 =	vmul.bf16 v43, v23;
	v58 =	vunpack.i.u.bf16.f32 v20;
	v20 =	vunpack.i.l.bf16.f32 v20  }
0x226: {  	v45 =	vld [tilespmem:s16+$0xFFFFFF10];
	v48 =	vunpack.i.u.bf16.f32 v21;
	v21 =	vunpack.i.l.bf16.f32 v21;
	v20 =	vadd.f32 v20, v58  }
0x227: {  	s0 =	sshrl.u32 s0, $0x2;
	v46 =	vld [tilespmem:s16+$0xFFFFFF20];
	v49 =	vunpack.i.u.bf16.f32 v22;
	v22 =	vunpack.i.l.bf16.f32 v22;
	v21 =	vadd.f32 v21, v48  }
0x228: {  	v55 =	vld [tilespmem:s16+$0xFFFFFF30];
	v60 =	vunpack.i.u.bf16.f32 v23;
	v23 =	vunpack.i.l.bf16.f32 v23;
	v22 =	vadd.f32 v22, v49;
	[tilespmem:s0+$0x8C00] =	vst v20  }
0x229: {  	v23 =	vadd.f32 v23, v60;
	v48 =	vld.idx.msk [tilespmem:v13+s1+$0x0], $0xffff;
	[tilespmem:s0+$0x8C18] =	vst v21  }
0x22a: {  	v20 =	vld.idx.msk [tilespmem:v4+s1+$0x0], $0xffff;
	[tilespmem:s0+$0x8C30] =	vst v22  }
0x22b: {  	v21 =	vld.idx.msk [tilespmem:v5+s1+$0x0], $0xffff;
	[tilespmem:s0+$0x8C48] =	vst v23  }
0x22c: {  	v42 =	vmul.bf16 v57, v45;
	v45 =	vld [tilespmem:s16+$0x40]  }
0x22d: {  	s31 =	simm.s32 $0x2;
	v41 =	vmul.bf16 v56, v44;
	v43 =	vld [tilespmem:s16+$0x50]  }
0x22e: {  	s19 =	sand.u32 $0x2, s31;
	v61 =	vmul.bf16 v47, v46;
	v52 =	vld [tilespmem:s16+$0x60]  }
0x22f: {  	s9 =	smul.u32 $0x600, s19;
	v38 =	vmul.bf16 v59, v55;
	v62 =	vunpack.i.u.bf16.f32 v41;
	v41 =	vunpack.i.l.bf16.f32 v41;
	v54 =	vld [tilespmem:s29+$0x40]  }
0x230: {  	v63 =	vunpack.i.u.bf16.f32 v42;
	v42 =	vunpack.i.l.bf16.f32 v42;
	v41 =	vadd.f32 v41, v62;
	v57 =	vld [tilespmem:s29+$0x50]  }
0x231: {  	s9 =	sshrl.u32 s9, $0x2;
	v53 =	vunpack.i.u.bf16.f32 v61;
	v44 =	vunpack.i.l.bf16.f32 v61;
	v42 =	vadd.f32 v42, v63;
	v58 =	vld [tilespmem:s29+$0x60]  }
0x232: {  	v55 =	vunpack.i.u.bf16.f32 v38;
	v38 =	vunpack.i.l.bf16.f32 v38;
	v56 =	vadd.f32 v44, v53;
	[tilespmem:s9+$0x8C00] =	vst v41;
	v59 =	vld [tilespmem:s16+$0x70]  }
0x233: {  	v38 =	vadd.f32 v38, v55;
	[tilespmem:s9+$0x8C18] =	vst v42;
	v60 =	vld [tilespmem:s29+$0x70]  }
0x234: {  	v22 =	vld.idx.msk [tilespmem:v6+s1+$0x0], $0xffff;
	[tilespmem:s9+$0x8C30] =	vst v56  }
0x235: {  	v23 =	vld.idx.msk [tilespmem:v7+s1+$0x0], $0xffff;
	[tilespmem:s9+$0x8C48] =	vst v38  }
0x236: {  	v61 =	vld [tilespmem:s16+$0xFFFFFF40];
	v45 =	vmul.bf16 v54, v45  }
0x237: {  	v62 =	vld [tilespmem:s16+$0xFFFFFF50];
	v43 =	vmul.bf16 v57, v43;
	v42 =	vmul.bf16 v58, v52  }
0x238: {  	v63 =	vld [tilespmem:s16+$0xFFFFFF60];
	v38 =	vmul.bf16 v60, v59;
	v53 =	vunpack.i.u.bf16.f32 v45;
	v45 =	vunpack.i.l.bf16.f32 v45  }
0x239: {  	v56 =	vld [tilespmem:s29+$0xFFFFFF50];
	v50 =	vunpack.i.u.bf16.f32 v43;
	v43 =	vunpack.i.l.bf16.f32 v43;
	v45 =	vadd.f32 v45, v53  }
0x23a: {  	v49 =	vld [tilespmem:s16+$0xFFFFFF70];
	v57 =	vunpack.i.u.bf16.f32 v42;
	v42 =	vunpack.i.l.bf16.f32 v42;
	v55 =	vadd.f32 v43, v50  }
0x23b: {  	v54 =	vld [tilespmem:s29+$0xFFFFFF40];
	v59 =	vunpack.i.u.bf16.f32 v38;
	v38 =	vunpack.i.l.bf16.f32 v38;
	v42 =	vadd.f32 v42, v57;
	[tilespmem:s0+$0x8C60] =	vst v45  }
0x23c: {  	v58 =	vld [tilespmem:s29+$0xFFFFFF60];
	v60 =	vadd.f32 v38, v59;
	[tilespmem:s0+$0x8C78] =	vst v55  }
0x23d: {  	v51 =	vld [tilespmem:s29+$0xFFFFFF70];
	[tilespmem:s0+$0x8C90] =	vst v42  }
0x23e: {  	v41 =	vld.idx.msk [tilespmem:v9+s1+$0x0], $0xffff;
	v62 =	vmul.bf16 v56, v62;
	[tilespmem:s0+$0x8CA8] =	vst v60  }
0x23f: {  	v37 =	vadd.f32 v39, v37;
	v27 =	vadd.f32 v28, v27;
	v46 =	vld [tilespmem:s16+$0x80]  }
0x240: {  	v56 =	vunpack.i.u.bf16.f32 v62;
	v39 =	vunpack.i.l.bf16.f32 v62;
	v61 =	vmul.bf16 v54, v61;
	v52 =	vld [tilespmem:s16+$0x90]  }
0x241: {  	v24 =	vadd.f32 v25, v24;
	v39 =	vadd.f32 v39, v56;
	v63 =	vmul.bf16 v58, v63;
	v55 =	vld [tilespmem:s16+$0xA0]  }
0x242: {  	v54 =	vmul.bf16 v51, v49;
	v57 =	vld [tilespmem:s16+$0xB0];
	v53 =	vunpack.i.u.bf16.f32 v61;
	v42 =	vunpack.i.l.bf16.f32 v61  }
0x243: {  	v59 =	vld [tilespmem:s29+$0x80];
	v58 =	vunpack.i.u.bf16.f32 v63;
	v43 =	vunpack.i.l.bf16.f32 v63;
	v42 =	vadd.f32 v42, v53  }
0x244: {  	[tilespmem:s9+$0x8C78] =	vst v39;
	v62 =	vld [tilespmem:s29+$0xA0];
	v60 =	vunpack.i.u.bf16.f32 v54;
	v47 =	vunpack.i.l.bf16.f32 v54;
	v43 =	vadd.f32 v43, v58  }
0x245: {  	v25 =	vadd.f32 v29, v26;
	v26 =	vld [tilespmem:s29+$0xB0];
	v28 =	vadd.f32 v47, v60;
	[tilespmem:s9+$0x8C60] =	vst v42  }
0x246: {  	v61 =	vld [tilespmem:s29+$0x90];
	[tilespmem:s9+$0x8C90] =	vst v43  }
0x247: {  	v29 =	vadd.f32 v31, v30;
	v30 =	vadd.f32 v33, v32;
	v38 =	vld.idx.msk [tilespmem:v8+s1+$0x0], $0xffff;
	[tilespmem:s9+$0x8CA8] =	vst v28  }
0x248: {  	v31 =	vadd.f32 v35, v34;
	v27 =	vadd.f32 v27, v37;
	v47 =	vld [tilespmem:s16+$0xFFFFFF80]  }
0x249: {  	v24 =	vadd.f32 v25, v24;
	v29 =	vadd.f32 v30, v29;
	v25 =	vld [tilespmem:s16+$0xFFFFFF90];
	v51 =	vmul.bf16 v59, v46  }
0x24a: {  	v63 =	vadd.f32 v40, v36;
	v30 =	vld [tilespmem:s16+$0xFFFFFFA0];
	v53 =	vmul.bf16 v62, v55;
	v26 =	vmul.bf16 v26, v57  }
0x24b: {  	v54 =	vld [tilespmem:s16+$0xFFFFFFB0];
	v52 =	vmul.bf16 v61, v52;
	v55 =	vunpack.i.u.bf16.f32 v51;
	v34 =	vunpack.i.l.bf16.f32 v51  }
0x24c: {  	v56 =	vld [tilespmem:s29+$0xFFFFFF80];
	v59 =	vunpack.i.u.bf16.f32 v53;
	v36 =	vunpack.i.l.bf16.f32 v53;
	v34 =	vadd.f32 v34, v55  }
0x24d: {  	v58 =	vld [tilespmem:s29+$0xFFFFFF90];
	v61 =	vunpack.i.u.bf16.f32 v26;
	v26 =	vunpack.i.l.bf16.f32 v26;
	v36 =	vadd.f32 v36, v59  }
0x24e: {  	v60 =	vld [tilespmem:s29+$0xFFFFFFA0];
	v57 =	vunpack.i.u.bf16.f32 v52;
	v35 =	vunpack.i.l.bf16.f32 v52;
	v26 =	vadd.f32 v26, v61;
	[tilespmem:s0+$0x8CC0] =	vst v34  }
0x24f: {  	v31 =	vadd.f32 v63, v31;
	v62 =	vld [tilespmem:s29+$0xFFFFFFB0];
	v35 =	vadd.f32 v35, v57;
	[tilespmem:s0+$0x8CF0] =	vst v36  }
0x250: {  	v63 =	vld.idx.msk [tilespmem:v11+s1+$0x0], $0xffff;
	[tilespmem:s0+$0x8D08] =	vst v26  }
0x251: {  	v24 =	vadd.f32 v24, v27;
	v28 =	vld.idx.msk [tilespmem:v10+s1+$0x0], $0xffff;
	v27 =	vadd.f32 v31, v29;
	[tilespmem:s0+$0x8CD8] =	vst v35  }
0x252: {  	v29 =	vmul.bf16 v56, v47;
	v31 =	vld [tilespmem:s16+$0xC0]  }
0x253: {  	v24 =	vadd.f32 v27, v24;
	v25 =	vmul.bf16 v58, v25;
	v27 =	vmul.bf16 v60, v30;
	v30 =	vld [tilespmem:s16+$0xD0]  }
0x254: {  	v32 =	vmul.bf16 v62, v54;
	v33 =	vunpack.i.u.bf16.f32 v29;
	v29 =	vunpack.i.l.bf16.f32 v29;
	v42 =	vld [tilespmem:s16+$0xE0]  }
0x255: {  	v43 =	vunpack.i.u.bf16.f32 v25;
	v25 =	vunpack.i.l.bf16.f32 v25;
	v44 =	vld [tilespmem:s16+$0xF0];
	v29 =	vadd.f32 v29, v33  }
0x256: {  	v45 =	vunpack.i.u.bf16.f32 v27;
	v27 =	vunpack.i.l.bf16.f32 v27;
	v46 =	vld [tilespmem:s29+$0xC0];
	v25 =	vadd.f32 v25, v43  }
0x257: {  	v47 =	vunpack.i.u.bf16.f32 v32;
	v32 =	vunpack.i.l.bf16.f32 v32;
	v27 =	vadd.f32 v27, v45;
	[tilespmem:s9+$0x8CC0] =	vst v29;
	v29 =	vld [tilespmem:s29+$0xD0]  }
0x258: {  	v24 =	vsub.f32 $0.0e+00, v24;
	v32 =	vadd.f32 v32, v47;
	[tilespmem:s9+$0x8CD8] =	vst v25;
	v25 =	vld [tilespmem:s29+$0xE0]  }
0x259: {  	[tilespmem:s9+$0x8CF0] =	vst v27;
	v27 =	vld [tilespmem:s29+$0xF0]  }
0x25a: {  	v26 =	vld.idx.msk [tilespmem:v12+s1+$0x0], $0xffff;
	v24 =	vmul.f32 $1.442695020e+00, v24;
	[tilespmem:s9+$0x8D08] =	vst v32  }
0x25b: {  	v49 =	vld [tilespmem:s16+$0xFFFFFFC0];
	v31 =	vmul.bf16 v46, v31  }
0x25c: {  	(erf) = vpow2.f32 v24;
	v24 =	vld [tilespmem:s16+$0xFFFFFFD0]  }
0x25d: {  	v50 =	vld [tilespmem:s16+$0xFFFFFFE0];
	v51 =	vunpack.i.u.bf16.f32 v31;
	v29 =	vmul.bf16 v29, v30  }
0x25e: {  	v52 =	vld [tilespmem:s29+$0xFFFFFFC0];
	v31 =	vunpack.i.l.bf16.f32 v31;
	v25 =	vmul.bf16 v25, v42;
	v27 =	vmul.bf16 v27, v44  }
0x25f: {  	v54 =	vld [tilespmem:s29+$0xFFFFFFD0];
	v31 =	vadd.f32 v31, v51;
	v53 =	vunpack.i.u.bf16.f32 v29;
	v29 =	vunpack.i.l.bf16.f32 v29  }
0x260: {  	v30 =	vld [tilespmem:s16+$0xFFFFFFF0];
	v55 =	vunpack.i.u.bf16.f32 v25;
	v25 =	vunpack.i.l.bf16.f32 v25;
	v29 =	vadd.f32 v29, v53  }
0x261: {  	[tilespmem:s0+$0x8D20] =	vst v31;
	v31 =	vld [tilespmem:s29+$0xFFFFFFE0];
	v56 =	vunpack.i.u.bf16.f32 v27;
	v27 =	vunpack.i.l.bf16.f32 v27;
	v25 =	vadd.f32 v25, v55  }
0x262: {  	v27 =	vadd.f32 v27, v56;
	[tilespmem:s0+$0x8D38] =	vst v29;
	v29 =	vld [tilespmem:s29+$0xFFFFFFF0]  }
0x263: {  	v16 =	vadd.f32 v17, v16;
	v17 =	vadd.f32 v19, v18;
	[tilespmem:s0+$0x8D50] =	vst v25;
	v25 =	vld.idx.msk [tilespmem:v14+s1+$0x0], $0xffff  }
0x264: {  	v18 =	vadd.f32 v21, v20;
	v19 =	vadd.f32 v23, v22;
	[tilespmem:s0+$0x8D68] =	vst v27;
	v27 =	vld.idx.msk [tilespmem:v15+s1+$0x0], $0xffff  }
0x265: {  	v57 =	vld.idx.msk [tilespmem:v0+s0+$0x8C00], $0xffff  }
0x266: {  	v16 =	vadd.f32 v17, v16;
	v18 =	vadd.f32 v19, v18;
	v20 =	vld.idx.msk [tilespmem:v1+s0+$0x8C00], $0xffff  }
0x267: {  	v19 =	vadd.f32 v41, v38;
	v21 =	vadd.f32 v63, v28;
	v17 =	vpop (erf);
	v58 =	vld.idx.msk [tilespmem:v2+s0+$0x8C00], $0xffff  }
0x268: {  	v17 =	vadd.f32 $1.000000000e+00, v17;
	v59 =	vld.idx.msk [tilespmem:v3+s0+$0x8C00], $0xffff  }
0x269: {  	v21 =	vadd.f32 v21, v19;
	v19 =	vmul.bf16 v54, v24;
	v60 =	vld.idx.msk [tilespmem:v4+s0+$0x8C00], $0xffff  }
0x26a: {  	v16 =	vadd.f32 v18, v16;
	(erf) = vrcp.f32 v17;
	v17 =	vmul.bf16 v52, v49;
	v61 =	vld.idx.msk [tilespmem:v5+s0+$0x8C00], $0xffff  }
0x26b: {  	v18 =	vadd.f32 v48, v26;
	v62 =	vld.idx.msk [tilespmem:v6+s0+$0x8C00], $0xffff;
	v22 =	vadd.f32 v27, v25  }
0x26c: {  	v28 =	vunpack.i.l.bf16.f32 v19;
	v63 =	vld.idx.msk [tilespmem:v7+s0+$0x8C00], $0xffff;
	v23 =	vmul.bf16 v31, v50;
	v24 =	vunpack.i.u.bf16.f32 v17  }
0x26d: {  	v25 =	vunpack.i.l.bf16.f32 v17;
	v17 =	vld.idx.msk [tilespmem:v8+s0+$0x8C00], $0xffff;
	v26 =	vmul.bf16 v29, v30;
	v22 =	vadd.f32 v22, v18  }
0x26e: {  	v27 =	vunpack.i.u.bf16.f32 v19;
	v29 =	vunpack.i.u.bf16.f32 v23;
	v19 =	vld.idx.msk [tilespmem:v10+s0+$0x8C00], $0xffff;
	v24 =	vadd.f32 v25, v24  }
0x26f: {  	v23 =	vunpack.i.l.bf16.f32 v23;
	v25 =	vadd.f32 v28, v27;
	v18 =	vld.idx.msk [tilespmem:v9+s0+$0x8C00], $0xffff;
	v21 =	vadd.f32 v22, v21  }
0x270: {  	[tilespmem:s9+$0x8D20] =	vst v24;
	v24 =	vadd.f32 v23, v29;
	v23 =	vld.idx.msk [tilespmem:v12+s0+$0x8C00], $0xffff  }
0x271: {  	v27 =	vunpack.i.u.bf16.f32 v26;
	v26 =	vunpack.i.l.bf16.f32 v26;
	[tilespmem:s9+$0x8D38] =	vst v25;
	v25 =	vld.idx.msk [tilespmem:v13+s0+$0x8C00], $0xffff;
	v16 =	vadd.f32 v21, v16  }
0x272: {  	v27 =	vadd.f32 v26, v27;
	v26 =	vld.idx.msk [tilespmem:v14+s0+$0x8C00], $0xffff  }
0x273: {  	v22 =	vld.idx.msk [tilespmem:v11+s0+$0x8C00], $0xffff;
	[tilespmem:s9+$0x8D50] =	vst v24;
	v21 =	vsub.f32 $0.0e+00, v16  }
0x274: {  	s19 =	sor.u32 $0x8C00, s9;
	[tilespmem:s9+$0x8D68] =	vst v27;
	v27 =	vld.idx.msk [tilespmem:v15+s0+$0x8C00], $0xffff  }
0x275: {  	v28 =	vadd.f32 v20, v57;
	v20 =	vld.idx.msk [tilespmem:v2+s19+$0x0], $0xffff;
	v24 =	vmul.f32 $1.442695020e+00, v21  }
0x276: {  	v16 =	vld.idx.msk [tilespmem:v0+s19+$0x0], $0xffff  }
0x277: {  	v31 =	vadd.f32 v63, v62;
	v30 =	vpop (erf);
	s0 =	simm.s32 $0x8A10;
	v21 =	vld.idx.msk [tilespmem:v1+s19+$0x0], $0xffff;
	(erf) = vpow2.f32 v24  }
0x278: {  	s1 =	simm.s32 $0x2D00;
	v29 =	vadd.f32 v59, v58;
	[tilespmem:s0+$0x0] =	vst v30;
	v30 =	vadd.f32 v61, v60;
	v24 =	vld.idx.msk [tilespmem:v3+s19+$0x0], $0xffff  }
.LBB2_8:
0x279: {  	v32 =	vld [tilespmem:s1+$0x0];
	v17 =	vadd.f32 v18, v17;
	v18 =	vadd.f32 v22, v19  }
0x27a: {  	v22 =	vadd.f32 v25, v23;
	v23 =	vadd.f32 v27, v26;
	v19 =	vld [tilespmem:s1+$0x10]  }
0x27b: {  	v26 =	vadd.f32 v29, v28;
	v27 =	vadd.f32 v31, v30;
	v25 =	vld [tilespmem:s1+$0x20]  }
0x27c: {  	s29 =	sadd.s32 $0x200, s29;
	v17 =	vadd.f32 v18, v17;
	v18 =	vadd.f32 v23, v22;
	v28 =	vld [tilespmem:s1+$0x30]  }
0x27d: {  	v16 =	vadd.f32 v21, v16;
	v22 =	vld [tilespmem:s29+$0x0]  }
0x27e: {  	v26 =	vadd.f32 v27, v26;
	v17 =	vadd.f32 v18, v17;
	v21 =	vld [tilespmem:s29+$0x10]  }
0x27f: {  	v20 =	vadd.f32 v24, v20;
	v18 =	vld [tilespmem:s29+$0x20]  }
0x280: {  	v17 =	vadd.f32 v17, v26;
	v24 =	vld [tilespmem:s29+$0x30];
	v23 =	vpop (erf)  }
0x281: {  	v16 =	vadd.f32 v20, v16;
	v26 =	vld [tilespmem:s1+$0xFFFFFF00];
	v20 =	vadd.f32 $1.000000000e+00, v23  }
0x282: {  	v17 =	vsub.f32 $0.0e+00, v17;
	v23 =	vld [tilespmem:s1+$0xFFFFFF10]  }
0x283: {  	v22 =	vmul.bf16 v22, v32;
	v27 =	vld [tilespmem:s1+$0xFFFFFF20];
	(erf) = vrcp.f32 v20  }
0x284: {  	s9 =	sadd.s32 $0xFFFFFFFF, s31;
	v19 =	vmul.bf16 v21, v19;
	v17 =	vmul.f32 $1.442695020e+00, v17;
	v20 =	vld [tilespmem:s1+$0xFFFFFF30]  }
0x285: {  	s9 =	sand.u32 $0x3, s9;
	v18 =	vmul.bf16 v18, v25;
	v21 =	vld [tilespmem:s29+$0xFFFFFF00];
	v24 =	vmul.bf16 v24, v28  }
0x286: {  	s9 =	smul.u32 $0x600, s9;
	v28 =	vunpack.i.u.bf16.f32 v22;
	v22 =	vunpack.i.l.bf16.f32 v22;
	v25 =	vld [tilespmem:s29+$0xFFFFFF10];
	(erf) = vpow2.f32 v17  }
0x287: {  	v29 =	vunpack.i.u.bf16.f32 v19;
	v19 =	vunpack.i.l.bf16.f32 v19;
	v22 =	vadd.f32 v22, v28;
	v17 =	vld [tilespmem:s29+$0xFFFFFF20]  }
0x288: {  	s16 =	sshrl.u32 s9, $0x2;
	v30 =	vunpack.i.u.bf16.f32 v18;
	v18 =	vunpack.i.l.bf16.f32 v18;
	v19 =	vadd.f32 v19, v29;
	v28 =	vld [tilespmem:s29+$0xFFFFFF30]  }
0x289: {  	v29 =	vunpack.i.u.bf16.f32 v24;
	v24 =	vunpack.i.l.bf16.f32 v24;
	v18 =	vadd.f32 v18, v30;
	[tilespmem:s16+$0x8C00] =	vst v22;
	v22 =	vld.idx.msk [tilespmem:v4+s19+$0x0], $0xffff  }
0x28a: {  	v21 =	vmul.bf16 v21, v26;
	[tilespmem:s16+$0x8C18] =	vst v19;
	v19 =	vadd.f32 v24, v29;
	v24 =	vld.idx.msk [tilespmem:v5+s19+$0x0], $0xffff  }
0x28b: {  	s31 =	sadd.s32 $0x2, s31;
	v23 =	vmul.bf16 v25, v23;
	[tilespmem:s16+$0x8C30] =	vst v18;
	v18 =	vld.idx.msk [tilespmem:v6+s19+$0x0], $0xffff  }
0x28c: {  	p0 =	slt.u32 s31, $0x1E;
	s9 =	sand.u32 $0x2, s31;
	v17 =	vmul.bf16 v17, v27;
	v25 =	vunpack.i.u.bf16.f32 v21;
	v21 =	vunpack.i.l.bf16.f32 v21;
	[tilespmem:s16+$0x8C48] =	vst v19;
	v19 =	vld.idx.msk [tilespmem:v7+s19+$0x0], $0xffff;
	v26 =	vpop (erf)  }
0x28d: {  	s9 =	smul.u32 $0x600, s9;
	v20 =	vmul.bf16 v28, v20;
	v27 =	vunpack.i.u.bf16.f32 v23;
	v23 =	vunpack.i.l.bf16.f32 v23;
	v28 =	vld [tilespmem:s1+$0x40];
	[tilespmem:s0+$0xFFFFFFF0] =	vst v26  }
0x28e: {  	v21 =	vadd.f32 v21, v25;
	v26 =	vunpack.i.u.bf16.f32 v17;
	v17 =	vunpack.i.l.bf16.f32 v17;
	v25 =	vld [tilespmem:s1+$0x50]  }
0x28f: {  	s9 =	sshrl.u32 s9, $0x2;
	v23 =	vadd.f32 v23, v27;
	v29 =	vunpack.i.u.bf16.f32 v20;
	v20 =	vunpack.i.l.bf16.f32 v20;
	v27 =	vld [tilespmem:s1+$0x60];
	v30 =	vpop (erf)  }
0x290: {  	v17 =	vadd.f32 v17, v26;
	[tilespmem:s9+$0x8C00] =	vst v21;
	v21 =	vld [tilespmem:s29+$0x40];
	v26 =	vadd.f32 $1.000000000e+00, v30  }
0x291: {  	v22 =	vadd.f32 v24, v22;
	v20 =	vadd.f32 v20, v29;
	[tilespmem:s9+$0x8C18] =	vst v23;
	v23 =	vld [tilespmem:s29+$0x50]  }
0x292: {  	v18 =	vadd.f32 v19, v18;
	[tilespmem:s9+$0x8C30] =	vst v17;
	v17 =	vld [tilespmem:s29+$0x60];
	(erf) = vrcp.f32 v26  }
0x293: {  	[tilespmem:s9+$0x8C48] =	vst v20;
	v19 =	vld [tilespmem:s1+$0x70]  }
0x294: {  	v18 =	vadd.f32 v18, v22;
	v20 =	vld [tilespmem:s29+$0x70]  }
0x295: {  	v22 =	vld [tilespmem:s1+$0xFFFFFF40];
	v21 =	vmul.bf16 v21, v28  }
0x296: {  	v16 =	vadd.f32 v18, v16;
	v24 =	vld [tilespmem:s1+$0xFFFFFF50];
	v23 =	vmul.bf16 v23, v25  }
0x297: {  	v18 =	vld [tilespmem:s1+$0xFFFFFF60];
	v17 =	vmul.bf16 v17, v27;
	v25 =	vunpack.i.u.bf16.f32 v21;
	v21 =	vunpack.i.l.bf16.f32 v21  }
0x298: {  	v26 =	vld [tilespmem:s1+$0xFFFFFF70];
	v27 =	vunpack.i.u.bf16.f32 v23;
	v23 =	vunpack.i.l.bf16.f32 v23;
	v21 =	vadd.f32 v21, v25  }
0x299: {  	v25 =	vld [tilespmem:s29+$0xFFFFFF40];
	v19 =	vmul.bf16 v20, v19;
	v29 =	vadd.f32 v23, v27  }
0x29a: {  	v27 =	vunpack.i.u.bf16.f32 v17;
	v17 =	vunpack.i.l.bf16.f32 v17;
	v23 =	vld [tilespmem:s29+$0xFFFFFF50];
	[tilespmem:s16+$0x8C60] =	vst v21  }
0x29b: {  	s0 =	sadd.s32 $0x20, s0;
	v17 =	vadd.f32 v17, v27;
	v21 =	vld [tilespmem:s29+$0xFFFFFF60];
	v28 =	vunpack.i.u.bf16.f32 v19;
	v19 =	vunpack.i.l.bf16.f32 v19;
	[tilespmem:s16+$0x8C78] =	vst v29;
	v20 =	vpop (erf)  }
0x29c: {  	v27 =	vld [tilespmem:s29+$0xFFFFFF70];
	v19 =	vadd.f32 v19, v28;
	[tilespmem:s0+$0x0] =	vst v20  }
0x29d: {  	[tilespmem:s16+$0x8C90] =	vst v17;
	v17 =	vld.idx.msk [tilespmem:v8+s19+$0x0], $0xffff  }
0x29e: {  	v20 =	vmul.bf16 v25, v22;
	[tilespmem:s16+$0x8CA8] =	vst v19;
	v19 =	vld.idx.msk [tilespmem:v9+s19+$0x0], $0xffff  }
0x29f: {  	v22 =	vmul.bf16 v23, v24;
	v23 =	vld [tilespmem:s1+$0x80]  }
0x2a0: {  	v18 =	vmul.bf16 v21, v18;
	v21 =	vunpack.i.u.bf16.f32 v20;
	v20 =	vunpack.i.l.bf16.f32 v20;
	v24 =	vld [tilespmem:s1+$0x90]  }
0x2a1: {  	v25 =	vmul.bf16 v27, v26;
	v26 =	vunpack.i.u.bf16.f32 v22;
	v22 =	vunpack.i.l.bf16.f32 v22;
	v27 =	vld [tilespmem:s1+$0xA0]  }
0x2a2: {  	v20 =	vadd.f32 v20, v21;
	v28 =	vunpack.i.u.bf16.f32 v18;
	v18 =	vunpack.i.l.bf16.f32 v18;
	v21 =	vld [tilespmem:s1+$0xB0]  }
0x2a3: {  	v22 =	vadd.f32 v22, v26;
	v29 =	vunpack.i.u.bf16.f32 v25;
	v25 =	vunpack.i.l.bf16.f32 v25;
	v26 =	vld [tilespmem:s29+$0x80]  }
0x2a4: {  	v18 =	vadd.f32 v18, v28;
	[tilespmem:s9+$0x8C60] =	vst v20;
	v20 =	vadd.f32 v25, v29;
	v25 =	vld [tilespmem:s29+$0x90]  }
0x2a5: {  	v17 =	vadd.f32 v19, v17;
	[tilespmem:s9+$0x8C78] =	vst v22;
	v22 =	vld [tilespmem:s29+$0xA0]  }
0x2a6: {  	[tilespmem:s9+$0x8C90] =	vst v18;
	v18 =	vld [tilespmem:s29+$0xB0]  }
0x2a7: {  	[tilespmem:s9+$0x8CA8] =	vst v20;
	v19 =	vld.idx.msk [tilespmem:v10+s19+$0x0], $0xffff  }
0x2a8: {  	v20 =	vld [tilespmem:s1+$0xFFFFFF80]  }
0x2a9: {  	v23 =	vmul.bf16 v26, v23;
	v28 =	vld [tilespmem:s1+$0xFFFFFF90]  }
0x2aa: {  	v24 =	vmul.bf16 v25, v24;
	v26 =	vld [tilespmem:s1+$0xFFFFFFA0];
	v22 =	vmul.bf16 v22, v27  }
0x2ab: {  	v25 =	vld [tilespmem:s1+$0xFFFFFFB0];
	v18 =	vmul.bf16 v18, v21;
	v21 =	vunpack.i.u.bf16.f32 v23;
	v23 =	vunpack.i.l.bf16.f32 v23  }
0x2ac: {  	v29 =	vunpack.i.u.bf16.f32 v24;
	v24 =	vunpack.i.l.bf16.f32 v24;
	v27 =	vld [tilespmem:s29+$0xFFFFFF80];
	v21 =	vadd.f32 v23, v21  }
0x2ad: {  	v30 =	vunpack.i.u.bf16.f32 v22;
	v22 =	vunpack.i.l.bf16.f32 v22;
	v24 =	vadd.f32 v24, v29;
	v23 =	vld [tilespmem:s29+$0xFFFFFF90]  }
0x2ae: {  	v31 =	vunpack.i.u.bf16.f32 v18;
	v18 =	vunpack.i.l.bf16.f32 v18;
	v29 =	vld [tilespmem:s29+$0xFFFFFFA0];
	[tilespmem:s16+$0x8CC0] =	vst v21;
	v21 =	vadd.f32 v22, v30  }
0x2af: {  	v18 =	vadd.f32 v18, v31;
	v22 =	vld [tilespmem:s29+$0xFFFFFFB0];
	[tilespmem:s16+$0x8CD8] =	vst v24  }
0x2b0: {  	[tilespmem:s16+$0x8CF0] =	vst v21;
	v21 =	vld.idx.msk [tilespmem:v11+s19+$0x0], $0xffff  }
0x2b1: {  	v20 =	vmul.bf16 v27, v20;
	[tilespmem:s16+$0x8D08] =	vst v18;
	v18 =	vld.idx.msk [tilespmem:v12+s19+$0x0], $0xffff  }
0x2b2: {  	v23 =	vmul.bf16 v23, v28;
	v24 =	vld [tilespmem:s1+$0xC0]  }
0x2b3: {  	v26 =	vmul.bf16 v29, v26;
	v27 =	vunpack.i.u.bf16.f32 v20;
	v20 =	vunpack.i.l.bf16.f32 v20;
	v28 =	vld [tilespmem:s1+$0xD0]  }
0x2b4: {  	v22 =	vmul.bf16 v22, v25;
	v25 =	vunpack.i.u.bf16.f32 v23;
	v23 =	vunpack.i.l.bf16.f32 v23;
	v29 =	vld [tilespmem:s1+$0xE0]  }
0x2b5: {  	v20 =	vadd.f32 v20, v27;
	v30 =	vunpack.i.u.bf16.f32 v26;
	v26 =	vunpack.i.l.bf16.f32 v26;
	v27 =	vld [tilespmem:s1+$0xF0]  }
0x2b6: {  	v23 =	vadd.f32 v23, v25;
	v31 =	vunpack.i.u.bf16.f32 v22;
	v22 =	vunpack.i.l.bf16.f32 v22;
	v25 =	vld [tilespmem:s29+$0xC0]  }
0x2b7: {  	[tilespmem:s9+$0x8CC0] =	vst v20;
	v20 =	vadd.f32 v26, v30;
	v22 =	vadd.f32 v22, v31;
	v26 =	vld [tilespmem:s29+$0xD0]  }
0x2b8: {  	v19 =	vadd.f32 v21, v19;
	[tilespmem:s9+$0x8CD8] =	vst v23;
	v23 =	vld [tilespmem:s29+$0xE0]  }
0x2b9: {  	[tilespmem:s9+$0x8CF0] =	vst v20;
	v20 =	vld [tilespmem:s29+$0xF0]  }
0x2ba: {  	[tilespmem:s9+$0x8D08] =	vst v22;
	v21 =	vld.idx.msk [tilespmem:v13+s19+$0x0], $0xffff;
	v22 =	vadd.f32 v19, v17  }
0x2bb: {  	v17 =	vld [tilespmem:s1+$0xFFFFFFC0]  }
0x2bc: {  	v24 =	vmul.bf16 v25, v24;
	v19 =	vld [tilespmem:s1+$0xFFFFFFD0]  }
0x2bd: {  	v26 =	vmul.bf16 v26, v28;
	v25 =	vld [tilespmem:s1+$0xFFFFFFE0];
	v23 =	vmul.bf16 v23, v29  }
0x2be: {  	v28 =	vld [tilespmem:s1+$0xFFFFFFF0];
	v20 =	vmul.bf16 v20, v27;
	v27 =	vunpack.i.u.bf16.f32 v24;
	v24 =	vunpack.i.l.bf16.f32 v24  }
0x2bf: {  	v30 =	vunpack.i.u.bf16.f32 v26;
	v26 =	vunpack.i.l.bf16.f32 v26;
	v29 =	vld [tilespmem:s29+$0xFFFFFFC0];
	v24 =	vadd.f32 v24, v27  }
0x2c0: {  	v31 =	vunpack.i.u.bf16.f32 v23;
	v23 =	vunpack.i.l.bf16.f32 v23;
	v26 =	vadd.f32 v26, v30;
	v27 =	vld [tilespmem:s29+$0xFFFFFFD0]  }
0x2c1: {  	v32 =	vunpack.i.u.bf16.f32 v20;
	v20 =	vunpack.i.l.bf16.f32 v20;
	v23 =	vadd.f32 v23, v31;
	v30 =	vld [tilespmem:s29+$0xFFFFFFE0];
	[tilespmem:s16+$0x8D20] =	vst v24  }
0x2c2: {  	v18 =	vadd.f32 v21, v18;
	v20 =	vadd.f32 v20, v32;
	v24 =	vld [tilespmem:s29+$0xFFFFFFF0];
	[tilespmem:s16+$0x8D38] =	vst v26  }
0x2c3: {  	[tilespmem:s16+$0x8D50] =	vst v23;
	v21 =	vld.idx.msk [tilespmem:v14+s19+$0x0], $0xffff  }
0x2c4: {  	v17 =	vmul.bf16 v29, v17;
	[tilespmem:s16+$0x8D68] =	vst v20;
	v20 =	vld.idx.msk [tilespmem:v15+s19+$0x0], $0xffff  }
0x2c5: {  	v19 =	vmul.bf16 v27, v19;
	v29 =	vld.idx.msk [tilespmem:v0+s16+$0x8C00], $0xffff  }
0x2c6: {  	v23 =	vmul.bf16 v30, v25;
	v25 =	vunpack.i.u.bf16.f32 v17;
	v17 =	vunpack.i.l.bf16.f32 v17;
	v30 =	vld.idx.msk [tilespmem:v1+s16+$0x8C00], $0xffff  }
0x2c7: {  	v24 =	vmul.bf16 v24, v28;
	v26 =	vunpack.i.u.bf16.f32 v19;
	v19 =	vunpack.i.l.bf16.f32 v19;
	v31 =	vld.idx.msk [tilespmem:v2+s16+$0x8C00], $0xffff  }
0x2c8: {  	v17 =	vadd.f32 v17, v25;
	v27 =	vunpack.i.u.bf16.f32 v23;
	v23 =	vunpack.i.l.bf16.f32 v23;
	v32 =	vld.idx.msk [tilespmem:v3+s16+$0x8C00], $0xffff  }
0x2c9: {  	v19 =	vadd.f32 v19, v26;
	v25 =	vunpack.i.u.bf16.f32 v24;
	v24 =	vunpack.i.l.bf16.f32 v24;
	v33 =	vld.idx.msk [tilespmem:v4+s16+$0x8C00], $0xffff  }
0x2ca: {  	[tilespmem:s9+$0x8D20] =	vst v17;
	v17 =	vadd.f32 v23, v27;
	v23 =	vadd.f32 v24, v25;
	v34 =	vld.idx.msk [tilespmem:v5+s16+$0x8C00], $0xffff  }
0x2cb: {  	[tilespmem:s9+$0x8D38] =	vst v19;
	v35 =	vld.idx.msk [tilespmem:v6+s16+$0x8C00], $0xffff;
	v19 =	vadd.f32 v20, v21  }
0x2cc: {  	[tilespmem:s9+$0x8D50] =	vst v17;
	v36 =	vld.idx.msk [tilespmem:v7+s16+$0x8C00], $0xffff  }
0x2cd: {  	[tilespmem:s9+$0x8D68] =	vst v23;
	v17 =	vld.idx.msk [tilespmem:v8+s16+$0x8C00], $0xffff;
	v20 =	vadd.f32 v19, v18  }
0x2ce: {  	v18 =	vld.idx.msk [tilespmem:v9+s16+$0x8C00], $0xffff  }
0x2cf: {  	v19 =	vld.idx.msk [tilespmem:v10+s16+$0x8C00], $0xffff;
	v20 =	vadd.f32 v20, v22  }
0x2d0: {  	v22 =	vld.idx.msk [tilespmem:v11+s16+$0x8C00], $0xffff  }
0x2d1: {  	v23 =	vld.idx.msk [tilespmem:v12+s16+$0x8C00], $0xffff;
	v16 =	vadd.f32 v20, v16  }
0x2d2: {  	v25 =	vld.idx.msk [tilespmem:v13+s16+$0x8C00], $0xffff  }
0x2d3: {  	v26 =	vld.idx.msk [tilespmem:v14+s16+$0x8C00], $0xffff;
	v20 =	vsub.f32 $0.0e+00, v16  }
.Ltmp7:
0x2d4: {  	s19 =	sor.u32 $0x8C00, s9;
	v27 =	vld.idx.msk [tilespmem:v15+s16+$0x8C00], $0xffff;
	(pc) =	sbr.rel @p0 .LBB2_8-.Ltmp7, $4  }
0x2d5: {  	v16 =	vld.idx.msk [tilespmem:v0+s19+$0x0], $0xffff;
	v24 =	vmul.f32 $1.442695020e+00, v20  }
0x2d6: {  	v21 =	vld.idx.msk [tilespmem:v1+s19+$0x0], $0xffff  }
0x2d7: {  	v28 =	vadd.f32 v30, v29;
	v29 =	vadd.f32 v32, v31;
	v20 =	vld.idx.msk [tilespmem:v2+s19+$0x0], $0xffff;
	(erf) = vpow2.f32 v24  }
0x2d8: {  	s1 =	sadd.s32 $0x200, s1;
	v30 =	vadd.f32 v34, v33;
	v31 =	vadd.f32 v36, v35;
	v24 =	vld.idx.msk [tilespmem:v3+s19+$0x0], $0xffff  }
0x2d9: {  	_ =	sdelay $0x3  }
0x2da: {  	v32 =	vld.idx.msk [tilespmem:v4+s19+$0x0], $0xffff  }
0x2db: {  	v33 =	vld.idx.msk [tilespmem:v5+s19+$0x0], $0xffff  }
0x2dc: {  	v17 =	vadd.f32 v18, v17;
	v41 =	vadd.f32 v22, v19;
	v42 =	vld.idx.msk [tilespmem:v6+s19+$0x0], $0xffff  }
0x2dd: {  	v43 =	vadd.f32 v25, v23;
	v44 =	vadd.f32 v27, v26;
	v48 =	vld.idx.msk [tilespmem:v8+s19+$0x0], $0xffff  }
0x2de: {  	v46 =	vadd.f32 v29, v28;
	v50 =	vld.idx.msk [tilespmem:v9+s19+$0x0], $0xffff;
	v47 =	vadd.f32 v31, v30  }
0x2df: {  	v51 =	vld.idx.msk [tilespmem:v10+s19+$0x0], $0xffff;
	v17 =	vadd.f32 v41, v17;
	v49 =	vadd.f32 v44, v43  }
0x2e0: {  	v52 =	vld.idx.msk [tilespmem:v11+s19+$0x0], $0xffff  }
0x2e1: {  	v53 =	vld.idx.msk [tilespmem:v12+s19+$0x0], $0xffff;
	v26 =	vadd.f32 v47, v46;
	v17 =	vadd.f32 v49, v17  }
0x2e2: {  	v54 =	vld.idx.msk [tilespmem:v13+s19+$0x0], $0xffff  }
0x2e3: {  	v55 =	vld.idx.msk [tilespmem:v14+s19+$0x0], $0xffff;
	v17 =	vadd.f32 v17, v26  }
0x2e4: {  	v57 =	vld.idx.msk [tilespmem:v15+s19+$0x0], $0xffff  }
0x2e5: {  	v45 =	vld.idx.msk [tilespmem:v7+s19+$0x0], $0xffff;
	v56 =	vpop (erf);
	v17 =	vsub.f32 $0.0e+00, v17  }
0x2e6: {  	v30 =	vadd.f32 $1.000000000e+00, v56  }
0x2e7: {  	v16 =	vadd.f32 v21, v16;
	v20 =	vadd.f32 v24, v20;
	v17 =	vmul.f32 $1.442695020e+00, v17  }
0x2e8: {  	v18 =	vadd.f32 v52, v51;
	v59 =	vadd.f32 v54, v53;
	(erf) = vrcp.f32 v30  }
0x2e9: {  	v60 =	vadd.f32 v57, v55;
	(erf) = vpow2.f32 v17;
	v17 =	vadd.f32 v50, v48  }
0x2ea: {  	v58 =	vadd.f32 v33, v32;
	v19 =	vadd.f32 v45, v42  }
0x2eb: {  	v61 =	vadd.f32 v60, v59;
	v17 =	vadd.f32 v18, v17  }
0x2ec: {  	v16 =	vadd.f32 v20, v16;
	v19 =	vadd.f32 v19, v58  }
0x2ed: {  	v17 =	vadd.f32 v61, v17  }
0x2ee: {  	v16 =	vadd.f32 v19, v16;
	_ =	sdelay $0x1  }
0x2ef: {  	v16 =	vadd.f32 v17, v16  }
0x2f0: {  	v17 =	vpop (erf)  }
0x2f1: {  	v16 =	vsub.f32 $0.0e+00, v16;
	v62 =	vpop (erf)  }
0x2f2: {  	v18 =	vadd.f32 $1.000000000e+00, v62  }
0x2f3: {  	v16 =	vmul.f32 $1.442695020e+00, v16  }
0x2f4: {  	(erf) = vrcp.f32 v18  }
0x2f5: {  	(erf) = vpow2.f32 v16;
	_ =	sdelay $0x7  }
0x2f6: {  	v16 =	vpop (erf)  }
0x2f7: {  	v63 =	vpop (erf)  }
0x2f8: {  	v18 =	vadd.f32 $1.000000000e+00, v63;
	_ =	sdelay $0x1  }
0x2f9: {  	(erf) = vrcp.f32 v18;
	_ =	sdelay $0x6  }
.Ltmp8:
0x2fa: {  	_ = 	snop;
	(pc) =	sbr.rel .LBB2_10-.Ltmp8, $4  }
0x2fb: {  	s29 =	sadd.s32 $0x20, s0;
	[tilespmem:s0+$0xFFFFFFF0] =	vst v17  }
0x2fc: {  	s1 =	sshll.u32 s30, $0xB;
	[tilespmem:s29+$0x0] =	vst v16;
	v16 =	vpop (erf)  }
0x2fd: {  	s31 =	sadd.s32 s1, s14;
	[tilespmem:s29+$0xFFFFFFF0] =	vst v16  }
0x2fe: {  	[hbm4b:s31+s2] =	stream.linear.scatter [tilespmem:s23], [sflag:$0x6], $0x200, $0x38;
	[tilespmem:$0x9200] =	vst v63  }
.LBB2_12:
0x2ff: {  	_ =	sfence.sel $0x180000  }
0x300: {  	[bflag:$0x0] =	sbarrier.arrive $0xFFFF  }
0x301: {  	_ =	strace $0x9000004A  }
0x302: {  	s0 =	stileid.u32;
	[bflag:$0x2] =	sbarrier.arrive $0xFFFF  }
0x303: {  	p0 =	sne.s32 s0, $0x0;
	s0 =	rddreg [dreg:$0x2]  }
0x304: {  	s0 =	sadd.s32 @!p0 $0x100000, s0  }
0x305: {  	[sflag:s0] =	ssyncadd.tile.s32 @!p0 $0x1;
	_ =	shalt  }
.Lfunc_end2:
_tile_overlayer_lowered:
.L_overlay_start_2:
0x306: {  	(tag) =	ssettag $0x2  }
0x307: {  	s0 =	rddreg [dreg:$0x0];
	s2 =	stileid.u32  }
0x308: {  	s1 =	rddreg [dreg:$0x1];
	p0 =	sne.s32 s2, $0x0  }
0x309: {  	s3 =	rddreg [dreg:$0x2];
	[bflag:$0x3] =	sbarrier.arrive $0xFFFF;
	s2 =	simm.s32 @!p0 $0x1C07  }
0x30a: {  	[timem:s3], [sflag:s2] =	dma.local @!p0 [hbm:s0], s1  }
0x30b: {  	s0 =	simm.s32 @!p0 $0x7  }
0x30c: {  	_ =	swait.ge @!p0 [sflag:s0], s1  }
0x30d: {  	s1 =	ssub.s32 @!p0 $0x0, s1;
	[sflag:s0] =	ssyncset.done @!p0 $0x0  }
0x30e: {  	[sflag:s0] =	ssyncadd.s32 @!p0 s1  }
0x30f: {  	[bflag:$0x3] =	sbarrier.arrive $0xFFFF  }
0x310: {  	_ =	shalt  }

</sc_bundles>
